<compile_context>
chip_gen: v7x
topology: tpu7x:2x2x1
jax: 0.10.2.dev20260603
libtpu: 0.0.44.dev20260713+nightly
codegen_flags: <defaults>
</compile_context>

<pallas_src>
import functools

import jax
import jax.numpy as jnp
from jax import lax
from jax.experimental import pallas as pl
from jax.experimental.pallas import tpu as pltpu
from jax.experimental.pallas import tpu_sc as plsc

_NC = 2
_NS = 16
_NW = _NC * _NS
_L = 16
_CB = 16


def _logsigmoid_vec(x):
    e = jnp.exp(-jnp.abs(x))
    z = e / (e + 2.0)
    z2 = z * z
    log1pe = z * (2.0 + z2 * (0.6666666666666666
                              + z2 * (0.4
                                      + z2 * (0.2857142857142857
                                              + z2 * 0.2222222222222222))))
    return jnp.minimum(x, 0.0) - log1pe


def _build(B, NEG, D):
    b_per_w = B // _NW
    n_chunks = b_per_w // _CB
    neg_per_chunk = _CB * NEG
    d_vregs = D // _L

    mesh = plsc.VectorSubcoreMesh(core_axis_name="c", subcore_axis_name="s",
                                  num_cores=_NC, num_subcores=_NS)

    @functools.partial(
        pl.kernel,
        out_type=jax.ShapeDtypeStruct((_NW, _L), jnp.float32),
        mesh=mesh,
        scratch_types=dict(
            idxc=pltpu.VMEM((b_per_w,), jnp.int32),
            idxp=pltpu.VMEM((b_per_w,), jnp.int32),
            idxn=pltpu.VMEM((b_per_w * NEG,), jnp.int32),
            cb=pltpu.VMEM((2, _CB, D), jnp.float32),
            pb=pltpu.VMEM((2, _CB, D), jnp.float32),
            nb=pltpu.VMEM((2, neg_per_chunk, D), jnp.float32),
            ovec=pltpu.VMEM((_L,), jnp.float32),
            sem=pltpu.SemaphoreType.DMA((2,)),
        ),
        compiler_params=pltpu.CompilerParams(needs_layout_passes=False),
    )
    def sc_loss(cid, pid, nid, cw, xw, out, idxc, idxp, idxn,
                cb, pb, nb, ovec, sem):
        wid = lax.axis_index("c") * _NS + lax.axis_index("s")
        base = pl.multiple_of(wid * b_per_w, b_per_w)
        nbase = pl.multiple_of(wid * (b_per_w * NEG), b_per_w * NEG)

        pltpu.sync_copy(cid.at[pl.ds(base, b_per_w)], idxc)
        pltpu.sync_copy(pid.at[pl.ds(base, b_per_w)], idxp)
        pltpu.sync_copy(nid.at[pl.ds(nbase, b_per_w * NEG)], idxn)

        def chunk_copies(c, b):
            co = pl.multiple_of(c * _CB, _CB)
            no = pl.multiple_of(c * neg_per_chunk, neg_per_chunk)
            cps = [
                pltpu.make_async_copy(cw.at[idxc.at[pl.ds(co, _CB)]],
                                      cb.at[b], sem.at[b]),
                pltpu.make_async_copy(xw.at[idxp.at[pl.ds(co, _CB)]],
                                      pb.at[b], sem.at[b]),
            ]
            cps.append(pltpu.make_async_copy(
                xw.at[idxn.at[pl.ds(no, neg_per_chunk)]],
                nb.at[b], sem.at[b]))
            return cps

        def start(c, b):
            for cp in chunk_copies(c, b):
                cp.start()

        def wait(c, b):
            for cp in chunk_copies(c, b):
                cp.wait()

        start(0, 0)

        lane = lax.iota(jnp.int32, 16)
        zero_v = jnp.zeros((_L,), jnp.float32)
        spill = NEG - _L

        def compute(c, b, acc):
            cR, pR, nR = cb.at[b], pb.at[b], nb.at[b]

            def elem(i, acc):
                v = [cR[i, pl.ds(j * _L, _L)] for j in range(d_vregs)]

                def dot(uR, row):
                    s = v[0] * uR[row, pl.ds(0, _L)]
                    for j in range(1, d_vregs):
                        s = s + v[j] * uR[row, pl.ds(j * _L, _L)]
                    return jnp.sum(s)

                row = i * NEG
                vA = zero_v
                for k in range(_L):
                    vA = jnp.where(lane == k, dot(nR, row + k), vA)
                vB = jnp.where(lane == spill, dot(pR, i), zero_v)
                for k in range(spill):
                    vB = jnp.where(lane == k, dot(nR, row + _L + k), vB)

                acc = acc + _logsigmoid_vec(-vA)
                contrib = jnp.where(lane < spill, _logsigmoid_vec(-vB),
                                    jnp.where(lane == spill,
                                              _logsigmoid_vec(vB), zero_v))
                return acc + contrib

            return lax.fori_loop(0, _CB, elem, acc, unroll=False)

        def outer(g2, acc):
            for b in range(2):
                c = g2 * 2 + b
                nxt = c + 1

                @pl.when(nxt < n_chunks)
                def _():
                    start(nxt, 1 - b)

                wait(c, b)
                acc = compute(c, b, acc)
            return acc

        acc = lax.fori_loop(0, n_chunks // 2, outer,
                            jnp.zeros((_L,), jnp.float32))
        ovec[...] = acc
        pltpu.sync_copy(ovec, out.at[wid])

    return sc_loss


def kernel(center_ids, pos_context_ids, neg_context_ids,
           center_weight, context_weight):
    B, = center_ids.shape
    _, NEG = neg_context_ids.shape
    _, D = center_weight.shape
    sc_loss = _build(B, NEG, D)
    partials = sc_loss(center_ids, pos_context_ids,
                       neg_context_ids.reshape(-1),
                       center_weight, context_weight)
    return -jnp.sum(partials) / jnp.float32(B)

# --- scband reference (transcript-rebuilt; emitter-appended) ---
"""Pipeline reference for scband-skip-gram-word2-vec-32985348833701 (READ-ONLY COPY).

The authoritative reference and input builder live on the scoring server;
editing this copy changes nothing except your own understanding.
"""

import jax, jax.numpy as jnp
import numpy as np

VOCAB = 100000
DIM = 128
B = 16384
NEG = 20


def setup_inputs(seed: int = 0) -> dict:
    key = jax.random.key(seed)
    k1, k2, k3, k4 = jax.random.split(key, 4)
    center_ids = jax.random.randint(k1, (B,), 0, VOCAB, dtype=jnp.int64 if jax.config.jax_enable_x64 else jnp.int32).astype(jnp.int32)
    pos_context_ids = jax.random.randint(k2, (B,), 0, VOCAB).astype(jnp.int32)
    neg_context_ids = jax.random.randint(k3, (B, NEG), 0, VOCAB).astype(jnp.int32)
    # learned parameters per __init__: center uniform(-0.5/dim, 0.5/dim), context zeros
    center_weight = jax.random.uniform(k4, (VOCAB, DIM), dtype=jnp.float32, minval=-0.5 / DIM, maxval=0.5 / DIM)
    context_weight = jnp.zeros((VOCAB, DIM), dtype=jnp.float32)
    return {
        "center_ids": center_ids,
        "pos_context_ids": pos_context_ids,
        "neg_context_ids": neg_context_ids,
        "center_weight": center_weight,
        "context_weight": context_weight,
    }


def _logsigmoid(x):
    # numerically stable log-sigmoid, matches F.logsigmoid
    return -jnp.logaddexp(0.0, -x)


def reference(center_ids, pos_context_ids, neg_context_ids, center_weight, context_weight):
    v = jnp.take(center_weight, center_ids, axis=0)               # [B, D]
    u_pos = jnp.take(context_weight, pos_context_ids, axis=0)     # [B, D]
    u_neg = jnp.take(context_weight, neg_context_ids, axis=0)     # [B, NEG, D]
    pos_logits = jnp.sum(v * u_pos, axis=1)                        # [B]
    # torch.bmm(u_neg, v.unsqueeze(2)).squeeze(2) -> [B, NEG]
    neg_logits = jnp.einsum("bkd,bd->bk", u_neg, v)
    loss = -jnp.mean(_logsigmoid(pos_logits) + jnp.sum(_logsigmoid(-neg_logits), axis=1))
    return loss

if __name__ == "__main__":
    import jax
    _d = setup_inputs()
    print(jax.jit(kernel)(*tuple(_d.values())))

</pallas_src>

<mosaic_0001>
#map = affine_map<(d0, d1) -> (0)>
#map1 = affine_map<(d0, d1) -> (0, 0)>
module attributes {stable_mosaic.version = 14 : i64} {
  func.func @sc_loss(%arg0: i32, %arg1: i32, %arg2: memref<16384xi32, #tpu.memory_space<hbm>>, %arg3: memref<16384xi32, #tpu.memory_space<hbm>>, %arg4: memref<327680xi32, #tpu.memory_space<hbm>>, %arg5: memref<100000x128xf32, #tpu.memory_space<hbm>>, %arg6: memref<100000x128xf32, #tpu.memory_space<hbm>>, %arg7: memref<32x16xf32, #tpu.memory_space<hbm>>, %arg8: memref<2x16x128xf32, #tpu.memory_space<vmem>>, %arg9: memref<512xi32, #tpu.memory_space<vmem>>, %arg10: memref<10240xi32, #tpu.memory_space<vmem>>, %arg11: memref<512xi32, #tpu.memory_space<vmem>>, %arg12: memref<2x320x128xf32, #tpu.memory_space<vmem>>, %arg13: memref<16xf32, #tpu.memory_space<vmem>>, %arg14: memref<2x16x128xf32, #tpu.memory_space<vmem>>, %arg15: memref<2x!tpu.dma_semaphore, #tpu.memory_space<semaphore_mem>>) attributes {dimension_semantics = [#tpu.dimension_semantics<core_parallel>, #tpu.dimension_semantics<subcore_parallel>], iteration_bounds = array<i64: 2, 16>, scalar_prefetch = 0 : i64, scratch_operands = 8 : i64, tpu.core_type = #tpu.core_type<sc_vector_subcore>, window_params = [{transform_indices = #map}, {transform_indices = #map}, {transform_indices = #map}, {transform_indices = #map1}, {transform_indices = #map1}, {transform_indices = #map1}]} {
    %mul3A = arith.constant 16 : i32
    %mul3A_0 = arith.muli %arg0, %mul3A : i32
    %add3A = arith.addi %mul3A_0, %arg1 : i32
    %mul3A_1 = arith.constant 512 : i32
    %mul3A_2 = arith.muli %add3A, %mul3A_1 : i32
    %multiple_of3A = tpu.assume_multiple %mul3A_2, 512 : i32
    %mul3A_3 = arith.constant 10240 : i32
    %mul3A_4 = arith.muli %add3A, %mul3A_3 : i32
    %multiple_of3A_5 = tpu.assume_multiple %mul3A_4, 10240 : i32
    "tpu.region"() ({
      %run_scoped3A = tpu.sem_alloc : memref<!tpu.dma_semaphore, #tpu.memory_space<semaphore_mem>>
      %dma_start3A_54 = tpu.memref_slice %arg2[%multiple_of3A] : memref<16384xi32, #tpu.memory_space<hbm>> -> memref<512xi32, #tpu.memory_space<hbm>>
      %dma_start3A_55 = tpu.memref_slice %arg2[%multiple_of3A] : memref<16384xi32, #tpu.memory_space<hbm>> -> memref<512xi32, #tpu.memory_space<hbm>>
      tpu.enqueue_dma source(%dma_start3A_55 : memref<512xi32, #tpu.memory_space<hbm>>) target(%arg9 : memref<512xi32, #tpu.memory_space<vmem>>) target_semaphore(%run_scoped3A : memref<!tpu.dma_semaphore, #tpu.memory_space<semaphore_mem>>)
      %dma_wait3A = tpu.memref_slice %arg2[%multiple_of3A] : memref<16384xi32, #tpu.memory_space<hbm>> -> memref<512xi32, #tpu.memory_space<hbm>>
      %dma_wait3A_56 = tpu.memref_slice %arg2[%multiple_of3A] : memref<16384xi32, #tpu.memory_space<hbm>> -> memref<512xi32, #tpu.memory_space<hbm>>
      tpu.wait_dma2 semaphore(%run_scoped3A : memref<!tpu.dma_semaphore, #tpu.memory_space<semaphore_mem>>) src(%dma_wait3A_56 : memref<512xi32, #tpu.memory_space<hbm>>) dst(%arg9 : memref<512xi32, #tpu.memory_space<vmem>>)
      tpu.yield
    }) : () -> ()
    "tpu.region"() ({
      %run_scoped3A = tpu.sem_alloc : memref<!tpu.dma_semaphore, #tpu.memory_space<semaphore_mem>>
      %dma_start3A_54 = tpu.memref_slice %arg3[%multiple_of3A] : memref<16384xi32, #tpu.memory_space<hbm>> -> memref<512xi32, #tpu.memory_space<hbm>>
      %dma_start3A_55 = tpu.memref_slice %arg3[%multiple_of3A] : memref<16384xi32, #tpu.memory_space<hbm>> -> memref<512xi32, #tpu.memory_space<hbm>>
      tpu.enqueue_dma source(%dma_start3A_55 : memref<512xi32, #tpu.memory_space<hbm>>) target(%arg11 : memref<512xi32, #tpu.memory_space<vmem>>) target_semaphore(%run_scoped3A : memref<!tpu.dma_semaphore, #tpu.memory_space<semaphore_mem>>)
      %dma_wait3A = tpu.memref_slice %arg3[%multiple_of3A] : memref<16384xi32, #tpu.memory_space<hbm>> -> memref<512xi32, #tpu.memory_space<hbm>>
      %dma_wait3A_56 = tpu.memref_slice %arg3[%multiple_of3A] : memref<16384xi32, #tpu.memory_space<hbm>> -> memref<512xi32, #tpu.memory_space<hbm>>
      tpu.wait_dma2 semaphore(%run_scoped3A : memref<!tpu.dma_semaphore, #tpu.memory_space<semaphore_mem>>) src(%dma_wait3A_56 : memref<512xi32, #tpu.memory_space<hbm>>) dst(%arg11 : memref<512xi32, #tpu.memory_space<vmem>>)
      tpu.yield
    }) : () -> ()
    "tpu.region"() ({
      %run_scoped3A = tpu.sem_alloc : memref<!tpu.dma_semaphore, #tpu.memory_space<semaphore_mem>>
      %dma_start3A_54 = tpu.memref_slice %arg4[%multiple_of3A_5] : memref<327680xi32, #tpu.memory_space<hbm>> -> memref<10240xi32, #tpu.memory_space<hbm>>
      %dma_start3A_55 = tpu.memref_slice %arg4[%multiple_of3A_5] : memref<327680xi32, #tpu.memory_space<hbm>> -> memref<10240xi32, #tpu.memory_space<hbm>>
      tpu.enqueue_dma source(%dma_start3A_55 : memref<10240xi32, #tpu.memory_space<hbm>>) target(%arg10 : memref<10240xi32, #tpu.memory_space<vmem>>) target_semaphore(%run_scoped3A : memref<!tpu.dma_semaphore, #tpu.memory_space<semaphore_mem>>)
      %dma_wait3A = tpu.memref_slice %arg4[%multiple_of3A_5] : memref<327680xi32, #tpu.memory_space<hbm>> -> memref<10240xi32, #tpu.memory_space<hbm>>
      %dma_wait3A_56 = tpu.memref_slice %arg4[%multiple_of3A_5] : memref<327680xi32, #tpu.memory_space<hbm>> -> memref<10240xi32, #tpu.memory_space<hbm>>
      tpu.wait_dma2 semaphore(%run_scoped3A : memref<!tpu.dma_semaphore, #tpu.memory_space<semaphore_mem>>) src(%dma_wait3A_56 : memref<10240xi32, #tpu.memory_space<hbm>>) dst(%arg10 : memref<10240xi32, #tpu.memory_space<vmem>>)
      tpu.yield
    }) : () -> ()
    %multiple_of3A_6 = arith.constant 0 : i32
    %multiple_of3A_7 = tpu.assume_multiple %multiple_of3A_6, 16 : i32
    %multiple_of3A_8 = arith.constant 0 : i32
    %multiple_of3A_9 = tpu.assume_multiple %multiple_of3A_8, 320 : i32
    %dma_start3A = arith.constant 0 : i32
    %dma_start3A_10 = arith.constant 0 : i32
    %dma_start3A_11 = arith.constant 0 : i32
    %dma_start3A_12 = arith.constant 0 : i32
    %dma_start3A_13 = tpu.memref_slice %arg8[%dma_start3A, %dma_start3A_11, %dma_start3A_12] : memref<2x16x128xf32, #tpu.memory_space<vmem>> -> memref<1x16x128xf32, #tpu.memory_space<vmem>>
    %dma_start3A_14 = tpu.memref_squeeze %dma_start3A_13 : memref<1x16x128xf32, #tpu.memory_space<vmem>> -> memref<16x128xf32, #tpu.memory_space<vmem>>
    %dma_start3A_15 = tpu.memref_slice %arg9[%multiple_of3A_7] : memref<512xi32, #tpu.memory_space<vmem>> -> memref<16xi32, #tpu.memory_space<vmem>>
    %dma_start3A_16 = arith.constant 0 : i32
    %dma_start3A_17 = arith.constant 0 : i32
    %dma_start3A_18 = tpu.memref_slice %arg5[%dma_start3A_16, %dma_start3A_17] : memref<100000x128xf32, #tpu.memory_space<hbm>> -> memref<100000x128xf32, #tpu.memory_space<hbm>>
    %dma_start3A_19 = tpu.memref_slice %arg15[%dma_start3A_10] : memref<2x!tpu.dma_semaphore, #tpu.memory_space<semaphore_mem>> -> memref<1x!tpu.dma_semaphore, #tpu.memory_space<semaphore_mem>>
    %dma_start3A_20 = tpu.memref_squeeze %dma_start3A_19 : memref<1x!tpu.dma_semaphore, #tpu.memory_space<semaphore_mem>> -> memref<!tpu.dma_semaphore, #tpu.memory_space<semaphore_mem>>
    tpu.enqueue_indirect_dma source(%dma_start3A_18 : memref<100000x128xf32, #tpu.memory_space<hbm>>) target(%dma_start3A_14 : memref<16x128xf32, #tpu.memory_space<vmem>>) offsets(%dma_start3A_15 : memref<16xi32, #tpu.memory_space<vmem>>) semaphore(%dma_start3A_20 : memref<!tpu.dma_semaphore, #tpu.memory_space<semaphore_mem>>)
    %dma_start3A_21 = arith.constant 0 : i32
    %dma_start3A_22 = arith.constant 0 : i32
    %dma_start3A_23 = arith.constant 0 : i32
    %dma_start3A_24 = arith.constant 0 : i32
    %dma_start3A_25 = tpu.memref_slice %arg14[%dma_start3A_21, %dma_start3A_23, %dma_start3A_24] : memref<2x16x128xf32, #tpu.memory_space<vmem>> -> memref<1x16x128xf32, #tpu.memory_space<vmem>>
    %dma_start3A_26 = tpu.memref_squeeze %dma_start3A_25 : memref<1x16x128xf32, #tpu.memory_space<vmem>> -> memref<16x128xf32, #tpu.memory_space<vmem>>
    %dma_start3A_27 = tpu.memref_slice %arg11[%multiple_of3A_7] : memref<512xi32, #tpu.memory_space<vmem>> -> memref<16xi32, #tpu.memory_space<vmem>>
    %dma_start3A_28 = arith.constant 0 : i32
    %dma_start3A_29 = arith.constant 0 : i32
    %dma_start3A_30 = tpu.memref_slice %arg6[%dma_start3A_28, %dma_start3A_29] : memref<100000x128xf32, #tpu.memory_space<hbm>> -> memref<100000x128xf32, #tpu.memory_space<hbm>>
    %dma_start3A_31 = tpu.memref_slice %arg15[%dma_start3A_22] : memref<2x!tpu.dma_semaphore, #tpu.memory_space<semaphore_mem>> -> memref<1x!tpu.dma_semaphore, #tpu.memory_space<semaphore_mem>>
    %dma_start3A_32 = tpu.memref_squeeze %dma_start3A_31 : memref<1x!tpu.dma_semaphore, #tpu.memory_space<semaphore_mem>> -> memref<!tpu.dma_semaphore, #tpu.memory_space<semaphore_mem>>
    tpu.enqueue_indirect_dma source(%dma_start3A_30 : memref<100000x128xf32, #tpu.memory_space<hbm>>) target(%dma_start3A_26 : memref<16x128xf32, #tpu.memory_space<vmem>>) offsets(%dma_start3A_27 : memref<16xi32, #tpu.memory_space<vmem>>) semaphore(%dma_start3A_32 : memref<!tpu.dma_semaphore, #tpu.memory_space<semaphore_mem>>)
    %dma_start3A_33 = arith.constant 0 : i32
    %dma_start3A_34 = arith.constant 0 : i32
    %dma_start3A_35 = arith.constant 0 : i32
    %dma_start3A_36 = arith.constant 0 : i32
    %dma_start3A_37 = tpu.memref_slice %arg12[%dma_start3A_33, %dma_start3A_35, %dma_start3A_36] : memref<2x320x128xf32, #tpu.memory_space<vmem>> -> memref<1x320x128xf32, #tpu.memory_space<vmem>>
    %dma_start3A_38 = tpu.memref_squeeze %dma_start3A_37 : memref<1x320x128xf32, #tpu.memory_space<vmem>> -> memref<320x128xf32, #tpu.memory_space<vmem>>
    %dma_start3A_39 = tpu.memref_slice %arg10[%multiple_of3A_9] : memref<10240xi32, #tpu.memory_space<vmem>> -> memref<320xi32, #tpu.memory_space<vmem>>
    %dma_start3A_40 = arith.constant 0 : i32
    %dma_start3A_41 = arith.constant 0 : i32
    %dma_start3A_42 = tpu.memref_slice %arg6[%dma_start3A_40, %dma_start3A_41] : memref<100000x128xf32, #tpu.memory_space<hbm>> -> memref<100000x128xf32, #tpu.memory_space<hbm>>
    %dma_start3A_43 = tpu.memref_slice %arg15[%dma_start3A_34] : memref<2x!tpu.dma_semaphore, #tpu.memory_space<semaphore_mem>> -> memref<1x!tpu.dma_semaphore, #tpu.memory_space<semaphore_mem>>
    %dma_start3A_44 = tpu.memref_squeeze %dma_start3A_43 : memref<1x!tpu.dma_semaphore, #tpu.memory_space<semaphore_mem>> -> memref<!tpu.dma_semaphore, #tpu.memory_space<semaphore_mem>>
    tpu.enqueue_indirect_dma source(%dma_start3A_42 : memref<100000x128xf32, #tpu.memory_space<hbm>>) target(%dma_start3A_38 : memref<320x128xf32, #tpu.memory_space<vmem>>) offsets(%dma_start3A_39 : memref<320xi32, #tpu.memory_space<vmem>>) semaphore(%dma_start3A_44 : memref<!tpu.dma_semaphore, #tpu.memory_space<semaphore_mem>>)
    %iota3A = tpu.iota {dimensions = array<i32: 0>} : vector<16xi32>
    %broadcast_in_dim3A = arith.constant 0.000000e+00 : f32
    %broadcast_in_dim3A_45 = vector.broadcast %broadcast_in_dim3A : f32 to vector<16xf32>
    %broadcast_in_dim3A_46 = arith.constant 0.000000e+00 : f32
    %broadcast_in_dim3A_47 = vector.broadcast %broadcast_in_dim3A_46 : f32 to vector<16xf32>
    %scan3A = arith.constant 0 : i32
    %scan3A_48 = arith.constant 16 : i32
    %scan3A_49 = arith.addi %scan3A, %scan3A_48 : i32
    %scan3A_50 = arith.constant 1 : i32
    %scan3A_51 = scf.for %scan3A_54 = %scan3A to %scan3A_49 step %scan3A_50 iter_args(%scan3A_55 = %broadcast_in_dim3A_47) -> (vector<16xf32>)  : i32 {
      %mul3A_56 = arith.constant 2 : i32
      %mul3A_57 = arith.muli %scan3A_54, %mul3A_56 : i32
      %add3A_58 = arith.constant 0 : i32
      %add3A_59 = arith.addi %mul3A_57, %add3A_58 : i32
      %add3A_60 = arith.constant 1 : i32
      %add3A_61 = arith.addi %add3A_59, %add3A_60 : i32
      %lt3A = arith.constant 32 : i32
      %lt3A_62 = arith.cmpi slt, %add3A_61, %lt3A : i32
      %convert_element_type3A = arith.extui %lt3A_62 : i1 to i32
      %cond3A = arith.constant 0 : i32
      %cond3A_63 = arith.cmpi ne, %convert_element_type3A, %cond3A : i32
      scf.if %cond3A_63 {
        %mul3A_176 = arith.constant 16 : i32
        %mul3A_177 = arith.muli %add3A_61, %mul3A_176 : i32
        %multiple_of3A_178 = tpu.assume_multiple %mul3A_177, 16 : i32
        %mul3A_179 = arith.constant 320 : i32
        %mul3A_180 = arith.muli %add3A_61, %mul3A_179 : i32
        %multiple_of3A_181 = tpu.assume_multiple %mul3A_180, 320 : i32
        %dma_start3A_182 = arith.constant 1 : i32
        %dma_start3A_183 = arith.constant 1 : i32
        %dma_start3A_184 = arith.constant 0 : i32
        %dma_start3A_185 = arith.constant 0 : i32
        %dma_start3A_186 = tpu.memref_slice %arg8[%dma_start3A_182, %dma_start3A_184, %dma_start3A_185] : memref<2x16x128xf32, #tpu.memory_space<vmem>> -> memref<1x16x128xf32, #tpu.memory_space<vmem>>
        %dma_start3A_187 = tpu.memref_squeeze %dma_start3A_186 : memref<1x16x128xf32, #tpu.memory_space<vmem>> -> memref<16x128xf32, #tpu.memory_space<vmem>>
        %dma_start3A_188 = tpu.memref_slice %arg9[%multiple_of3A_178] : memref<512xi32, #tpu.memory_space<vmem>> -> memref<16xi32, #tpu.memory_space<vmem>>
        %dma_start3A_189 = arith.constant 0 : i32
        %dma_start3A_190 = arith.constant 0 : i32
        %dma_start3A_191 = tpu.memref_slice %arg5[%dma_start3A_189, %dma_start3A_190] : memref<100000x128xf32, #tpu.memory_space<hbm>> -> memref<100000x128xf32, #tpu.memory_space<hbm>>
        %dma_start3A_192 = tpu.memref_slice %arg15[%dma_start3A_183] : memref<2x!tpu.dma_semaphore, #tpu.memory_space<semaphore_mem>> -> memref<1x!tpu.dma_semaphore, #tpu.memory_space<semaphore_mem>>
        %dma_start3A_193 = tpu.memref_squeeze %dma_start3A_192 : memref<1x!tpu.dma_semaphore, #tpu.memory_space<semaphore_mem>> -> memref<!tpu.dma_semaphore, #tpu.memory_space<semaphore_mem>>
        tpu.enqueue_indirect_dma source(%dma_start3A_191 : memref<100000x128xf32, #tpu.memory_space<hbm>>) target(%dma_start3A_187 : memref<16x128xf32, #tpu.memory_space<vmem>>) offsets(%dma_start3A_188 : memref<16xi32, #tpu.memory_space<vmem>>) semaphore(%dma_start3A_193 : memref<!tpu.dma_semaphore, #tpu.memory_space<semaphore_mem>>)
        %dma_start3A_194 = arith.constant 1 : i32
        %dma_start3A_195 = arith.constant 1 : i32
        %dma_start3A_196 = arith.constant 0 : i32
        %dma_start3A_197 = arith.constant 0 : i32
        %dma_start3A_198 = tpu.memref_slice %arg14[%dma_start3A_194, %dma_start3A_196, %dma_start3A_197] : memref<2x16x128xf32, #tpu.memory_space<vmem>> -> memref<1x16x128xf32, #tpu.memory_space<vmem>>
        %dma_start3A_199 = tpu.memref_squeeze %dma_start3A_198 : memref<1x16x128xf32, #tpu.memory_space<vmem>> -> memref<16x128xf32, #tpu.memory_space<vmem>>
        %dma_start3A_200 = tpu.memref_slice %arg11[%multiple_of3A_178] : memref<512xi32, #tpu.memory_space<vmem>> -> memref<16xi32, #tpu.memory_space<vmem>>
        %dma_start3A_201 = arith.constant 0 : i32
        %dma_start3A_202 = arith.constant 0 : i32
        %dma_start3A_203 = tpu.memref_slice %arg6[%dma_start3A_201, %dma_start3A_202] : memref<100000x128xf32, #tpu.memory_space<hbm>> -> memref<100000x128xf32, #tpu.memory_space<hbm>>
        %dma_start3A_204 = tpu.memref_slice %arg15[%dma_start3A_195] : memref<2x!tpu.dma_semaphore, #tpu.memory_space<semaphore_mem>> -> memref<1x!tpu.dma_semaphore, #tpu.memory_space<semaphore_mem>>
        %dma_start3A_205 = tpu.memref_squeeze %dma_start3A_204 : memref<1x!tpu.dma_semaphore, #tpu.memory_space<semaphore_mem>> -> memref<!tpu.dma_semaphore, #tpu.memory_space<semaphore_mem>>
        tpu.enqueue_indirect_dma source(%dma_start3A_203 : memref<100000x128xf32, #tpu.memory_space<hbm>>) target(%dma_start3A_199 : memref<16x128xf32, #tpu.memory_space<vmem>>) offsets(%dma_start3A_200 : memref<16xi32, #tpu.memory_space<vmem>>) semaphore(%dma_start3A_205 : memref<!tpu.dma_semaphore, #tpu.memory_space<semaphore_mem>>)
        %dma_start3A_206 = arith.constant 1 : i32
        %dma_start3A_207 = arith.constant 1 : i32
        %dma_start3A_208 = arith.constant 0 : i32
        %dma_start3A_209 = arith.constant 0 : i32
        %dma_start3A_210 = tpu.memref_slice %arg12[%dma_start3A_206, %dma_start3A_208, %dma_start3A_209] : memref<2x320x128xf32, #tpu.memory_space<vmem>> -> memref<1x320x128xf32, #tpu.memory_space<vmem>>
        %dma_start3A_211 = tpu.memref_squeeze %dma_start3A_210 : memref<1x320x128xf32, #tpu.memory_space<vmem>> -> memref<320x128xf32, #tpu.memory_space<vmem>>
        %dma_start3A_212 = tpu.memref_slice %arg10[%multiple_of3A_181] : memref<10240xi32, #tpu.memory_space<vmem>> -> memref<320xi32, #tpu.memory_space<vmem>>
        %dma_start3A_213 = arith.constant 0 : i32
        %dma_start3A_214 = arith.constant 0 : i32
        %dma_start3A_215 = tpu.memref_slice %arg6[%dma_start3A_213, %dma_start3A_214] : memref<100000x128xf32, #tpu.memory_space<hbm>> -> memref<100000x128xf32, #tpu.memory_space<hbm>>
        %dma_start3A_216 = tpu.memref_slice %arg15[%dma_start3A_207] : memref<2x!tpu.dma_semaphore, #tpu.memory_space<semaphore_mem>> -> memref<1x!tpu.dma_semaphore, #tpu.memory_space<semaphore_mem>>
        %dma_start3A_217 = tpu.memref_squeeze %dma_start3A_216 : memref<1x!tpu.dma_semaphore, #tpu.memory_space<semaphore_mem>> -> memref<!tpu.dma_semaphore, #tpu.memory_space<semaphore_mem>>
        tpu.enqueue_indirect_dma source(%dma_start3A_215 : memref<100000x128xf32, #tpu.memory_space<hbm>>) target(%dma_start3A_211 : memref<320x128xf32, #tpu.memory_space<vmem>>) offsets(%dma_start3A_212 : memref<320xi32, #tpu.memory_space<vmem>>) semaphore(%dma_start3A_217 : memref<!tpu.dma_semaphore, #tpu.memory_space<semaphore_mem>>)
      } else {
      }
      %mul3A_64 = arith.constant 16 : i32
      %mul3A_65 = arith.muli %add3A_59, %mul3A_64 : i32
      %multiple_of3A_66 = tpu.assume_multiple %mul3A_65, 16 : i32
      %mul3A_67 = arith.constant 320 : i32
      %mul3A_68 = arith.muli %add3A_59, %mul3A_67 : i32
      %multiple_of3A_69 = tpu.assume_multiple %mul3A_68, 320 : i32
      %dma_wait3A = arith.constant 0 : i32
      %dma_wait3A_70 = arith.constant 0 : i32
      %dma_wait3A_71 = arith.constant 0 : i32
      %dma_wait3A_72 = arith.constant 0 : i32
      %dma_wait3A_73 = tpu.memref_slice %arg8[%dma_wait3A, %dma_wait3A_71, %dma_wait3A_72] : memref<2x16x128xf32, #tpu.memory_space<vmem>> -> memref<1x16x128xf32, #tpu.memory_space<vmem>>
      %dma_wait3A_74 = tpu.memref_squeeze %dma_wait3A_73 : memref<1x16x128xf32, #tpu.memory_space<vmem>> -> memref<16x128xf32, #tpu.memory_space<vmem>>
      %dma_wait3A_75 = tpu.memref_slice %arg9[%multiple_of3A_66] : memref<512xi32, #tpu.memory_space<vmem>> -> memref<16xi32, #tpu.memory_space<vmem>>
      %dma_wait3A_76 = arith.constant 0 : i32
      %dma_wait3A_77 = arith.constant 0 : i32
      %dma_wait3A_78 = tpu.memref_slice %arg5[%dma_wait3A_76, %dma_wait3A_77] : memref<100000x128xf32, #tpu.memory_space<hbm>> -> memref<100000x128xf32, #tpu.memory_space<hbm>>
      %dma_wait3A_79 = tpu.memref_slice %arg15[%dma_wait3A_70] : memref<2x!tpu.dma_semaphore, #tpu.memory_space<semaphore_mem>> -> memref<1x!tpu.dma_semaphore, #tpu.memory_space<semaphore_mem>>
      %dma_wait3A_80 = tpu.memref_squeeze %dma_wait3A_79 : memref<1x!tpu.dma_semaphore, #tpu.memory_space<semaphore_mem>> -> memref<!tpu.dma_semaphore, #tpu.memory_space<semaphore_mem>>
      tpu.wait_indirect_dma semaphore(%dma_wait3A_80 : memref<!tpu.dma_semaphore, #tpu.memory_space<semaphore_mem>>) src(%dma_wait3A_78 : memref<100000x128xf32, #tpu.memory_space<hbm>>) dst(%dma_wait3A_74 : memref<16x128xf32, #tpu.memory_space<vmem>>)
      %dma_wait3A_81 = arith.constant 0 : i32
      %dma_wait3A_82 = arith.constant 0 : i32
      %dma_wait3A_83 = arith.constant 0 : i32
      %dma_wait3A_84 = arith.constant 0 : i32
      %dma_wait3A_85 = tpu.memref_slice %arg14[%dma_wait3A_81, %dma_wait3A_83, %dma_wait3A_84] : memref<2x16x128xf32, #tpu.memory_space<vmem>> -> memref<1x16x128xf32, #tpu.memory_space<vmem>>
      %dma_wait3A_86 = tpu.memref_squeeze %dma_wait3A_85 : memref<1x16x128xf32, #tpu.memory_space<vmem>> -> memref<16x128xf32, #tpu.memory_space<vmem>>
      %dma_wait3A_87 = tpu.memref_slice %arg11[%multiple_of3A_66] : memref<512xi32, #tpu.memory_space<vmem>> -> memref<16xi32, #tpu.memory_space<vmem>>
      %dma_wait3A_88 = arith.constant 0 : i32
      %dma_wait3A_89 = arith.constant 0 : i32
      %dma_wait3A_90 = tpu.memref_slice %arg6[%dma_wait3A_88, %dma_wait3A_89] : memref<100000x128xf32, #tpu.memory_space<hbm>> -> memref<100000x128xf32, #tpu.memory_space<hbm>>
      %dma_wait3A_91 = tpu.memref_slice %arg15[%dma_wait3A_82] : memref<2x!tpu.dma_semaphore, #tpu.memory_space<semaphore_mem>> -> memref<1x!tpu.dma_semaphore, #tpu.memory_space<semaphore_mem>>
      %dma_wait3A_92 = tpu.memref_squeeze %dma_wait3A_91 : memref<1x!tpu.dma_semaphore, #tpu.memory_space<semaphore_mem>> -> memref<!tpu.dma_semaphore, #tpu.memory_space<semaphore_mem>>
      tpu.wait_indirect_dma semaphore(%dma_wait3A_92 : memref<!tpu.dma_semaphore, #tpu.memory_space<semaphore_mem>>) src(%dma_wait3A_90 : memref<100000x128xf32, #tpu.memory_space<hbm>>) dst(%dma_wait3A_86 : memref<16x128xf32, #tpu.memory_space<vmem>>)
      %dma_wait3A_93 = arith.constant 0 : i32
      %dma_wait3A_94 = arith.constant 0 : i32
      %dma_wait3A_95 = arith.constant 0 : i32
      %dma_wait3A_96 = arith.constant 0 : i32
      %dma_wait3A_97 = tpu.memref_slice %arg12[%dma_wait3A_93, %dma_wait3A_95, %dma_wait3A_96] : memref<2x320x128xf32, #tpu.memory_space<vmem>> -> memref<1x320x128xf32, #tpu.memory_space<vmem>>
      %dma_wait3A_98 = tpu.memref_squeeze %dma_wait3A_97 : memref<1x320x128xf32, #tpu.memory_space<vmem>> -> memref<320x128xf32, #tpu.memory_space<vmem>>
      %dma_wait3A_99 = tpu.memref_slice %arg10[%multiple_of3A_69] : memref<10240xi32, #tpu.memory_space<vmem>> -> memref<320xi32, #tpu.memory_space<vmem>>
      %dma_wait3A_100 = arith.constant 0 : i32
      %dma_wait3A_101 = arith.constant 0 : i32
      %dma_wait3A_102 = tpu.memref_slice %arg6[%dma_wait3A_100, %dma_wait3A_101] : memref<100000x128xf32, #tpu.memory_space<hbm>> -> memref<100000x128xf32, #tpu.memory_space<hbm>>
      %dma_wait3A_103 = tpu.memref_slice %arg15[%dma_wait3A_94] : memref<2x!tpu.dma_semaphore, #tpu.memory_space<semaphore_mem>> -> memref<1x!tpu.dma_semaphore, #tpu.memory_space<semaphore_mem>>
      %dma_wait3A_104 = tpu.memref_squeeze %dma_wait3A_103 : memref<1x!tpu.dma_semaphore, #tpu.memory_space<semaphore_mem>> -> memref<!tpu.dma_semaphore, #tpu.memory_space<semaphore_mem>>
      tpu.wait_indirect_dma semaphore(%dma_wait3A_104 : memref<!tpu.dma_semaphore, #tpu.memory_space<semaphore_mem>>) src(%dma_wait3A_102 : memref<100000x128xf32, #tpu.memory_space<hbm>>) dst(%dma_wait3A_98 : memref<320x128xf32, #tpu.memory_space<vmem>>)
      %scan3A_105 = arith.constant 0 : i32
      %scan3A_106 = arith.constant 0 : i32
      %scan3A_107 = arith.constant 0 : i32
      %scan3A_108 = arith.constant 0 : i32
      %scan3A_109 = arith.constant 16 : i32
      %scan3A_110 = arith.addi %scan3A_108, %scan3A_109 : i32
      %scan3A_111 = arith.constant 1 : i32
      %scan3A_112 = scf.for %scan3A_176 = %scan3A_108 to %scan3A_110 step %scan3A_111 iter_args(%scan3A_177 = %scan3A_55) -> (vector<16xf32>)  : i32 {
        %get3A = arith.constant 0 : i32
        %get3A_178 = arith.constant 0 : i32
        %get3A_179 = tpu.memref_slice %arg8[%scan3A_105, %get3A, %get3A_178] : memref<2x16x128xf32, #tpu.memory_space<vmem>> -> memref<1x16x128xf32, #tpu.memory_space<vmem>>
        %get3A_180 = tpu.memref_squeeze %get3A_179 : memref<1x16x128xf32, #tpu.memory_space<vmem>> -> memref<16x128xf32, #tpu.memory_space<vmem>>
        %get3A_181 = arith.index_cast %scan3A_176 : i32 to index
        %get3A_182 = arith.constant 0 : index
        %get3A_183 = tpu.vector_load %get3A_180[%get3A_181, %get3A_182] {strides = array<i32>} : memref<16x128xf32, #tpu.memory_space<vmem>>, vector<16xf32>,
        %get3A_184 = arith.constant 0 : i32
        %get3A_185 = arith.constant 0 : i32
        %get3A_186 = tpu.memref_slice %arg8[%scan3A_105, %get3A_184, %get3A_185] : memref<2x16x128xf32, #tpu.memory_space<vmem>> -> memref<1x16x128xf32, #tpu.memory_space<vmem>>
        %get3A_187 = tpu.memref_squeeze %get3A_186 : memref<1x16x128xf32, #tpu.memory_space<vmem>> -> memref<16x128xf32, #tpu.memory_space<vmem>>
        %get3A_188 = arith.index_cast %scan3A_176 : i32 to index
        %get3A_189 = arith.constant 16 : index
        %get3A_190 = tpu.vector_load %get3A_187[%get3A_188, %get3A_189] {strides = array<i32>} : memref<16x128xf32, #tpu.memory_space<vmem>>, vector<16xf32>,
        %get3A_191 = arith.constant 0 : i32
        %get3A_192 = arith.constant 0 : i32
        %get3A_193 = tpu.memref_slice %arg8[%scan3A_105, %get3A_191, %get3A_192] : memref<2x16x128xf32, #tpu.memory_space<vmem>> -> memref<1x16x128xf32, #tpu.memory_space<vmem>>
        %get3A_194 = tpu.memref_squeeze %get3A_193 : memref<1x16x128xf32, #tpu.memory_space<vmem>> -> memref<16x128xf32, #tpu.memory_space<vmem>>
        %get3A_195 = arith.index_cast %scan3A_176 : i32 to index
        %get3A_196 = arith.constant 32 : index
        %get3A_197 = tpu.vector_load %get3A_194[%get3A_195, %get3A_196] {strides = array<i32>} : memref<16x128xf32, #tpu.memory_space<vmem>>, vector<16xf32>,
        %get3A_198 = arith.constant 0 : i32
        %get3A_199 = arith.constant 0 : i32
        %get3A_200 = tpu.memref_slice %arg8[%scan3A_105, %get3A_198, %get3A_199] : memref<2x16x128xf32, #tpu.memory_space<vmem>> -> memref<1x16x128xf32, #tpu.memory_space<vmem>>
        %get3A_201 = tpu.memref_squeeze %get3A_200 : memref<1x16x128xf32, #tpu.memory_space<vmem>> -> memref<16x128xf32, #tpu.memory_space<vmem>>
        %get3A_202 = arith.index_cast %scan3A_176 : i32 to index
        %get3A_203 = arith.constant 48 : index
        %get3A_204 = tpu.vector_load %get3A_201[%get3A_202, %get3A_203] {strides = array<i32>} : memref<16x128xf32, #tpu.memory_space<vmem>>, vector<16xf32>,
        %get3A_205 = arith.constant 0 : i32
        %get3A_206 = arith.constant 0 : i32
        %get3A_207 = tpu.memref_slice %arg8[%scan3A_105, %get3A_205, %get3A_206] : memref<2x16x128xf32, #tpu.memory_space<vmem>> -> memref<1x16x128xf32, #tpu.memory_space<vmem>>
        %get3A_208 = tpu.memref_squeeze %get3A_207 : memref<1x16x128xf32, #tpu.memory_space<vmem>> -> memref<16x128xf32, #tpu.memory_space<vmem>>
        %get3A_209 = arith.index_cast %scan3A_176 : i32 to index
        %get3A_210 = arith.constant 64 : index
        %get3A_211 = tpu.vector_load %get3A_208[%get3A_209, %get3A_210] {strides = array<i32>} : memref<16x128xf32, #tpu.memory_space<vmem>>, vector<16xf32>,
        %get3A_212 = arith.constant 0 : i32
        %get3A_213 = arith.constant 0 : i32
        %get3A_214 = tpu.memref_slice %arg8[%scan3A_105, %get3A_212, %get3A_213] : memref<2x16x128xf32, #tpu.memory_space<vmem>> -> memref<1x16x128xf32, #tpu.memory_space<vmem>>
        %get3A_215 = tpu.memref_squeeze %get3A_214 : memref<1x16x128xf32, #tpu.memory_space<vmem>> -> memref<16x128xf32, #tpu.memory_space<vmem>>
        %get3A_216 = arith.index_cast %scan3A_176 : i32 to index
        %get3A_217 = arith.constant 80 : index
        %get3A_218 = tpu.vector_load %get3A_215[%get3A_216, %get3A_217] {strides = array<i32>} : memref<16x128xf32, #tpu.memory_space<vmem>>, vector<16xf32>,
        %get3A_219 = arith.constant 0 : i32
        %get3A_220 = arith.constant 0 : i32
        %get3A_221 = tpu.memref_slice %arg8[%scan3A_105, %get3A_219, %get3A_220] : memref<2x16x128xf32, #tpu.memory_space<vmem>> -> memref<1x16x128xf32, #tpu.memory_space<vmem>>
        %get3A_222 = tpu.memref_squeeze %get3A_221 : memref<1x16x128xf32, #tpu.memory_space<vmem>> -> memref<16x128xf32, #tpu.memory_space<vmem>>
        %get3A_223 = arith.index_cast %scan3A_176 : i32 to index
        %get3A_224 = arith.constant 96 : index
        %get3A_225 = tpu.vector_load %get3A_222[%get3A_223, %get3A_224] {strides = array<i32>} : memref<16x128xf32, #tpu.memory_space<vmem>>, vector<16xf32>,
        %get3A_226 = arith.constant 0 : i32
        %get3A_227 = arith.constant 0 : i32
        %get3A_228 = tpu.memref_slice %arg8[%scan3A_105, %get3A_226, %get3A_227] : memref<2x16x128xf32, #tpu.memory_space<vmem>> -> memref<1x16x128xf32, #tpu.memory_space<vmem>>
        %get3A_229 = tpu.memref_squeeze %get3A_228 : memref<1x16x128xf32, #tpu.memory_space<vmem>> -> memref<16x128xf32, #tpu.memory_space<vmem>>
        %get3A_230 = arith.index_cast %scan3A_176 : i32 to index
        %get3A_231 = arith.constant 112 : index
        %get3A_232 = tpu.vector_load %get3A_229[%get3A_230, %get3A_231] {strides = array<i32>} : memref<16x128xf32, #tpu.memory_space<vmem>>, vector<16xf32>,
        %mul3A_233 = arith.constant 20 : i32
        %mul3A_234 = arith.muli %scan3A_176, %mul3A_233 : i32
        %eq3A = arith.constant 0 : i32
        %eq3A_235 = vector.broadcast %eq3A : i32 to vector<16xi32>
        %eq3A_236 = arith.cmpi eq, %iota3A, %eq3A_235 : vector<16xi32>
        %add3A_237 = arith.constant 0 : i32
        %add3A_238 = arith.addi %mul3A_234, %add3A_237 : i32
        %get3A_239 = arith.constant 0 : i32
        %get3A_240 = arith.constant 0 : i32
        %get3A_241 = tpu.memref_slice %arg12[%scan3A_106, %get3A_239, %get3A_240] : memref<2x320x128xf32, #tpu.memory_space<vmem>> -> memref<1x320x128xf32, #tpu.memory_space<vmem>>
        %get3A_242 = tpu.memref_squeeze %get3A_241 : memref<1x320x128xf32, #tpu.memory_space<vmem>> -> memref<320x128xf32, #tpu.memory_space<vmem>>
        %get3A_243 = arith.index_cast %add3A_238 : i32 to index
        %get3A_244 = arith.constant 0 : index
        %get3A_245 = tpu.vector_load %get3A_242[%get3A_243, %get3A_244] {strides = array<i32>} : memref<320x128xf32, #tpu.memory_space<vmem>>, vector<16xf32>,
        %mul3A_246 = arith.mulf %get3A_183, %get3A_245 : vector<16xf32>
        %get3A_247 = arith.constant 0 : i32
        %get3A_248 = arith.constant 0 : i32
        %get3A_249 = tpu.memref_slice %arg12[%scan3A_106, %get3A_247, %get3A_248] : memref<2x320x128xf32, #tpu.memory_space<vmem>> -> memref<1x320x128xf32, #tpu.memory_space<vmem>>
        %get3A_250 = tpu.memref_squeeze %get3A_249 : memref<1x320x128xf32, #tpu.memory_space<vmem>> -> memref<320x128xf32, #tpu.memory_space<vmem>>
        %get3A_251 = arith.index_cast %add3A_238 : i32 to index
        %get3A_252 = arith.constant 16 : index
        %get3A_253 = tpu.vector_load %get3A_250[%get3A_251, %get3A_252] {strides = array<i32>} : memref<320x128xf32, #tpu.memory_space<vmem>>, vector<16xf32>,
        %mul3A_254 = arith.mulf %get3A_190, %get3A_253 : vector<16xf32>
        %add3A_255 = arith.addf %mul3A_246, %mul3A_254 : vector<16xf32>
        %get3A_256 = arith.constant 0 : i32
        %get3A_257 = arith.constant 0 : i32
        %get3A_258 = tpu.memref_slice %arg12[%scan3A_106, %get3A_256, %get3A_257] : memref<2x320x128xf32, #tpu.memory_space<vmem>> -> memref<1x320x128xf32, #tpu.memory_space<vmem>>
        %get3A_259 = tpu.memref_squeeze %get3A_258 : memref<1x320x128xf32, #tpu.memory_space<vmem>> -> memref<320x128xf32, #tpu.memory_space<vmem>>
        %get3A_260 = arith.index_cast %add3A_238 : i32 to index
        %get3A_261 = arith.constant 32 : index
        %get3A_262 = tpu.vector_load %get3A_259[%get3A_260, %get3A_261] {strides = array<i32>} : memref<320x128xf32, #tpu.memory_space<vmem>>, vector<16xf32>,
        %mul3A_263 = arith.mulf %get3A_197, %get3A_262 : vector<16xf32>
        %add3A_264 = arith.addf %add3A_255, %mul3A_263 : vector<16xf32>
        %get3A_265 = arith.constant 0 : i32
        %get3A_266 = arith.constant 0 : i32
        %get3A_267 = tpu.memref_slice %arg12[%scan3A_106, %get3A_265, %get3A_266] : memref<2x320x128xf32, #tpu.memory_space<vmem>> -> memref<1x320x128xf32, #tpu.memory_space<vmem>>
        %get3A_268 = tpu.memref_squeeze %get3A_267 : memref<1x320x128xf32, #tpu.memory_space<vmem>> -> memref<320x128xf32, #tpu.memory_space<vmem>>
        %get3A_269 = arith.index_cast %add3A_238 : i32 to index
        %get3A_270 = arith.constant 48 : index
        %get3A_271 = tpu.vector_load %get3A_268[%get3A_269, %get3A_270] {strides = array<i32>} : memref<320x128xf32, #tpu.memory_space<vmem>>, vector<16xf32>,
        %mul3A_272 = arith.mulf %get3A_204, %get3A_271 : vector<16xf32>
        %add3A_273 = arith.addf %add3A_264, %mul3A_272 : vector<16xf32>
        %get3A_274 = arith.constant 0 : i32
        %get3A_275 = arith.constant 0 : i32
        %get3A_276 = tpu.memref_slice %arg12[%scan3A_106, %get3A_274, %get3A_275] : memref<2x320x128xf32, #tpu.memory_space<vmem>> -> memref<1x320x128xf32, #tpu.memory_space<vmem>>
        %get3A_277 = tpu.memref_squeeze %get3A_276 : memref<1x320x128xf32, #tpu.memory_space<vmem>> -> memref<320x128xf32, #tpu.memory_space<vmem>>
        %get3A_278 = arith.index_cast %add3A_238 : i32 to index
        %get3A_279 = arith.constant 64 : index
        %get3A_280 = tpu.vector_load %get3A_277[%get3A_278, %get3A_279] {strides = array<i32>} : memref<320x128xf32, #tpu.memory_space<vmem>>, vector<16xf32>,
        %mul3A_281 = arith.mulf %get3A_211, %get3A_280 : vector<16xf32>
        %add3A_282 = arith.addf %add3A_273, %mul3A_281 : vector<16xf32>
        %get3A_283 = arith.constant 0 : i32
        %get3A_284 = arith.constant 0 : i32
        %get3A_285 = tpu.memref_slice %arg12[%scan3A_106, %get3A_283, %get3A_284] : memref<2x320x128xf32, #tpu.memory_space<vmem>> -> memref<1x320x128xf32, #tpu.memory_space<vmem>>
        %get3A_286 = tpu.memref_squeeze %get3A_285 : memref<1x320x128xf32, #tpu.memory_space<vmem>> -> memref<320x128xf32, #tpu.memory_space<vmem>>
        %get3A_287 = arith.index_cast %add3A_238 : i32 to index
        %get3A_288 = arith.constant 80 : index
        %get3A_289 = tpu.vector_load %get3A_286[%get3A_287, %get3A_288] {strides = array<i32>} : memref<320x128xf32, #tpu.memory_space<vmem>>, vector<16xf32>,
        %mul3A_290 = arith.mulf %get3A_218, %get3A_289 : vector<16xf32>
        %add3A_291 = arith.addf %add3A_282, %mul3A_290 : vector<16xf32>
        %get3A_292 = arith.constant 0 : i32
        %get3A_293 = arith.constant 0 : i32
        %get3A_294 = tpu.memref_slice %arg12[%scan3A_106, %get3A_292, %get3A_293] : memref<2x320x128xf32, #tpu.memory_space<vmem>> -> memref<1x320x128xf32, #tpu.memory_space<vmem>>
        %get3A_295 = tpu.memref_squeeze %get3A_294 : memref<1x320x128xf32, #tpu.memory_space<vmem>> -> memref<320x128xf32, #tpu.memory_space<vmem>>
        %get3A_296 = arith.index_cast %add3A_238 : i32 to index
        %get3A_297 = arith.constant 96 : index
        %get3A_298 = tpu.vector_load %get3A_295[%get3A_296, %get3A_297] {strides = array<i32>} : memref<320x128xf32, #tpu.memory_space<vmem>>, vector<16xf32>,
        %mul3A_299 = arith.mulf %get3A_225, %get3A_298 : vector<16xf32>
        %add3A_300 = arith.addf %add3A_291, %mul3A_299 : vector<16xf32>
        %get3A_301 = arith.constant 0 : i32
        %get3A_302 = arith.constant 0 : i32
        %get3A_303 = tpu.memref_slice %arg12[%scan3A_106, %get3A_301, %get3A_302] : memref<2x320x128xf32, #tpu.memory_space<vmem>> -> memref<1x320x128xf32, #tpu.memory_space<vmem>>
        %get3A_304 = tpu.memref_squeeze %get3A_303 : memref<1x320x128xf32, #tpu.memory_space<vmem>> -> memref<320x128xf32, #tpu.memory_space<vmem>>
        %get3A_305 = arith.index_cast %add3A_238 : i32 to index
        %get3A_306 = arith.constant 112 : index
        %get3A_307 = tpu.vector_load %get3A_304[%get3A_305, %get3A_306] {strides = array<i32>} : memref<320x128xf32, #tpu.memory_space<vmem>>, vector<16xf32>,
        %mul3A_308 = arith.mulf %get3A_232, %get3A_307 : vector<16xf32>
        %add3A_309 = arith.addf %add3A_300, %mul3A_308 : vector<16xf32>
        %reduce_sum3A = arith.constant true
        %reduce_sum3A_310 = vector.broadcast %reduce_sum3A : i1 to vector<16xi1>
        %reduce_sum3A_311 = tpu.scan <sum>, %add3A_309 masked %reduce_sum3A_310 : vector<16xf32>, vector<16xi1> -> vector<16xf32>
        %reduce_sum3A_312 = vector.extract %reduce_sum3A_311[15] : f32 from vector<16xf32>
        %broadcast_in_dim3A_313 = vector.broadcast %reduce_sum3A_312 : f32 to vector<16xf32>
        %select_n3A = arith.select %eq3A_236, %broadcast_in_dim3A_313, %broadcast_in_dim3A_45 : vector<16xi1>, vector<16xf32>
        %eq3A_314 = arith.constant 1 : i32
        %eq3A_315 = vector.broadcast %eq3A_314 : i32 to vector<16xi32>
        %eq3A_316 = arith.cmpi eq, %iota3A, %eq3A_315 : vector<16xi32>
        %add3A_317 = arith.constant 1 : i32
        %add3A_318 = arith.addi %mul3A_234, %add3A_317 : i32
        %get3A_319 = arith.constant 0 : i32
        %get3A_320 = arith.constant 0 : i32
        %get3A_321 = tpu.memref_slice %arg12[%scan3A_106, %get3A_319, %get3A_320] : memref<2x320x128xf32, #tpu.memory_space<vmem>> -> memref<1x320x128xf32, #tpu.memory_space<vmem>>
        %get3A_322 = tpu.memref_squeeze %get3A_321 : memref<1x320x128xf32, #tpu.memory_space<vmem>> -> memref<320x128xf32, #tpu.memory_space<vmem>>
        %get3A_323 = arith.index_cast %add3A_318 : i32 to index
        %get3A_324 = arith.constant 0 : index
        %get3A_325 = tpu.vector_load %get3A_322[%get3A_323, %get3A_324] {strides = array<i32>} : memref<320x128xf32, #tpu.memory_space<vmem>>, vector<16xf32>,
        %mul3A_326 = arith.mulf %get3A_183, %get3A_325 : vector<16xf32>
        %get3A_327 = arith.constant 0 : i32
        %get3A_328 = arith.constant 0 : i32
        %get3A_329 = tpu.memref_slice %arg12[%scan3A_106, %get3A_327, %get3A_328] : memref<2x320x128xf32, #tpu.memory_space<vmem>> -> memref<1x320x128xf32, #tpu.memory_space<vmem>>
        %get3A_330 = tpu.memref_squeeze %get3A_329 : memref<1x320x128xf32, #tpu.memory_space<vmem>> -> memref<320x128xf32, #tpu.memory_space<vmem>>
        %get3A_331 = arith.index_cast %add3A_318 : i32 to index
        %get3A_332 = arith.constant 16 : index
        %get3A_333 = tpu.vector_load %get3A_330[%get3A_331, %get3A_332] {strides = array<i32>} : memref<320x128xf32, #tpu.memory_space<vmem>>, vector<16xf32>,
        %mul3A_334 = arith.mulf %get3A_190, %get3A_333 : vector<16xf32>
        %add3A_335 = arith.addf %mul3A_326, %mul3A_334 : vector<16xf32>
        %get3A_336 = arith.constant 0 : i32
        %get3A_337 = arith.constant 0 : i32
        %get3A_338 = tpu.memref_slice %arg12[%scan3A_106, %get3A_336, %get3A_337] : memref<2x320x128xf32, #tpu.memory_space<vmem>> -> memref<1x320x128xf32, #tpu.memory_space<vmem>>
        %get3A_339 = tpu.memref_squeeze %get3A_338 : memref<1x320x128xf32, #tpu.memory_space<vmem>> -> memref<320x128xf32, #tpu.memory_space<vmem>>
        %get3A_340 = arith.index_cast %add3A_318 : i32 to index
        %get3A_341 = arith.constant 32 : index
        %get3A_342 = tpu.vector_load %get3A_339[%get3A_340, %get3A_341] {strides = array<i32>} : memref<320x128xf32, #tpu.memory_space<vmem>>, vector<16xf32>,
        %mul3A_343 = arith.mulf %get3A_197, %get3A_342 : vector<16xf32>
        %add3A_344 = arith.addf %add3A_335, %mul3A_343 : vector<16xf32>
        %get3A_345 = arith.constant 0 : i32
        %get3A_346 = arith.constant 0 : i32
        %get3A_347 = tpu.memref_slice %arg12[%scan3A_106, %get3A_345, %get3A_346] : memref<2x320x128xf32, #tpu.memory_space<vmem>> -> memref<1x320x128xf32, #tpu.memory_space<vmem>>
        %get3A_348 = tpu.memref_squeeze %get3A_347 : memref<1x320x128xf32, #tpu.memory_space<vmem>> -> memref<320x128xf32, #tpu.memory_space<vmem>>
        %get3A_349 = arith.index_cast %add3A_318 : i32 to index
        %get3A_350 = arith.constant 48 : index
        %get3A_351 = tpu.vector_load %get3A_348[%get3A_349, %get3A_350] {strides = array<i32>} : memref<320x128xf32, #tpu.memory_space<vmem>>, vector<16xf32>,
        %mul3A_352 = arith.mulf %get3A_204, %get3A_351 : vector<16xf32>
        %add3A_353 = arith.addf %add3A_344, %mul3A_352 : vector<16xf32>
        %get3A_354 = arith.constant 0 : i32
        %get3A_355 = arith.constant 0 : i32
        %get3A_356 = tpu.memref_slice %arg12[%scan3A_106, %get3A_354, %get3A_355] : memref<2x320x128xf32, #tpu.memory_space<vmem>> -> memref<1x320x128xf32, #tpu.memory_space<vmem>>
        %get3A_357 = tpu.memref_squeeze %get3A_356 : memref<1x320x128xf32, #tpu.memory_space<vmem>> -> memref<320x128xf32, #tpu.memory_space<vmem>>
        %get3A_358 = arith.index_cast %add3A_318 : i32 to index
        %get3A_359 = arith.constant 64 : index
        %get3A_360 = tpu.vector_load %get3A_357[%get3A_358, %get3A_359] {strides = array<i32>} : memref<320x128xf32, #tpu.memory_space<vmem>>, vector<16xf32>,
        %mul3A_361 = arith.mulf %get3A_211, %get3A_360 : vector<16xf32>
        %add3A_362 = arith.addf %add3A_353, %mul3A_361 : vector<16xf32>
        %get3A_363 = arith.constant 0 : i32
        %get3A_364 = arith.constant 0 : i32
        %get3A_365 = tpu.memref_slice %arg12[%scan3A_106, %get3A_363, %get3A_364] : memref<2x320x128xf32, #tpu.memory_space<vmem>> -> memref<1x320x128xf32, #tpu.memory_space<vmem>>
        %get3A_366 = tpu.memref_squeeze %get3A_365 : memref<1x320x128xf32, #tpu.memory_space<vmem>> -> memref<320x128xf32, #tpu.memory_space<vmem>>
        %get3A_367 = arith.index_cast %add3A_318 : i32 to index
        %get3A_368 = arith.constant 80 : index
        %get3A_369 = tpu.vector_load %get3A_366[%get3A_367, %get3A_368] {strides = array<i32>} : memref<320x128xf32, #tpu.memory_space<vmem>>, vector<16xf32>,
        %mul3A_370 = arith.mulf %get3A_218, %get3A_369 : vector<16xf32>
        %add3A_371 = arith.addf %add3A_362, %mul3A_370 : vector<16xf32>
        %get3A_372 = arith.constant 0 : i32
        %get3A_373 = arith.constant 0 : i32
        %get3A_374 = tpu.memref_slice %arg12[%scan3A_106, %get3A_372, %get3A_373] : memref<2x320x128xf32, #tpu.memory_space<vmem>> -> memref<1x320x128xf32, #tpu.memory_space<vmem>>
        %get3A_375 = tpu.memref_squeeze %get3A_374 : memref<1x320x128xf32, #tpu.memory_space<vmem>> -> memref<320x128xf32, #tpu.memory_space<vmem>>
        %get3A_376 = arith.index_cast %add3A_318 : i32 to index
        %get3A_377 = arith.constant 96 : index
        %get3A_378 = tpu.vector_load %get3A_375[%get3A_376, %get3A_377] {strides = array<i32>} : memref<320x128xf32, #tpu.memory_space<vmem>>, vector<16xf32>,
        %mul3A_379 = arith.mulf %get3A_225, %get3A_378 : vector<16xf32>
        %add3A_380 = arith.addf %add3A_371, %mul3A_379 : vector<16xf32>
        %get3A_381 = arith.constant 0 : i32
        %get3A_382 = arith.constant 0 : i32
        %get3A_383 = tpu.memref_slice %arg12[%scan3A_106, %get3A_381, %get3A_382] : memref<2x320x128xf32, #tpu.memory_space<vmem>> -> memref<1x320x128xf32, #tpu.memory_space<vmem>>
        %get3A_384 = tpu.memref_squeeze %get3A_383 : memref<1x320x128xf32, #tpu.memory_space<vmem>> -> memref<320x128xf32, #tpu.memory_space<vmem>>
        %get3A_385 = arith.index_cast %add3A_318 : i32 to index
        %get3A_386 = arith.constant 112 : index
        %get3A_387 = tpu.vector_load %get3A_384[%get3A_385, %get3A_386] {strides = array<i32>} : memref<320x128xf32, #tpu.memory_space<vmem>>, vector<16xf32>,
        %mul3A_388 = arith.mulf %get3A_232, %get3A_387 : vector<16xf32>
        %add3A_389 = arith.addf %add3A_380, %mul3A_388 : vector<16xf32>
        %reduce_sum3A_390 = arith.constant true
        %reduce_sum3A_391 = vector.broadcast %reduce_sum3A_390 : i1 to vector<16xi1>
        %reduce_sum3A_392 = tpu.scan <sum>, %add3A_389 masked %reduce_sum3A_391 : vector<16xf32>, vector<16xi1> -> vector<16xf32>
        %reduce_sum3A_393 = vector.extract %reduce_sum3A_392[15] : f32 from vector<16xf32>
        %broadcast_in_dim3A_394 = vector.broadcast %reduce_sum3A_393 : f32 to vector<16xf32>
        %select_n3A_395 = arith.select %eq3A_316, %broadcast_in_dim3A_394, %select_n3A : vector<16xi1>, vector<16xf32>
        %eq3A_396 = arith.constant 2 : i32
        %eq3A_397 = vector.broadcast %eq3A_396 : i32 to vector<16xi32>
        %eq3A_398 = arith.cmpi eq, %iota3A, %eq3A_397 : vector<16xi32>
        %add3A_399 = arith.constant 2 : i32
        %add3A_400 = arith.addi %mul3A_234, %add3A_399 : i32
        %get3A_401 = arith.constant 0 : i32
        %get3A_402 = arith.constant 0 : i32
        %get3A_403 = tpu.memref_slice %arg12[%scan3A_106, %get3A_401, %get3A_402] : memref<2x320x128xf32, #tpu.memory_space<vmem>> -> memref<1x320x128xf32, #tpu.memory_space<vmem>>
        %get3A_404 = tpu.memref_squeeze %get3A_403 : memref<1x320x128xf32, #tpu.memory_space<vmem>> -> memref<320x128xf32, #tpu.memory_space<vmem>>
        %get3A_405 = arith.index_cast %add3A_400 : i32 to index
        %get3A_406 = arith.constant 0 : index
        %get3A_407 = tpu.vector_load %get3A_404[%get3A_405, %get3A_406] {strides = array<i32>} : memref<320x128xf32, #tpu.memory_space<vmem>>, vector<16xf32>,
        %mul3A_408 = arith.mulf %get3A_183, %get3A_407 : vector<16xf32>
        %get3A_409 = arith.constant 0 : i32
        %get3A_410 = arith.constant 0 : i32
        %get3A_411 = tpu.memref_slice %arg12[%scan3A_106, %get3A_409, %get3A_410] : memref<2x320x128xf32, #tpu.memory_space<vmem>> -> memref<1x320x128xf32, #tpu.memory_space<vmem>>
        %get3A_412 = tpu.memref_squeeze %get3A_411 : memref<1x320x128xf32, #tpu.memory_space<vmem>> -> memref<320x128xf32, #tpu.memory_space<vmem>>
        %get3A_413 = arith.index_cast %add3A_400 : i32 to index
        %get3A_414 = arith.constant 16 : index
        %get3A_415 = tpu.vector_load %get3A_412[%get3A_413, %get3A_414] {strides = array<i32>} : memref<320x128xf32, #tpu.memory_space<vmem>>, vector<16xf32>,
        %mul3A_416 = arith.mulf %get3A_190, %get3A_415 : vector<16xf32>
        %add3A_417 = arith.addf %mul3A_408, %mul3A_416 : vector<16xf32>
        %get3A_418 = arith.constant 0 : i32
        %get3A_419 = arith.constant 0 : i32
        %get3A_420 = tpu.memref_slice %arg12[%scan3A_106, %get3A_418, %get3A_419] : memref<2x320x128xf32, #tpu.memory_space<vmem>> -> memref<1x320x128xf32, #tpu.memory_space<vmem>>
        %get3A_421 = tpu.memref_squeeze %get3A_420 : memref<1x320x128xf32, #tpu.memory_space<vmem>> -> memref<320x128xf32, #tpu.memory_space<vmem>>
        %get3A_422 = arith.index_cast %add3A_400 : i32 to index
        %get3A_423 = arith.constant 32 : index
        %get3A_424 = tpu.vector_load %get3A_421[%get3A_422, %get3A_423] {strides = array<i32>} : memref<320x128xf32, #tpu.memory_space<vmem>>, vector<16xf32>,
        %mul3A_425 = arith.mulf %get3A_197, %get3A_424 : vector<16xf32>
        %add3A_426 = arith.addf %add3A_417, %mul3A_425 : vector<16xf32>
        %get3A_427 = arith.constant 0 : i32
        %get3A_428 = arith.constant 0 : i32
        %get3A_429 = tpu.memref_slice %arg12[%scan3A_106, %get3A_427, %get3A_428] : memref<2x320x128xf32, #tpu.memory_space<vmem>> -> memref<1x320x128xf32, #tpu.memory_space<vmem>>
        %get3A_430 = tpu.memref_squeeze %get3A_429 : memref<1x320x128xf32, #tpu.memory_space<vmem>> -> memref<320x128xf32, #tpu.memory_space<vmem>>
        %get3A_431 = arith.index_cast %add3A_400 : i32 to index
        %get3A_432 = arith.constant 48 : index
        %get3A_433 = tpu.vector_load %get3A_430[%get3A_431, %get3A_432] {strides = array<i32>} : memref<320x128xf32, #tpu.memory_space<vmem>>, vector<16xf32>,
        %mul3A_434 = arith.mulf %get3A_204, %get3A_433 : vector<16xf32>
        %add3A_435 = arith.addf %add3A_426, %mul3A_434 : vector<16xf32>
        %get3A_436 = arith.constant 0 : i32
        %get3A_437 = arith.constant 0 : i32
        %get3A_438 = tpu.memref_slice %arg12[%scan3A_106, %get3A_436, %get3A_437] : memref<2x320x128xf32, #tpu.memory_space<vmem>> -> memref<1x320x128xf32, #tpu.memory_space<vmem>>
        %get3A_439 = tpu.memref_squeeze %get3A_438 : memref<1x320x128xf32, #tpu.memory_space<vmem>> -> memref<320x128xf32, #tpu.memory_space<vmem>>
        %get3A_440 = arith.index_cast %add3A_400 : i32 to index
        %get3A_441 = arith.constant 64 : index
        %get3A_442 = tpu.vector_load %get3A_439[%get3A_440, %get3A_441] {strides = array<i32>} : memref<320x128xf32, #tpu.memory_space<vmem>>, vector<16xf32>,
        %mul3A_443 = arith.mulf %get3A_211, %get3A_442 : vector<16xf32>
        %add3A_444 = arith.addf %add3A_435, %mul3A_443 : vector<16xf32>
        %get3A_445 = arith.constant 0 : i32
        %get3A_446 = arith.constant 0 : i32
        %get3A_447 = tpu.memref_slice %arg12[%scan3A_106, %get3A_445, %get3A_446] : memref<2x320x128xf32, #tpu.memory_space<vmem>> -> memref<1x320x128xf32, #tpu.memory_space<vmem>>
        %get3A_448 = tpu.memref_squeeze %get3A_447 : memref<1x320x128xf32, #tpu.memory_space<vmem>> -> memref<320x128xf32, #tpu.memory_space<vmem>>
        %get3A_449 = arith.index_cast %add3A_400 : i32 to index
        %get3A_450 = arith.constant 80 : index
        %get3A_451 = tpu.vector_load %get3A_448[%get3A_449, %get3A_450] {strides = array<i32>} : memref<320x128xf32, #tpu.memory_space<vmem>>, vector<16xf32>,
        %mul3A_452 = arith.mulf %get3A_218, %get3A_451 : vector<16xf32>
        %add3A_453 = arith.addf %add3A_444, %mul3A_452 : vector<16xf32>
        %get3A_454 = arith.constant 0 : i32
        %get3A_455 = arith.constant 0 : i32
        %get3A_456 = tpu.memref_slice %arg12[%scan3A_106, %get3A_454, %get3A_455] : memref<2x320x128xf32, #tpu.memory_space<vmem>> -> memref<1x320x128xf32, #tpu.memory_space<vmem>>
        %get3A_457 = tpu.memref_squeeze %get3A_456 : memref<1x320x128xf32, #tpu.memory_space<vmem>> -> memref<320x128xf32, #tpu.memory_space<vmem>>
        %get3A_458 = arith.index_cast %add3A_400 : i32 to index
        %get3A_459 = arith.constant 96 : index
        %get3A_460 = tpu.vector_load %get3A_457[%get3A_458, %get3A_459] {strides = array<i32>} : memref<320x128xf32, #tpu.memory_space<vmem>>, vector<16xf32>,
        %mul3A_461 = arith.mulf %get3A_225, %get3A_460 : vector<16xf32>
        %add3A_462 = arith.addf %add3A_453, %mul3A_461 : vector<16xf32>
        %get3A_463 = arith.constant 0 : i32
        %get3A_464 = arith.constant 0 : i32
        %get3A_465 = tpu.memref_slice %arg12[%scan3A_106, %get3A_463, %get3A_464] : memref<2x320x128xf32, #tpu.memory_space<vmem>> -> memref<1x320x128xf32, #tpu.memory_space<vmem>>
        %get3A_466 = tpu.memref_squeeze %get3A_465 : memref<1x320x128xf32, #tpu.memory_space<vmem>> -> memref<320x128xf32, #tpu.memory_space<vmem>>
        %get3A_467 = arith.index_cast %add3A_400 : i32 to index
        %get3A_468 = arith.constant 112 : index
        %get3A_469 = tpu.vector_load %get3A_466[%get3A_467, %get3A_468] {strides = array<i32>} : memref<320x128xf32, #tpu.memory_space<vmem>>, vector<16xf32>,
        %mul3A_470 = arith.mulf %get3A_232, %get3A_469 : vector<16xf32>
        %add3A_471 = arith.addf %add3A_462, %mul3A_470 : vector<16xf32>
        %reduce_sum3A_472 = arith.constant true
        %reduce_sum3A_473 = vector.broadcast %reduce_sum3A_472 : i1 to vector<16xi1>
        %reduce_sum3A_474 = tpu.scan <sum>, %add3A_471 masked %reduce_sum3A_473 : vector<16xf32>, vector<16xi1> -> vector<16xf32>
        %reduce_sum3A_475 = vector.extract %reduce_sum3A_474[15] : f32 from vector<16xf32>
        %broadcast_in_dim3A_476 = vector.broadcast %reduce_sum3A_475 : f32 to vector<16xf32>
        %select_n3A_477 = arith.select %eq3A_398, %broadcast_in_dim3A_476, %select_n3A_395 : vector<16xi1>, vector<16xf32>
        %eq3A_478 = arith.constant 3 : i32
        %eq3A_479 = vector.broadcast %eq3A_478 : i32 to vector<16xi32>
        %eq3A_480 = arith.cmpi eq, %iota3A, %eq3A_479 : vector<16xi32>
        %add3A_481 = arith.constant 3 : i32
        %add3A_482 = arith.addi %mul3A_234, %add3A_481 : i32
        %get3A_483 = arith.constant 0 : i32
        %get3A_484 = arith.constant 0 : i32
        %get3A_485 = tpu.memref_slice %arg12[%scan3A_106, %get3A_483, %get3A_484] : memref<2x320x128xf32, #tpu.memory_space<vmem>> -> memref<1x320x128xf32, #tpu.memory_space<vmem>>
        %get3A_486 = tpu.memref_squeeze %get3A_485 : memref<1x320x128xf32, #tpu.memory_space<vmem>> -> memref<320x128xf32, #tpu.memory_space<vmem>>
        %get3A_487 = arith.index_cast %add3A_482 : i32 to index
        %get3A_488 = arith.constant 0 : index
        %get3A_489 = tpu.vector_load %get3A_486[%get3A_487, %get3A_488] {strides = array<i32>} : memref<320x128xf32, #tpu.memory_space<vmem>>, vector<16xf32>,
        %mul3A_490 = arith.mulf %get3A_183, %get3A_489 : vector<16xf32>
        %get3A_491 = arith.constant 0 : i32
        %get3A_492 = arith.constant 0 : i32
        %get3A_493 = tpu.memref_slice %arg12[%scan3A_106, %get3A_491, %get3A_492] : memref<2x320x128xf32, #tpu.memory_space<vmem>> -> memref<1x320x128xf32, #tpu.memory_space<vmem>>
        %get3A_494 = tpu.memref_squeeze %get3A_493 : memref<1x320x128xf32, #tpu.memory_space<vmem>> -> memref<320x128xf32, #tpu.memory_space<vmem>>
        %get3A_495 = arith.index_cast %add3A_482 : i32 to index
        %get3A_496 = arith.constant 16 : index
        %get3A_497 = tpu.vector_load %get3A_494[%get3A_495, %get3A_496] {strides = array<i32>} : memref<320x128xf32, #tpu.memory_space<vmem>>, vector<16xf32>,
        %mul3A_498 = arith.mulf %get3A_190, %get3A_497 : vector<16xf32>
        %add3A_499 = arith.addf %mul3A_490, %mul3A_498 : vector<16xf32>
        %get3A_500 = arith.constant 0 : i32
        %get3A_501 = arith.constant 0 : i32
        %get3A_502 = tpu.memref_slice %arg12[%scan3A_106, %get3A_500, %get3A_501] : memref<2x320x128xf32, #tpu.memory_space<vmem>> -> memref<1x320x128xf32, #tpu.memory_space<vmem>>
        %get3A_503 = tpu.memref_squeeze %get3A_502 : memref<1x320x128xf32, #tpu.memory_space<vmem>> -> memref<320x128xf32, #tpu.memory_space<vmem>>
        %get3A_504 = arith.index_cast %add3A_482 : i32 to index
        %get3A_505 = arith.constant 32 : index
        %get3A_506 = tpu.vector_load %get3A_503[%get3A_504, %get3A_505] {strides = array<i32>} : memref<320x128xf32, #tpu.memory_space<vmem>>, vector<16xf32>,
        %mul3A_507 = arith.mulf %get3A_197, %get3A_506 : vector<16xf32>
        %add3A_508 = arith.addf %add3A_499, %mul3A_507 : vector<16xf32>
        %get3A_509 = arith.constant 0 : i32
        %get3A_510 = arith.constant 0 : i32
        %get3A_511 = tpu.memref_slice %arg12[%scan3A_106, %get3A_509, %get3A_510] : memref<2x320x128xf32, #tpu.memory_space<vmem>> -> memref<1x320x128xf32, #tpu.memory_space<vmem>>
        %get3A_512 = tpu.memref_squeeze %get3A_511 : memref<1x320x128xf32, #tpu.memory_space<vmem>> -> memref<320x128xf32, #tpu.memory_space<vmem>>
        %get3A_513 = arith.index_cast %add3A_482 : i32 to index
        %get3A_514 = arith.constant 48 : index
        %get3A_515 = tpu.vector_load %get3A_512[%get3A_513, %get3A_514] {strides = array<i32>} : memref<320x128xf32, #tpu.memory_space<vmem>>, vector<16xf32>,
        %mul3A_516 = arith.mulf %get3A_204, %get3A_515 : vector<16xf32>
        %add3A_517 = arith.addf %add3A_508, %mul3A_516 : vector<16xf32>
        %get3A_518 = arith.constant 0 : i32
        %get3A_519 = arith.constant 0 : i32
        %get3A_520 = tpu.memref_slice %arg12[%scan3A_106, %get3A_518, %get3A_519] : memref<2x320x128xf32, #tpu.memory_space<vmem>> -> memref<1x320x128xf32, #tpu.memory_space<vmem>>
        %get3A_521 = tpu.memref_squeeze %get3A_520 : memref<1x320x128xf32, #tpu.memory_space<vmem>> -> memref<320x128xf32, #tpu.memory_space<vmem>>
        %get3A_522 = arith.index_cast %add3A_482 : i32 to index
        %get3A_523 = arith.constant 64 : index
        %get3A_524 = tpu.vector_load %get3A_521[%get3A_522, %get3A_523] {strides = array<i32>} : memref<320x128xf32, #tpu.memory_space<vmem>>, vector<16xf32>,
        %mul3A_525 = arith.mulf %get3A_211, %get3A_524 : vector<16xf32>
        %add3A_526 = arith.addf %add3A_517, %mul3A_525 : vector<16xf32>
        %get3A_527 = arith.constant 0 : i32
        %get3A_528 = arith.constant 0 : i32
        %get3A_529 = tpu.memref_slice %arg12[%scan3A_106, %get3A_527, %get3A_528] : memref<2x320x128xf32, #tpu.memory_space<vmem>> -> memref<1x320x128xf32, #tpu.memory_space<vmem>>
        %get3A_530 = tpu.memref_squeeze %get3A_529 : memref<1x320x128xf32, #tpu.memory_space<vmem>> -> memref<320x128xf32, #tpu.memory_space<vmem>>
        %get3A_531 = arith.index_cast %add3A_482 : i32 to index
        %get3A_532 = arith.constant 80 : index
        %get3A_533 = tpu.vector_load %get3A_530[%get3A_531, %get3A_532] {strides = array<i32>} : memref<320x128xf32, #tpu.memory_space<vmem>>, vector<16xf32>,
        %mul3A_534 = arith.mulf %get3A_218, %get3A_533 : vector<16xf32>
        %add3A_535 = arith.addf %add3A_526, %mul3A_534 : vector<16xf32>
        %get3A_536 = arith.constant 0 : i32
        %get3A_537 = arith.constant 0 : i32
        %get3A_538 = tpu.memref_slice %arg12[%scan3A_106, %get3A_536, %get3A_537] : memref<2x320x128xf32, #tpu.memory_space<vmem>> -> memref<1x320x128xf32, #tpu.memory_space<vmem>>
        %get3A_539 = tpu.memref_squeeze %get3A_538 : memref<1x320x128xf32, #tpu.memory_space<vmem>> -> memref<320x128xf32, #tpu.memory_space<vmem>>
        %get3A_540 = arith.index_cast %add3A_482 : i32 to index
        %get3A_541 = arith.constant 96 : index
        %get3A_542 = tpu.vector_load %get3A_539[%get3A_540, %get3A_541] {strides = array<i32>} : memref<320x128xf32, #tpu.memory_space<vmem>>, vector<16xf32>,
        %mul3A_543 = arith.mulf %get3A_225, %get3A_542 : vector<16xf32>
        %add3A_544 = arith.addf %add3A_535, %mul3A_543 : vector<16xf32>
        %get3A_545 = arith.constant 0 : i32
        %get3A_546 = arith.constant 0 : i32
        %get3A_547 = tpu.memref_slice %arg12[%scan3A_106, %get3A_545, %get3A_546] : memref<2x320x128xf32, #tpu.memory_space<vmem>> -> memref<1x320x128xf32, #tpu.memory_space<vmem>>
        %get3A_548 = tpu.memref_squeeze %get3A_547 : memref<1x320x128xf32, #tpu.memory_space<vmem>> -> memref<320x128xf32, #tpu.memory_space<vmem>>
        %get3A_549 = arith.index_cast %add3A_482 : i32 to index
        %get3A_550 = arith.constant 112 : index
        %get3A_551 = tpu.vector_load %get3A_548[%get3A_549, %get3A_550] {strides = array<i32>} : memref<320x128xf32, #tpu.memory_space<vmem>>, vector<16xf32>,
        %mul3A_552 = arith.mulf %get3A_232, %get3A_551 : vector<16xf32>
        %add3A_553 = arith.addf %add3A_544, %mul3A_552 : vector<16xf32>
        %reduce_sum3A_554 = arith.constant true
        %reduce_sum3A_555 = vector.broadcast %reduce_sum3A_554 : i1 to vector<16xi1>
        %reduce_sum3A_556 = tpu.scan <sum>, %add3A_553 masked %reduce_sum3A_555 : vector<16xf32>, vector<16xi1> -> vector<16xf32>
        %reduce_sum3A_557 = vector.extract %reduce_sum3A_556[15] : f32 from vector<16xf32>
        %broadcast_in_dim3A_558 = vector.broadcast %reduce_sum3A_557 : f32 to vector<16xf32>
        %select_n3A_559 = arith.select %eq3A_480, %broadcast_in_dim3A_558, %select_n3A_477 : vector<16xi1>, vector<16xf32>
        %eq3A_560 = arith.constant 4 : i32
        %eq3A_561 = vector.broadcast %eq3A_560 : i32 to vector<16xi32>
        %eq3A_562 = arith.cmpi eq, %iota3A, %eq3A_561 : vector<16xi32>
        %add3A_563 = arith.constant 4 : i32
        %add3A_564 = arith.addi %mul3A_234, %add3A_563 : i32
        %get3A_565 = arith.constant 0 : i32
        %get3A_566 = arith.constant 0 : i32
        %get3A_567 = tpu.memref_slice %arg12[%scan3A_106, %get3A_565, %get3A_566] : memref<2x320x128xf32, #tpu.memory_space<vmem>> -> memref<1x320x128xf32, #tpu.memory_space<vmem>>
        %get3A_568 = tpu.memref_squeeze %get3A_567 : memref<1x320x128xf32, #tpu.memory_space<vmem>> -> memref<320x128xf32, #tpu.memory_space<vmem>>
        %get3A_569 = arith.index_cast %add3A_564 : i32 to index
        %get3A_570 = arith.constant 0 : index
        %get3A_571 = tpu.vector_load %get3A_568[%get3A_569, %get3A_570] {strides = array<i32>} : memref<320x128xf32, #tpu.memory_space<vmem>>, vector<16xf32>,
        %mul3A_572 = arith.mulf %get3A_183, %get3A_571 : vector<16xf32>
        %get3A_573 = arith.constant 0 : i32
        %get3A_574 = arith.constant 0 : i32
        %get3A_575 = tpu.memref_slice %arg12[%scan3A_106, %get3A_573, %get3A_574] : memref<2x320x128xf32, #tpu.memory_space<vmem>> -> memref<1x320x128xf32, #tpu.memory_space<vmem>>
        %get3A_576 = tpu.memref_squeeze %get3A_575 : memref<1x320x128xf32, #tpu.memory_space<vmem>> -> memref<320x128xf32, #tpu.memory_space<vmem>>
        %get3A_577 = arith.index_cast %add3A_564 : i32 to index
        %get3A_578 = arith.constant 16 : index
        %get3A_579 = tpu.vector_load %get3A_576[%get3A_577, %get3A_578] {strides = array<i32>} : memref<320x128xf32, #tpu.memory_space<vmem>>, vector<16xf32>,
        %mul3A_580 = arith.mulf %get3A_190, %get3A_579 : vector<16xf32>
        %add3A_581 = arith.addf %mul3A_572, %mul3A_580 : vector<16xf32>
        %get3A_582 = arith.constant 0 : i32
        %get3A_583 = arith.constant 0 : i32
        %get3A_584 = tpu.memref_slice %arg12[%scan3A_106, %get3A_582, %get3A_583] : memref<2x320x128xf32, #tpu.memory_space<vmem>> -> memref<1x320x128xf32, #tpu.memory_space<vmem>>
        %get3A_585 = tpu.memref_squeeze %get3A_584 : memref<1x320x128xf32, #tpu.memory_space<vmem>> -> memref<320x128xf32, #tpu.memory_space<vmem>>
        %get3A_586 = arith.index_cast %add3A_564 : i32 to index
        %get3A_587 = arith.constant 32 : index
        %get3A_588 = tpu.vector_load %get3A_585[%get3A_586, %get3A_587] {strides = array<i32>} : memref<320x128xf32, #tpu.memory_space<vmem>>, vector<16xf32>,
        %mul3A_589 = arith.mulf %get3A_197, %get3A_588 : vector<16xf32>
        %add3A_590 = arith.addf %add3A_581, %mul3A_589 : vector<16xf32>
        %get3A_591 = arith.constant 0 : i32
        %get3A_592 = arith.constant 0 : i32
        %get3A_593 = tpu.memref_slice %arg12[%scan3A_106, %get3A_591, %get3A_592] : memref<2x320x128xf32, #tpu.memory_space<vmem>> -> memref<1x320x128xf32, #tpu.memory_space<vmem>>
        %get3A_594 = tpu.memref_squeeze %get3A_593 : memref<1x320x128xf32, #tpu.memory_space<vmem>> -> memref<320x128xf32, #tpu.memory_space<vmem>>
        %get3A_595 = arith.index_cast %add3A_564 : i32 to index
        %get3A_596 = arith.constant 48 : index
        %get3A_597 = tpu.vector_load %get3A_594[%get3A_595, %get3A_596] {strides = array<i32>} : memref<320x128xf32, #tpu.memory_space<vmem>>, vector<16xf32>,
        %mul3A_598 = arith.mulf %get3A_204, %get3A_597 : vector<16xf32>
        %add3A_599 = arith.addf %add3A_590, %mul3A_598 : vector<16xf32>
        %get3A_600 = arith.constant 0 : i32
        %get3A_601 = arith.constant 0 : i32
        %get3A_602 = tpu.memref_slice %arg12[%scan3A_106, %get3A_600, %get3A_601] : memref<2x320x128xf32, #tpu.memory_space<vmem>> -> memref<1x320x128xf32, #tpu.memory_space<vmem>>
        %get3A_603 = tpu.memref_squeeze %get3A_602 : memref<1x320x128xf32, #tpu.memory_space<vmem>> -> memref<320x128xf32, #tpu.memory_space<vmem>>
        %get3A_604 = arith.index_cast %add3A_564 : i32 to index
        %get3A_605 = arith.constant 64 : index
        %get3A_606 = tpu.vector_load %get3A_603[%get3A_604, %get3A_605] {strides = array<i32>} : memref<320x128xf32, #tpu.memory_space<vmem>>, vector<16xf32>,
        %mul3A_607 = arith.mulf %get3A_211, %get3A_606 : vector<16xf32>
        %add3A_608 = arith.addf %add3A_599, %mul3A_607 : vector<16xf32>
        %get3A_609 = arith.constant 0 : i32
        %get3A_610 = arith.constant 0 : i32
        %get3A_611 = tpu.memref_slice %arg12[%scan3A_106, %get3A_609, %get3A_610] : memref<2x320x128xf32, #tpu.memory_space<vmem>> -> memref<1x320x128xf32, #tpu.memory_space<vmem>>
        %get3A_612 = tpu.memref_squeeze %get3A_611 : memref<1x320x128xf32, #tpu.memory_space<vmem>> -> memref<320x128xf32, #tpu.memory_space<vmem>>
        %get3A_613 = arith.index_cast %add3A_564 : i32 to index
        %get3A_614 = arith.constant 80 : index
        %get3A_615 = tpu.vector_load %get3A_612[%get3A_613, %get3A_614] {strides = array<i32>} : memref<320x128xf32, #tpu.memory_space<vmem>>, vector<16xf32>,
        %mul3A_616 = arith.mulf %get3A_218, %get3A_615 : vector<16xf32>
        %add3A_617 = arith.addf %add3A_608, %mul3A_616 : vector<16xf32>
        %get3A_618 = arith.constant 0 : i32
        %get3A_619 = arith.constant 0 : i32
        %get3A_620 = tpu.memref_slice %arg12[%scan3A_106, %get3A_618, %get3A_619] : memref<2x320x128xf32, #tpu.memory_space<vmem>> -> memref<1x320x128xf32, #tpu.memory_space<vmem>>
        %get3A_621 = tpu.memref_squeeze %get3A_620 : memref<1x320x128xf32, #tpu.memory_space<vmem>> -> memref<320x128xf32, #tpu.memory_space<vmem>>
        %get3A_622 = arith.index_cast %add3A_564 : i32 to index
        %get3A_623 = arith.constant 96 : index
        %get3A_624 = tpu.vector_load %get3A_621[%get3A_622, %get3A_623] {strides = array<i32>} : memref<320x128xf32, #tpu.memory_space<vmem>>, vector<16xf32>,
        %mul3A_625 = arith.mulf %get3A_225, %get3A_624 : vector<16xf32>
        %add3A_626 = arith.addf %add3A_617, %mul3A_625 : vector<16xf32>
        %get3A_627 = arith.constant 0 : i32
        %get3A_628 = arith.constant 0 : i32
        %get3A_629 = tpu.memref_slice %arg12[%scan3A_106, %get3A_627, %get3A_628] : memref<2x320x128xf32, #tpu.memory_space<vmem>> -> memref<1x320x128xf32, #tpu.memory_space<vmem>>
        %get3A_630 = tpu.memref_squeeze %get3A_629 : memref<1x320x128xf32, #tpu.memory_space<vmem>> -> memref<320x128xf32, #tpu.memory_space<vmem>>
        %get3A_631 = arith.index_cast %add3A_564 : i32 to index
        %get3A_632 = arith.constant 112 : index
        %get3A_633 = tpu.vector_load %get3A_630[%get3A_631, %get3A_632] {strides = array<i32>} : memref<320x128xf32, #tpu.memory_space<vmem>>, vector<16xf32>,
        %mul3A_634 = arith.mulf %get3A_232, %get3A_633 : vector<16xf32>
        %add3A_635 = arith.addf %add3A_626, %mul3A_634 : vector<16xf32>
        %reduce_sum3A_636 = arith.constant true
        %reduce_sum3A_637 = vector.broadcast %reduce_sum3A_636 : i1 to vector<16xi1>
        %reduce_sum3A_638 = tpu.scan <sum>, %add3A_635 masked %reduce_sum3A_637 : vector<16xf32>, vector<16xi1> -> vector<16xf32>
        %reduce_sum3A_639 = vector.extract %reduce_sum3A_638[15] : f32 from vector<16xf32>
        %broadcast_in_dim3A_640 = vector.broadcast %reduce_sum3A_639 : f32 to vector<16xf32>
        %select_n3A_641 = arith.select %eq3A_562, %broadcast_in_dim3A_640, %select_n3A_559 : vector<16xi1>, vector<16xf32>
        %eq3A_642 = arith.constant 5 : i32
        %eq3A_643 = vector.broadcast %eq3A_642 : i32 to vector<16xi32>
        %eq3A_644 = arith.cmpi eq, %iota3A, %eq3A_643 : vector<16xi32>
        %add3A_645 = arith.constant 5 : i32
        %add3A_646 = arith.addi %mul3A_234, %add3A_645 : i32
        %get3A_647 = arith.constant 0 : i32
        %get3A_648 = arith.constant 0 : i32
        %get3A_649 = tpu.memref_slice %arg12[%scan3A_106, %get3A_647, %get3A_648] : memref<2x320x128xf32, #tpu.memory_space<vmem>> -> memref<1x320x128xf32, #tpu.memory_space<vmem>>
        %get3A_650 = tpu.memref_squeeze %get3A_649 : memref<1x320x128xf32, #tpu.memory_space<vmem>> -> memref<320x128xf32, #tpu.memory_space<vmem>>
        %get3A_651 = arith.index_cast %add3A_646 : i32 to index
        %get3A_652 = arith.constant 0 : index
        %get3A_653 = tpu.vector_load %get3A_650[%get3A_651, %get3A_652] {strides = array<i32>} : memref<320x128xf32, #tpu.memory_space<vmem>>, vector<16xf32>,
        %mul3A_654 = arith.mulf %get3A_183, %get3A_653 : vector<16xf32>
        %get3A_655 = arith.constant 0 : i32
        %get3A_656 = arith.constant 0 : i32
        %get3A_657 = tpu.memref_slice %arg12[%scan3A_106, %get3A_655, %get3A_656] : memref<2x320x128xf32, #tpu.memory_space<vmem>> -> memref<1x320x128xf32, #tpu.memory_space<vmem>>
        %get3A_658 = tpu.memref_squeeze %get3A_657 : memref<1x320x128xf32, #tpu.memory_space<vmem>> -> memref<320x128xf32, #tpu.memory_space<vmem>>
        %get3A_659 = arith.index_cast %add3A_646 : i32 to index
        %get3A_660 = arith.constant 16 : index
        %get3A_661 = tpu.vector_load %get3A_658[%get3A_659, %get3A_660] {strides = array<i32>} : memref<320x128xf32, #tpu.memory_space<vmem>>, vector<16xf32>,
        %mul3A_662 = arith.mulf %get3A_190, %get3A_661 : vector<16xf32>
        %add3A_663 = arith.addf %mul3A_654, %mul3A_662 : vector<16xf32>
        %get3A_664 = arith.constant 0 : i32
        %get3A_665 = arith.constant 0 : i32
        %get3A_666 = tpu.memref_slice %arg12[%scan3A_106, %get3A_664, %get3A_665] : memref<2x320x128xf32, #tpu.memory_space<vmem>> -> memref<1x320x128xf32, #tpu.memory_space<vmem>>
        %get3A_667 = tpu.memref_squeeze %get3A_666 : memref<1x320x128xf32, #tpu.memory_space<vmem>> -> memref<320x128xf32, #tpu.memory_space<vmem>>
        %get3A_668 = arith.index_cast %add3A_646 : i32 to index
        %get3A_669 = arith.constant 32 : index
        %get3A_670 = tpu.vector_load %get3A_667[%get3A_668, %get3A_669] {strides = array<i32>} : memref<320x128xf32, #tpu.memory_space<vmem>>, vector<16xf32>,
        %mul3A_671 = arith.mulf %get3A_197, %get3A_670 : vector<16xf32>
        %add3A_672 = arith.addf %add3A_663, %mul3A_671 : vector<16xf32>
        %get3A_673 = arith.constant 0 : i32
        %get3A_674 = arith.constant 0 : i32
        %get3A_675 = tpu.memref_slice %arg12[%scan3A_106, %get3A_673, %get3A_674] : memref<2x320x128xf32, #tpu.memory_space<vmem>> -> memref<1x320x128xf32, #tpu.memory_space<vmem>>
        %get3A_676 = tpu.memref_squeeze %get3A_675 : memref<1x320x128xf32, #tpu.memory_space<vmem>> -> memref<320x128xf32, #tpu.memory_space<vmem>>
        %get3A_677 = arith.index_cast %add3A_646 : i32 to index
        %get3A_678 = arith.constant 48 : index
        %get3A_679 = tpu.vector_load %get3A_676[%get3A_677, %get3A_678] {strides = array<i32>} : memref<320x128xf32, #tpu.memory_space<vmem>>, vector<16xf32>,
        %mul3A_680 = arith.mulf %get3A_204, %get3A_679 : vector<16xf32>
        %add3A_681 = arith.addf %add3A_672, %mul3A_680 : vector<16xf32>
        %get3A_682 = arith.constant 0 : i32
        %get3A_683 = arith.constant 0 : i32
        %get3A_684 = tpu.memref_slice %arg12[%scan3A_106, %get3A_682, %get3A_683] : memref<2x320x128xf32, #tpu.memory_space<vmem>> -> memref<1x320x128xf32, #tpu.memory_space<vmem>>
        %get3A_685 = tpu.memref_squeeze %get3A_684 : memref<1x320x128xf32, #tpu.memory_space<vmem>> -> memref<320x128xf32, #tpu.memory_space<vmem>>
        %get3A_686 = arith.index_cast %add3A_646 : i32 to index
        %get3A_687 = arith.constant 64 : index
        %get3A_688 = tpu.vector_load %get3A_685[%get3A_686, %get3A_687] {strides = array<i32>} : memref<320x128xf32, #tpu.memory_space<vmem>>, vector<16xf32>,
        %mul3A_689 = arith.mulf %get3A_211, %get3A_688 : vector<16xf32>
        %add3A_690 = arith.addf %add3A_681, %mul3A_689 : vector<16xf32>
        %get3A_691 = arith.constant 0 : i32
        %get3A_692 = arith.constant 0 : i32
        %get3A_693 = tpu.memref_slice %arg12[%scan3A_106, %get3A_691, %get3A_692] : memref<2x320x128xf32, #tpu.memory_space<vmem>> -> memref<1x320x128xf32, #tpu.memory_space<vmem>>
        %get3A_694 = tpu.memref_squeeze %get3A_693 : memref<1x320x128xf32, #tpu.memory_space<vmem>> -> memref<320x128xf32, #tpu.memory_space<vmem>>
        %get3A_695 = arith.index_cast %add3A_646 : i32 to index
        %get3A_696 = arith.constant 80 : index
        %get3A_697 = tpu.vector_load %get3A_694[%get3A_695, %get3A_696] {strides = array<i32>} : memref<320x128xf32, #tpu.memory_space<vmem>>, vector<16xf32>,
        %mul3A_698 = arith.mulf %get3A_218, %get3A_697 : vector<16xf32>
        %add3A_699 = arith.addf %add3A_690, %mul3A_698 : vector<16xf32>
        %get3A_700 = arith.constant 0 : i32
        %get3A_701 = arith.constant 0 : i32
        %get3A_702 = tpu.memref_slice %arg12[%scan3A_106, %get3A_700, %get3A_701] : memref<2x320x128xf32, #tpu.memory_space<vmem>> -> memref<1x320x128xf32, #tpu.memory_space<vmem>>
        %get3A_703 = tpu.memref_squeeze %get3A_702 : memref<1x320x128xf32, #tpu.memory_space<vmem>> -> memref<320x128xf32, #tpu.memory_space<vmem>>
        %get3A_704 = arith.index_cast %add3A_646 : i32 to index
        %get3A_705 = arith.constant 96 : index
        %get3A_706 = tpu.vector_load %get3A_703[%get3A_704, %get3A_705] {strides = array<i32>} : memref<320x128xf32, #tpu.memory_space<vmem>>, vector<16xf32>,
        %mul3A_707 = arith.mulf %get3A_225, %get3A_706 : vector<16xf32>
        %add3A_708 = arith.addf %add3A_699, %mul3A_707 : vector<16xf32>
        %get3A_709 = arith.constant 0 : i32
        %get3A_710 = arith.constant 0 : i32
        %get3A_711 = tpu.memref_slice %arg12[%scan3A_106, %get3A_709, %get3A_710] : memref<2x320x128xf32, #tpu.memory_space<vmem>> -> memref<1x320x128xf32, #tpu.memory_space<vmem>>
        %get3A_712 = tpu.memref_squeeze %get3A_711 : memref<1x320x128xf32, #tpu.memory_space<vmem>> -> memref<320x128xf32, #tpu.memory_space<vmem>>
        %get3A_713 = arith.index_cast %add3A_646 : i32 to index
        %get3A_714 = arith.constant 112 : index
        %get3A_715 = tpu.vector_load %get3A_712[%get3A_713, %get3A_714] {strides = array<i32>} : memref<320x128xf32, #tpu.memory_space<vmem>>, vector<16xf32>,
        %mul3A_716 = arith.mulf %get3A_232, %get3A_715 : vector<16xf32>
        %add3A_717 = arith.addf %add3A_708, %mul3A_716 : vector<16xf32>
        %reduce_sum3A_718 = arith.constant true
        %reduce_sum3A_719 = vector.broadcast %reduce_sum3A_718 : i1 to vector<16xi1>
        %reduce_sum3A_720 = tpu.scan <sum>, %add3A_717 masked %reduce_sum3A_719 : vector<16xf32>, vector<16xi1> -> vector<16xf32>
        %reduce_sum3A_721 = vector.extract %reduce_sum3A_720[15] : f32 from vector<16xf32>
        %broadcast_in_dim3A_722 = vector.broadcast %reduce_sum3A_721 : f32 to vector<16xf32>
        %select_n3A_723 = arith.select %eq3A_644, %broadcast_in_dim3A_722, %select_n3A_641 : vector<16xi1>, vector<16xf32>
        %eq3A_724 = arith.constant 6 : i32
        %eq3A_725 = vector.broadcast %eq3A_724 : i32 to vector<16xi32>
        %eq3A_726 = arith.cmpi eq, %iota3A, %eq3A_725 : vector<16xi32>
        %add3A_727 = arith.constant 6 : i32
        %add3A_728 = arith.addi %mul3A_234, %add3A_727 : i32
        %get3A_729 = arith.constant 0 : i32
        %get3A_730 = arith.constant 0 : i32
        %get3A_731 = tpu.memref_slice %arg12[%scan3A_106, %get3A_729, %get3A_730] : memref<2x320x128xf32, #tpu.memory_space<vmem>> -> memref<1x320x128xf32, #tpu.memory_space<vmem>>
        %get3A_732 = tpu.memref_squeeze %get3A_731 : memref<1x320x128xf32, #tpu.memory_space<vmem>> -> memref<320x128xf32, #tpu.memory_space<vmem>>
        %get3A_733 = arith.index_cast %add3A_728 : i32 to index
        %get3A_734 = arith.constant 0 : index
        %get3A_735 = tpu.vector_load %get3A_732[%get3A_733, %get3A_734] {strides = array<i32>} : memref<320x128xf32, #tpu.memory_space<vmem>>, vector<16xf32>,
        %mul3A_736 = arith.mulf %get3A_183, %get3A_735 : vector<16xf32>
        %get3A_737 = arith.constant 0 : i32
        %get3A_738 = arith.constant 0 : i32
        %get3A_739 = tpu.memref_slice %arg12[%scan3A_106, %get3A_737, %get3A_738] : memref<2x320x128xf32, #tpu.memory_space<vmem>> -> memref<1x320x128xf32, #tpu.memory_space<vmem>>
        %get3A_740 = tpu.memref_squeeze %get3A_739 : memref<1x320x128xf32, #tpu.memory_space<vmem>> -> memref<320x128xf32, #tpu.memory_space<vmem>>
        %get3A_741 = arith.index_cast %add3A_728 : i32 to index
        %get3A_742 = arith.constant 16 : index
        %get3A_743 = tpu.vector_load %get3A_740[%get3A_741, %get3A_742] {strides = array<i32>} : memref<320x128xf32, #tpu.memory_space<vmem>>, vector<16xf32>,
        %mul3A_744 = arith.mulf %get3A_190, %get3A_743 : vector<16xf32>
        %add3A_745 = arith.addf %mul3A_736, %mul3A_744 : vector<16xf32>
        %get3A_746 = arith.constant 0 : i32
        %get3A_747 = arith.constant 0 : i32
        %get3A_748 = tpu.memref_slice %arg12[%scan3A_106, %get3A_746, %get3A_747] : memref<2x320x128xf32, #tpu.memory_space<vmem>> -> memref<1x320x128xf32, #tpu.memory_space<vmem>>
        %get3A_749 = tpu.memref_squeeze %get3A_748 : memref<1x320x128xf32, #tpu.memory_space<vmem>> -> memref<320x128xf32, #tpu.memory_space<vmem>>
        %get3A_750 = arith.index_cast %add3A_728 : i32 to index
        %get3A_751 = arith.constant 32 : index
        %get3A_752 = tpu.vector_load %get3A_749[%get3A_750, %get3A_751] {strides = array<i32>} : memref<320x128xf32, #tpu.memory_space<vmem>>, vector<16xf32>,
        %mul3A_753 = arith.mulf %get3A_197, %get3A_752 : vector<16xf32>
        %add3A_754 = arith.addf %add3A_745, %mul3A_753 : vector<16xf32>
        %get3A_755 = arith.constant 0 : i32
        %get3A_756 = arith.constant 0 : i32
        %get3A_757 = tpu.memref_slice %arg12[%scan3A_106, %get3A_755, %get3A_756] : memref<2x320x128xf32, #tpu.memory_space<vmem>> -> memref<1x320x128xf32, #tpu.memory_space<vmem>>
        %get3A_758 = tpu.memref_squeeze %get3A_757 : memref<1x320x128xf32, #tpu.memory_space<vmem>> -> memref<320x128xf32, #tpu.memory_space<vmem>>
        %get3A_759 = arith.index_cast %add3A_728 : i32 to index
        %get3A_760 = arith.constant 48 : index
        %get3A_761 = tpu.vector_load %get3A_758[%get3A_759, %get3A_760] {strides = array<i32>} : memref<320x128xf32, #tpu.memory_space<vmem>>, vector<16xf32>,
        %mul3A_762 = arith.mulf %get3A_204, %get3A_761 : vector<16xf32>
        %add3A_763 = arith.addf %add3A_754, %mul3A_762 : vector<16xf32>
        %get3A_764 = arith.constant 0 : i32
        %get3A_765 = arith.constant 0 : i32
        %get3A_766 = tpu.memref_slice %arg12[%scan3A_106, %get3A_764, %get3A_765] : memref<2x320x128xf32, #tpu.memory_space<vmem>> -> memref<1x320x128xf32, #tpu.memory_space<vmem>>
        %get3A_767 = tpu.memref_squeeze %get3A_766 : memref<1x320x128xf32, #tpu.memory_space<vmem>> -> memref<320x128xf32, #tpu.memory_space<vmem>>
        %get3A_768 = arith.index_cast %add3A_728 : i32 to index
        %get3A_769 = arith.constant 64 : index
        %get3A_770 = tpu.vector_load %get3A_767[%get3A_768, %get3A_769] {strides = array<i32>} : memref<320x128xf32, #tpu.memory_space<vmem>>, vector<16xf32>,
        %mul3A_771 = arith.mulf %get3A_211, %get3A_770 : vector<16xf32>
        %add3A_772 = arith.addf %add3A_763, %mul3A_771 : vector<16xf32>
        %get3A_773 = arith.constant 0 : i32
        %get3A_774 = arith.constant 0 : i32
        %get3A_775 = tpu.memref_slice %arg12[%scan3A_106, %get3A_773, %get3A_774] : memref<2x320x128xf32, #tpu.memory_space<vmem>> -> memref<1x320x128xf32, #tpu.memory_space<vmem>>
        %get3A_776 = tpu.memref_squeeze %get3A_775 : memref<1x320x128xf32, #tpu.memory_space<vmem>> -> memref<320x128xf32, #tpu.memory_space<vmem>>
        %get3A_777 = arith.index_cast %add3A_728 : i32 to index
        %get3A_778 = arith.constant 80 : index
        %get3A_779 = tpu.vector_load %get3A_776[%get3A_777, %get3A_778] {strides = array<i32>} : memref<320x128xf32, #tpu.memory_space<vmem>>, vector<16xf32>,
        %mul3A_780 = arith.mulf %get3A_218, %get3A_779 : vector<16xf32>
        %add3A_781 = arith.addf %add3A_772, %mul3A_780 : vector<16xf32>
        %get3A_782 = arith.constant 0 : i32
        %get3A_783 = arith.constant 0 : i32
        %get3A_784 = tpu.memref_slice %arg12[%scan3A_106, %get3A_782, %get3A_783] : memref<2x320x128xf32, #tpu.memory_space<vmem>> -> memref<1x320x128xf32, #tpu.memory_space<vmem>>
        %get3A_785 = tpu.memref_squeeze %get3A_784 : memref<1x320x128xf32, #tpu.memory_space<vmem>> -> memref<320x128xf32, #tpu.memory_space<vmem>>
        %get3A_786 = arith.index_cast %add3A_728 : i32 to index
        %get3A_787 = arith.constant 96 : index
        %get3A_788 = tpu.vector_load %get3A_785[%get3A_786, %get3A_787] {strides = array<i32>} : memref<320x128xf32, #tpu.memory_space<vmem>>, vector<16xf32>,
        %mul3A_789 = arith.mulf %get3A_225, %get3A_788 : vector<16xf32>
        %add3A_790 = arith.addf %add3A_781, %mul3A_789 : vector<16xf32>
        %get3A_791 = arith.constant 0 : i32
        %get3A_792 = arith.constant 0 : i32
        %get3A_793 = tpu.memref_slice %arg12[%scan3A_106, %get3A_791, %get3A_792] : memref<2x320x128xf32, #tpu.memory_space<vmem>> -> memref<1x320x128xf32, #tpu.memory_space<vmem>>
        %get3A_794 = tpu.memref_squeeze %get3A_793 : memref<1x320x128xf32, #tpu.memory_space<vmem>> -> memref<320x128xf32, #tpu.memory_space<vmem>>
        %get3A_795 = arith.index_cast %add3A_728 : i32 to index
        %get3A_796 = arith.constant 112 : index
        %get3A_797 = tpu.vector_load %get3A_794[%get3A_795, %get3A_796] {strides = array<i32>} : memref<320x128xf32, #tpu.memory_space<vmem>>, vector<16xf32>,
        %mul3A_798 = arith.mulf %get3A_232, %get3A_797 : vector<16xf32>
        %add3A_799 = arith.addf %add3A_790, %mul3A_798 : vector<16xf32>
        %reduce_sum3A_800 = arith.constant true
        %reduce_sum3A_801 = vector.broadcast %reduce_sum3A_800 : i1 to vector<16xi1>
        %reduce_sum3A_802 = tpu.scan <sum>, %add3A_799 masked %reduce_sum3A_801 : vector<16xf32>, vector<16xi1> -> vector<16xf32>
        %reduce_sum3A_803 = vector.extract %reduce_sum3A_802[15] : f32 from vector<16xf32>
        %broadcast_in_dim3A_804 = vector.broadcast %reduce_sum3A_803 : f32 to vector<16xf32>
        %select_n3A_805 = arith.select %eq3A_726, %broadcast_in_dim3A_804, %select_n3A_723 : vector<16xi1>, vector<16xf32>
        %eq3A_806 = arith.constant 7 : i32
        %eq3A_807 = vector.broadcast %eq3A_806 : i32 to vector<16xi32>
        %eq3A_808 = arith.cmpi eq, %iota3A, %eq3A_807 : vector<16xi32>
        %add3A_809 = arith.constant 7 : i32
        %add3A_810 = arith.addi %mul3A_234, %add3A_809 : i32
        %get3A_811 = arith.constant 0 : i32
        %get3A_812 = arith.constant 0 : i32
        %get3A_813 = tpu.memref_slice %arg12[%scan3A_106, %get3A_811, %get3A_812] : memref<2x320x128xf32, #tpu.memory_space<vmem>> -> memref<1x320x128xf32, #tpu.memory_space<vmem>>
        %get3A_814 = tpu.memref_squeeze %get3A_813 : memref<1x320x128xf32, #tpu.memory_space<vmem>> -> memref<320x128xf32, #tpu.memory_space<vmem>>
        %get3A_815 = arith.index_cast %add3A_810 : i32 to index
        %get3A_816 = arith.constant 0 : index
        %get3A_817 = tpu.vector_load %get3A_814[%get3A_815, %get3A_816] {strides = array<i32>} : memref<320x128xf32, #tpu.memory_space<vmem>>, vector<16xf32>,
        %mul3A_818 = arith.mulf %get3A_183, %get3A_817 : vector<16xf32>
        %get3A_819 = arith.constant 0 : i32
        %get3A_820 = arith.constant 0 : i32
        %get3A_821 = tpu.memref_slice %arg12[%scan3A_106, %get3A_819, %get3A_820] : memref<2x320x128xf32, #tpu.memory_space<vmem>> -> memref<1x320x128xf32, #tpu.memory_space<vmem>>
        %get3A_822 = tpu.memref_squeeze %get3A_821 : memref<1x320x128xf32, #tpu.memory_space<vmem>> -> memref<320x128xf32, #tpu.memory_space<vmem>>
        %get3A_823 = arith.index_cast %add3A_810 : i32 to index
        %get3A_824 = arith.constant 16 : index
        %get3A_825 = tpu.vector_load %get3A_822[%get3A_823, %get3A_824] {strides = array<i32>} : memref<320x128xf32, #tpu.memory_space<vmem>>, vector<16xf32>,
        %mul3A_826 = arith.mulf %get3A_190, %get3A_825 : vector<16xf32>
        %add3A_827 = arith.addf %mul3A_818, %mul3A_826 : vector<16xf32>
        %get3A_828 = arith.constant 0 : i32
        %get3A_829 = arith.constant 0 : i32
        %get3A_830 = tpu.memref_slice %arg12[%scan3A_106, %get3A_828, %get3A_829] : memref<2x320x128xf32, #tpu.memory_space<vmem>> -> memref<1x320x128xf32, #tpu.memory_space<vmem>>
        %get3A_831 = tpu.memref_squeeze %get3A_830 : memref<1x320x128xf32, #tpu.memory_space<vmem>> -> memref<320x128xf32, #tpu.memory_space<vmem>>
        %get3A_832 = arith.index_cast %add3A_810 : i32 to index
        %get3A_833 = arith.constant 32 : index
        %get3A_834 = tpu.vector_load %get3A_831[%get3A_832, %get3A_833] {strides = array<i32>} : memref<320x128xf32, #tpu.memory_space<vmem>>, vector<16xf32>,
        %mul3A_835 = arith.mulf %get3A_197, %get3A_834 : vector<16xf32>
        %add3A_836 = arith.addf %add3A_827, %mul3A_835 : vector<16xf32>
        %get3A_837 = arith.constant 0 : i32
        %get3A_838 = arith.constant 0 : i32
        %get3A_839 = tpu.memref_slice %arg12[%scan3A_106, %get3A_837, %get3A_838] : memref<2x320x128xf32, #tpu.memory_space<vmem>> -> memref<1x320x128xf32, #tpu.memory_space<vmem>>
        %get3A_840 = tpu.memref_squeeze %get3A_839 : memref<1x320x128xf32, #tpu.memory_space<vmem>> -> memref<320x128xf32, #tpu.memory_space<vmem>>
        %get3A_841 = arith.index_cast %add3A_810 : i32 to index
        %get3A_842 = arith.constant 48 : index
        %get3A_843 = tpu.vector_load %get3A_840[%get3A_841, %get3A_842] {strides = array<i32>} : memref<320x128xf32, #tpu.memory_space<vmem>>, vector<16xf32>,
        %mul3A_844 = arith.mulf %get3A_204, %get3A_843 : vector<16xf32>
        %add3A_845 = arith.addf %add3A_836, %mul3A_844 : vector<16xf32>
        %get3A_846 = arith.constant 0 : i32
        %get3A_847 = arith.constant 0 : i32
        %get3A_848 = tpu.memref_slice %arg12[%scan3A_106, %get3A_846, %get3A_847] : memref<2x320x128xf32, #tpu.memory_space<vmem>> -> memref<1x320x128xf32, #tpu.memory_space<vmem>>
        %get3A_849 = tpu.memref_squeeze %get3A_848 : memref<1x320x128xf32, #tpu.memory_space<vmem>> -> memref<320x128xf32, #tpu.memory_space<vmem>>
        %get3A_850 = arith.index_cast %add3A_810 : i32 to index
        %get3A_851 = arith.constant 64 : index
        %get3A_852 = tpu.vector_load %get3A_849[%get3A_850, %get3A_851] {strides = array<i32>} : memref<320x128xf32, #tpu.memory_space<vmem>>, vector<16xf32>,
        %mul3A_853 = arith.mulf %get3A_211, %get3A_852 : vector<16xf32>
        %add3A_854 = arith.addf %add3A_845, %mul3A_853 : vector<16xf32>
        %get3A_855 = arith.constant 0 : i32
        %get3A_856 = arith.constant 0 : i32
        %get3A_857 = tpu.memref_slice %arg12[%scan3A_106, %get3A_855, %get3A_856] : memref<2x320x128xf32, #tpu.memory_space<vmem>> -> memref<1x320x128xf32, #tpu.memory_space<vmem>>
        %get3A_858 = tpu.memref_squeeze %get3A_857 : memref<1x320x128xf32, #tpu.memory_space<vmem>> -> memref<320x128xf32, #tpu.memory_space<vmem>>
        %get3A_859 = arith.index_cast %add3A_810 : i32 to index
        %get3A_860 = arith.constant 80 : index
        %get3A_861 = tpu.vector_load %get3A_858[%get3A_859, %get3A_860] {strides = array<i32>} : memref<320x128xf32, #tpu.memory_space<vmem>>, vector<16xf32>,
        %mul3A_862 = arith.mulf %get3A_218, %get3A_861 : vector<16xf32>
        %add3A_863 = arith.addf %add3A_854, %mul3A_862 : vector<16xf32>
        %get3A_864 = arith.constant 0 : i32
        %get3A_865 = arith.constant 0 : i32
        %get3A_866 = tpu.memref_slice %arg12[%scan3A_106, %get3A_864, %get3A_865] : memref<2x320x128xf32, #tpu.memory_space<vmem>> -> memref<1x320x128xf32, #tpu.memory_space<vmem>>
        %get3A_867 = tpu.memref_squeeze %get3A_866 : memref<1x320x128xf32, #tpu.memory_space<vmem>> -> memref<320x128xf32, #tpu.memory_space<vmem>>
        %get3A_868 = arith.index_cast %add3A_810 : i32 to index
        %get3A_869 = arith.constant 96 : index
        %get3A_870 = tpu.vector_load %get3A_867[%get3A_868, %get3A_869] {strides = array<i32>} : memref<320x128xf32, #tpu.memory_space<vmem>>, vector<16xf32>,
        %mul3A_871 = arith.mulf %get3A_225, %get3A_870 : vector<16xf32>
        %add3A_872 = arith.addf %add3A_863, %mul3A_871 : vector<16xf32>
        %get3A_873 = arith.constant 0 : i32
        %get3A_874 = arith.constant 0 : i32
        %get3A_875 = tpu.memref_slice %arg12[%scan3A_106, %get3A_873, %get3A_874] : memref<2x320x128xf32, #tpu.memory_space<vmem>> -> memref<1x320x128xf32, #tpu.memory_space<vmem>>
        %get3A_876 = tpu.memref_squeeze %get3A_875 : memref<1x320x128xf32, #tpu.memory_space<vmem>> -> memref<320x128xf32, #tpu.memory_space<vmem>>
        %get3A_877 = arith.index_cast %add3A_810 : i32 to index
        %get3A_878 = arith.constant 112 : index
        %get3A_879 = tpu.vector_load %get3A_876[%get3A_877, %get3A_878] {strides = array<i32>} : memref<320x128xf32, #tpu.memory_space<vmem>>, vector<16xf32>,
        %mul3A_880 = arith.mulf %get3A_232, %get3A_879 : vector<16xf32>
        %add3A_881 = arith.addf %add3A_872, %mul3A_880 : vector<16xf32>
        %reduce_sum3A_882 = arith.constant true
        %reduce_sum3A_883 = vector.broadcast %reduce_sum3A_882 : i1 to vector<16xi1>
        %reduce_sum3A_884 = tpu.scan <sum>, %add3A_881 masked %reduce_sum3A_883 : vector<16xf32>, vector<16xi1> -> vector<16xf32>
        %reduce_sum3A_885 = vector.extract %reduce_sum3A_884[15] : f32 from vector<16xf32>
        %broadcast_in_dim3A_886 = vector.broadcast %reduce_sum3A_885 : f32 to vector<16xf32>
        %select_n3A_887 = arith.select %eq3A_808, %broadcast_in_dim3A_886, %select_n3A_805 : vector<16xi1>, vector<16xf32>
        %eq3A_888 = arith.constant 8 : i32
        %eq3A_889 = vector.broadcast %eq3A_888 : i32 to vector<16xi32>
        %eq3A_890 = arith.cmpi eq, %iota3A, %eq3A_889 : vector<16xi32>
        %add3A_891 = arith.constant 8 : i32
        %add3A_892 = arith.addi %mul3A_234, %add3A_891 : i32
        %get3A_893 = arith.constant 0 : i32
        %get3A_894 = arith.constant 0 : i32
        %get3A_895 = tpu.memref_slice %arg12[%scan3A_106, %get3A_893, %get3A_894] : memref<2x320x128xf32, #tpu.memory_space<vmem>> -> memref<1x320x128xf32, #tpu.memory_space<vmem>>
        %get3A_896 = tpu.memref_squeeze %get3A_895 : memref<1x320x128xf32, #tpu.memory_space<vmem>> -> memref<320x128xf32, #tpu.memory_space<vmem>>
        %get3A_897 = arith.index_cast %add3A_892 : i32 to index
        %get3A_898 = arith.constant 0 : index
        %get3A_899 = tpu.vector_load %get3A_896[%get3A_897, %get3A_898] {strides = array<i32>} : memref<320x128xf32, #tpu.memory_space<vmem>>, vector<16xf32>,
        %mul3A_900 = arith.mulf %get3A_183, %get3A_899 : vector<16xf32>
        %get3A_901 = arith.constant 0 : i32
        %get3A_902 = arith.constant 0 : i32
        %get3A_903 = tpu.memref_slice %arg12[%scan3A_106, %get3A_901, %get3A_902] : memref<2x320x128xf32, #tpu.memory_space<vmem>> -> memref<1x320x128xf32, #tpu.memory_space<vmem>>
        %get3A_904 = tpu.memref_squeeze %get3A_903 : memref<1x320x128xf32, #tpu.memory_space<vmem>> -> memref<320x128xf32, #tpu.memory_space<vmem>>
        %get3A_905 = arith.index_cast %add3A_892 : i32 to index
        %get3A_906 = arith.constant 16 : index
        %get3A_907 = tpu.vector_load %get3A_904[%get3A_905, %get3A_906] {strides = array<i32>} : memref<320x128xf32, #tpu.memory_space<vmem>>, vector<16xf32>,
        %mul3A_908 = arith.mulf %get3A_190, %get3A_907 : vector<16xf32>
        %add3A_909 = arith.addf %mul3A_900, %mul3A_908 : vector<16xf32>
        %get3A_910 = arith.constant 0 : i32
        %get3A_911 = arith.constant 0 : i32
        %get3A_912 = tpu.memref_slice %arg12[%scan3A_106, %get3A_910, %get3A_911] : memref<2x320x128xf32, #tpu.memory_space<vmem>> -> memref<1x320x128xf32, #tpu.memory_space<vmem>>
        %get3A_913 = tpu.memref_squeeze %get3A_912 : memref<1x320x128xf32, #tpu.memory_space<vmem>> -> memref<320x128xf32, #tpu.memory_space<vmem>>
        %get3A_914 = arith.index_cast %add3A_892 : i32 to index
        %get3A_915 = arith.constant 32 : index
        %get3A_916 = tpu.vector_load %get3A_913[%get3A_914, %get3A_915] {strides = array<i32>} : memref<320x128xf32, #tpu.memory_space<vmem>>, vector<16xf32>,
        %mul3A_917 = arith.mulf %get3A_197, %get3A_916 : vector<16xf32>
        %add3A_918 = arith.addf %add3A_909, %mul3A_917 : vector<16xf32>
        %get3A_919 = arith.constant 0 : i32
        %get3A_920 = arith.constant 0 : i32
        %get3A_921 = tpu.memref_slice %arg12[%scan3A_106, %get3A_919, %get3A_920] : memref<2x320x128xf32, #tpu.memory_space<vmem>> -> memref<1x320x128xf32, #tpu.memory_space<vmem>>
        %get3A_922 = tpu.memref_squeeze %get3A_921 : memref<1x320x128xf32, #tpu.memory_space<vmem>> -> memref<320x128xf32, #tpu.memory_space<vmem>>
        %get3A_923 = arith.index_cast %add3A_892 : i32 to index
        %get3A_924 = arith.constant 48 : index
        %get3A_925 = tpu.vector_load %get3A_922[%get3A_923, %get3A_924] {strides = array<i32>} : memref<320x128xf32, #tpu.memory_space<vmem>>, vector<16xf32>,
        %mul3A_926 = arith.mulf %get3A_204, %get3A_925 : vector<16xf32>
        %add3A_927 = arith.addf %add3A_918, %mul3A_926 : vector<16xf32>
        %get3A_928 = arith.constant 0 : i32
        %get3A_929 = arith.constant 0 : i32
        %get3A_930 = tpu.memref_slice %arg12[%scan3A_106, %get3A_928, %get3A_929] : memref<2x320x128xf32, #tpu.memory_space<vmem>> -> memref<1x320x128xf32, #tpu.memory_space<vmem>>
        %get3A_931 = tpu.memref_squeeze %get3A_930 : memref<1x320x128xf32, #tpu.memory_space<vmem>> -> memref<320x128xf32, #tpu.memory_space<vmem>>
        %get3A_932 = arith.index_cast %add3A_892 : i32 to index
        %get3A_933 = arith.constant 64 : index
        %get3A_934 = tpu.vector_load %get3A_931[%get3A_932, %get3A_933] {strides = array<i32>} : memref<320x128xf32, #tpu.memory_space<vmem>>, vector<16xf32>,
        %mul3A_935 = arith.mulf %get3A_211, %get3A_934 : vector<16xf32>
        %add3A_936 = arith.addf %add3A_927, %mul3A_935 : vector<16xf32>
        %get3A_937 = arith.constant 0 : i32
        %get3A_938 = arith.constant 0 : i32
        %get3A_939 = tpu.memref_slice %arg12[%scan3A_106, %get3A_937, %get3A_938] : memref<2x320x128xf32, #tpu.memory_space<vmem>> -> memref<1x320x128xf32, #tpu.memory_space<vmem>>
        %get3A_940 = tpu.memref_squeeze %get3A_939 : memref<1x320x128xf32, #tpu.memory_space<vmem>> -> memref<320x128xf32, #tpu.memory_space<vmem>>
        %get3A_941 = arith.index_cast %add3A_892 : i32 to index
        %get3A_942 = arith.constant 80 : index
        %get3A_943 = tpu.vector_load %get3A_940[%get3A_941, %get3A_942] {strides = array<i32>} : memref<320x128xf32, #tpu.memory_space<vmem>>, vector<16xf32>,
        %mul3A_944 = arith.mulf %get3A_218, %get3A_943 : vector<16xf32>
        %add3A_945 = arith.addf %add3A_936, %mul3A_944 : vector<16xf32>
        %get3A_946 = arith.constant 0 : i32
        %get3A_947 = arith.constant 0 : i32
        %get3A_948 = tpu.memref_slice %arg12[%scan3A_106, %get3A_946, %get3A_947] : memref<2x320x128xf32, #tpu.memory_space<vmem>> -> memref<1x320x128xf32, #tpu.memory_space<vmem>>
        %get3A_949 = tpu.memref_squeeze %get3A_948 : memref<1x320x128xf32, #tpu.memory_space<vmem>> -> memref<320x128xf32, #tpu.memory_space<vmem>>
        %get3A_950 = arith.index_cast %add3A_892 : i32 to index
        %get3A_951 = arith.constant 96 : index
        %get3A_952 = tpu.vector_load %get3A_949[%get3A_950, %get3A_951] {strides = array<i32>} : memref<320x128xf32, #tpu.memory_space<vmem>>, vector<16xf32>,
        %mul3A_953 = arith.mulf %get3A_225, %get3A_952 : vector<16xf32>
        %add3A_954 = arith.addf %add3A_945, %mul3A_953 : vector<16xf32>
        %get3A_955 = arith.constant 0 : i32
        %get3A_956 = arith.constant 0 : i32
        %get3A_957 = tpu.memref_slice %arg12[%scan3A_106, %get3A_955, %get3A_956] : memref<2x320x128xf32, #tpu.memory_space<vmem>> -> memref<1x320x128xf32, #tpu.memory_space<vmem>>
        %get3A_958 = tpu.memref_squeeze %get3A_957 : memref<1x320x128xf32, #tpu.memory_space<vmem>> -> memref<320x128xf32, #tpu.memory_space<vmem>>
        %get3A_959 = arith.index_cast %add3A_892 : i32 to index
        %get3A_960 = arith.constant 112 : index
        %get3A_961 = tpu.vector_load %get3A_958[%get3A_959, %get3A_960] {strides = array<i32>} : memref<320x128xf32, #tpu.memory_space<vmem>>, vector<16xf32>,
        %mul3A_962 = arith.mulf %get3A_232, %get3A_961 : vector<16xf32>
        %add3A_963 = arith.addf %add3A_954, %mul3A_962 : vector<16xf32>
        %reduce_sum3A_964 = arith.constant true
        %reduce_sum3A_965 = vector.broadcast %reduce_sum3A_964 : i1 to vector<16xi1>
        %reduce_sum3A_966 = tpu.scan <sum>, %add3A_963 masked %reduce_sum3A_965 : vector<16xf32>, vector<16xi1> -> vector<16xf32>
        %reduce_sum3A_967 = vector.extract %reduce_sum3A_966[15] : f32 from vector<16xf32>
        %broadcast_in_dim3A_968 = vector.broadcast %reduce_sum3A_967 : f32 to vector<16xf32>
        %select_n3A_969 = arith.select %eq3A_890, %broadcast_in_dim3A_968, %select_n3A_887 : vector<16xi1>, vector<16xf32>
        %eq3A_970 = arith.constant 9 : i32
        %eq3A_971 = vector.broadcast %eq3A_970 : i32 to vector<16xi32>
        %eq3A_972 = arith.cmpi eq, %iota3A, %eq3A_971 : vector<16xi32>
        %add3A_973 = arith.constant 9 : i32
        %add3A_974 = arith.addi %mul3A_234, %add3A_973 : i32
        %get3A_975 = arith.constant 0 : i32
        %get3A_976 = arith.constant 0 : i32
        %get3A_977 = tpu.memref_slice %arg12[%scan3A_106, %get3A_975, %get3A_976] : memref<2x320x128xf32, #tpu.memory_space<vmem>> -> memref<1x320x128xf32, #tpu.memory_space<vmem>>
        %get3A_978 = tpu.memref_squeeze %get3A_977 : memref<1x320x128xf32, #tpu.memory_space<vmem>> -> memref<320x128xf32, #tpu.memory_space<vmem>>
        %get3A_979 = arith.index_cast %add3A_974 : i32 to index
        %get3A_980 = arith.constant 0 : index
        %get3A_981 = tpu.vector_load %get3A_978[%get3A_979, %get3A_980] {strides = array<i32>} : memref<320x128xf32, #tpu.memory_space<vmem>>, vector<16xf32>,
        %mul3A_982 = arith.mulf %get3A_183, %get3A_981 : vector<16xf32>
        %get3A_983 = arith.constant 0 : i32
        %get3A_984 = arith.constant 0 : i32
        %get3A_985 = tpu.memref_slice %arg12[%scan3A_106, %get3A_983, %get3A_984] : memref<2x320x128xf32, #tpu.memory_space<vmem>> -> memref<1x320x128xf32, #tpu.memory_space<vmem>>
        %get3A_986 = tpu.memref_squeeze %get3A_985 : memref<1x320x128xf32, #tpu.memory_space<vmem>> -> memref<320x128xf32, #tpu.memory_space<vmem>>
        %get3A_987 = arith.index_cast %add3A_974 : i32 to index
        %get3A_988 = arith.constant 16 : index
        %get3A_989 = tpu.vector_load %get3A_986[%get3A_987, %get3A_988] {strides = array<i32>} : memref<320x128xf32, #tpu.memory_space<vmem>>, vector<16xf32>,
        %mul3A_990 = arith.mulf %get3A_190, %get3A_989 : vector<16xf32>
        %add3A_991 = arith.addf %mul3A_982, %mul3A_990 : vector<16xf32>
        %get3A_992 = arith.constant 0 : i32
        %get3A_993 = arith.constant 0 : i32
        %get3A_994 = tpu.memref_slice %arg12[%scan3A_106, %get3A_992, %get3A_993] : memref<2x320x128xf32, #tpu.memory_space<vmem>> -> memref<1x320x128xf32, #tpu.memory_space<vmem>>
        %get3A_995 = tpu.memref_squeeze %get3A_994 : memref<1x320x128xf32, #tpu.memory_space<vmem>> -> memref<320x128xf32, #tpu.memory_space<vmem>>
        %get3A_996 = arith.index_cast %add3A_974 : i32 to index
        %get3A_997 = arith.constant 32 : index
        %get3A_998 = tpu.vector_load %get3A_995[%get3A_996, %get3A_997] {strides = array<i32>} : memref<320x128xf32, #tpu.memory_space<vmem>>, vector<16xf32>,
        %mul3A_999 = arith.mulf %get3A_197, %get3A_998 : vector<16xf32>
        %add3A_1000 = arith.addf %add3A_991, %mul3A_999 : vector<16xf32>
        %get3A_1001 = arith.constant 0 : i32
        %get3A_1002 = arith.constant 0 : i32
        %get3A_1003 = tpu.memref_slice %arg12[%scan3A_106, %get3A_1001, %get3A_1002] : memref<2x320x128xf32, #tpu.memory_space<vmem>> -> memref<1x320x128xf32, #tpu.memory_space<vmem>>
        %get3A_1004 = tpu.memref_squeeze %get3A_1003 : memref<1x320x128xf32, #tpu.memory_space<vmem>> -> memref<320x128xf32, #tpu.memory_space<vmem>>
        %get3A_1005 = arith.index_cast %add3A_974 : i32 to index
        %get3A_1006 = arith.constant 48 : index
        %get3A_1007 = tpu.vector_load %get3A_1004[%get3A_1005, %get3A_1006] {strides = array<i32>} : memref<320x128xf32, #tpu.memory_space<vmem>>, vector<16xf32>,
        %mul3A_1008 = arith.mulf %get3A_204, %get3A_1007 : vector<16xf32>
        %add3A_1009 = arith.addf %add3A_1000, %mul3A_1008 : vector<16xf32>
        %get3A_1010 = arith.constant 0 : i32
        %get3A_1011 = arith.constant 0 : i32
        %get3A_1012 = tpu.memref_slice %arg12[%scan3A_106, %get3A_1010, %get3A_1011] : memref<2x320x128xf32, #tpu.memory_space<vmem>> -> memref<1x320x128xf32, #tpu.memory_space<vmem>>
        %get3A_1013 = tpu.memref_squeeze %get3A_1012 : memref<1x320x128xf32, #tpu.memory_space<vmem>> -> memref<320x128xf32, #tpu.memory_space<vmem>>
        %get3A_1014 = arith.index_cast %add3A_974 : i32 to index
        %get3A_1015 = arith.constant 64 : index
        %get3A_1016 = tpu.vector_load %get3A_1013[%get3A_1014, %get3A_1015] {strides = array<i32>} : memref<320x128xf32, #tpu.memory_space<vmem>>, vector<16xf32>,
        %mul3A_1017 = arith.mulf %get3A_211, %get3A_1016 : vector<16xf32>
        %add3A_1018 = arith.addf %add3A_1009, %mul3A_1017 : vector<16xf32>
        %get3A_1019 = arith.constant 0 : i32
        %get3A_1020 = arith.constant 0 : i32
        %get3A_1021 = tpu.memref_slice %arg12[%scan3A_106, %get3A_1019, %get3A_1020] : memref<2x320x128xf32, #tpu.memory_space<vmem>> -> memref<1x320x128xf32, #tpu.memory_space<vmem>>
        %get3A_1022 = tpu.memref_squeeze %get3A_1021 : memref<1x320x128xf32, #tpu.memory_space<vmem>> -> memref<320x128xf32, #tpu.memory_space<vmem>>
        %get3A_1023 = arith.index_cast %add3A_974 : i32 to index
        %get3A_1024 = arith.constant 80 : index
        %get3A_1025 = tpu.vector_load %get3A_1022[%get3A_1023, %get3A_1024] {strides = array<i32>} : memref<320x128xf32, #tpu.memory_space<vmem>>, vector<16xf32>,
        %mul3A_1026 = arith.mulf %get3A_218, %get3A_1025 : vector<16xf32>
        %add3A_1027 = arith.addf %add3A_1018, %mul3A_1026 : vector<16xf32>
        %get3A_1028 = arith.constant 0 : i32
        %get3A_1029 = arith.constant 0 : i32
        %get3A_1030 = tpu.memref_slice %arg12[%scan3A_106, %get3A_1028, %get3A_1029] : memref<2x320x128xf32, #tpu.memory_space<vmem>> -> memref<1x320x128xf32, #tpu.memory_space<vmem>>
        %get3A_1031 = tpu.memref_squeeze %get3A_1030 : memref<1x320x128xf32, #tpu.memory_space<vmem>> -> memref<320x128xf32, #tpu.memory_space<vmem>>
        %get3A_1032 = arith.index_cast %add3A_974 : i32 to index
        %get3A_1033 = arith.constant 96 : index
        %get3A_1034 = tpu.vector_load %get3A_1031[%get3A_1032, %get3A_1033] {strides = array<i32>} : memref<320x128xf32, #tpu.memory_space<vmem>>, vector<16xf32>,
        %mul3A_1035 = arith.mulf %get3A_225, %get3A_1034 : vector<16xf32>
        %add3A_1036 = arith.addf %add3A_1027, %mul3A_1035 : vector<16xf32>
        %get3A_1037 = arith.constant 0 : i32
        %get3A_1038 = arith.constant 0 : i32
        %get3A_1039 = tpu.memref_slice %arg12[%scan3A_106, %get3A_1037, %get3A_1038] : memref<2x320x128xf32, #tpu.memory_space<vmem>> -> memref<1x320x128xf32, #tpu.memory_space<vmem>>
        %get3A_1040 = tpu.memref_squeeze %get3A_1039 : memref<1x320x128xf32, #tpu.memory_space<vmem>> -> memref<320x128xf32, #tpu.memory_space<vmem>>
        %get3A_1041 = arith.index_cast %add3A_974 : i32 to index
        %get3A_1042 = arith.constant 112 : index
        %get3A_1043 = tpu.vector_load %get3A_1040[%get3A_1041, %get3A_1042] {strides = array<i32>} : memref<320x128xf32, #tpu.memory_space<vmem>>, vector<16xf32>,
        %mul3A_1044 = arith.mulf %get3A_232, %get3A_1043 : vector<16xf32>
        %add3A_1045 = arith.addf %add3A_1036, %mul3A_1044 : vector<16xf32>
        %reduce_sum3A_1046 = arith.constant true
        %reduce_sum3A_1047 = vector.broadcast %reduce_sum3A_1046 : i1 to vector<16xi1>
        %reduce_sum3A_1048 = tpu.scan <sum>, %add3A_1045 masked %reduce_sum3A_1047 : vector<16xf32>, vector<16xi1> -> vector<16xf32>
        %reduce_sum3A_1049 = vector.extract %reduce_sum3A_1048[15] : f32 from vector<16xf32>
        %broadcast_in_dim3A_1050 = vector.broadcast %reduce_sum3A_1049 : f32 to vector<16xf32>
        %select_n3A_1051 = arith.select %eq3A_972, %broadcast_in_dim3A_1050, %select_n3A_969 : vector<16xi1>, vector<16xf32>
        %eq3A_1052 = arith.constant 10 : i32
        %eq3A_1053 = vector.broadcast %eq3A_1052 : i32 to vector<16xi32>
        %eq3A_1054 = arith.cmpi eq, %iota3A, %eq3A_1053 : vector<16xi32>
        %add3A_1055 = arith.constant 10 : i32
        %add3A_1056 = arith.addi %mul3A_234, %add3A_1055 : i32
        %get3A_1057 = arith.constant 0 : i32
        %get3A_1058 = arith.constant 0 : i32
        %get3A_1059 = tpu.memref_slice %arg12[%scan3A_106, %get3A_1057, %get3A_1058] : memref<2x320x128xf32, #tpu.memory_space<vmem>> -> memref<1x320x128xf32, #tpu.memory_space<vmem>>
        %get3A_1060 = tpu.memref_squeeze %get3A_1059 : memref<1x320x128xf32, #tpu.memory_space<vmem>> -> memref<320x128xf32, #tpu.memory_space<vmem>>
        %get3A_1061 = arith.index_cast %add3A_1056 : i32 to index
        %get3A_1062 = arith.constant 0 : index
        %get3A_1063 = tpu.vector_load %get3A_1060[%get3A_1061, %get3A_1062] {strides = array<i32>} : memref<320x128xf32, #tpu.memory_space<vmem>>, vector<16xf32>,
        %mul3A_1064 = arith.mulf %get3A_183, %get3A_1063 : vector<16xf32>
        %get3A_1065 = arith.constant 0 : i32
        %get3A_1066 = arith.constant 0 : i32
        %get3A_1067 = tpu.memref_slice %arg12[%scan3A_106, %get3A_1065, %get3A_1066] : memref<2x320x128xf32, #tpu.memory_space<vmem>> -> memref<1x320x128xf32, #tpu.memory_space<vmem>>
        %get3A_1068 = tpu.memref_squeeze %get3A_1067 : memref<1x320x128xf32, #tpu.memory_space<vmem>> -> memref<320x128xf32, #tpu.memory_space<vmem>>
        %get3A_1069 = arith.index_cast %add3A_1056 : i32 to index
        %get3A_1070 = arith.constant 16 : index
        %get3A_1071 = tpu.vector_load %get3A_1068[%get3A_1069, %get3A_1070] {strides = array<i32>} : memref<320x128xf32, #tpu.memory_space<vmem>>, vector<16xf32>,
        %mul3A_1072 = arith.mulf %get3A_190, %get3A_1071 : vector<16xf32>
        %add3A_1073 = arith.addf %mul3A_1064, %mul3A_1072 : vector<16xf32>
        %get3A_1074 = arith.constant 0 : i32
        %get3A_1075 = arith.constant 0 : i32
        %get3A_1076 = tpu.memref_slice %arg12[%scan3A_106, %get3A_1074, %get3A_1075] : memref<2x320x128xf32, #tpu.memory_space<vmem>> -> memref<1x320x128xf32, #tpu.memory_space<vmem>>
        %get3A_1077 = tpu.memref_squeeze %get3A_1076 : memref<1x320x128xf32, #tpu.memory_space<vmem>> -> memref<320x128xf32, #tpu.memory_space<vmem>>
        %get3A_1078 = arith.index_cast %add3A_1056 : i32 to index
        %get3A_1079 = arith.constant 32 : index
        %get3A_1080 = tpu.vector_load %get3A_1077[%get3A_1078, %get3A_1079] {strides = array<i32>} : memref<320x128xf32, #tpu.memory_space<vmem>>, vector<16xf32>,
        %mul3A_1081 = arith.mulf %get3A_197, %get3A_1080 : vector<16xf32>
        %add3A_1082 = arith.addf %add3A_1073, %mul3A_1081 : vector<16xf32>
        %get3A_1083 = arith.constant 0 : i32
        %get3A_1084 = arith.constant 0 : i32
        %get3A_1085 = tpu.memref_slice %arg12[%scan3A_106, %get3A_1083, %get3A_1084] : memref<2x320x128xf32, #tpu.memory_space<vmem>> -> memref<1x320x128xf32, #tpu.memory_space<vmem>>
        %get3A_1086 = tpu.memref_squeeze %get3A_1085 : memref<1x320x128xf32, #tpu.memory_space<vmem>> -> memref<320x128xf32, #tpu.memory_space<vmem>>
        %get3A_1087 = arith.index_cast %add3A_1056 : i32 to index
        %get3A_1088 = arith.constant 48 : index
        %get3A_1089 = tpu.vector_load %get3A_1086[%get3A_1087, %get3A_1088] {strides = array<i32>} : memref<320x128xf32, #tpu.memory_space<vmem>>, vector<16xf32>,
        %mul3A_1090 = arith.mulf %get3A_204, %get3A_1089 : vector<16xf32>
        %add3A_1091 = arith.addf %add3A_1082, %mul3A_1090 : vector<16xf32>
        %get3A_1092 = arith.constant 0 : i32
        %get3A_1093 = arith.constant 0 : i32
        %get3A_1094 = tpu.memref_slice %arg12[%scan3A_106, %get3A_1092, %get3A_1093] : memref<2x320x128xf32, #tpu.memory_space<vmem>> -> memref<1x320x128xf32, #tpu.memory_space<vmem>>
        %get3A_1095 = tpu.memref_squeeze %get3A_1094 : memref<1x320x128xf32, #tpu.memory_space<vmem>> -> memref<320x128xf32, #tpu.memory_space<vmem>>
        %get3A_1096 = arith.index_cast %add3A_1056 : i32 to index
        %get3A_1097 = arith.constant 64 : index
        %get3A_1098 = tpu.vector_load %get3A_1095[%get3A_1096, %get3A_1097] {strides = array<i32>} : memref<320x128xf32, #tpu.memory_space<vmem>>, vector<16xf32>,
        %mul3A_1099 = arith.mulf %get3A_211, %get3A_1098 : vector<16xf32>
        %add3A_1100 = arith.addf %add3A_1091, %mul3A_1099 : vector<16xf32>
        %get3A_1101 = arith.constant 0 : i32
        %get3A_1102 = arith.constant 0 : i32
        %get3A_1103 = tpu.memref_slice %arg12[%scan3A_106, %get3A_1101, %get3A_1102] : memref<2x320x128xf32, #tpu.memory_space<vmem>> -> memref<1x320x128xf32, #tpu.memory_space<vmem>>
        %get3A_1104 = tpu.memref_squeeze %get3A_1103 : memref<1x320x128xf32, #tpu.memory_space<vmem>> -> memref<320x128xf32, #tpu.memory_space<vmem>>
        %get3A_1105 = arith.index_cast %add3A_1056 : i32 to index
        %get3A_1106 = arith.constant 80 : index
        %get3A_1107 = tpu.vector_load %get3A_1104[%get3A_1105, %get3A_1106] {strides = array<i32>} : memref<320x128xf32, #tpu.memory_space<vmem>>, vector<16xf32>,
        %mul3A_1108 = arith.mulf %get3A_218, %get3A_1107 : vector<16xf32>
        %add3A_1109 = arith.addf %add3A_1100, %mul3A_1108 : vector<16xf32>
        %get3A_1110 = arith.constant 0 : i32
        %get3A_1111 = arith.constant 0 : i32
        %get3A_1112 = tpu.memref_slice %arg12[%scan3A_106, %get3A_1110, %get3A_1111] : memref<2x320x128xf32, #tpu.memory_space<vmem>> -> memref<1x320x128xf32, #tpu.memory_space<vmem>>
        %get3A_1113 = tpu.memref_squeeze %get3A_1112 : memref<1x320x128xf32, #tpu.memory_space<vmem>> -> memref<320x128xf32, #tpu.memory_space<vmem>>
        %get3A_1114 = arith.index_cast %add3A_1056 : i32 to index
        %get3A_1115 = arith.constant 96 : index
        %get3A_1116 = tpu.vector_load %get3A_1113[%get3A_1114, %get3A_1115] {strides = array<i32>} : memref<320x128xf32, #tpu.memory_space<vmem>>, vector<16xf32>,
        %mul3A_1117 = arith.mulf %get3A_225, %get3A_1116 : vector<16xf32>
        %add3A_1118 = arith.addf %add3A_1109, %mul3A_1117 : vector<16xf32>
        %get3A_1119 = arith.constant 0 : i32
        %get3A_1120 = arith.constant 0 : i32
        %get3A_1121 = tpu.memref_slice %arg12[%scan3A_106, %get3A_1119, %get3A_1120] : memref<2x320x128xf32, #tpu.memory_space<vmem>> -> memref<1x320x128xf32, #tpu.memory_space<vmem>>
        %get3A_1122 = tpu.memref_squeeze %get3A_1121 : memref<1x320x128xf32, #tpu.memory_space<vmem>> -> memref<320x128xf32, #tpu.memory_space<vmem>>
        %get3A_1123 = arith.index_cast %add3A_1056 : i32 to index
        %get3A_1124 = arith.constant 112 : index
        %get3A_1125 = tpu.vector_load %get3A_1122[%get3A_1123, %get3A_1124] {strides = array<i32>} : memref<320x128xf32, #tpu.memory_space<vmem>>, vector<16xf32>,
        %mul3A_1126 = arith.mulf %get3A_232, %get3A_1125 : vector<16xf32>
        %add3A_1127 = arith.addf %add3A_1118, %mul3A_1126 : vector<16xf32>
        %reduce_sum3A_1128 = arith.constant true
        %reduce_sum3A_1129 = vector.broadcast %reduce_sum3A_1128 : i1 to vector<16xi1>
        %reduce_sum3A_1130 = tpu.scan <sum>, %add3A_1127 masked %reduce_sum3A_1129 : vector<16xf32>, vector<16xi1> -> vector<16xf32>
        %reduce_sum3A_1131 = vector.extract %reduce_sum3A_1130[15] : f32 from vector<16xf32>
        %broadcast_in_dim3A_1132 = vector.broadcast %reduce_sum3A_1131 : f32 to vector<16xf32>
        %select_n3A_1133 = arith.select %eq3A_1054, %broadcast_in_dim3A_1132, %select_n3A_1051 : vector<16xi1>, vector<16xf32>
        %eq3A_1134 = arith.constant 11 : i32
        %eq3A_1135 = vector.broadcast %eq3A_1134 : i32 to vector<16xi32>
        %eq3A_1136 = arith.cmpi eq, %iota3A, %eq3A_1135 : vector<16xi32>
        %add3A_1137 = arith.constant 11 : i32
        %add3A_1138 = arith.addi %mul3A_234, %add3A_1137 : i32
        %get3A_1139 = arith.constant 0 : i32
        %get3A_1140 = arith.constant 0 : i32
        %get3A_1141 = tpu.memref_slice %arg12[%scan3A_106, %get3A_1139, %get3A_1140] : memref<2x320x128xf32, #tpu.memory_space<vmem>> -> memref<1x320x128xf32, #tpu.memory_space<vmem>>
        %get3A_1142 = tpu.memref_squeeze %get3A_1141 : memref<1x320x128xf32, #tpu.memory_space<vmem>> -> memref<320x128xf32, #tpu.memory_space<vmem>>
        %get3A_1143 = arith.index_cast %add3A_1138 : i32 to index
        %get3A_1144 = arith.constant 0 : index
        %get3A_1145 = tpu.vector_load %get3A_1142[%get3A_1143, %get3A_1144] {strides = array<i32>} : memref<320x128xf32, #tpu.memory_space<vmem>>, vector<16xf32>,
        %mul3A_1146 = arith.mulf %get3A_183, %get3A_1145 : vector<16xf32>
        %get3A_1147 = arith.constant 0 : i32
        %get3A_1148 = arith.constant 0 : i32
        %get3A_1149 = tpu.memref_slice %arg12[%scan3A_106, %get3A_1147, %get3A_1148] : memref<2x320x128xf32, #tpu.memory_space<vmem>> -> memref<1x320x128xf32, #tpu.memory_space<vmem>>
        %get3A_1150 = tpu.memref_squeeze %get3A_1149 : memref<1x320x128xf32, #tpu.memory_space<vmem>> -> memref<320x128xf32, #tpu.memory_space<vmem>>
        %get3A_1151 = arith.index_cast %add3A_1138 : i32 to index
        %get3A_1152 = arith.constant 16 : index
        %get3A_1153 = tpu.vector_load %get3A_1150[%get3A_1151, %get3A_1152] {strides = array<i32>} : memref<320x128xf32, #tpu.memory_space<vmem>>, vector<16xf32>,
        %mul3A_1154 = arith.mulf %get3A_190, %get3A_1153 : vector<16xf32>
        %add3A_1155 = arith.addf %mul3A_1146, %mul3A_1154 : vector<16xf32>
        %get3A_1156 = arith.constant 0 : i32
        %get3A_1157 = arith.constant 0 : i32
        %get3A_1158 = tpu.memref_slice %arg12[%scan3A_106, %get3A_1156, %get3A_1157] : memref<2x320x128xf32, #tpu.memory_space<vmem>> -> memref<1x320x128xf32, #tpu.memory_space<vmem>>
        %get3A_1159 = tpu.memref_squeeze %get3A_1158 : memref<1x320x128xf32, #tpu.memory_space<vmem>> -> memref<320x128xf32, #tpu.memory_space<vmem>>
        %get3A_1160 = arith.index_cast %add3A_1138 : i32 to index
        %get3A_1161 = arith.constant 32 : index
        %get3A_1162 = tpu.vector_load %get3A_1159[%get3A_1160, %get3A_1161] {strides = array<i32>} : memref<320x128xf32, #tpu.memory_space<vmem>>, vector<16xf32>,
        %mul3A_1163 = arith.mulf %get3A_197, %get3A_1162 : vector<16xf32>
        %add3A_1164 = arith.addf %add3A_1155, %mul3A_1163 : vector<16xf32>
        %get3A_1165 = arith.constant 0 : i32
        %get3A_1166 = arith.constant 0 : i32
        %get3A_1167 = tpu.memref_slice %arg12[%scan3A_106, %get3A_1165, %get3A_1166] : memref<2x320x128xf32, #tpu.memory_space<vmem>> -> memref<1x320x128xf32, #tpu.memory_space<vmem>>
        %get3A_1168 = tpu.memref_squeeze %get3A_1167 : memref<1x320x128xf32, #tpu.memory_space<vmem>> -> memref<320x128xf32, #tpu.memory_space<vmem>>
        %get3A_1169 = arith.index_cast %add3A_1138 : i32 to index
        %get3A_1170 = arith.constant 48 : index
        %get3A_1171 = tpu.vector_load %get3A_1168[%get3A_1169, %get3A_1170] {strides = array<i32>} : memref<320x128xf32, #tpu.memory_space<vmem>>, vector<16xf32>,
        %mul3A_1172 = arith.mulf %get3A_204, %get3A_1171 : vector<16xf32>
        %add3A_1173 = arith.addf %add3A_1164, %mul3A_1172 : vector<16xf32>
        %get3A_1174 = arith.constant 0 : i32
        %get3A_1175 = arith.constant 0 : i32
        %get3A_1176 = tpu.memref_slice %arg12[%scan3A_106, %get3A_1174, %get3A_1175] : memref<2x320x128xf32, #tpu.memory_space<vmem>> -> memref<1x320x128xf32, #tpu.memory_space<vmem>>
        %get3A_1177 = tpu.memref_squeeze %get3A_1176 : memref<1x320x128xf32, #tpu.memory_space<vmem>> -> memref<320x128xf32, #tpu.memory_space<vmem>>
        %get3A_1178 = arith.index_cast %add3A_1138 : i32 to index
        %get3A_1179 = arith.constant 64 : index
        %get3A_1180 = tpu.vector_load %get3A_1177[%get3A_1178, %get3A_1179] {strides = array<i32>} : memref<320x128xf32, #tpu.memory_space<vmem>>, vector<16xf32>,
        %mul3A_1181 = arith.mulf %get3A_211, %get3A_1180 : vector<16xf32>
        %add3A_1182 = arith.addf %add3A_1173, %mul3A_1181 : vector<16xf32>
        %get3A_1183 = arith.constant 0 : i32
        %get3A_1184 = arith.constant 0 : i32
        %get3A_1185 = tpu.memref_slice %arg12[%scan3A_106, %get3A_1183, %get3A_1184] : memref<2x320x128xf32, #tpu.memory_space<vmem>> -> memref<1x320x128xf32, #tpu.memory_space<vmem>>
        %get3A_1186 = tpu.memref_squeeze %get3A_1185 : memref<1x320x128xf32, #tpu.memory_space<vmem>> -> memref<320x128xf32, #tpu.memory_space<vmem>>
        %get3A_1187 = arith.index_cast %add3A_1138 : i32 to index
        %get3A_1188 = arith.constant 80 : index
        %get3A_1189 = tpu.vector_load %get3A_1186[%get3A_1187, %get3A_1188] {strides = array<i32>} : memref<320x128xf32, #tpu.memory_space<vmem>>, vector<16xf32>,
        %mul3A_1190 = arith.mulf %get3A_218, %get3A_1189 : vector<16xf32>
        %add3A_1191 = arith.addf %add3A_1182, %mul3A_1190 : vector<16xf32>
        %get3A_1192 = arith.constant 0 : i32
        %get3A_1193 = arith.constant 0 : i32
        %get3A_1194 = tpu.memref_slice %arg12[%scan3A_106, %get3A_1192, %get3A_1193] : memref<2x320x128xf32, #tpu.memory_space<vmem>> -> memref<1x320x128xf32, #tpu.memory_space<vmem>>
        %get3A_1195 = tpu.memref_squeeze %get3A_1194 : memref<1x320x128xf32, #tpu.memory_space<vmem>> -> memref<320x128xf32, #tpu.memory_space<vmem>>
        %get3A_1196 = arith.index_cast %add3A_1138 : i32 to index
        %get3A_1197 = arith.constant 96 : index
        %get3A_1198 = tpu.vector_load %get3A_1195[%get3A_1196, %get3A_1197] {strides = array<i32>} : memref<320x128xf32, #tpu.memory_space<vmem>>, vector<16xf32>,
        %mul3A_1199 = arith.mulf %get3A_225, %get3A_1198 : vector<16xf32>
        %add3A_1200 = arith.addf %add3A_1191, %mul3A_1199 : vector<16xf32>
        %get3A_1201 = arith.constant 0 : i32
        %get3A_1202 = arith.constant 0 : i32
        %get3A_1203 = tpu.memref_slice %arg12[%scan3A_106, %get3A_1201, %get3A_1202] : memref<2x320x128xf32, #tpu.memory_space<vmem>> -> memref<1x320x128xf32, #tpu.memory_space<vmem>>
        %get3A_1204 = tpu.memref_squeeze %get3A_1203 : memref<1x320x128xf32, #tpu.memory_space<vmem>> -> memref<320x128xf32, #tpu.memory_space<vmem>>
        %get3A_1205 = arith.index_cast %add3A_1138 : i32 to index
        %get3A_1206 = arith.constant 112 : index
        %get3A_1207 = tpu.vector_load %get3A_1204[%get3A_1205, %get3A_1206] {strides = array<i32>} : memref<320x128xf32, #tpu.memory_space<vmem>>, vector<16xf32>,
        %mul3A_1208 = arith.mulf %get3A_232, %get3A_1207 : vector<16xf32>
        %add3A_1209 = arith.addf %add3A_1200, %mul3A_1208 : vector<16xf32>
        %reduce_sum3A_1210 = arith.constant true
        %reduce_sum3A_1211 = vector.broadcast %reduce_sum3A_1210 : i1 to vector<16xi1>
        %reduce_sum3A_1212 = tpu.scan <sum>, %add3A_1209 masked %reduce_sum3A_1211 : vector<16xf32>, vector<16xi1> -> vector<16xf32>
        %reduce_sum3A_1213 = vector.extract %reduce_sum3A_1212[15] : f32 from vector<16xf32>
        %broadcast_in_dim3A_1214 = vector.broadcast %reduce_sum3A_1213 : f32 to vector<16xf32>
        %select_n3A_1215 = arith.select %eq3A_1136, %broadcast_in_dim3A_1214, %select_n3A_1133 : vector<16xi1>, vector<16xf32>
        %eq3A_1216 = arith.constant 12 : i32
        %eq3A_1217 = vector.broadcast %eq3A_1216 : i32 to vector<16xi32>
        %eq3A_1218 = arith.cmpi eq, %iota3A, %eq3A_1217 : vector<16xi32>
        %add3A_1219 = arith.constant 12 : i32
        %add3A_1220 = arith.addi %mul3A_234, %add3A_1219 : i32
        %get3A_1221 = arith.constant 0 : i32
        %get3A_1222 = arith.constant 0 : i32
        %get3A_1223 = tpu.memref_slice %arg12[%scan3A_106, %get3A_1221, %get3A_1222] : memref<2x320x128xf32, #tpu.memory_space<vmem>> -> memref<1x320x128xf32, #tpu.memory_space<vmem>>
        %get3A_1224 = tpu.memref_squeeze %get3A_1223 : memref<1x320x128xf32, #tpu.memory_space<vmem>> -> memref<320x128xf32, #tpu.memory_space<vmem>>
        %get3A_1225 = arith.index_cast %add3A_1220 : i32 to index
        %get3A_1226 = arith.constant 0 : index
        %get3A_1227 = tpu.vector_load %get3A_1224[%get3A_1225, %get3A_1226] {strides = array<i32>} : memref<320x128xf32, #tpu.memory_space<vmem>>, vector<16xf32>,
        %mul3A_1228 = arith.mulf %get3A_183, %get3A_1227 : vector<16xf32>
        %get3A_1229 = arith.constant 0 : i32
        %get3A_1230 = arith.constant 0 : i32
        %get3A_1231 = tpu.memref_slice %arg12[%scan3A_106, %get3A_1229, %get3A_1230] : memref<2x320x128xf32, #tpu.memory_space<vmem>> -> memref<1x320x128xf32, #tpu.memory_space<vmem>>
        %get3A_1232 = tpu.memref_squeeze %get3A_1231 : memref<1x320x128xf32, #tpu.memory_space<vmem>> -> memref<320x128xf32, #tpu.memory_space<vmem>>
        %get3A_1233 = arith.index_cast %add3A_1220 : i32 to index
        %get3A_1234 = arith.constant 16 : index
        %get3A_1235 = tpu.vector_load %get3A_1232[%get3A_1233, %get3A_1234] {strides = array<i32>} : memref<320x128xf32, #tpu.memory_space<vmem>>, vector<16xf32>,
        %mul3A_1236 = arith.mulf %get3A_190, %get3A_1235 : vector<16xf32>
        %add3A_1237 = arith.addf %mul3A_1228, %mul3A_1236 : vector<16xf32>
        %get3A_1238 = arith.constant 0 : i32
        %get3A_1239 = arith.constant 0 : i32
        %get3A_1240 = tpu.memref_slice %arg12[%scan3A_106, %get3A_1238, %get3A_1239] : memref<2x320x128xf32, #tpu.memory_space<vmem>> -> memref<1x320x128xf32, #tpu.memory_space<vmem>>
        %get3A_1241 = tpu.memref_squeeze %get3A_1240 : memref<1x320x128xf32, #tpu.memory_space<vmem>> -> memref<320x128xf32, #tpu.memory_space<vmem>>
        %get3A_1242 = arith.index_cast %add3A_1220 : i32 to index
        %get3A_1243 = arith.constant 32 : index
        %get3A_1244 = tpu.vector_load %get3A_1241[%get3A_1242, %get3A_1243] {strides = array<i32>} : memref<320x128xf32, #tpu.memory_space<vmem>>, vector<16xf32>,
        %mul3A_1245 = arith.mulf %get3A_197, %get3A_1244 : vector<16xf32>
        %add3A_1246 = arith.addf %add3A_1237, %mul3A_1245 : vector<16xf32>
        %get3A_1247 = arith.constant 0 : i32
        %get3A_1248 = arith.constant 0 : i32
        %get3A_1249 = tpu.memref_slice %arg12[%scan3A_106, %get3A_1247, %get3A_1248] : memref<2x320x128xf32, #tpu.memory_space<vmem>> -> memref<1x320x128xf32, #tpu.memory_space<vmem>>
        %get3A_1250 = tpu.memref_squeeze %get3A_1249 : memref<1x320x128xf32, #tpu.memory_space<vmem>> -> memref<320x128xf32, #tpu.memory_space<vmem>>
        %get3A_1251 = arith.index_cast %add3A_1220 : i32 to index
        %get3A_1252 = arith.constant 48 : index
        %get3A_1253 = tpu.vector_load %get3A_1250[%get3A_1251, %get3A_1252] {strides = array<i32>} : memref<320x128xf32, #tpu.memory_space<vmem>>, vector<16xf32>,
        %mul3A_1254 = arith.mulf %get3A_204, %get3A_1253 : vector<16xf32>
        %add3A_1255 = arith.addf %add3A_1246, %mul3A_1254 : vector<16xf32>
        %get3A_1256 = arith.constant 0 : i32
        %get3A_1257 = arith.constant 0 : i32
        %get3A_1258 = tpu.memref_slice %arg12[%scan3A_106, %get3A_1256, %get3A_1257] : memref<2x320x128xf32, #tpu.memory_space<vmem>> -> memref<1x320x128xf32, #tpu.memory_space<vmem>>
        %get3A_1259 = tpu.memref_squeeze %get3A_1258 : memref<1x320x128xf32, #tpu.memory_space<vmem>> -> memref<320x128xf32, #tpu.memory_space<vmem>>
        %get3A_1260 = arith.index_cast %add3A_1220 : i32 to index
        %get3A_1261 = arith.constant 64 : index
        %get3A_1262 = tpu.vector_load %get3A_1259[%get3A_1260, %get3A_1261] {strides = array<i32>} : memref<320x128xf32, #tpu.memory_space<vmem>>, vector<16xf32>,
        %mul3A_1263 = arith.mulf %get3A_211, %get3A_1262 : vector<16xf32>
        %add3A_1264 = arith.addf %add3A_1255, %mul3A_1263 : vector<16xf32>
        %get3A_1265 = arith.constant 0 : i32
        %get3A_1266 = arith.constant 0 : i32
        %get3A_1267 = tpu.memref_slice %arg12[%scan3A_106, %get3A_1265, %get3A_1266] : memref<2x320x128xf32, #tpu.memory_space<vmem>> -> memref<1x320x128xf32, #tpu.memory_space<vmem>>
        %get3A_1268 = tpu.memref_squeeze %get3A_1267 : memref<1x320x128xf32, #tpu.memory_space<vmem>> -> memref<320x128xf32, #tpu.memory_space<vmem>>
        %get3A_1269 = arith.index_cast %add3A_1220 : i32 to index
        %get3A_1270 = arith.constant 80 : index
        %get3A_1271 = tpu.vector_load %get3A_1268[%get3A_1269, %get3A_1270] {strides = array<i32>} : memref<320x128xf32, #tpu.memory_space<vmem>>, vector<16xf32>,
        %mul3A_1272 = arith.mulf %get3A_218, %get3A_1271 : vector<16xf32>
        %add3A_1273 = arith.addf %add3A_1264, %mul3A_1272 : vector<16xf32>
        %get3A_1274 = arith.constant 0 : i32
        %get3A_1275 = arith.constant 0 : i32
        %get3A_1276 = tpu.memref_slice %arg12[%scan3A_106, %get3A_1274, %get3A_1275] : memref<2x320x128xf32, #tpu.memory_space<vmem>> -> memref<1x320x128xf32, #tpu.memory_space<vmem>>
        %get3A_1277 = tpu.memref_squeeze %get3A_1276 : memref<1x320x128xf32, #tpu.memory_space<vmem>> -> memref<320x128xf32, #tpu.memory_space<vmem>>
        %get3A_1278 = arith.index_cast %add3A_1220 : i32 to index
        %get3A_1279 = arith.constant 96 : index
        %get3A_1280 = tpu.vector_load %get3A_1277[%get3A_1278, %get3A_1279] {strides = array<i32>} : memref<320x128xf32, #tpu.memory_space<vmem>>, vector<16xf32>,
        %mul3A_1281 = arith.mulf %get3A_225, %get3A_1280 : vector<16xf32>
        %add3A_1282 = arith.addf %add3A_1273, %mul3A_1281 : vector<16xf32>
        %get3A_1283 = arith.constant 0 : i32
        %get3A_1284 = arith.constant 0 : i32
        %get3A_1285 = tpu.memref_slice %arg12[%scan3A_106, %get3A_1283, %get3A_1284] : memref<2x320x128xf32, #tpu.memory_space<vmem>> -> memref<1x320x128xf32, #tpu.memory_space<vmem>>
        %get3A_1286 = tpu.memref_squeeze %get3A_1285 : memref<1x320x128xf32, #tpu.memory_space<vmem>> -> memref<320x128xf32, #tpu.memory_space<vmem>>
        %get3A_1287 = arith.index_cast %add3A_1220 : i32 to index
        %get3A_1288 = arith.constant 112 : index
        %get3A_1289 = tpu.vector_load %get3A_1286[%get3A_1287, %get3A_1288] {strides = array<i32>} : memref<320x128xf32, #tpu.memory_space<vmem>>, vector<16xf32>,
        %mul3A_1290 = arith.mulf %get3A_232, %get3A_1289 : vector<16xf32>
        %add3A_1291 = arith.addf %add3A_1282, %mul3A_1290 : vector<16xf32>
        %reduce_sum3A_1292 = arith.constant true
        %reduce_sum3A_1293 = vector.broadcast %reduce_sum3A_1292 : i1 to vector<16xi1>
        %reduce_sum3A_1294 = tpu.scan <sum>, %add3A_1291 masked %reduce_sum3A_1293 : vector<16xf32>, vector<16xi1> -> vector<16xf32>
        %reduce_sum3A_1295 = vector.extract %reduce_sum3A_1294[15] : f32 from vector<16xf32>
        %broadcast_in_dim3A_1296 = vector.broadcast %reduce_sum3A_1295 : f32 to vector<16xf32>
        %select_n3A_1297 = arith.select %eq3A_1218, %broadcast_in_dim3A_1296, %select_n3A_1215 : vector<16xi1>, vector<16xf32>
        %eq3A_1298 = arith.constant 13 : i32
        %eq3A_1299 = vector.broadcast %eq3A_1298 : i32 to vector<16xi32>
        %eq3A_1300 = arith.cmpi eq, %iota3A, %eq3A_1299 : vector<16xi32>
        %add3A_1301 = arith.constant 13 : i32
        %add3A_1302 = arith.addi %mul3A_234, %add3A_1301 : i32
        %get3A_1303 = arith.constant 0 : i32
        %get3A_1304 = arith.constant 0 : i32
        %get3A_1305 = tpu.memref_slice %arg12[%scan3A_106, %get3A_1303, %get3A_1304] : memref<2x320x128xf32, #tpu.memory_space<vmem>> -> memref<1x320x128xf32, #tpu.memory_space<vmem>>
        %get3A_1306 = tpu.memref_squeeze %get3A_1305 : memref<1x320x128xf32, #tpu.memory_space<vmem>> -> memref<320x128xf32, #tpu.memory_space<vmem>>
        %get3A_1307 = arith.index_cast %add3A_1302 : i32 to index
        %get3A_1308 = arith.constant 0 : index
        %get3A_1309 = tpu.vector_load %get3A_1306[%get3A_1307, %get3A_1308] {strides = array<i32>} : memref<320x128xf32, #tpu.memory_space<vmem>>, vector<16xf32>,
        %mul3A_1310 = arith.mulf %get3A_183, %get3A_1309 : vector<16xf32>
        %get3A_1311 = arith.constant 0 : i32
        %get3A_1312 = arith.constant 0 : i32
        %get3A_1313 = tpu.memref_slice %arg12[%scan3A_106, %get3A_1311, %get3A_1312] : memref<2x320x128xf32, #tpu.memory_space<vmem>> -> memref<1x320x128xf32, #tpu.memory_space<vmem>>
        %get3A_1314 = tpu.memref_squeeze %get3A_1313 : memref<1x320x128xf32, #tpu.memory_space<vmem>> -> memref<320x128xf32, #tpu.memory_space<vmem>>
        %get3A_1315 = arith.index_cast %add3A_1302 : i32 to index
        %get3A_1316 = arith.constant 16 : index
        %get3A_1317 = tpu.vector_load %get3A_1314[%get3A_1315, %get3A_1316] {strides = array<i32>} : memref<320x128xf32, #tpu.memory_space<vmem>>, vector<16xf32>,
        %mul3A_1318 = arith.mulf %get3A_190, %get3A_1317 : vector<16xf32>
        %add3A_1319 = arith.addf %mul3A_1310, %mul3A_1318 : vector<16xf32>
        %get3A_1320 = arith.constant 0 : i32
        %get3A_1321 = arith.constant 0 : i32
        %get3A_1322 = tpu.memref_slice %arg12[%scan3A_106, %get3A_1320, %get3A_1321] : memref<2x320x128xf32, #tpu.memory_space<vmem>> -> memref<1x320x128xf32, #tpu.memory_space<vmem>>
        %get3A_1323 = tpu.memref_squeeze %get3A_1322 : memref<1x320x128xf32, #tpu.memory_space<vmem>> -> memref<320x128xf32, #tpu.memory_space<vmem>>
        %get3A_1324 = arith.index_cast %add3A_1302 : i32 to index
        %get3A_1325 = arith.constant 32 : index
        %get3A_1326 = tpu.vector_load %get3A_1323[%get3A_1324, %get3A_1325] {strides = array<i32>} : memref<320x128xf32, #tpu.memory_space<vmem>>, vector<16xf32>,
        %mul3A_1327 = arith.mulf %get3A_197, %get3A_1326 : vector<16xf32>
        %add3A_1328 = arith.addf %add3A_1319, %mul3A_1327 : vector<16xf32>
        %get3A_1329 = arith.constant 0 : i32
        %get3A_1330 = arith.constant 0 : i32
        %get3A_1331 = tpu.memref_slice %arg12[%scan3A_106, %get3A_1329, %get3A_1330] : memref<2x320x128xf32, #tpu.memory_space<vmem>> -> memref<1x320x128xf32, #tpu.memory_space<vmem>>
        %get3A_1332 = tpu.memref_squeeze %get3A_1331 : memref<1x320x128xf32, #tpu.memory_space<vmem>> -> memref<320x128xf32, #tpu.memory_space<vmem>>
        %get3A_1333 = arith.index_cast %add3A_1302 : i32 to index
        %get3A_1334 = arith.constant 48 : index
        %get3A_1335 = tpu.vector_load %get3A_1332[%get3A_1333, %get3A_1334] {strides = array<i32>} : memref<320x128xf32, #tpu.memory_space<vmem>>, vector<16xf32>,
        %mul3A_1336 = arith.mulf %get3A_204, %get3A_1335 : vector<16xf32>
        %add3A_1337 = arith.addf %add3A_1328, %mul3A_1336 : vector<16xf32>
        %get3A_1338 = arith.constant 0 : i32
        %get3A_1339 = arith.constant 0 : i32
        %get3A_1340 = tpu.memref_slice %arg12[%scan3A_106, %get3A_1338, %get3A_1339] : memref<2x320x128xf32, #tpu.memory_space<vmem>> -> memref<1x320x128xf32, #tpu.memory_space<vmem>>
        %get3A_1341 = tpu.memref_squeeze %get3A_1340 : memref<1x320x128xf32, #tpu.memory_space<vmem>> -> memref<320x128xf32, #tpu.memory_space<vmem>>
        %get3A_1342 = arith.index_cast %add3A_1302 : i32 to index
        %get3A_1343 = arith.constant 64 : index
        %get3A_1344 = tpu.vector_load %get3A_1341[%get3A_1342, %get3A_1343] {strides = array<i32>} : memref<320x128xf32, #tpu.memory_space<vmem>>, vector<16xf32>,
        %mul3A_1345 = arith.mulf %get3A_211, %get3A_1344 : vector<16xf32>
        %add3A_1346 = arith.addf %add3A_1337, %mul3A_1345 : vector<16xf32>
        %get3A_1347 = arith.constant 0 : i32
        %get3A_1348 = arith.constant 0 : i32
        %get3A_1349 = tpu.memref_slice %arg12[%scan3A_106, %get3A_1347, %get3A_1348] : memref<2x320x128xf32, #tpu.memory_space<vmem>> -> memref<1x320x128xf32, #tpu.memory_space<vmem>>
        %get3A_1350 = tpu.memref_squeeze %get3A_1349 : memref<1x320x128xf32, #tpu.memory_space<vmem>> -> memref<320x128xf32, #tpu.memory_space<vmem>>
        %get3A_1351 = arith.index_cast %add3A_1302 : i32 to index
        %get3A_1352 = arith.constant 80 : index
        %get3A_1353 = tpu.vector_load %get3A_1350[%get3A_1351, %get3A_1352] {strides = array<i32>} : memref<320x128xf32, #tpu.memory_space<vmem>>, vector<16xf32>,
        %mul3A_1354 = arith.mulf %get3A_218, %get3A_1353 : vector<16xf32>
        %add3A_1355 = arith.addf %add3A_1346, %mul3A_1354 : vector<16xf32>
        %get3A_1356 = arith.constant 0 : i32
        %get3A_1357 = arith.constant 0 : i32
        %get3A_1358 = tpu.memref_slice %arg12[%scan3A_106, %get3A_1356, %get3A_1357] : memref<2x320x128xf32, #tpu.memory_space<vmem>> -> memref<1x320x128xf32, #tpu.memory_space<vmem>>
        %get3A_1359 = tpu.memref_squeeze %get3A_1358 : memref<1x320x128xf32, #tpu.memory_space<vmem>> -> memref<320x128xf32, #tpu.memory_space<vmem>>
        %get3A_1360 = arith.index_cast %add3A_1302 : i32 to index
        %get3A_1361 = arith.constant 96 : index
        %get3A_1362 = tpu.vector_load %get3A_1359[%get3A_1360, %get3A_1361] {strides = array<i32>} : memref<320x128xf32, #tpu.memory_space<vmem>>, vector<16xf32>,
        %mul3A_1363 = arith.mulf %get3A_225, %get3A_1362 : vector<16xf32>
        %add3A_1364 = arith.addf %add3A_1355, %mul3A_1363 : vector<16xf32>
        %get3A_1365 = arith.constant 0 : i32
        %get3A_1366 = arith.constant 0 : i32
        %get3A_1367 = tpu.memref_slice %arg12[%scan3A_106, %get3A_1365, %get3A_1366] : memref<2x320x128xf32, #tpu.memory_space<vmem>> -> memref<1x320x128xf32, #tpu.memory_space<vmem>>
        %get3A_1368 = tpu.memref_squeeze %get3A_1367 : memref<1x320x128xf32, #tpu.memory_space<vmem>> -> memref<320x128xf32, #tpu.memory_space<vmem>>
        %get3A_1369 = arith.index_cast %add3A_1302 : i32 to index
        %get3A_1370 = arith.constant 112 : index
        %get3A_1371 = tpu.vector_load %get3A_1368[%get3A_1369, %get3A_1370] {strides = array<i32>} : memref<320x128xf32, #tpu.memory_space<vmem>>, vector<16xf32>,
        %mul3A_1372 = arith.mulf %get3A_232, %get3A_1371 : vector<16xf32>
        %add3A_1373 = arith.addf %add3A_1364, %mul3A_1372 : vector<16xf32>
        %reduce_sum3A_1374 = arith.constant true
        %reduce_sum3A_1375 = vector.broadcast %reduce_sum3A_1374 : i1 to vector<16xi1>
        %reduce_sum3A_1376 = tpu.scan <sum>, %add3A_1373 masked %reduce_sum3A_1375 : vector<16xf32>, vector<16xi1> -> vector<16xf32>
        %reduce_sum3A_1377 = vector.extract %reduce_sum3A_1376[15] : f32 from vector<16xf32>
        %broadcast_in_dim3A_1378 = vector.broadcast %reduce_sum3A_1377 : f32 to vector<16xf32>
        %select_n3A_1379 = arith.select %eq3A_1300, %broadcast_in_dim3A_1378, %select_n3A_1297 : vector<16xi1>, vector<16xf32>
        %eq3A_1380 = arith.constant 14 : i32
        %eq3A_1381 = vector.broadcast %eq3A_1380 : i32 to vector<16xi32>
        %eq3A_1382 = arith.cmpi eq, %iota3A, %eq3A_1381 : vector<16xi32>
        %add3A_1383 = arith.constant 14 : i32
        %add3A_1384 = arith.addi %mul3A_234, %add3A_1383 : i32
        %get3A_1385 = arith.constant 0 : i32
        %get3A_1386 = arith.constant 0 : i32
        %get3A_1387 = tpu.memref_slice %arg12[%scan3A_106, %get3A_1385, %get3A_1386] : memref<2x320x128xf32, #tpu.memory_space<vmem>> -> memref<1x320x128xf32, #tpu.memory_space<vmem>>
        %get3A_1388 = tpu.memref_squeeze %get3A_1387 : memref<1x320x128xf32, #tpu.memory_space<vmem>> -> memref<320x128xf32, #tpu.memory_space<vmem>>
        %get3A_1389 = arith.index_cast %add3A_1384 : i32 to index
        %get3A_1390 = arith.constant 0 : index
        %get3A_1391 = tpu.vector_load %get3A_1388[%get3A_1389, %get3A_1390] {strides = array<i32>} : memref<320x128xf32, #tpu.memory_space<vmem>>, vector<16xf32>,
        %mul3A_1392 = arith.mulf %get3A_183, %get3A_1391 : vector<16xf32>
        %get3A_1393 = arith.constant 0 : i32
        %get3A_1394 = arith.constant 0 : i32
        %get3A_1395 = tpu.memref_slice %arg12[%scan3A_106, %get3A_1393, %get3A_1394] : memref<2x320x128xf32, #tpu.memory_space<vmem>> -> memref<1x320x128xf32, #tpu.memory_space<vmem>>
        %get3A_1396 = tpu.memref_squeeze %get3A_1395 : memref<1x320x128xf32, #tpu.memory_space<vmem>> -> memref<320x128xf32, #tpu.memory_space<vmem>>
        %get3A_1397 = arith.index_cast %add3A_1384 : i32 to index
        %get3A_1398 = arith.constant 16 : index
        %get3A_1399 = tpu.vector_load %get3A_1396[%get3A_1397, %get3A_1398] {strides = array<i32>} : memref<320x128xf32, #tpu.memory_space<vmem>>, vector<16xf32>,
        %mul3A_1400 = arith.mulf %get3A_190, %get3A_1399 : vector<16xf32>
        %add3A_1401 = arith.addf %mul3A_1392, %mul3A_1400 : vector<16xf32>
        %get3A_1402 = arith.constant 0 : i32
        %get3A_1403 = arith.constant 0 : i32
        %get3A_1404 = tpu.memref_slice %arg12[%scan3A_106, %get3A_1402, %get3A_1403] : memref<2x320x128xf32, #tpu.memory_space<vmem>> -> memref<1x320x128xf32, #tpu.memory_space<vmem>>
        %get3A_1405 = tpu.memref_squeeze %get3A_1404 : memref<1x320x128xf32, #tpu.memory_space<vmem>> -> memref<320x128xf32, #tpu.memory_space<vmem>>
        %get3A_1406 = arith.index_cast %add3A_1384 : i32 to index
        %get3A_1407 = arith.constant 32 : index
        %get3A_1408 = tpu.vector_load %get3A_1405[%get3A_1406, %get3A_1407] {strides = array<i32>} : memref<320x128xf32, #tpu.memory_space<vmem>>, vector<16xf32>,
        %mul3A_1409 = arith.mulf %get3A_197, %get3A_1408 : vector<16xf32>
        %add3A_1410 = arith.addf %add3A_1401, %mul3A_1409 : vector<16xf32>
        %get3A_1411 = arith.constant 0 : i32
        %get3A_1412 = arith.constant 0 : i32
        %get3A_1413 = tpu.memref_slice %arg12[%scan3A_106, %get3A_1411, %get3A_1412] : memref<2x320x128xf32, #tpu.memory_space<vmem>> -> memref<1x320x128xf32, #tpu.memory_space<vmem>>
        %get3A_1414 = tpu.memref_squeeze %get3A_1413 : memref<1x320x128xf32, #tpu.memory_space<vmem>> -> memref<320x128xf32, #tpu.memory_space<vmem>>
        %get3A_1415 = arith.index_cast %add3A_1384 : i32 to index
        %get3A_1416 = arith.constant 48 : index
        %get3A_1417 = tpu.vector_load %get3A_1414[%get3A_1415, %get3A_1416] {strides = array<i32>} : memref<320x128xf32, #tpu.memory_space<vmem>>, vector<16xf32>,
        %mul3A_1418 = arith.mulf %get3A_204, %get3A_1417 : vector<16xf32>
        %add3A_1419 = arith.addf %add3A_1410, %mul3A_1418 : vector<16xf32>
        %get3A_1420 = arith.constant 0 : i32
        %get3A_1421 = arith.constant 0 : i32
        %get3A_1422 = tpu.memref_slice %arg12[%scan3A_106, %get3A_1420, %get3A_1421] : memref<2x320x128xf32, #tpu.memory_space<vmem>> -> memref<1x320x128xf32, #tpu.memory_space<vmem>>
        %get3A_1423 = tpu.memref_squeeze %get3A_1422 : memref<1x320x128xf32, #tpu.memory_space<vmem>> -> memref<320x128xf32, #tpu.memory_space<vmem>>
        %get3A_1424 = arith.index_cast %add3A_1384 : i32 to index
        %get3A_1425 = arith.constant 64 : index
        %get3A_1426 = tpu.vector_load %get3A_1423[%get3A_1424, %get3A_1425] {strides = array<i32>} : memref<320x128xf32, #tpu.memory_space<vmem>>, vector<16xf32>,
        %mul3A_1427 = arith.mulf %get3A_211, %get3A_1426 : vector<16xf32>
        %add3A_1428 = arith.addf %add3A_1419, %mul3A_1427 : vector<16xf32>
        %get3A_1429 = arith.constant 0 : i32
        %get3A_1430 = arith.constant 0 : i32
        %get3A_1431 = tpu.memref_slice %arg12[%scan3A_106, %get3A_1429, %get3A_1430] : memref<2x320x128xf32, #tpu.memory_space<vmem>> -> memref<1x320x128xf32, #tpu.memory_space<vmem>>
        %get3A_1432 = tpu.memref_squeeze %get3A_1431 : memref<1x320x128xf32, #tpu.memory_space<vmem>> -> memref<320x128xf32, #tpu.memory_space<vmem>>
        %get3A_1433 = arith.index_cast %add3A_1384 : i32 to index
        %get3A_1434 = arith.constant 80 : index
        %get3A_1435 = tpu.vector_load %get3A_1432[%get3A_1433, %get3A_1434] {strides = array<i32>} : memref<320x128xf32, #tpu.memory_space<vmem>>, vector<16xf32>,
        %mul3A_1436 = arith.mulf %get3A_218, %get3A_1435 : vector<16xf32>
        %add3A_1437 = arith.addf %add3A_1428, %mul3A_1436 : vector<16xf32>
        %get3A_1438 = arith.constant 0 : i32
        %get3A_1439 = arith.constant 0 : i32
        %get3A_1440 = tpu.memref_slice %arg12[%scan3A_106, %get3A_1438, %get3A_1439] : memref<2x320x128xf32, #tpu.memory_space<vmem>> -> memref<1x320x128xf32, #tpu.memory_space<vmem>>
        %get3A_1441 = tpu.memref_squeeze %get3A_1440 : memref<1x320x128xf32, #tpu.memory_space<vmem>> -> memref<320x128xf32, #tpu.memory_space<vmem>>
        %get3A_1442 = arith.index_cast %add3A_1384 : i32 to index
        %get3A_1443 = arith.constant 96 : index
        %get3A_1444 = tpu.vector_load %get3A_1441[%get3A_1442, %get3A_1443] {strides = array<i32>} : memref<320x128xf32, #tpu.memory_space<vmem>>, vector<16xf32>,
        %mul3A_1445 = arith.mulf %get3A_225, %get3A_1444 : vector<16xf32>
        %add3A_1446 = arith.addf %add3A_1437, %mul3A_1445 : vector<16xf32>
        %get3A_1447 = arith.constant 0 : i32
        %get3A_1448 = arith.constant 0 : i32
        %get3A_1449 = tpu.memref_slice %arg12[%scan3A_106, %get3A_1447, %get3A_1448] : memref<2x320x128xf32, #tpu.memory_space<vmem>> -> memref<1x320x128xf32, #tpu.memory_space<vmem>>
        %get3A_1450 = tpu.memref_squeeze %get3A_1449 : memref<1x320x128xf32, #tpu.memory_space<vmem>> -> memref<320x128xf32, #tpu.memory_space<vmem>>
        %get3A_1451 = arith.index_cast %add3A_1384 : i32 to index
        %get3A_1452 = arith.constant 112 : index
        %get3A_1453 = tpu.vector_load %get3A_1450[%get3A_1451, %get3A_1452] {strides = array<i32>} : memref<320x128xf32, #tpu.memory_space<vmem>>, vector<16xf32>,
        %mul3A_1454 = arith.mulf %get3A_232, %get3A_1453 : vector<16xf32>
        %add3A_1455 = arith.addf %add3A_1446, %mul3A_1454 : vector<16xf32>
        %reduce_sum3A_1456 = arith.constant true
        %reduce_sum3A_1457 = vector.broadcast %reduce_sum3A_1456 : i1 to vector<16xi1>
        %reduce_sum3A_1458 = tpu.scan <sum>, %add3A_1455 masked %reduce_sum3A_1457 : vector<16xf32>, vector<16xi1> -> vector<16xf32>
        %reduce_sum3A_1459 = vector.extract %reduce_sum3A_1458[15] : f32 from vector<16xf32>
        %broadcast_in_dim3A_1460 = vector.broadcast %reduce_sum3A_1459 : f32 to vector<16xf32>
        %select_n3A_1461 = arith.select %eq3A_1382, %broadcast_in_dim3A_1460, %select_n3A_1379 : vector<16xi1>, vector<16xf32>
        %eq3A_1462 = arith.constant 15 : i32
        %eq3A_1463 = vector.broadcast %eq3A_1462 : i32 to vector<16xi32>
        %eq3A_1464 = arith.cmpi eq, %iota3A, %eq3A_1463 : vector<16xi32>
        %add3A_1465 = arith.constant 15 : i32
        %add3A_1466 = arith.addi %mul3A_234, %add3A_1465 : i32
        %get3A_1467 = arith.constant 0 : i32
        %get3A_1468 = arith.constant 0 : i32
        %get3A_1469 = tpu.memref_slice %arg12[%scan3A_106, %get3A_1467, %get3A_1468] : memref<2x320x128xf32, #tpu.memory_space<vmem>> -> memref<1x320x128xf32, #tpu.memory_space<vmem>>
        %get3A_1470 = tpu.memref_squeeze %get3A_1469 : memref<1x320x128xf32, #tpu.memory_space<vmem>> -> memref<320x128xf32, #tpu.memory_space<vmem>>
        %get3A_1471 = arith.index_cast %add3A_1466 : i32 to index
        %get3A_1472 = arith.constant 0 : index
        %get3A_1473 = tpu.vector_load %get3A_1470[%get3A_1471, %get3A_1472] {strides = array<i32>} : memref<320x128xf32, #tpu.memory_space<vmem>>, vector<16xf32>,
        %mul3A_1474 = arith.mulf %get3A_183, %get3A_1473 : vector<16xf32>
        %get3A_1475 = arith.constant 0 : i32
        %get3A_1476 = arith.constant 0 : i32
        %get3A_1477 = tpu.memref_slice %arg12[%scan3A_106, %get3A_1475, %get3A_1476] : memref<2x320x128xf32, #tpu.memory_space<vmem>> -> memref<1x320x128xf32, #tpu.memory_space<vmem>>
        %get3A_1478 = tpu.memref_squeeze %get3A_1477 : memref<1x320x128xf32, #tpu.memory_space<vmem>> -> memref<320x128xf32, #tpu.memory_space<vmem>>
        %get3A_1479 = arith.index_cast %add3A_1466 : i32 to index
        %get3A_1480 = arith.constant 16 : index
        %get3A_1481 = tpu.vector_load %get3A_1478[%get3A_1479, %get3A_1480] {strides = array<i32>} : memref<320x128xf32, #tpu.memory_space<vmem>>, vector<16xf32>,
        %mul3A_1482 = arith.mulf %get3A_190, %get3A_1481 : vector<16xf32>
        %add3A_1483 = arith.addf %mul3A_1474, %mul3A_1482 : vector<16xf32>
        %get3A_1484 = arith.constant 0 : i32
        %get3A_1485 = arith.constant 0 : i32
        %get3A_1486 = tpu.memref_slice %arg12[%scan3A_106, %get3A_1484, %get3A_1485] : memref<2x320x128xf32, #tpu.memory_space<vmem>> -> memref<1x320x128xf32, #tpu.memory_space<vmem>>
        %get3A_1487 = tpu.memref_squeeze %get3A_1486 : memref<1x320x128xf32, #tpu.memory_space<vmem>> -> memref<320x128xf32, #tpu.memory_space<vmem>>
        %get3A_1488 = arith.index_cast %add3A_1466 : i32 to index
        %get3A_1489 = arith.constant 32 : index
        %get3A_1490 = tpu.vector_load %get3A_1487[%get3A_1488, %get3A_1489] {strides = array<i32>} : memref<320x128xf32, #tpu.memory_space<vmem>>, vector<16xf32>,
        %mul3A_1491 = arith.mulf %get3A_197, %get3A_1490 : vector<16xf32>
        %add3A_1492 = arith.addf %add3A_1483, %mul3A_1491 : vector<16xf32>
        %get3A_1493 = arith.constant 0 : i32
        %get3A_1494 = arith.constant 0 : i32
        %get3A_1495 = tpu.memref_slice %arg12[%scan3A_106, %get3A_1493, %get3A_1494] : memref<2x320x128xf32, #tpu.memory_space<vmem>> -> memref<1x320x128xf32, #tpu.memory_space<vmem>>
        %get3A_1496 = tpu.memref_squeeze %get3A_1495 : memref<1x320x128xf32, #tpu.memory_space<vmem>> -> memref<320x128xf32, #tpu.memory_space<vmem>>
        %get3A_1497 = arith.index_cast %add3A_1466 : i32 to index
        %get3A_1498 = arith.constant 48 : index
        %get3A_1499 = tpu.vector_load %get3A_1496[%get3A_1497, %get3A_1498] {strides = array<i32>} : memref<320x128xf32, #tpu.memory_space<vmem>>, vector<16xf32>,
        %mul3A_1500 = arith.mulf %get3A_204, %get3A_1499 : vector<16xf32>
        %add3A_1501 = arith.addf %add3A_1492, %mul3A_1500 : vector<16xf32>
        %get3A_1502 = arith.constant 0 : i32
        %get3A_1503 = arith.constant 0 : i32
        %get3A_1504 = tpu.memref_slice %arg12[%scan3A_106, %get3A_1502, %get3A_1503] : memref<2x320x128xf32, #tpu.memory_space<vmem>> -> memref<1x320x128xf32, #tpu.memory_space<vmem>>
        %get3A_1505 = tpu.memref_squeeze %get3A_1504 : memref<1x320x128xf32, #tpu.memory_space<vmem>> -> memref<320x128xf32, #tpu.memory_space<vmem>>
        %get3A_1506 = arith.index_cast %add3A_1466 : i32 to index
        %get3A_1507 = arith.constant 64 : index
        %get3A_1508 = tpu.vector_load %get3A_1505[%get3A_1506, %get3A_1507] {strides = array<i32>} : memref<320x128xf32, #tpu.memory_space<vmem>>, vector<16xf32>,
        %mul3A_1509 = arith.mulf %get3A_211, %get3A_1508 : vector<16xf32>
        %add3A_1510 = arith.addf %add3A_1501, %mul3A_1509 : vector<16xf32>
        %get3A_1511 = arith.constant 0 : i32
        %get3A_1512 = arith.constant 0 : i32
        %get3A_1513 = tpu.memref_slice %arg12[%scan3A_106, %get3A_1511, %get3A_1512] : memref<2x320x128xf32, #tpu.memory_space<vmem>> -> memref<1x320x128xf32, #tpu.memory_space<vmem>>
        %get3A_1514 = tpu.memref_squeeze %get3A_1513 : memref<1x320x128xf32, #tpu.memory_space<vmem>> -> memref<320x128xf32, #tpu.memory_space<vmem>>
        %get3A_1515 = arith.index_cast %add3A_1466 : i32 to index
        %get3A_1516 = arith.constant 80 : index
        %get3A_1517 = tpu.vector_load %get3A_1514[%get3A_1515, %get3A_1516] {strides = array<i32>} : memref<320x128xf32, #tpu.memory_space<vmem>>, vector<16xf32>,
        %mul3A_1518 = arith.mulf %get3A_218, %get3A_1517 : vector<16xf32>
        %add3A_1519 = arith.addf %add3A_1510, %mul3A_1518 : vector<16xf32>
        %get3A_1520 = arith.constant 0 : i32
        %get3A_1521 = arith.constant 0 : i32
        %get3A_1522 = tpu.memref_slice %arg12[%scan3A_106, %get3A_1520, %get3A_1521] : memref<2x320x128xf32, #tpu.memory_space<vmem>> -> memref<1x320x128xf32, #tpu.memory_space<vmem>>
        %get3A_1523 = tpu.memref_squeeze %get3A_1522 : memref<1x320x128xf32, #tpu.memory_space<vmem>> -> memref<320x128xf32, #tpu.memory_space<vmem>>
        %get3A_1524 = arith.index_cast %add3A_1466 : i32 to index
        %get3A_1525 = arith.constant 96 : index
        %get3A_1526 = tpu.vector_load %get3A_1523[%get3A_1524, %get3A_1525] {strides = array<i32>} : memref<320x128xf32, #tpu.memory_space<vmem>>, vector<16xf32>,
        %mul3A_1527 = arith.mulf %get3A_225, %get3A_1526 : vector<16xf32>
        %add3A_1528 = arith.addf %add3A_1519, %mul3A_1527 : vector<16xf32>
        %get3A_1529 = arith.constant 0 : i32
        %get3A_1530 = arith.constant 0 : i32
        %get3A_1531 = tpu.memref_slice %arg12[%scan3A_106, %get3A_1529, %get3A_1530] : memref<2x320x128xf32, #tpu.memory_space<vmem>> -> memref<1x320x128xf32, #tpu.memory_space<vmem>>
        %get3A_1532 = tpu.memref_squeeze %get3A_1531 : memref<1x320x128xf32, #tpu.memory_space<vmem>> -> memref<320x128xf32, #tpu.memory_space<vmem>>
        %get3A_1533 = arith.index_cast %add3A_1466 : i32 to index
        %get3A_1534 = arith.constant 112 : index
        %get3A_1535 = tpu.vector_load %get3A_1532[%get3A_1533, %get3A_1534] {strides = array<i32>} : memref<320x128xf32, #tpu.memory_space<vmem>>, vector<16xf32>,
        %mul3A_1536 = arith.mulf %get3A_232, %get3A_1535 : vector<16xf32>
        %add3A_1537 = arith.addf %add3A_1528, %mul3A_1536 : vector<16xf32>
        %reduce_sum3A_1538 = arith.constant true
        %reduce_sum3A_1539 = vector.broadcast %reduce_sum3A_1538 : i1 to vector<16xi1>
        %reduce_sum3A_1540 = tpu.scan <sum>, %add3A_1537 masked %reduce_sum3A_1539 : vector<16xf32>, vector<16xi1> -> vector<16xf32>
        %reduce_sum3A_1541 = vector.extract %reduce_sum3A_1540[15] : f32 from vector<16xf32>
        %broadcast_in_dim3A_1542 = vector.broadcast %reduce_sum3A_1541 : f32 to vector<16xf32>
        %select_n3A_1543 = arith.select %eq3A_1464, %broadcast_in_dim3A_1542, %select_n3A_1461 : vector<16xi1>, vector<16xf32>
        %eq3A_1544 = arith.constant 4 : i32
        %eq3A_1545 = vector.broadcast %eq3A_1544 : i32 to vector<16xi32>
        %eq3A_1546 = arith.cmpi eq, %iota3A, %eq3A_1545 : vector<16xi32>
        %get3A_1547 = arith.constant 0 : i32
        %get3A_1548 = arith.constant 0 : i32
        %get3A_1549 = tpu.memref_slice %arg14[%scan3A_107, %get3A_1547, %get3A_1548] : memref<2x16x128xf32, #tpu.memory_space<vmem>> -> memref<1x16x128xf32, #tpu.memory_space<vmem>>
        %get3A_1550 = tpu.memref_squeeze %get3A_1549 : memref<1x16x128xf32, #tpu.memory_space<vmem>> -> memref<16x128xf32, #tpu.memory_space<vmem>>
        %get3A_1551 = arith.index_cast %scan3A_176 : i32 to index
        %get3A_1552 = arith.constant 0 : index
        %get3A_1553 = tpu.vector_load %get3A_1550[%get3A_1551, %get3A_1552] {strides = array<i32>} : memref<16x128xf32, #tpu.memory_space<vmem>>, vector<16xf32>,
        %mul3A_1554 = arith.mulf %get3A_183, %get3A_1553 : vector<16xf32>
        %get3A_1555 = arith.constant 0 : i32
        %get3A_1556 = arith.constant 0 : i32
        %get3A_1557 = tpu.memref_slice %arg14[%scan3A_107, %get3A_1555, %get3A_1556] : memref<2x16x128xf32, #tpu.memory_space<vmem>> -> memref<1x16x128xf32, #tpu.memory_space<vmem>>
        %get3A_1558 = tpu.memref_squeeze %get3A_1557 : memref<1x16x128xf32, #tpu.memory_space<vmem>> -> memref<16x128xf32, #tpu.memory_space<vmem>>
        %get3A_1559 = arith.index_cast %scan3A_176 : i32 to index
        %get3A_1560 = arith.constant 16 : index
        %get3A_1561 = tpu.vector_load %get3A_1558[%get3A_1559, %get3A_1560] {strides = array<i32>} : memref<16x128xf32, #tpu.memory_space<vmem>>, vector<16xf32>,
        %mul3A_1562 = arith.mulf %get3A_190, %get3A_1561 : vector<16xf32>
        %add3A_1563 = arith.addf %mul3A_1554, %mul3A_1562 : vector<16xf32>
        %get3A_1564 = arith.constant 0 : i32
        %get3A_1565 = arith.constant 0 : i32
        %get3A_1566 = tpu.memref_slice %arg14[%scan3A_107, %get3A_1564, %get3A_1565] : memref<2x16x128xf32, #tpu.memory_space<vmem>> -> memref<1x16x128xf32, #tpu.memory_space<vmem>>
        %get3A_1567 = tpu.memref_squeeze %get3A_1566 : memref<1x16x128xf32, #tpu.memory_space<vmem>> -> memref<16x128xf32, #tpu.memory_space<vmem>>
        %get3A_1568 = arith.index_cast %scan3A_176 : i32 to index
        %get3A_1569 = arith.constant 32 : index
        %get3A_1570 = tpu.vector_load %get3A_1567[%get3A_1568, %get3A_1569] {strides = array<i32>} : memref<16x128xf32, #tpu.memory_space<vmem>>, vector<16xf32>,
        %mul3A_1571 = arith.mulf %get3A_197, %get3A_1570 : vector<16xf32>
        %add3A_1572 = arith.addf %add3A_1563, %mul3A_1571 : vector<16xf32>
        %get3A_1573 = arith.constant 0 : i32
        %get3A_1574 = arith.constant 0 : i32
        %get3A_1575 = tpu.memref_slice %arg14[%scan3A_107, %get3A_1573, %get3A_1574] : memref<2x16x128xf32, #tpu.memory_space<vmem>> -> memref<1x16x128xf32, #tpu.memory_space<vmem>>
        %get3A_1576 = tpu.memref_squeeze %get3A_1575 : memref<1x16x128xf32, #tpu.memory_space<vmem>> -> memref<16x128xf32, #tpu.memory_space<vmem>>
        %get3A_1577 = arith.index_cast %scan3A_176 : i32 to index
        %get3A_1578 = arith.constant 48 : index
        %get3A_1579 = tpu.vector_load %get3A_1576[%get3A_1577, %get3A_1578] {strides = array<i32>} : memref<16x128xf32, #tpu.memory_space<vmem>>, vector<16xf32>,
        %mul3A_1580 = arith.mulf %get3A_204, %get3A_1579 : vector<16xf32>
        %add3A_1581 = arith.addf %add3A_1572, %mul3A_1580 : vector<16xf32>
        %get3A_1582 = arith.constant 0 : i32
        %get3A_1583 = arith.constant 0 : i32
        %get3A_1584 = tpu.memref_slice %arg14[%scan3A_107, %get3A_1582, %get3A_1583] : memref<2x16x128xf32, #tpu.memory_space<vmem>> -> memref<1x16x128xf32, #tpu.memory_space<vmem>>
        %get3A_1585 = tpu.memref_squeeze %get3A_1584 : memref<1x16x128xf32, #tpu.memory_space<vmem>> -> memref<16x128xf32, #tpu.memory_space<vmem>>
        %get3A_1586 = arith.index_cast %scan3A_176 : i32 to index
        %get3A_1587 = arith.constant 64 : index
        %get3A_1588 = tpu.vector_load %get3A_1585[%get3A_1586, %get3A_1587] {strides = array<i32>} : memref<16x128xf32, #tpu.memory_space<vmem>>, vector<16xf32>,
        %mul3A_1589 = arith.mulf %get3A_211, %get3A_1588 : vector<16xf32>
        %add3A_1590 = arith.addf %add3A_1581, %mul3A_1589 : vector<16xf32>
        %get3A_1591 = arith.constant 0 : i32
        %get3A_1592 = arith.constant 0 : i32
        %get3A_1593 = tpu.memref_slice %arg14[%scan3A_107, %get3A_1591, %get3A_1592] : memref<2x16x128xf32, #tpu.memory_space<vmem>> -> memref<1x16x128xf32, #tpu.memory_space<vmem>>
        %get3A_1594 = tpu.memref_squeeze %get3A_1593 : memref<1x16x128xf32, #tpu.memory_space<vmem>> -> memref<16x128xf32, #tpu.memory_space<vmem>>
        %get3A_1595 = arith.index_cast %scan3A_176 : i32 to index
        %get3A_1596 = arith.constant 80 : index
        %get3A_1597 = tpu.vector_load %get3A_1594[%get3A_1595, %get3A_1596] {strides = array<i32>} : memref<16x128xf32, #tpu.memory_space<vmem>>, vector<16xf32>,
        %mul3A_1598 = arith.mulf %get3A_218, %get3A_1597 : vector<16xf32>
        %add3A_1599 = arith.addf %add3A_1590, %mul3A_1598 : vector<16xf32>
        %get3A_1600 = arith.constant 0 : i32
        %get3A_1601 = arith.constant 0 : i32
        %get3A_1602 = tpu.memref_slice %arg14[%scan3A_107, %get3A_1600, %get3A_1601] : memref<2x16x128xf32, #tpu.memory_space<vmem>> -> memref<1x16x128xf32, #tpu.memory_space<vmem>>
        %get3A_1603 = tpu.memref_squeeze %get3A_1602 : memref<1x16x128xf32, #tpu.memory_space<vmem>> -> memref<16x128xf32, #tpu.memory_space<vmem>>
        %get3A_1604 = arith.index_cast %scan3A_176 : i32 to index
        %get3A_1605 = arith.constant 96 : index
        %get3A_1606 = tpu.vector_load %get3A_1603[%get3A_1604, %get3A_1605] {strides = array<i32>} : memref<16x128xf32, #tpu.memory_space<vmem>>, vector<16xf32>,
        %mul3A_1607 = arith.mulf %get3A_225, %get3A_1606 : vector<16xf32>
        %add3A_1608 = arith.addf %add3A_1599, %mul3A_1607 : vector<16xf32>
        %get3A_1609 = arith.constant 0 : i32
        %get3A_1610 = arith.constant 0 : i32
        %get3A_1611 = tpu.memref_slice %arg14[%scan3A_107, %get3A_1609, %get3A_1610] : memref<2x16x128xf32, #tpu.memory_space<vmem>> -> memref<1x16x128xf32, #tpu.memory_space<vmem>>
        %get3A_1612 = tpu.memref_squeeze %get3A_1611 : memref<1x16x128xf32, #tpu.memory_space<vmem>> -> memref<16x128xf32, #tpu.memory_space<vmem>>
        %get3A_1613 = arith.index_cast %scan3A_176 : i32 to index
        %get3A_1614 = arith.constant 112 : index
        %get3A_1615 = tpu.vector_load %get3A_1612[%get3A_1613, %get3A_1614] {strides = array<i32>} : memref<16x128xf32, #tpu.memory_space<vmem>>, vector<16xf32>,
        %mul3A_1616 = arith.mulf %get3A_232, %get3A_1615 : vector<16xf32>
        %add3A_1617 = arith.addf %add3A_1608, %mul3A_1616 : vector<16xf32>
        %reduce_sum3A_1618 = arith.constant true
        %reduce_sum3A_1619 = vector.broadcast %reduce_sum3A_1618 : i1 to vector<16xi1>
        %reduce_sum3A_1620 = tpu.scan <sum>, %add3A_1617 masked %reduce_sum3A_1619 : vector<16xf32>, vector<16xi1> -> vector<16xf32>
        %reduce_sum3A_1621 = vector.extract %reduce_sum3A_1620[15] : f32 from vector<16xf32>
        %broadcast_in_dim3A_1622 = vector.broadcast %reduce_sum3A_1621 : f32 to vector<16xf32>
        %select_n3A_1623 = arith.select %eq3A_1546, %broadcast_in_dim3A_1622, %broadcast_in_dim3A_45 : vector<16xi1>, vector<16xf32>
        %eq3A_1624 = arith.constant 0 : i32
        %eq3A_1625 = vector.broadcast %eq3A_1624 : i32 to vector<16xi32>
        %eq3A_1626 = arith.cmpi eq, %iota3A, %eq3A_1625 : vector<16xi32>
        %add3A_1627 = arith.constant 16 : i32
        %add3A_1628 = arith.addi %mul3A_234, %add3A_1627 : i32
        %add3A_1629 = arith.constant 0 : i32
        %add3A_1630 = arith.addi %add3A_1628, %add3A_1629 : i32
        %get3A_1631 = arith.constant 0 : i32
        %get3A_1632 = arith.constant 0 : i32
        %get3A_1633 = tpu.memref_slice %arg12[%scan3A_106, %get3A_1631, %get3A_1632] : memref<2x320x128xf32, #tpu.memory_space<vmem>> -> memref<1x320x128xf32, #tpu.memory_space<vmem>>
        %get3A_1634 = tpu.memref_squeeze %get3A_1633 : memref<1x320x128xf32, #tpu.memory_space<vmem>> -> memref<320x128xf32, #tpu.memory_space<vmem>>
        %get3A_1635 = arith.index_cast %add3A_1630 : i32 to index
        %get3A_1636 = arith.constant 0 : index
        %get3A_1637 = tpu.vector_load %get3A_1634[%get3A_1635, %get3A_1636] {strides = array<i32>} : memref<320x128xf32, #tpu.memory_space<vmem>>, vector<16xf32>,
        %mul3A_1638 = arith.mulf %get3A_183, %get3A_1637 : vector<16xf32>
        %get3A_1639 = arith.constant 0 : i32
        %get3A_1640 = arith.constant 0 : i32
        %get3A_1641 = tpu.memref_slice %arg12[%scan3A_106, %get3A_1639, %get3A_1640] : memref<2x320x128xf32, #tpu.memory_space<vmem>> -> memref<1x320x128xf32, #tpu.memory_space<vmem>>
        %get3A_1642 = tpu.memref_squeeze %get3A_1641 : memref<1x320x128xf32, #tpu.memory_space<vmem>> -> memref<320x128xf32, #tpu.memory_space<vmem>>
        %get3A_1643 = arith.index_cast %add3A_1630 : i32 to index
        %get3A_1644 = arith.constant 16 : index
        %get3A_1645 = tpu.vector_load %get3A_1642[%get3A_1643, %get3A_1644] {strides = array<i32>} : memref<320x128xf32, #tpu.memory_space<vmem>>, vector<16xf32>,
        %mul3A_1646 = arith.mulf %get3A_190, %get3A_1645 : vector<16xf32>
        %add3A_1647 = arith.addf %mul3A_1638, %mul3A_1646 : vector<16xf32>
        %get3A_1648 = arith.constant 0 : i32
        %get3A_1649 = arith.constant 0 : i32
        %get3A_1650 = tpu.memref_slice %arg12[%scan3A_106, %get3A_1648, %get3A_1649] : memref<2x320x128xf32, #tpu.memory_space<vmem>> -> memref<1x320x128xf32, #tpu.memory_space<vmem>>
        %get3A_1651 = tpu.memref_squeeze %get3A_1650 : memref<1x320x128xf32, #tpu.memory_space<vmem>> -> memref<320x128xf32, #tpu.memory_space<vmem>>
        %get3A_1652 = arith.index_cast %add3A_1630 : i32 to index
        %get3A_1653 = arith.constant 32 : index
        %get3A_1654 = tpu.vector_load %get3A_1651[%get3A_1652, %get3A_1653] {strides = array<i32>} : memref<320x128xf32, #tpu.memory_space<vmem>>, vector<16xf32>,
        %mul3A_1655 = arith.mulf %get3A_197, %get3A_1654 : vector<16xf32>
        %add3A_1656 = arith.addf %add3A_1647, %mul3A_1655 : vector<16xf32>
        %get3A_1657 = arith.constant 0 : i32
        %get3A_1658 = arith.constant 0 : i32
        %get3A_1659 = tpu.memref_slice %arg12[%scan3A_106, %get3A_1657, %get3A_1658] : memref<2x320x128xf32, #tpu.memory_space<vmem>> -> memref<1x320x128xf32, #tpu.memory_space<vmem>>
        %get3A_1660 = tpu.memref_squeeze %get3A_1659 : memref<1x320x128xf32, #tpu.memory_space<vmem>> -> memref<320x128xf32, #tpu.memory_space<vmem>>
        %get3A_1661 = arith.index_cast %add3A_1630 : i32 to index
        %get3A_1662 = arith.constant 48 : index
        %get3A_1663 = tpu.vector_load %get3A_1660[%get3A_1661, %get3A_1662] {strides = array<i32>} : memref<320x128xf32, #tpu.memory_space<vmem>>, vector<16xf32>,
        %mul3A_1664 = arith.mulf %get3A_204, %get3A_1663 : vector<16xf32>
        %add3A_1665 = arith.addf %add3A_1656, %mul3A_1664 : vector<16xf32>
        %get3A_1666 = arith.constant 0 : i32
        %get3A_1667 = arith.constant 0 : i32
        %get3A_1668 = tpu.memref_slice %arg12[%scan3A_106, %get3A_1666, %get3A_1667] : memref<2x320x128xf32, #tpu.memory_space<vmem>> -> memref<1x320x128xf32, #tpu.memory_space<vmem>>
        %get3A_1669 = tpu.memref_squeeze %get3A_1668 : memref<1x320x128xf32, #tpu.memory_space<vmem>> -> memref<320x128xf32, #tpu.memory_space<vmem>>
        %get3A_1670 = arith.index_cast %add3A_1630 : i32 to index
        %get3A_1671 = arith.constant 64 : index
        %get3A_1672 = tpu.vector_load %get3A_1669[%get3A_1670, %get3A_1671] {strides = array<i32>} : memref<320x128xf32, #tpu.memory_space<vmem>>, vector<16xf32>,
        %mul3A_1673 = arith.mulf %get3A_211, %get3A_1672 : vector<16xf32>
        %add3A_1674 = arith.addf %add3A_1665, %mul3A_1673 : vector<16xf32>
        %get3A_1675 = arith.constant 0 : i32
        %get3A_1676 = arith.constant 0 : i32
        %get3A_1677 = tpu.memref_slice %arg12[%scan3A_106, %get3A_1675, %get3A_1676] : memref<2x320x128xf32, #tpu.memory_space<vmem>> -> memref<1x320x128xf32, #tpu.memory_space<vmem>>
        %get3A_1678 = tpu.memref_squeeze %get3A_1677 : memref<1x320x128xf32, #tpu.memory_space<vmem>> -> memref<320x128xf32, #tpu.memory_space<vmem>>
        %get3A_1679 = arith.index_cast %add3A_1630 : i32 to index
        %get3A_1680 = arith.constant 80 : index
        %get3A_1681 = tpu.vector_load %get3A_1678[%get3A_1679, %get3A_1680] {strides = array<i32>} : memref<320x128xf32, #tpu.memory_space<vmem>>, vector<16xf32>,
        %mul3A_1682 = arith.mulf %get3A_218, %get3A_1681 : vector<16xf32>
        %add3A_1683 = arith.addf %add3A_1674, %mul3A_1682 : vector<16xf32>
        %get3A_1684 = arith.constant 0 : i32
        %get3A_1685 = arith.constant 0 : i32
        %get3A_1686 = tpu.memref_slice %arg12[%scan3A_106, %get3A_1684, %get3A_1685] : memref<2x320x128xf32, #tpu.memory_space<vmem>> -> memref<1x320x128xf32, #tpu.memory_space<vmem>>
        %get3A_1687 = tpu.memref_squeeze %get3A_1686 : memref<1x320x128xf32, #tpu.memory_space<vmem>> -> memref<320x128xf32, #tpu.memory_space<vmem>>
        %get3A_1688 = arith.index_cast %add3A_1630 : i32 to index
        %get3A_1689 = arith.constant 96 : index
        %get3A_1690 = tpu.vector_load %get3A_1687[%get3A_1688, %get3A_1689] {strides = array<i32>} : memref<320x128xf32, #tpu.memory_space<vmem>>, vector<16xf32>,
        %mul3A_1691 = arith.mulf %get3A_225, %get3A_1690 : vector<16xf32>
        %add3A_1692 = arith.addf %add3A_1683, %mul3A_1691 : vector<16xf32>
        %get3A_1693 = arith.constant 0 : i32
        %get3A_1694 = arith.constant 0 : i32
        %get3A_1695 = tpu.memref_slice %arg12[%scan3A_106, %get3A_1693, %get3A_1694] : memref<2x320x128xf32, #tpu.memory_space<vmem>> -> memref<1x320x128xf32, #tpu.memory_space<vmem>>
        %get3A_1696 = tpu.memref_squeeze %get3A_1695 : memref<1x320x128xf32, #tpu.memory_space<vmem>> -> memref<320x128xf32, #tpu.memory_space<vmem>>
        %get3A_1697 = arith.index_cast %add3A_1630 : i32 to index
        %get3A_1698 = arith.constant 112 : index
        %get3A_1699 = tpu.vector_load %get3A_1696[%get3A_1697, %get3A_1698] {strides = array<i32>} : memref<320x128xf32, #tpu.memory_space<vmem>>, vector<16xf32>,
        %mul3A_1700 = arith.mulf %get3A_232, %get3A_1699 : vector<16xf32>
        %add3A_1701 = arith.addf %add3A_1692, %mul3A_1700 : vector<16xf32>
        %reduce_sum3A_1702 = arith.constant true
        %reduce_sum3A_1703 = vector.broadcast %reduce_sum3A_1702 : i1 to vector<16xi1>
        %reduce_sum3A_1704 = tpu.scan <sum>, %add3A_1701 masked %reduce_sum3A_1703 : vector<16xf32>, vector<16xi1> -> vector<16xf32>
        %reduce_sum3A_1705 = vector.extract %reduce_sum3A_1704[15] : f32 from vector<16xf32>
        %broadcast_in_dim3A_1706 = vector.broadcast %reduce_sum3A_1705 : f32 to vector<16xf32>
        %select_n3A_1707 = arith.select %eq3A_1626, %broadcast_in_dim3A_1706, %select_n3A_1623 : vector<16xi1>, vector<16xf32>
        %eq3A_1708 = arith.constant 1 : i32
        %eq3A_1709 = vector.broadcast %eq3A_1708 : i32 to vector<16xi32>
        %eq3A_1710 = arith.cmpi eq, %iota3A, %eq3A_1709 : vector<16xi32>
        %add3A_1711 = arith.constant 16 : i32
        %add3A_1712 = arith.addi %mul3A_234, %add3A_1711 : i32
        %add3A_1713 = arith.constant 1 : i32
        %add3A_1714 = arith.addi %add3A_1712, %add3A_1713 : i32
        %get3A_1715 = arith.constant 0 : i32
        %get3A_1716 = arith.constant 0 : i32
        %get3A_1717 = tpu.memref_slice %arg12[%scan3A_106, %get3A_1715, %get3A_1716] : memref<2x320x128xf32, #tpu.memory_space<vmem>> -> memref<1x320x128xf32, #tpu.memory_space<vmem>>
        %get3A_1718 = tpu.memref_squeeze %get3A_1717 : memref<1x320x128xf32, #tpu.memory_space<vmem>> -> memref<320x128xf32, #tpu.memory_space<vmem>>
        %get3A_1719 = arith.index_cast %add3A_1714 : i32 to index
        %get3A_1720 = arith.constant 0 : index
        %get3A_1721 = tpu.vector_load %get3A_1718[%get3A_1719, %get3A_1720] {strides = array<i32>} : memref<320x128xf32, #tpu.memory_space<vmem>>, vector<16xf32>,
        %mul3A_1722 = arith.mulf %get3A_183, %get3A_1721 : vector<16xf32>
        %get3A_1723 = arith.constant 0 : i32
        %get3A_1724 = arith.constant 0 : i32
        %get3A_1725 = tpu.memref_slice %arg12[%scan3A_106, %get3A_1723, %get3A_1724] : memref<2x320x128xf32, #tpu.memory_space<vmem>> -> memref<1x320x128xf32, #tpu.memory_space<vmem>>
        %get3A_1726 = tpu.memref_squeeze %get3A_1725 : memref<1x320x128xf32, #tpu.memory_space<vmem>> -> memref<320x128xf32, #tpu.memory_space<vmem>>
        %get3A_1727 = arith.index_cast %add3A_1714 : i32 to index
        %get3A_1728 = arith.constant 16 : index
        %get3A_1729 = tpu.vector_load %get3A_1726[%get3A_1727, %get3A_1728] {strides = array<i32>} : memref<320x128xf32, #tpu.memory_space<vmem>>, vector<16xf32>,
        %mul3A_1730 = arith.mulf %get3A_190, %get3A_1729 : vector<16xf32>
        %add3A_1731 = arith.addf %mul3A_1722, %mul3A_1730 : vector<16xf32>
        %get3A_1732 = arith.constant 0 : i32
        %get3A_1733 = arith.constant 0 : i32
        %get3A_1734 = tpu.memref_slice %arg12[%scan3A_106, %get3A_1732, %get3A_1733] : memref<2x320x128xf32, #tpu.memory_space<vmem>> -> memref<1x320x128xf32, #tpu.memory_space<vmem>>
        %get3A_1735 = tpu.memref_squeeze %get3A_1734 : memref<1x320x128xf32, #tpu.memory_space<vmem>> -> memref<320x128xf32, #tpu.memory_space<vmem>>
        %get3A_1736 = arith.index_cast %add3A_1714 : i32 to index
        %get3A_1737 = arith.constant 32 : index
        %get3A_1738 = tpu.vector_load %get3A_1735[%get3A_1736, %get3A_1737] {strides = array<i32>} : memref<320x128xf32, #tpu.memory_space<vmem>>, vector<16xf32>,
        %mul3A_1739 = arith.mulf %get3A_197, %get3A_1738 : vector<16xf32>
        %add3A_1740 = arith.addf %add3A_1731, %mul3A_1739 : vector<16xf32>
        %get3A_1741 = arith.constant 0 : i32
        %get3A_1742 = arith.constant 0 : i32
        %get3A_1743 = tpu.memref_slice %arg12[%scan3A_106, %get3A_1741, %get3A_1742] : memref<2x320x128xf32, #tpu.memory_space<vmem>> -> memref<1x320x128xf32, #tpu.memory_space<vmem>>
        %get3A_1744 = tpu.memref_squeeze %get3A_1743 : memref<1x320x128xf32, #tpu.memory_space<vmem>> -> memref<320x128xf32, #tpu.memory_space<vmem>>
        %get3A_1745 = arith.index_cast %add3A_1714 : i32 to index
        %get3A_1746 = arith.constant 48 : index
        %get3A_1747 = tpu.vector_load %get3A_1744[%get3A_1745, %get3A_1746] {strides = array<i32>} : memref<320x128xf32, #tpu.memory_space<vmem>>, vector<16xf32>,
        %mul3A_1748 = arith.mulf %get3A_204, %get3A_1747 : vector<16xf32>
        %add3A_1749 = arith.addf %add3A_1740, %mul3A_1748 : vector<16xf32>
        %get3A_1750 = arith.constant 0 : i32
        %get3A_1751 = arith.constant 0 : i32
        %get3A_1752 = tpu.memref_slice %arg12[%scan3A_106, %get3A_1750, %get3A_1751] : memref<2x320x128xf32, #tpu.memory_space<vmem>> -> memref<1x320x128xf32, #tpu.memory_space<vmem>>
        %get3A_1753 = tpu.memref_squeeze %get3A_1752 : memref<1x320x128xf32, #tpu.memory_space<vmem>> -> memref<320x128xf32, #tpu.memory_space<vmem>>
        %get3A_1754 = arith.index_cast %add3A_1714 : i32 to index
        %get3A_1755 = arith.constant 64 : index
        %get3A_1756 = tpu.vector_load %get3A_1753[%get3A_1754, %get3A_1755] {strides = array<i32>} : memref<320x128xf32, #tpu.memory_space<vmem>>, vector<16xf32>,
        %mul3A_1757 = arith.mulf %get3A_211, %get3A_1756 : vector<16xf32>
        %add3A_1758 = arith.addf %add3A_1749, %mul3A_1757 : vector<16xf32>
        %get3A_1759 = arith.constant 0 : i32
        %get3A_1760 = arith.constant 0 : i32
        %get3A_1761 = tpu.memref_slice %arg12[%scan3A_106, %get3A_1759, %get3A_1760] : memref<2x320x128xf32, #tpu.memory_space<vmem>> -> memref<1x320x128xf32, #tpu.memory_space<vmem>>
        %get3A_1762 = tpu.memref_squeeze %get3A_1761 : memref<1x320x128xf32, #tpu.memory_space<vmem>> -> memref<320x128xf32, #tpu.memory_space<vmem>>
        %get3A_1763 = arith.index_cast %add3A_1714 : i32 to index
        %get3A_1764 = arith.constant 80 : index
        %get3A_1765 = tpu.vector_load %get3A_1762[%get3A_1763, %get3A_1764] {strides = array<i32>} : memref<320x128xf32, #tpu.memory_space<vmem>>, vector<16xf32>,
        %mul3A_1766 = arith.mulf %get3A_218, %get3A_1765 : vector<16xf32>
        %add3A_1767 = arith.addf %add3A_1758, %mul3A_1766 : vector<16xf32>
        %get3A_1768 = arith.constant 0 : i32
        %get3A_1769 = arith.constant 0 : i32
        %get3A_1770 = tpu.memref_slice %arg12[%scan3A_106, %get3A_1768, %get3A_1769] : memref<2x320x128xf32, #tpu.memory_space<vmem>> -> memref<1x320x128xf32, #tpu.memory_space<vmem>>
        %get3A_1771 = tpu.memref_squeeze %get3A_1770 : memref<1x320x128xf32, #tpu.memory_space<vmem>> -> memref<320x128xf32, #tpu.memory_space<vmem>>
        %get3A_1772 = arith.index_cast %add3A_1714 : i32 to index
        %get3A_1773 = arith.constant 96 : index
        %get3A_1774 = tpu.vector_load %get3A_1771[%get3A_1772, %get3A_1773] {strides = array<i32>} : memref<320x128xf32, #tpu.memory_space<vmem>>, vector<16xf32>,
        %mul3A_1775 = arith.mulf %get3A_225, %get3A_1774 : vector<16xf32>
        %add3A_1776 = arith.addf %add3A_1767, %mul3A_1775 : vector<16xf32>
        %get3A_1777 = arith.constant 0 : i32
        %get3A_1778 = arith.constant 0 : i32
        %get3A_1779 = tpu.memref_slice %arg12[%scan3A_106, %get3A_1777, %get3A_1778] : memref<2x320x128xf32, #tpu.memory_space<vmem>> -> memref<1x320x128xf32, #tpu.memory_space<vmem>>
        %get3A_1780 = tpu.memref_squeeze %get3A_1779 : memref<1x320x128xf32, #tpu.memory_space<vmem>> -> memref<320x128xf32, #tpu.memory_space<vmem>>
        %get3A_1781 = arith.index_cast %add3A_1714 : i32 to index
        %get3A_1782 = arith.constant 112 : index
        %get3A_1783 = tpu.vector_load %get3A_1780[%get3A_1781, %get3A_1782] {strides = array<i32>} : memref<320x128xf32, #tpu.memory_space<vmem>>, vector<16xf32>,
        %mul3A_1784 = arith.mulf %get3A_232, %get3A_1783 : vector<16xf32>
        %add3A_1785 = arith.addf %add3A_1776, %mul3A_1784 : vector<16xf32>
        %reduce_sum3A_1786 = arith.constant true
        %reduce_sum3A_1787 = vector.broadcast %reduce_sum3A_1786 : i1 to vector<16xi1>
        %reduce_sum3A_1788 = tpu.scan <sum>, %add3A_1785 masked %reduce_sum3A_1787 : vector<16xf32>, vector<16xi1> -> vector<16xf32>
        %reduce_sum3A_1789 = vector.extract %reduce_sum3A_1788[15] : f32 from vector<16xf32>
        %broadcast_in_dim3A_1790 = vector.broadcast %reduce_sum3A_1789 : f32 to vector<16xf32>
        %select_n3A_1791 = arith.select %eq3A_1710, %broadcast_in_dim3A_1790, %select_n3A_1707 : vector<16xi1>, vector<16xf32>
        %eq3A_1792 = arith.constant 2 : i32
        %eq3A_1793 = vector.broadcast %eq3A_1792 : i32 to vector<16xi32>
        %eq3A_1794 = arith.cmpi eq, %iota3A, %eq3A_1793 : vector<16xi32>
        %add3A_1795 = arith.constant 16 : i32
        %add3A_1796 = arith.addi %mul3A_234, %add3A_1795 : i32
        %add3A_1797 = arith.constant 2 : i32
        %add3A_1798 = arith.addi %add3A_1796, %add3A_1797 : i32
        %get3A_1799 = arith.constant 0 : i32
        %get3A_1800 = arith.constant 0 : i32
        %get3A_1801 = tpu.memref_slice %arg12[%scan3A_106, %get3A_1799, %get3A_1800] : memref<2x320x128xf32, #tpu.memory_space<vmem>> -> memref<1x320x128xf32, #tpu.memory_space<vmem>>
        %get3A_1802 = tpu.memref_squeeze %get3A_1801 : memref<1x320x128xf32, #tpu.memory_space<vmem>> -> memref<320x128xf32, #tpu.memory_space<vmem>>
        %get3A_1803 = arith.index_cast %add3A_1798 : i32 to index
        %get3A_1804 = arith.constant 0 : index
        %get3A_1805 = tpu.vector_load %get3A_1802[%get3A_1803, %get3A_1804] {strides = array<i32>} : memref<320x128xf32, #tpu.memory_space<vmem>>, vector<16xf32>,
        %mul3A_1806 = arith.mulf %get3A_183, %get3A_1805 : vector<16xf32>
        %get3A_1807 = arith.constant 0 : i32
        %get3A_1808 = arith.constant 0 : i32
        %get3A_1809 = tpu.memref_slice %arg12[%scan3A_106, %get3A_1807, %get3A_1808] : memref<2x320x128xf32, #tpu.memory_space<vmem>> -> memref<1x320x128xf32, #tpu.memory_space<vmem>>
        %get3A_1810 = tpu.memref_squeeze %get3A_1809 : memref<1x320x128xf32, #tpu.memory_space<vmem>> -> memref<320x128xf32, #tpu.memory_space<vmem>>
        %get3A_1811 = arith.index_cast %add3A_1798 : i32 to index
        %get3A_1812 = arith.constant 16 : index
        %get3A_1813 = tpu.vector_load %get3A_1810[%get3A_1811, %get3A_1812] {strides = array<i32>} : memref<320x128xf32, #tpu.memory_space<vmem>>, vector<16xf32>,
        %mul3A_1814 = arith.mulf %get3A_190, %get3A_1813 : vector<16xf32>
        %add3A_1815 = arith.addf %mul3A_1806, %mul3A_1814 : vector<16xf32>
        %get3A_1816 = arith.constant 0 : i32
        %get3A_1817 = arith.constant 0 : i32
        %get3A_1818 = tpu.memref_slice %arg12[%scan3A_106, %get3A_1816, %get3A_1817] : memref<2x320x128xf32, #tpu.memory_space<vmem>> -> memref<1x320x128xf32, #tpu.memory_space<vmem>>
        %get3A_1819 = tpu.memref_squeeze %get3A_1818 : memref<1x320x128xf32, #tpu.memory_space<vmem>> -> memref<320x128xf32, #tpu.memory_space<vmem>>
        %get3A_1820 = arith.index_cast %add3A_1798 : i32 to index
        %get3A_1821 = arith.constant 32 : index
        %get3A_1822 = tpu.vector_load %get3A_1819[%get3A_1820, %get3A_1821] {strides = array<i32>} : memref<320x128xf32, #tpu.memory_space<vmem>>, vector<16xf32>,
        %mul3A_1823 = arith.mulf %get3A_197, %get3A_1822 : vector<16xf32>
        %add3A_1824 = arith.addf %add3A_1815, %mul3A_1823 : vector<16xf32>
        %get3A_1825 = arith.constant 0 : i32
        %get3A_1826 = arith.constant 0 : i32
        %get3A_1827 = tpu.memref_slice %arg12[%scan3A_106, %get3A_1825, %get3A_1826] : memref<2x320x128xf32, #tpu.memory_space<vmem>> -> memref<1x320x128xf32, #tpu.memory_space<vmem>>
        %get3A_1828 = tpu.memref_squeeze %get3A_1827 : memref<1x320x128xf32, #tpu.memory_space<vmem>> -> memref<320x128xf32, #tpu.memory_space<vmem>>
        %get3A_1829 = arith.index_cast %add3A_1798 : i32 to index
        %get3A_1830 = arith.constant 48 : index
        %get3A_1831 = tpu.vector_load %get3A_1828[%get3A_1829, %get3A_1830] {strides = array<i32>} : memref<320x128xf32, #tpu.memory_space<vmem>>, vector<16xf32>,
        %mul3A_1832 = arith.mulf %get3A_204, %get3A_1831 : vector<16xf32>
        %add3A_1833 = arith.addf %add3A_1824, %mul3A_1832 : vector<16xf32>
        %get3A_1834 = arith.constant 0 : i32
        %get3A_1835 = arith.constant 0 : i32
        %get3A_1836 = tpu.memref_slice %arg12[%scan3A_106, %get3A_1834, %get3A_1835] : memref<2x320x128xf32, #tpu.memory_space<vmem>> -> memref<1x320x128xf32, #tpu.memory_space<vmem>>
        %get3A_1837 = tpu.memref_squeeze %get3A_1836 : memref<1x320x128xf32, #tpu.memory_space<vmem>> -> memref<320x128xf32, #tpu.memory_space<vmem>>
        %get3A_1838 = arith.index_cast %add3A_1798 : i32 to index
        %get3A_1839 = arith.constant 64 : index
        %get3A_1840 = tpu.vector_load %get3A_1837[%get3A_1838, %get3A_1839] {strides = array<i32>} : memref<320x128xf32, #tpu.memory_space<vmem>>, vector<16xf32>,
        %mul3A_1841 = arith.mulf %get3A_211, %get3A_1840 : vector<16xf32>
        %add3A_1842 = arith.addf %add3A_1833, %mul3A_1841 : vector<16xf32>
        %get3A_1843 = arith.constant 0 : i32
        %get3A_1844 = arith.constant 0 : i32
        %get3A_1845 = tpu.memref_slice %arg12[%scan3A_106, %get3A_1843, %get3A_1844] : memref<2x320x128xf32, #tpu.memory_space<vmem>> -> memref<1x320x128xf32, #tpu.memory_space<vmem>>
        %get3A_1846 = tpu.memref_squeeze %get3A_1845 : memref<1x320x128xf32, #tpu.memory_space<vmem>> -> memref<320x128xf32, #tpu.memory_space<vmem>>
        %get3A_1847 = arith.index_cast %add3A_1798 : i32 to index
        %get3A_1848 = arith.constant 80 : index
        %get3A_1849 = tpu.vector_load %get3A_1846[%get3A_1847, %get3A_1848] {strides = array<i32>} : memref<320x128xf32, #tpu.memory_space<vmem>>, vector<16xf32>,
        %mul3A_1850 = arith.mulf %get3A_218, %get3A_1849 : vector<16xf32>
        %add3A_1851 = arith.addf %add3A_1842, %mul3A_1850 : vector<16xf32>
        %get3A_1852 = arith.constant 0 : i32
        %get3A_1853 = arith.constant 0 : i32
        %get3A_1854 = tpu.memref_slice %arg12[%scan3A_106, %get3A_1852, %get3A_1853] : memref<2x320x128xf32, #tpu.memory_space<vmem>> -> memref<1x320x128xf32, #tpu.memory_space<vmem>>
        %get3A_1855 = tpu.memref_squeeze %get3A_1854 : memref<1x320x128xf32, #tpu.memory_space<vmem>> -> memref<320x128xf32, #tpu.memory_space<vmem>>
        %get3A_1856 = arith.index_cast %add3A_1798 : i32 to index
        %get3A_1857 = arith.constant 96 : index
        %get3A_1858 = tpu.vector_load %get3A_1855[%get3A_1856, %get3A_1857] {strides = array<i32>} : memref<320x128xf32, #tpu.memory_space<vmem>>, vector<16xf32>,
        %mul3A_1859 = arith.mulf %get3A_225, %get3A_1858 : vector<16xf32>
        %add3A_1860 = arith.addf %add3A_1851, %mul3A_1859 : vector<16xf32>
        %get3A_1861 = arith.constant 0 : i32
        %get3A_1862 = arith.constant 0 : i32
        %get3A_1863 = tpu.memref_slice %arg12[%scan3A_106, %get3A_1861, %get3A_1862] : memref<2x320x128xf32, #tpu.memory_space<vmem>> -> memref<1x320x128xf32, #tpu.memory_space<vmem>>
        %get3A_1864 = tpu.memref_squeeze %get3A_1863 : memref<1x320x128xf32, #tpu.memory_space<vmem>> -> memref<320x128xf32, #tpu.memory_space<vmem>>
        %get3A_1865 = arith.index_cast %add3A_1798 : i32 to index
        %get3A_1866 = arith.constant 112 : index
        %get3A_1867 = tpu.vector_load %get3A_1864[%get3A_1865, %get3A_1866] {strides = array<i32>} : memref<320x128xf32, #tpu.memory_space<vmem>>, vector<16xf32>,
        %mul3A_1868 = arith.mulf %get3A_232, %get3A_1867 : vector<16xf32>
        %add3A_1869 = arith.addf %add3A_1860, %mul3A_1868 : vector<16xf32>
        %reduce_sum3A_1870 = arith.constant true
        %reduce_sum3A_1871 = vector.broadcast %reduce_sum3A_1870 : i1 to vector<16xi1>
        %reduce_sum3A_1872 = tpu.scan <sum>, %add3A_1869 masked %reduce_sum3A_1871 : vector<16xf32>, vector<16xi1> -> vector<16xf32>
        %reduce_sum3A_1873 = vector.extract %reduce_sum3A_1872[15] : f32 from vector<16xf32>
        %broadcast_in_dim3A_1874 = vector.broadcast %reduce_sum3A_1873 : f32 to vector<16xf32>
        %select_n3A_1875 = arith.select %eq3A_1794, %broadcast_in_dim3A_1874, %select_n3A_1791 : vector<16xi1>, vector<16xf32>
        %eq3A_1876 = arith.constant 3 : i32
        %eq3A_1877 = vector.broadcast %eq3A_1876 : i32 to vector<16xi32>
        %eq3A_1878 = arith.cmpi eq, %iota3A, %eq3A_1877 : vector<16xi32>
        %add3A_1879 = arith.constant 16 : i32
        %add3A_1880 = arith.addi %mul3A_234, %add3A_1879 : i32
        %add3A_1881 = arith.constant 3 : i32
        %add3A_1882 = arith.addi %add3A_1880, %add3A_1881 : i32
        %get3A_1883 = arith.constant 0 : i32
        %get3A_1884 = arith.constant 0 : i32
        %get3A_1885 = tpu.memref_slice %arg12[%scan3A_106, %get3A_1883, %get3A_1884] : memref<2x320x128xf32, #tpu.memory_space<vmem>> -> memref<1x320x128xf32, #tpu.memory_space<vmem>>
        %get3A_1886 = tpu.memref_squeeze %get3A_1885 : memref<1x320x128xf32, #tpu.memory_space<vmem>> -> memref<320x128xf32, #tpu.memory_space<vmem>>
        %get3A_1887 = arith.index_cast %add3A_1882 : i32 to index
        %get3A_1888 = arith.constant 0 : index
        %get3A_1889 = tpu.vector_load %get3A_1886[%get3A_1887, %get3A_1888] {strides = array<i32>} : memref<320x128xf32, #tpu.memory_space<vmem>>, vector<16xf32>,
        %mul3A_1890 = arith.mulf %get3A_183, %get3A_1889 : vector<16xf32>
        %get3A_1891 = arith.constant 0 : i32
        %get3A_1892 = arith.constant 0 : i32
        %get3A_1893 = tpu.memref_slice %arg12[%scan3A_106, %get3A_1891, %get3A_1892] : memref<2x320x128xf32, #tpu.memory_space<vmem>> -> memref<1x320x128xf32, #tpu.memory_space<vmem>>
        %get3A_1894 = tpu.memref_squeeze %get3A_1893 : memref<1x320x128xf32, #tpu.memory_space<vmem>> -> memref<320x128xf32, #tpu.memory_space<vmem>>
        %get3A_1895 = arith.index_cast %add3A_1882 : i32 to index
        %get3A_1896 = arith.constant 16 : index
        %get3A_1897 = tpu.vector_load %get3A_1894[%get3A_1895, %get3A_1896] {strides = array<i32>} : memref<320x128xf32, #tpu.memory_space<vmem>>, vector<16xf32>,
        %mul3A_1898 = arith.mulf %get3A_190, %get3A_1897 : vector<16xf32>
        %add3A_1899 = arith.addf %mul3A_1890, %mul3A_1898 : vector<16xf32>
        %get3A_1900 = arith.constant 0 : i32
        %get3A_1901 = arith.constant 0 : i32
        %get3A_1902 = tpu.memref_slice %arg12[%scan3A_106, %get3A_1900, %get3A_1901] : memref<2x320x128xf32, #tpu.memory_space<vmem>> -> memref<1x320x128xf32, #tpu.memory_space<vmem>>
        %get3A_1903 = tpu.memref_squeeze %get3A_1902 : memref<1x320x128xf32, #tpu.memory_space<vmem>> -> memref<320x128xf32, #tpu.memory_space<vmem>>
        %get3A_1904 = arith.index_cast %add3A_1882 : i32 to index
        %get3A_1905 = arith.constant 32 : index
        %get3A_1906 = tpu.vector_load %get3A_1903[%get3A_1904, %get3A_1905] {strides = array<i32>} : memref<320x128xf32, #tpu.memory_space<vmem>>, vector<16xf32>,
        %mul3A_1907 = arith.mulf %get3A_197, %get3A_1906 : vector<16xf32>
        %add3A_1908 = arith.addf %add3A_1899, %mul3A_1907 : vector<16xf32>
        %get3A_1909 = arith.constant 0 : i32
        %get3A_1910 = arith.constant 0 : i32
        %get3A_1911 = tpu.memref_slice %arg12[%scan3A_106, %get3A_1909, %get3A_1910] : memref<2x320x128xf32, #tpu.memory_space<vmem>> -> memref<1x320x128xf32, #tpu.memory_space<vmem>>
        %get3A_1912 = tpu.memref_squeeze %get3A_1911 : memref<1x320x128xf32, #tpu.memory_space<vmem>> -> memref<320x128xf32, #tpu.memory_space<vmem>>
        %get3A_1913 = arith.index_cast %add3A_1882 : i32 to index
        %get3A_1914 = arith.constant 48 : index
        %get3A_1915 = tpu.vector_load %get3A_1912[%get3A_1913, %get3A_1914] {strides = array<i32>} : memref<320x128xf32, #tpu.memory_space<vmem>>, vector<16xf32>,
        %mul3A_1916 = arith.mulf %get3A_204, %get3A_1915 : vector<16xf32>
        %add3A_1917 = arith.addf %add3A_1908, %mul3A_1916 : vector<16xf32>
        %get3A_1918 = arith.constant 0 : i32
        %get3A_1919 = arith.constant 0 : i32
        %get3A_1920 = tpu.memref_slice %arg12[%scan3A_106, %get3A_1918, %get3A_1919] : memref<2x320x128xf32, #tpu.memory_space<vmem>> -> memref<1x320x128xf32, #tpu.memory_space<vmem>>
        %get3A_1921 = tpu.memref_squeeze %get3A_1920 : memref<1x320x128xf32, #tpu.memory_space<vmem>> -> memref<320x128xf32, #tpu.memory_space<vmem>>
        %get3A_1922 = arith.index_cast %add3A_1882 : i32 to index
        %get3A_1923 = arith.constant 64 : index
        %get3A_1924 = tpu.vector_load %get3A_1921[%get3A_1922, %get3A_1923] {strides = array<i32>} : memref<320x128xf32, #tpu.memory_space<vmem>>, vector<16xf32>,
        %mul3A_1925 = arith.mulf %get3A_211, %get3A_1924 : vector<16xf32>
        %add3A_1926 = arith.addf %add3A_1917, %mul3A_1925 : vector<16xf32>
        %get3A_1927 = arith.constant 0 : i32
        %get3A_1928 = arith.constant 0 : i32
        %get3A_1929 = tpu.memref_slice %arg12[%scan3A_106, %get3A_1927, %get3A_1928] : memref<2x320x128xf32, #tpu.memory_space<vmem>> -> memref<1x320x128xf32, #tpu.memory_space<vmem>>
        %get3A_1930 = tpu.memref_squeeze %get3A_1929 : memref<1x320x128xf32, #tpu.memory_space<vmem>> -> memref<320x128xf32, #tpu.memory_space<vmem>>
        %get3A_1931 = arith.index_cast %add3A_1882 : i32 to index
        %get3A_1932 = arith.constant 80 : index
        %get3A_1933 = tpu.vector_load %get3A_1930[%get3A_1931, %get3A_1932] {strides = array<i32>} : memref<320x128xf32, #tpu.memory_space<vmem>>, vector<16xf32>,
        %mul3A_1934 = arith.mulf %get3A_218, %get3A_1933 : vector<16xf32>
        %add3A_1935 = arith.addf %add3A_1926, %mul3A_1934 : vector<16xf32>
        %get3A_1936 = arith.constant 0 : i32
        %get3A_1937 = arith.constant 0 : i32
        %get3A_1938 = tpu.memref_slice %arg12[%scan3A_106, %get3A_1936, %get3A_1937] : memref<2x320x128xf32, #tpu.memory_space<vmem>> -> memref<1x320x128xf32, #tpu.memory_space<vmem>>
        %get3A_1939 = tpu.memref_squeeze %get3A_1938 : memref<1x320x128xf32, #tpu.memory_space<vmem>> -> memref<320x128xf32, #tpu.memory_space<vmem>>
        %get3A_1940 = arith.index_cast %add3A_1882 : i32 to index
        %get3A_1941 = arith.constant 96 : index
        %get3A_1942 = tpu.vector_load %get3A_1939[%get3A_1940, %get3A_1941] {strides = array<i32>} : memref<320x128xf32, #tpu.memory_space<vmem>>, vector<16xf32>,
        %mul3A_1943 = arith.mulf %get3A_225, %get3A_1942 : vector<16xf32>
        %add3A_1944 = arith.addf %add3A_1935, %mul3A_1943 : vector<16xf32>
        %get3A_1945 = arith.constant 0 : i32
        %get3A_1946 = arith.constant 0 : i32
        %get3A_1947 = tpu.memref_slice %arg12[%scan3A_106, %get3A_1945, %get3A_1946] : memref<2x320x128xf32, #tpu.memory_space<vmem>> -> memref<1x320x128xf32, #tpu.memory_space<vmem>>
        %get3A_1948 = tpu.memref_squeeze %get3A_1947 : memref<1x320x128xf32, #tpu.memory_space<vmem>> -> memref<320x128xf32, #tpu.memory_space<vmem>>
        %get3A_1949 = arith.index_cast %add3A_1882 : i32 to index
        %get3A_1950 = arith.constant 112 : index
        %get3A_1951 = tpu.vector_load %get3A_1948[%get3A_1949, %get3A_1950] {strides = array<i32>} : memref<320x128xf32, #tpu.memory_space<vmem>>, vector<16xf32>,
        %mul3A_1952 = arith.mulf %get3A_232, %get3A_1951 : vector<16xf32>
        %add3A_1953 = arith.addf %add3A_1944, %mul3A_1952 : vector<16xf32>
        %reduce_sum3A_1954 = arith.constant true
        %reduce_sum3A_1955 = vector.broadcast %reduce_sum3A_1954 : i1 to vector<16xi1>
        %reduce_sum3A_1956 = tpu.scan <sum>, %add3A_1953 masked %reduce_sum3A_1955 : vector<16xf32>, vector<16xi1> -> vector<16xf32>
        %reduce_sum3A_1957 = vector.extract %reduce_sum3A_1956[15] : f32 from vector<16xf32>
        %broadcast_in_dim3A_1958 = vector.broadcast %reduce_sum3A_1957 : f32 to vector<16xf32>
        %select_n3A_1959 = arith.select %eq3A_1878, %broadcast_in_dim3A_1958, %select_n3A_1875 : vector<16xi1>, vector<16xf32>
        %neg3A = arith.constant 0.000000e+00 : f32
        %neg3A_1960 = vector.broadcast %neg3A : f32 to vector<16xf32>
        %neg3A_1961 = arith.subf %neg3A_1960, %select_n3A_1543 : vector<16xf32>
        %abs3A = math.absf %neg3A_1961 : vector<16xf32>
        %neg3A_1962 = arith.constant 0.000000e+00 : f32
        %neg3A_1963 = vector.broadcast %neg3A_1962 : f32 to vector<16xf32>
        %neg3A_1964 = arith.subf %neg3A_1963, %abs3A : vector<16xf32>
        %exp3A = math.exp %neg3A_1964 : vector<16xf32>
        %add3A_1965 = arith.constant 2.000000e+00 : f32
        %add3A_1966 = vector.broadcast %add3A_1965 : f32 to vector<16xf32>
        %add3A_1967 = arith.addf %exp3A, %add3A_1966 : vector<16xf32>
        %div3A = arith.divf %exp3A, %add3A_1967 : vector<16xf32>
        %mul3A_1968 = arith.mulf %div3A, %div3A : vector<16xf32>
        %mul3A_1969 = arith.constant 0.222222224 : f32
        %mul3A_1970 = vector.broadcast %mul3A_1969 : f32 to vector<16xf32>
        %mul3A_1971 = arith.mulf %mul3A_1968, %mul3A_1970 : vector<16xf32>
        %add3A_1972 = arith.constant 0.285714298 : f32
        %add3A_1973 = vector.broadcast %add3A_1972 : f32 to vector<16xf32>
        %add3A_1974 = arith.addf %add3A_1973, %mul3A_1971 : vector<16xf32>
        %mul3A_1975 = arith.mulf %mul3A_1968, %add3A_1974 : vector<16xf32>
        %add3A_1976 = arith.constant 4.000000e-01 : f32
        %add3A_1977 = vector.broadcast %add3A_1976 : f32 to vector<16xf32>
        %add3A_1978 = arith.addf %add3A_1977, %mul3A_1975 : vector<16xf32>
        %mul3A_1979 = arith.mulf %mul3A_1968, %add3A_1978 : vector<16xf32>
        %add3A_1980 = arith.constant 0.666666686 : f32
        %add3A_1981 = vector.broadcast %add3A_1980 : f32 to vector<16xf32>
        %add3A_1982 = arith.addf %add3A_1981, %mul3A_1979 : vector<16xf32>
        %mul3A_1983 = arith.mulf %mul3A_1968, %add3A_1982 : vector<16xf32>
        %add3A_1984 = arith.constant 2.000000e+00 : f32
        %add3A_1985 = vector.broadcast %add3A_1984 : f32 to vector<16xf32>
        %add3A_1986 = arith.addf %add3A_1985, %mul3A_1983 : vector<16xf32>
        %mul3A_1987 = arith.mulf %div3A, %add3A_1986 : vector<16xf32>
        %min3A = arith.constant 0.000000e+00 : f32
        %min3A_1988 = vector.broadcast %min3A : f32 to vector<16xf32>
        %min3A_1989 = arith.minimumf %neg3A_1961, %min3A_1988 : vector<16xf32>
        %sub3A = arith.subf %min3A_1989, %mul3A_1987 : vector<16xf32>
        %add3A_1990 = arith.addf %scan3A_177, %sub3A : vector<16xf32>
        %lt3A_1991 = arith.constant 4 : i32
        %lt3A_1992 = vector.broadcast %lt3A_1991 : i32 to vector<16xi32>
        %lt3A_1993 = arith.cmpi slt, %iota3A, %lt3A_1992 : vector<16xi32>
        %neg3A_1994 = arith.constant 0.000000e+00 : f32
        %neg3A_1995 = vector.broadcast %neg3A_1994 : f32 to vector<16xf32>
        %neg3A_1996 = arith.subf %neg3A_1995, %select_n3A_1959 : vector<16xf32>
        %abs3A_1997 = math.absf %neg3A_1996 : vector<16xf32>
        %neg3A_1998 = arith.constant 0.000000e+00 : f32
        %neg3A_1999 = vector.broadcast %neg3A_1998 : f32 to vector<16xf32>
        %neg3A_2000 = arith.subf %neg3A_1999, %abs3A_1997 : vector<16xf32>
        %exp3A_2001 = math.exp %neg3A_2000 : vector<16xf32>
        %add3A_2002 = arith.constant 2.000000e+00 : f32
        %add3A_2003 = vector.broadcast %add3A_2002 : f32 to vector<16xf32>
        %add3A_2004 = arith.addf %exp3A_2001, %add3A_2003 : vector<16xf32>
        %div3A_2005 = arith.divf %exp3A_2001, %add3A_2004 : vector<16xf32>
        %mul3A_2006 = arith.mulf %div3A_2005, %div3A_2005 : vector<16xf32>
        %mul3A_2007 = arith.constant 0.222222224 : f32
        %mul3A_2008 = vector.broadcast %mul3A_2007 : f32 to vector<16xf32>
        %mul3A_2009 = arith.mulf %mul3A_2006, %mul3A_2008 : vector<16xf32>
        %add3A_2010 = arith.constant 0.285714298 : f32
        %add3A_2011 = vector.broadcast %add3A_2010 : f32 to vector<16xf32>
        %add3A_2012 = arith.addf %add3A_2011, %mul3A_2009 : vector<16xf32>
        %mul3A_2013 = arith.mulf %mul3A_2006, %add3A_2012 : vector<16xf32>
        %add3A_2014 = arith.constant 4.000000e-01 : f32
        %add3A_2015 = vector.broadcast %add3A_2014 : f32 to vector<16xf32>
        %add3A_2016 = arith.addf %add3A_2015, %mul3A_2013 : vector<16xf32>
        %mul3A_2017 = arith.mulf %mul3A_2006, %add3A_2016 : vector<16xf32>
        %add3A_2018 = arith.constant 0.666666686 : f32
        %add3A_2019 = vector.broadcast %add3A_2018 : f32 to vector<16xf32>
        %add3A_2020 = arith.addf %add3A_2019, %mul3A_2017 : vector<16xf32>
        %mul3A_2021 = arith.mulf %mul3A_2006, %add3A_2020 : vector<16xf32>
        %add3A_2022 = arith.constant 2.000000e+00 : f32
        %add3A_2023 = vector.broadcast %add3A_2022 : f32 to vector<16xf32>
        %add3A_2024 = arith.addf %add3A_2023, %mul3A_2021 : vector<16xf32>
        %mul3A_2025 = arith.mulf %div3A_2005, %add3A_2024 : vector<16xf32>
        %min3A_2026 = arith.constant 0.000000e+00 : f32
        %min3A_2027 = vector.broadcast %min3A_2026 : f32 to vector<16xf32>
        %min3A_2028 = arith.minimumf %neg3A_1996, %min3A_2027 : vector<16xf32>
        %sub3A_2029 = arith.subf %min3A_2028, %mul3A_2025 : vector<16xf32>
        %eq3A_2030 = arith.constant 4 : i32
        %eq3A_2031 = vector.broadcast %eq3A_2030 : i32 to vector<16xi32>
        %eq3A_2032 = arith.cmpi eq, %iota3A, %eq3A_2031 : vector<16xi32>
        %abs3A_2033 = math.absf %select_n3A_1959 : vector<16xf32>
        %neg3A_2034 = arith.constant 0.000000e+00 : f32
        %neg3A_2035 = vector.broadcast %neg3A_2034 : f32 to vector<16xf32>
        %neg3A_2036 = arith.subf %neg3A_2035, %abs3A_2033 : vector<16xf32>
        %exp3A_2037 = math.exp %neg3A_2036 : vector<16xf32>
        %add3A_2038 = arith.constant 2.000000e+00 : f32
        %add3A_2039 = vector.broadcast %add3A_2038 : f32 to vector<16xf32>
        %add3A_2040 = arith.addf %exp3A_2037, %add3A_2039 : vector<16xf32>
        %div3A_2041 = arith.divf %exp3A_2037, %add3A_2040 : vector<16xf32>
        %mul3A_2042 = arith.mulf %div3A_2041, %div3A_2041 : vector<16xf32>
        %mul3A_2043 = arith.constant 0.222222224 : f32
        %mul3A_2044 = vector.broadcast %mul3A_2043 : f32 to vector<16xf32>
        %mul3A_2045 = arith.mulf %mul3A_2042, %mul3A_2044 : vector<16xf32>
        %add3A_2046 = arith.constant 0.285714298 : f32
        %add3A_2047 = vector.broadcast %add3A_2046 : f32 to vector<16xf32>
        %add3A_2048 = arith.addf %add3A_2047, %mul3A_2045 : vector<16xf32>
        %mul3A_2049 = arith.mulf %mul3A_2042, %add3A_2048 : vector<16xf32>
        %add3A_2050 = arith.constant 4.000000e-01 : f32
        %add3A_2051 = vector.broadcast %add3A_2050 : f32 to vector<16xf32>
        %add3A_2052 = arith.addf %add3A_2051, %mul3A_2049 : vector<16xf32>
        %mul3A_2053 = arith.mulf %mul3A_2042, %add3A_2052 : vector<16xf32>
        %add3A_2054 = arith.constant 0.666666686 : f32
        %add3A_2055 = vector.broadcast %add3A_2054 : f32 to vector<16xf32>
        %add3A_2056 = arith.addf %add3A_2055, %mul3A_2053 : vector<16xf32>
        %mul3A_2057 = arith.mulf %mul3A_2042, %add3A_2056 : vector<16xf32>
        %add3A_2058 = arith.constant 2.000000e+00 : f32
        %add3A_2059 = vector.broadcast %add3A_2058 : f32 to vector<16xf32>
        %add3A_2060 = arith.addf %add3A_2059, %mul3A_2057 : vector<16xf32>
        %mul3A_2061 = arith.mulf %div3A_2041, %add3A_2060 : vector<16xf32>
        %min3A_2062 = arith.constant 0.000000e+00 : f32
        %min3A_2063 = vector.broadcast %min3A_2062 : f32 to vector<16xf32>
        %min3A_2064 = arith.minimumf %select_n3A_1959, %min3A_2063 : vector<16xf32>
        %sub3A_2065 = arith.subf %min3A_2064, %mul3A_2061 : vector<16xf32>
        %select_n3A_2066 = arith.select %eq3A_2032, %sub3A_2065, %broadcast_in_dim3A_45 : vector<16xi1>, vector<16xf32>
        %select_n3A_2067 = arith.select %lt3A_1993, %sub3A_2029, %select_n3A_2066 : vector<16xi1>, vector<16xf32>
        %add3A_2068 = arith.addf %add3A_1990, %select_n3A_2067 : vector<16xf32>
        scf.yield %add3A_2068 : vector<16xf32>
      }
      %scan3A_113 = arith.constant 16 : i32
      %mul3A_114 = arith.constant 2 : i32
      %mul3A_115 = arith.muli %scan3A_54, %mul3A_114 : i32
      %add3A_116 = arith.constant 1 : i32
      %add3A_117 = arith.addi %mul3A_115, %add3A_116 : i32
      %add3A_118 = arith.constant 1 : i32
      %add3A_119 = arith.addi %add3A_117, %add3A_118 : i32
      %lt3A_120 = arith.constant 32 : i32
      %lt3A_121 = arith.cmpi slt, %add3A_119, %lt3A_120 : i32
      %convert_element_type3A_122 = arith.extui %lt3A_121 : i1 to i32
      %cond3A_123 = arith.constant 0 : i32
      %cond3A_124 = arith.cmpi ne, %convert_element_type3A_122, %cond3A_123 : i32
      scf.if %cond3A_124 {
        %mul3A_176 = arith.constant 16 : i32
        %mul3A_177 = arith.muli %add3A_119, %mul3A_176 : i32
        %multiple_of3A_178 = tpu.assume_multiple %mul3A_177, 16 : i32
        %mul3A_179 = arith.constant 320 : i32
        %mul3A_180 = arith.muli %add3A_119, %mul3A_179 : i32
        %multiple_of3A_181 = tpu.assume_multiple %mul3A_180, 320 : i32
        %dma_start3A_182 = arith.constant 0 : i32
        %dma_start3A_183 = arith.constant 0 : i32
        %dma_start3A_184 = arith.constant 0 : i32
        %dma_start3A_185 = arith.constant 0 : i32
        %dma_start3A_186 = tpu.memref_slice %arg8[%dma_start3A_182, %dma_start3A_184, %dma_start3A_185] : memref<2x16x128xf32, #tpu.memory_space<vmem>> -> memref<1x16x128xf32, #tpu.memory_space<vmem>>
        %dma_start3A_187 = tpu.memref_squeeze %dma_start3A_186 : memref<1x16x128xf32, #tpu.memory_space<vmem>> -> memref<16x128xf32, #tpu.memory_space<vmem>>
        %dma_start3A_188 = tpu.memref_slice %arg9[%multiple_of3A_178] : memref<512xi32, #tpu.memory_space<vmem>> -> memref<16xi32, #tpu.memory_space<vmem>>
        %dma_start3A_189 = arith.constant 0 : i32
        %dma_start3A_190 = arith.constant 0 : i32
        %dma_start3A_191 = tpu.memref_slice %arg5[%dma_start3A_189, %dma_start3A_190] : memref<100000x128xf32, #tpu.memory_space<hbm>> -> memref<100000x128xf32, #tpu.memory_space<hbm>>
        %dma_start3A_192 = tpu.memref_slice %arg15[%dma_start3A_183] : memref<2x!tpu.dma_semaphore, #tpu.memory_space<semaphore_mem>> -> memref<1x!tpu.dma_semaphore, #tpu.memory_space<semaphore_mem>>
        %dma_start3A_193 = tpu.memref_squeeze %dma_start3A_192 : memref<1x!tpu.dma_semaphore, #tpu.memory_space<semaphore_mem>> -> memref<!tpu.dma_semaphore, #tpu.memory_space<semaphore_mem>>
        tpu.enqueue_indirect_dma source(%dma_start3A_191 : memref<100000x128xf32, #tpu.memory_space<hbm>>) target(%dma_start3A_187 : memref<16x128xf32, #tpu.memory_space<vmem>>) offsets(%dma_start3A_188 : memref<16xi32, #tpu.memory_space<vmem>>) semaphore(%dma_start3A_193 : memref<!tpu.dma_semaphore, #tpu.memory_space<semaphore_mem>>)
        %dma_start3A_194 = arith.constant 0 : i32
        %dma_start3A_195 = arith.constant 0 : i32
        %dma_start3A_196 = arith.constant 0 : i32
        %dma_start3A_197 = arith.constant 0 : i32
        %dma_start3A_198 = tpu.memref_slice %arg14[%dma_start3A_194, %dma_start3A_196, %dma_start3A_197] : memref<2x16x128xf32, #tpu.memory_space<vmem>> -> memref<1x16x128xf32, #tpu.memory_space<vmem>>
        %dma_start3A_199 = tpu.memref_squeeze %dma_start3A_198 : memref<1x16x128xf32, #tpu.memory_space<vmem>> -> memref<16x128xf32, #tpu.memory_space<vmem>>
        %dma_start3A_200 = tpu.memref_slice %arg11[%multiple_of3A_178] : memref<512xi32, #tpu.memory_space<vmem>> -> memref<16xi32, #tpu.memory_space<vmem>>
        %dma_start3A_201 = arith.constant 0 : i32
        %dma_start3A_202 = arith.constant 0 : i32
        %dma_start3A_203 = tpu.memref_slice %arg6[%dma_start3A_201, %dma_start3A_202] : memref<100000x128xf32, #tpu.memory_space<hbm>> -> memref<100000x128xf32, #tpu.memory_space<hbm>>
        %dma_start3A_204 = tpu.memref_slice %arg15[%dma_start3A_195] : memref<2x!tpu.dma_semaphore, #tpu.memory_space<semaphore_mem>> -> memref<1x!tpu.dma_semaphore, #tpu.memory_space<semaphore_mem>>
        %dma_start3A_205 = tpu.memref_squeeze %dma_start3A_204 : memref<1x!tpu.dma_semaphore, #tpu.memory_space<semaphore_mem>> -> memref<!tpu.dma_semaphore, #tpu.memory_space<semaphore_mem>>
        tpu.enqueue_indirect_dma source(%dma_start3A_203 : memref<100000x128xf32, #tpu.memory_space<hbm>>) target(%dma_start3A_199 : memref<16x128xf32, #tpu.memory_space<vmem>>) offsets(%dma_start3A_200 : memref<16xi32, #tpu.memory_space<vmem>>) semaphore(%dma_start3A_205 : memref<!tpu.dma_semaphore, #tpu.memory_space<semaphore_mem>>)
        %dma_start3A_206 = arith.constant 0 : i32
        %dma_start3A_207 = arith.constant 0 : i32
        %dma_start3A_208 = arith.constant 0 : i32
        %dma_start3A_209 = arith.constant 0 : i32
        %dma_start3A_210 = tpu.memref_slice %arg12[%dma_start3A_206, %dma_start3A_208, %dma_start3A_209] : memref<2x320x128xf32, #tpu.memory_space<vmem>> -> memref<1x320x128xf32, #tpu.memory_space<vmem>>
        %dma_start3A_211 = tpu.memref_squeeze %dma_start3A_210 : memref<1x320x128xf32, #tpu.memory_space<vmem>> -> memref<320x128xf32, #tpu.memory_space<vmem>>
        %dma_start3A_212 = tpu.memref_slice %arg10[%multiple_of3A_181] : memref<10240xi32, #tpu.memory_space<vmem>> -> memref<320xi32, #tpu.memory_space<vmem>>
        %dma_start3A_213 = arith.constant 0 : i32
        %dma_start3A_214 = arith.constant 0 : i32
        %dma_start3A_215 = tpu.memref_slice %arg6[%dma_start3A_213, %dma_start3A_214] : memref<100000x128xf32, #tpu.memory_space<hbm>> -> memref<100000x128xf32, #tpu.memory_space<hbm>>
        %dma_start3A_216 = tpu.memref_slice %arg15[%dma_start3A_207] : memref<2x!tpu.dma_semaphore, #tpu.memory_space<semaphore_mem>> -> memref<1x!tpu.dma_semaphore, #tpu.memory_space<semaphore_mem>>
        %dma_start3A_217 = tpu.memref_squeeze %dma_start3A_216 : memref<1x!tpu.dma_semaphore, #tpu.memory_space<semaphore_mem>> -> memref<!tpu.dma_semaphore, #tpu.memory_space<semaphore_mem>>
        tpu.enqueue_indirect_dma source(%dma_start3A_215 : memref<100000x128xf32, #tpu.memory_space<hbm>>) target(%dma_start3A_211 : memref<320x128xf32, #tpu.memory_space<vmem>>) offsets(%dma_start3A_212 : memref<320xi32, #tpu.memory_space<vmem>>) semaphore(%dma_start3A_217 : memref<!tpu.dma_semaphore, #tpu.memory_space<semaphore_mem>>)
      } else {
      }
      %mul3A_125 = arith.constant 16 : i32
      %mul3A_126 = arith.muli %add3A_117, %mul3A_125 : i32
      %multiple_of3A_127 = tpu.assume_multiple %mul3A_126, 16 : i32
      %mul3A_128 = arith.constant 320 : i32
      %mul3A_129 = arith.muli %add3A_117, %mul3A_128 : i32
      %multiple_of3A_130 = tpu.assume_multiple %mul3A_129, 320 : i32
      %dma_wait3A_131 = arith.constant 1 : i32
      %dma_wait3A_132 = arith.constant 1 : i32
      %dma_wait3A_133 = arith.constant 0 : i32
      %dma_wait3A_134 = arith.constant 0 : i32
      %dma_wait3A_135 = tpu.memref_slice %arg8[%dma_wait3A_131, %dma_wait3A_133, %dma_wait3A_134] : memref<2x16x128xf32, #tpu.memory_space<vmem>> -> memref<1x16x128xf32, #tpu.memory_space<vmem>>
      %dma_wait3A_136 = tpu.memref_squeeze %dma_wait3A_135 : memref<1x16x128xf32, #tpu.memory_space<vmem>> -> memref<16x128xf32, #tpu.memory_space<vmem>>
      %dma_wait3A_137 = tpu.memref_slice %arg9[%multiple_of3A_127] : memref<512xi32, #tpu.memory_space<vmem>> -> memref<16xi32, #tpu.memory_space<vmem>>
      %dma_wait3A_138 = arith.constant 0 : i32
      %dma_wait3A_139 = arith.constant 0 : i32
      %dma_wait3A_140 = tpu.memref_slice %arg5[%dma_wait3A_138, %dma_wait3A_139] : memref<100000x128xf32, #tpu.memory_space<hbm>> -> memref<100000x128xf32, #tpu.memory_space<hbm>>
      %dma_wait3A_141 = tpu.memref_slice %arg15[%dma_wait3A_132] : memref<2x!tpu.dma_semaphore, #tpu.memory_space<semaphore_mem>> -> memref<1x!tpu.dma_semaphore, #tpu.memory_space<semaphore_mem>>
      %dma_wait3A_142 = tpu.memref_squeeze %dma_wait3A_141 : memref<1x!tpu.dma_semaphore, #tpu.memory_space<semaphore_mem>> -> memref<!tpu.dma_semaphore, #tpu.memory_space<semaphore_mem>>
      tpu.wait_indirect_dma semaphore(%dma_wait3A_142 : memref<!tpu.dma_semaphore, #tpu.memory_space<semaphore_mem>>) src(%dma_wait3A_140 : memref<100000x128xf32, #tpu.memory_space<hbm>>) dst(%dma_wait3A_136 : memref<16x128xf32, #tpu.memory_space<vmem>>)
      %dma_wait3A_143 = arith.constant 1 : i32
      %dma_wait3A_144 = arith.constant 1 : i32
      %dma_wait3A_145 = arith.constant 0 : i32
      %dma_wait3A_146 = arith.constant 0 : i32
      %dma_wait3A_147 = tpu.memref_slice %arg14[%dma_wait3A_143, %dma_wait3A_145, %dma_wait3A_146] : memref<2x16x128xf32, #tpu.memory_space<vmem>> -> memref<1x16x128xf32, #tpu.memory_space<vmem>>
      %dma_wait3A_148 = tpu.memref_squeeze %dma_wait3A_147 : memref<1x16x128xf32, #tpu.memory_space<vmem>> -> memref<16x128xf32, #tpu.memory_space<vmem>>
      %dma_wait3A_149 = tpu.memref_slice %arg11[%multiple_of3A_127] : memref<512xi32, #tpu.memory_space<vmem>> -> memref<16xi32, #tpu.memory_space<vmem>>
      %dma_wait3A_150 = arith.constant 0 : i32
      %dma_wait3A_151 = arith.constant 0 : i32
      %dma_wait3A_152 = tpu.memref_slice %arg6[%dma_wait3A_150, %dma_wait3A_151] : memref<100000x128xf32, #tpu.memory_space<hbm>> -> memref<100000x128xf32, #tpu.memory_space<hbm>>
      %dma_wait3A_153 = tpu.memref_slice %arg15[%dma_wait3A_144] : memref<2x!tpu.dma_semaphore, #tpu.memory_space<semaphore_mem>> -> memref<1x!tpu.dma_semaphore, #tpu.memory_space<semaphore_mem>>
      %dma_wait3A_154 = tpu.memref_squeeze %dma_wait3A_153 : memref<1x!tpu.dma_semaphore, #tpu.memory_space<semaphore_mem>> -> memref<!tpu.dma_semaphore, #tpu.memory_space<semaphore_mem>>
      tpu.wait_indirect_dma semaphore(%dma_wait3A_154 : memref<!tpu.dma_semaphore, #tpu.memory_space<semaphore_mem>>) src(%dma_wait3A_152 : memref<100000x128xf32, #tpu.memory_space<hbm>>) dst(%dma_wait3A_148 : memref<16x128xf32, #tpu.memory_space<vmem>>)
      %dma_wait3A_155 = arith.constant 1 : i32
      %dma_wait3A_156 = arith.constant 1 : i32
      %dma_wait3A_157 = arith.constant 0 : i32
      %dma_wait3A_158 = arith.constant 0 : i32
      %dma_wait3A_159 = tpu.memref_slice %arg12[%dma_wait3A_155, %dma_wait3A_157, %dma_wait3A_158] : memref<2x320x128xf32, #tpu.memory_space<vmem>> -> memref<1x320x128xf32, #tpu.memory_space<vmem>>
      %dma_wait3A_160 = tpu.memref_squeeze %dma_wait3A_159 : memref<1x320x128xf32, #tpu.memory_space<vmem>> -> memref<320x128xf32, #tpu.memory_space<vmem>>
      %dma_wait3A_161 = tpu.memref_slice %arg10[%multiple_of3A_130] : memref<10240xi32, #tpu.memory_space<vmem>> -> memref<320xi32, #tpu.memory_space<vmem>>
      %dma_wait3A_162 = arith.constant 0 : i32
      %dma_wait3A_163 = arith.constant 0 : i32
      %dma_wait3A_164 = tpu.memref_slice %arg6[%dma_wait3A_162, %dma_wait3A_163] : memref<100000x128xf32, #tpu.memory_space<hbm>> -> memref<100000x128xf32, #tpu.memory_space<hbm>>
      %dma_wait3A_165 = tpu.memref_slice %arg15[%dma_wait3A_156] : memref<2x!tpu.dma_semaphore, #tpu.memory_space<semaphore_mem>> -> memref<1x!tpu.dma_semaphore, #tpu.memory_space<semaphore_mem>>
      %dma_wait3A_166 = tpu.memref_squeeze %dma_wait3A_165 : memref<1x!tpu.dma_semaphore, #tpu.memory_space<semaphore_mem>> -> memref<!tpu.dma_semaphore, #tpu.memory_space<semaphore_mem>>
      tpu.wait_indirect_dma semaphore(%dma_wait3A_166 : memref<!tpu.dma_semaphore, #tpu.memory_space<semaphore_mem>>) src(%dma_wait3A_164 : memref<100000x128xf32, #tpu.memory_space<hbm>>) dst(%dma_wait3A_160 : memref<320x128xf32, #tpu.memory_space<vmem>>)
      %scan3A_167 = arith.constant 1 : i32
      %scan3A_168 = arith.constant 1 : i32
      %scan3A_169 = arith.constant 1 : i32
      %scan3A_170 = arith.constant 0 : i32
      %scan3A_171 = arith.constant 16 : i32
      %scan3A_172 = arith.addi %scan3A_170, %scan3A_171 : i32
      %scan3A_173 = arith.constant 1 : i32
      %scan3A_174 = scf.for %scan3A_176 = %scan3A_170 to %scan3A_172 step %scan3A_173 iter_args(%scan3A_177 = %scan3A_112) -> (vector<16xf32>)  : i32 {
        %get3A = arith.constant 0 : i32
        %get3A_178 = arith.constant 0 : i32
        %get3A_179 = tpu.memref_slice %arg8[%scan3A_167, %get3A, %get3A_178] : memref<2x16x128xf32, #tpu.memory_space<vmem>> -> memref<1x16x128xf32, #tpu.memory_space<vmem>>
        %get3A_180 = tpu.memref_squeeze %get3A_179 : memref<1x16x128xf32, #tpu.memory_space<vmem>> -> memref<16x128xf32, #tpu.memory_space<vmem>>
        %get3A_181 = arith.index_cast %scan3A_176 : i32 to index
        %get3A_182 = arith.constant 0 : index
        %get3A_183 = tpu.vector_load %get3A_180[%get3A_181, %get3A_182] {strides = array<i32>} : memref<16x128xf32, #tpu.memory_space<vmem>>, vector<16xf32>,
        %get3A_184 = arith.constant 0 : i32
        %get3A_185 = arith.constant 0 : i32
        %get3A_186 = tpu.memref_slice %arg8[%scan3A_167, %get3A_184, %get3A_185] : memref<2x16x128xf32, #tpu.memory_space<vmem>> -> memref<1x16x128xf32, #tpu.memory_space<vmem>>
        %get3A_187 = tpu.memref_squeeze %get3A_186 : memref<1x16x128xf32, #tpu.memory_space<vmem>> -> memref<16x128xf32, #tpu.memory_space<vmem>>
        %get3A_188 = arith.index_cast %scan3A_176 : i32 to index
        %get3A_189 = arith.constant 16 : index
        %get3A_190 = tpu.vector_load %get3A_187[%get3A_188, %get3A_189] {strides = array<i32>} : memref<16x128xf32, #tpu.memory_space<vmem>>, vector<16xf32>,
        %get3A_191 = arith.constant 0 : i32
        %get3A_192 = arith.constant 0 : i32
        %get3A_193 = tpu.memref_slice %arg8[%scan3A_167, %get3A_191, %get3A_192] : memref<2x16x128xf32, #tpu.memory_space<vmem>> -> memref<1x16x128xf32, #tpu.memory_space<vmem>>
        %get3A_194 = tpu.memref_squeeze %get3A_193 : memref<1x16x128xf32, #tpu.memory_space<vmem>> -> memref<16x128xf32, #tpu.memory_space<vmem>>
        %get3A_195 = arith.index_cast %scan3A_176 : i32 to index
        %get3A_196 = arith.constant 32 : index
        %get3A_197 = tpu.vector_load %get3A_194[%get3A_195, %get3A_196] {strides = array<i32>} : memref<16x128xf32, #tpu.memory_space<vmem>>, vector<16xf32>,
        %get3A_198 = arith.constant 0 : i32
        %get3A_199 = arith.constant 0 : i32
        %get3A_200 = tpu.memref_slice %arg8[%scan3A_167, %get3A_198, %get3A_199] : memref<2x16x128xf32, #tpu.memory_space<vmem>> -> memref<1x16x128xf32, #tpu.memory_space<vmem>>
        %get3A_201 = tpu.memref_squeeze %get3A_200 : memref<1x16x128xf32, #tpu.memory_space<vmem>> -> memref<16x128xf32, #tpu.memory_space<vmem>>
        %get3A_202 = arith.index_cast %scan3A_176 : i32 to index
        %get3A_203 = arith.constant 48 : index
        %get3A_204 = tpu.vector_load %get3A_201[%get3A_202, %get3A_203] {strides = array<i32>} : memref<16x128xf32, #tpu.memory_space<vmem>>, vector<16xf32>,
        %get3A_205 = arith.constant 0 : i32
        %get3A_206 = arith.constant 0 : i32
        %get3A_207 = tpu.memref_slice %arg8[%scan3A_167, %get3A_205, %get3A_206] : memref<2x16x128xf32, #tpu.memory_space<vmem>> -> memref<1x16x128xf32, #tpu.memory_space<vmem>>
        %get3A_208 = tpu.memref_squeeze %get3A_207 : memref<1x16x128xf32, #tpu.memory_space<vmem>> -> memref<16x128xf32, #tpu.memory_space<vmem>>
        %get3A_209 = arith.index_cast %scan3A_176 : i32 to index
        %get3A_210 = arith.constant 64 : index
        %get3A_211 = tpu.vector_load %get3A_208[%get3A_209, %get3A_210] {strides = array<i32>} : memref<16x128xf32, #tpu.memory_space<vmem>>, vector<16xf32>,
        %get3A_212 = arith.constant 0 : i32
        %get3A_213 = arith.constant 0 : i32
        %get3A_214 = tpu.memref_slice %arg8[%scan3A_167, %get3A_212, %get3A_213] : memref<2x16x128xf32, #tpu.memory_space<vmem>> -> memref<1x16x128xf32, #tpu.memory_space<vmem>>
        %get3A_215 = tpu.memref_squeeze %get3A_214 : memref<1x16x128xf32, #tpu.memory_space<vmem>> -> memref<16x128xf32, #tpu.memory_space<vmem>>
        %get3A_216 = arith.index_cast %scan3A_176 : i32 to index
        %get3A_217 = arith.constant 80 : index
        %get3A_218 = tpu.vector_load %get3A_215[%get3A_216, %get3A_217] {strides = array<i32>} : memref<16x128xf32, #tpu.memory_space<vmem>>, vector<16xf32>,
        %get3A_219 = arith.constant 0 : i32
        %get3A_220 = arith.constant 0 : i32
        %get3A_221 = tpu.memref_slice %arg8[%scan3A_167, %get3A_219, %get3A_220] : memref<2x16x128xf32, #tpu.memory_space<vmem>> -> memref<1x16x128xf32, #tpu.memory_space<vmem>>
        %get3A_222 = tpu.memref_squeeze %get3A_221 : memref<1x16x128xf32, #tpu.memory_space<vmem>> -> memref<16x128xf32, #tpu.memory_space<vmem>>
        %get3A_223 = arith.index_cast %scan3A_176 : i32 to index
        %get3A_224 = arith.constant 96 : index
        %get3A_225 = tpu.vector_load %get3A_222[%get3A_223, %get3A_224] {strides = array<i32>} : memref<16x128xf32, #tpu.memory_space<vmem>>, vector<16xf32>,
        %get3A_226 = arith.constant 0 : i32
        %get3A_227 = arith.constant 0 : i32
        %get3A_228 = tpu.memref_slice %arg8[%scan3A_167, %get3A_226, %get3A_227] : memref<2x16x128xf32, #tpu.memory_space<vmem>> -> memref<1x16x128xf32, #tpu.memory_space<vmem>>
        %get3A_229 = tpu.memref_squeeze %get3A_228 : memref<1x16x128xf32, #tpu.memory_space<vmem>> -> memref<16x128xf32, #tpu.memory_space<vmem>>
        %get3A_230 = arith.index_cast %scan3A_176 : i32 to index
        %get3A_231 = arith.constant 112 : index
        %get3A_232 = tpu.vector_load %get3A_229[%get3A_230, %get3A_231] {strides = array<i32>} : memref<16x128xf32, #tpu.memory_space<vmem>>, vector<16xf32>,
        %mul3A_233 = arith.constant 20 : i32
        %mul3A_234 = arith.muli %scan3A_176, %mul3A_233 : i32
        %eq3A = arith.constant 0 : i32
        %eq3A_235 = vector.broadcast %eq3A : i32 to vector<16xi32>
        %eq3A_236 = arith.cmpi eq, %iota3A, %eq3A_235 : vector<16xi32>
        %add3A_237 = arith.constant 0 : i32
        %add3A_238 = arith.addi %mul3A_234, %add3A_237 : i32
        %get3A_239 = arith.constant 0 : i32
        %get3A_240 = arith.constant 0 : i32
        %get3A_241 = tpu.memref_slice %arg12[%scan3A_168, %get3A_239, %get3A_240] : memref<2x320x128xf32, #tpu.memory_space<vmem>> -> memref<1x320x128xf32, #tpu.memory_space<vmem>>
        %get3A_242 = tpu.memref_squeeze %get3A_241 : memref<1x320x128xf32, #tpu.memory_space<vmem>> -> memref<320x128xf32, #tpu.memory_space<vmem>>
        %get3A_243 = arith.index_cast %add3A_238 : i32 to index
        %get3A_244 = arith.constant 0 : index
        %get3A_245 = tpu.vector_load %get3A_242[%get3A_243, %get3A_244] {strides = array<i32>} : memref<320x128xf32, #tpu.memory_space<vmem>>, vector<16xf32>,
        %mul3A_246 = arith.mulf %get3A_183, %get3A_245 : vector<16xf32>
        %get3A_247 = arith.constant 0 : i32
        %get3A_248 = arith.constant 0 : i32
        %get3A_249 = tpu.memref_slice %arg12[%scan3A_168, %get3A_247, %get3A_248] : memref<2x320x128xf32, #tpu.memory_space<vmem>> -> memref<1x320x128xf32, #tpu.memory_space<vmem>>
        %get3A_250 = tpu.memref_squeeze %get3A_249 : memref<1x320x128xf32, #tpu.memory_space<vmem>> -> memref<320x128xf32, #tpu.memory_space<vmem>>
        %get3A_251 = arith.index_cast %add3A_238 : i32 to index
        %get3A_252 = arith.constant 16 : index
        %get3A_253 = tpu.vector_load %get3A_250[%get3A_251, %get3A_252] {strides = array<i32>} : memref<320x128xf32, #tpu.memory_space<vmem>>, vector<16xf32>,
        %mul3A_254 = arith.mulf %get3A_190, %get3A_253 : vector<16xf32>
        %add3A_255 = arith.addf %mul3A_246, %mul3A_254 : vector<16xf32>
        %get3A_256 = arith.constant 0 : i32
        %get3A_257 = arith.constant 0 : i32
        %get3A_258 = tpu.memref_slice %arg12[%scan3A_168, %get3A_256, %get3A_257] : memref<2x320x128xf32, #tpu.memory_space<vmem>> -> memref<1x320x128xf32, #tpu.memory_space<vmem>>
        %get3A_259 = tpu.memref_squeeze %get3A_258 : memref<1x320x128xf32, #tpu.memory_space<vmem>> -> memref<320x128xf32, #tpu.memory_space<vmem>>
        %get3A_260 = arith.index_cast %add3A_238 : i32 to index
        %get3A_261 = arith.constant 32 : index
        %get3A_262 = tpu.vector_load %get3A_259[%get3A_260, %get3A_261] {strides = array<i32>} : memref<320x128xf32, #tpu.memory_space<vmem>>, vector<16xf32>,
        %mul3A_263 = arith.mulf %get3A_197, %get3A_262 : vector<16xf32>
        %add3A_264 = arith.addf %add3A_255, %mul3A_263 : vector<16xf32>
        %get3A_265 = arith.constant 0 : i32
        %get3A_266 = arith.constant 0 : i32
        %get3A_267 = tpu.memref_slice %arg12[%scan3A_168, %get3A_265, %get3A_266] : memref<2x320x128xf32, #tpu.memory_space<vmem>> -> memref<1x320x128xf32, #tpu.memory_space<vmem>>
        %get3A_268 = tpu.memref_squeeze %get3A_267 : memref<1x320x128xf32, #tpu.memory_space<vmem>> -> memref<320x128xf32, #tpu.memory_space<vmem>>
        %get3A_269 = arith.index_cast %add3A_238 : i32 to index
        %get3A_270 = arith.constant 48 : index
        %get3A_271 = tpu.vector_load %get3A_268[%get3A_269, %get3A_270] {strides = array<i32>} : memref<320x128xf32, #tpu.memory_space<vmem>>, vector<16xf32>,
        %mul3A_272 = arith.mulf %get3A_204, %get3A_271 : vector<16xf32>
        %add3A_273 = arith.addf %add3A_264, %mul3A_272 : vector<16xf32>
        %get3A_274 = arith.constant 0 : i32
        %get3A_275 = arith.constant 0 : i32
        %get3A_276 = tpu.memref_slice %arg12[%scan3A_168, %get3A_274, %get3A_275] : memref<2x320x128xf32, #tpu.memory_space<vmem>> -> memref<1x320x128xf32, #tpu.memory_space<vmem>>
        %get3A_277 = tpu.memref_squeeze %get3A_276 : memref<1x320x128xf32, #tpu.memory_space<vmem>> -> memref<320x128xf32, #tpu.memory_space<vmem>>
        %get3A_278 = arith.index_cast %add3A_238 : i32 to index
        %get3A_279 = arith.constant 64 : index
        %get3A_280 = tpu.vector_load %get3A_277[%get3A_278, %get3A_279] {strides = array<i32>} : memref<320x128xf32, #tpu.memory_space<vmem>>, vector<16xf32>,
        %mul3A_281 = arith.mulf %get3A_211, %get3A_280 : vector<16xf32>
        %add3A_282 = arith.addf %add3A_273, %mul3A_281 : vector<16xf32>
        %get3A_283 = arith.constant 0 : i32
        %get3A_284 = arith.constant 0 : i32
        %get3A_285 = tpu.memref_slice %arg12[%scan3A_168, %get3A_283, %get3A_284] : memref<2x320x128xf32, #tpu.memory_space<vmem>> -> memref<1x320x128xf32, #tpu.memory_space<vmem>>
        %get3A_286 = tpu.memref_squeeze %get3A_285 : memref<1x320x128xf32, #tpu.memory_space<vmem>> -> memref<320x128xf32, #tpu.memory_space<vmem>>
        %get3A_287 = arith.index_cast %add3A_238 : i32 to index
        %get3A_288 = arith.constant 80 : index
        %get3A_289 = tpu.vector_load %get3A_286[%get3A_287, %get3A_288] {strides = array<i32>} : memref<320x128xf32, #tpu.memory_space<vmem>>, vector<16xf32>,
        %mul3A_290 = arith.mulf %get3A_218, %get3A_289 : vector<16xf32>
        %add3A_291 = arith.addf %add3A_282, %mul3A_290 : vector<16xf32>
        %get3A_292 = arith.constant 0 : i32
        %get3A_293 = arith.constant 0 : i32
        %get3A_294 = tpu.memref_slice %arg12[%scan3A_168, %get3A_292, %get3A_293] : memref<2x320x128xf32, #tpu.memory_space<vmem>> -> memref<1x320x128xf32, #tpu.memory_space<vmem>>
        %get3A_295 = tpu.memref_squeeze %get3A_294 : memref<1x320x128xf32, #tpu.memory_space<vmem>> -> memref<320x128xf32, #tpu.memory_space<vmem>>
        %get3A_296 = arith.index_cast %add3A_238 : i32 to index
        %get3A_297 = arith.constant 96 : index
        %get3A_298 = tpu.vector_load %get3A_295[%get3A_296, %get3A_297] {strides = array<i32>} : memref<320x128xf32, #tpu.memory_space<vmem>>, vector<16xf32>,
        %mul3A_299 = arith.mulf %get3A_225, %get3A_298 : vector<16xf32>
        %add3A_300 = arith.addf %add3A_291, %mul3A_299 : vector<16xf32>
        %get3A_301 = arith.constant 0 : i32
        %get3A_302 = arith.constant 0 : i32
        %get3A_303 = tpu.memref_slice %arg12[%scan3A_168, %get3A_301, %get3A_302] : memref<2x320x128xf32, #tpu.memory_space<vmem>> -> memref<1x320x128xf32, #tpu.memory_space<vmem>>
        %get3A_304 = tpu.memref_squeeze %get3A_303 : memref<1x320x128xf32, #tpu.memory_space<vmem>> -> memref<320x128xf32, #tpu.memory_space<vmem>>
        %get3A_305 = arith.index_cast %add3A_238 : i32 to index
        %get3A_306 = arith.constant 112 : index
        %get3A_307 = tpu.vector_load %get3A_304[%get3A_305, %get3A_306] {strides = array<i32>} : memref<320x128xf32, #tpu.memory_space<vmem>>, vector<16xf32>,
        %mul3A_308 = arith.mulf %get3A_232, %get3A_307 : vector<16xf32>
        %add3A_309 = arith.addf %add3A_300, %mul3A_308 : vector<16xf32>
        %reduce_sum3A = arith.constant true
        %reduce_sum3A_310 = vector.broadcast %reduce_sum3A : i1 to vector<16xi1>
        %reduce_sum3A_311 = tpu.scan <sum>, %add3A_309 masked %reduce_sum3A_310 : vector<16xf32>, vector<16xi1> -> vector<16xf32>
        %reduce_sum3A_312 = vector.extract %reduce_sum3A_311[15] : f32 from vector<16xf32>
        %broadcast_in_dim3A_313 = vector.broadcast %reduce_sum3A_312 : f32 to vector<16xf32>
        %select_n3A = arith.select %eq3A_236, %broadcast_in_dim3A_313, %broadcast_in_dim3A_45 : vector<16xi1>, vector<16xf32>
        %eq3A_314 = arith.constant 1 : i32
        %eq3A_315 = vector.broadcast %eq3A_314 : i32 to vector<16xi32>
        %eq3A_316 = arith.cmpi eq, %iota3A, %eq3A_315 : vector<16xi32>
        %add3A_317 = arith.constant 1 : i32
        %add3A_318 = arith.addi %mul3A_234, %add3A_317 : i32
        %get3A_319 = arith.constant 0 : i32
        %get3A_320 = arith.constant 0 : i32
        %get3A_321 = tpu.memref_slice %arg12[%scan3A_168, %get3A_319, %get3A_320] : memref<2x320x128xf32, #tpu.memory_space<vmem>> -> memref<1x320x128xf32, #tpu.memory_space<vmem>>
        %get3A_322 = tpu.memref_squeeze %get3A_321 : memref<1x320x128xf32, #tpu.memory_space<vmem>> -> memref<320x128xf32, #tpu.memory_space<vmem>>
        %get3A_323 = arith.index_cast %add3A_318 : i32 to index
        %get3A_324 = arith.constant 0 : index
        %get3A_325 = tpu.vector_load %get3A_322[%get3A_323, %get3A_324] {strides = array<i32>} : memref<320x128xf32, #tpu.memory_space<vmem>>, vector<16xf32>,
        %mul3A_326 = arith.mulf %get3A_183, %get3A_325 : vector<16xf32>
        %get3A_327 = arith.constant 0 : i32
        %get3A_328 = arith.constant 0 : i32
        %get3A_329 = tpu.memref_slice %arg12[%scan3A_168, %get3A_327, %get3A_328] : memref<2x320x128xf32, #tpu.memory_space<vmem>> -> memref<1x320x128xf32, #tpu.memory_space<vmem>>
        %get3A_330 = tpu.memref_squeeze %get3A_329 : memref<1x320x128xf32, #tpu.memory_space<vmem>> -> memref<320x128xf32, #tpu.memory_space<vmem>>
        %get3A_331 = arith.index_cast %add3A_318 : i32 to index
        %get3A_332 = arith.constant 16 : index
        %get3A_333 = tpu.vector_load %get3A_330[%get3A_331, %get3A_332] {strides = array<i32>} : memref<320x128xf32, #tpu.memory_space<vmem>>, vector<16xf32>,
        %mul3A_334 = arith.mulf %get3A_190, %get3A_333 : vector<16xf32>
        %add3A_335 = arith.addf %mul3A_326, %mul3A_334 : vector<16xf32>
        %get3A_336 = arith.constant 0 : i32
        %get3A_337 = arith.constant 0 : i32
        %get3A_338 = tpu.memref_slice %arg12[%scan3A_168, %get3A_336, %get3A_337] : memref<2x320x128xf32, #tpu.memory_space<vmem>> -> memref<1x320x128xf32, #tpu.memory_space<vmem>>
        %get3A_339 = tpu.memref_squeeze %get3A_338 : memref<1x320x128xf32, #tpu.memory_space<vmem>> -> memref<320x128xf32, #tpu.memory_space<vmem>>
        %get3A_340 = arith.index_cast %add3A_318 : i32 to index
        %get3A_341 = arith.constant 32 : index
        %get3A_342 = tpu.vector_load %get3A_339[%get3A_340, %get3A_341] {strides = array<i32>} : memref<320x128xf32, #tpu.memory_space<vmem>>, vector<16xf32>,
        %mul3A_343 = arith.mulf %get3A_197, %get3A_342 : vector<16xf32>
        %add3A_344 = arith.addf %add3A_335, %mul3A_343 : vector<16xf32>
        %get3A_345 = arith.constant 0 : i32
        %get3A_346 = arith.constant 0 : i32
        %get3A_347 = tpu.memref_slice %arg12[%scan3A_168, %get3A_345, %get3A_346] : memref<2x320x128xf32, #tpu.memory_space<vmem>> -> memref<1x320x128xf32, #tpu.memory_space<vmem>>
        %get3A_348 = tpu.memref_squeeze %get3A_347 : memref<1x320x128xf32, #tpu.memory_space<vmem>> -> memref<320x128xf32, #tpu.memory_space<vmem>>
        %get3A_349 = arith.index_cast %add3A_318 : i32 to index
        %get3A_350 = arith.constant 48 : index
        %get3A_351 = tpu.vector_load %get3A_348[%get3A_349, %get3A_350] {strides = array<i32>} : memref<320x128xf32, #tpu.memory_space<vmem>>, vector<16xf32>,
        %mul3A_352 = arith.mulf %get3A_204, %get3A_351 : vector<16xf32>
        %add3A_353 = arith.addf %add3A_344, %mul3A_352 : vector<16xf32>
        %get3A_354 = arith.constant 0 : i32
        %get3A_355 = arith.constant 0 : i32
        %get3A_356 = tpu.memref_slice %arg12[%scan3A_168, %get3A_354, %get3A_355] : memref<2x320x128xf32, #tpu.memory_space<vmem>> -> memref<1x320x128xf32, #tpu.memory_space<vmem>>
        %get3A_357 = tpu.memref_squeeze %get3A_356 : memref<1x320x128xf32, #tpu.memory_space<vmem>> -> memref<320x128xf32, #tpu.memory_space<vmem>>
        %get3A_358 = arith.index_cast %add3A_318 : i32 to index
        %get3A_359 = arith.constant 64 : index
        %get3A_360 = tpu.vector_load %get3A_357[%get3A_358, %get3A_359] {strides = array<i32>} : memref<320x128xf32, #tpu.memory_space<vmem>>, vector<16xf32>,
        %mul3A_361 = arith.mulf %get3A_211, %get3A_360 : vector<16xf32>
        %add3A_362 = arith.addf %add3A_353, %mul3A_361 : vector<16xf32>
        %get3A_363 = arith.constant 0 : i32
        %get3A_364 = arith.constant 0 : i32
        %get3A_365 = tpu.memref_slice %arg12[%scan3A_168, %get3A_363, %get3A_364] : memref<2x320x128xf32, #tpu.memory_space<vmem>> -> memref<1x320x128xf32, #tpu.memory_space<vmem>>
        %get3A_366 = tpu.memref_squeeze %get3A_365 : memref<1x320x128xf32, #tpu.memory_space<vmem>> -> memref<320x128xf32, #tpu.memory_space<vmem>>
        %get3A_367 = arith.index_cast %add3A_318 : i32 to index
        %get3A_368 = arith.constant 80 : index
        %get3A_369 = tpu.vector_load %get3A_366[%get3A_367, %get3A_368] {strides = array<i32>} : memref<320x128xf32, #tpu.memory_space<vmem>>, vector<16xf32>,
        %mul3A_370 = arith.mulf %get3A_218, %get3A_369 : vector<16xf32>
        %add3A_371 = arith.addf %add3A_362, %mul3A_370 : vector<16xf32>
        %get3A_372 = arith.constant 0 : i32
        %get3A_373 = arith.constant 0 : i32
        %get3A_374 = tpu.memref_slice %arg12[%scan3A_168, %get3A_372, %get3A_373] : memref<2x320x128xf32, #tpu.memory_space<vmem>> -> memref<1x320x128xf32, #tpu.memory_space<vmem>>
        %get3A_375 = tpu.memref_squeeze %get3A_374 : memref<1x320x128xf32, #tpu.memory_space<vmem>> -> memref<320x128xf32, #tpu.memory_space<vmem>>
        %get3A_376 = arith.index_cast %add3A_318 : i32 to index
        %get3A_377 = arith.constant 96 : index
        %get3A_378 = tpu.vector_load %get3A_375[%get3A_376, %get3A_377] {strides = array<i32>} : memref<320x128xf32, #tpu.memory_space<vmem>>, vector<16xf32>,
        %mul3A_379 = arith.mulf %get3A_225, %get3A_378 : vector<16xf32>
        %add3A_380 = arith.addf %add3A_371, %mul3A_379 : vector<16xf32>
        %get3A_381 = arith.constant 0 : i32
        %get3A_382 = arith.constant 0 : i32
        %get3A_383 = tpu.memref_slice %arg12[%scan3A_168, %get3A_381, %get3A_382] : memref<2x320x128xf32, #tpu.memory_space<vmem>> -> memref<1x320x128xf32, #tpu.memory_space<vmem>>
        %get3A_384 = tpu.memref_squeeze %get3A_383 : memref<1x320x128xf32, #tpu.memory_space<vmem>> -> memref<320x128xf32, #tpu.memory_space<vmem>>
        %get3A_385 = arith.index_cast %add3A_318 : i32 to index
        %get3A_386 = arith.constant 112 : index
        %get3A_387 = tpu.vector_load %get3A_384[%get3A_385, %get3A_386] {strides = array<i32>} : memref<320x128xf32, #tpu.memory_space<vmem>>, vector<16xf32>,
        %mul3A_388 = arith.mulf %get3A_232, %get3A_387 : vector<16xf32>
        %add3A_389 = arith.addf %add3A_380, %mul3A_388 : vector<16xf32>
        %reduce_sum3A_390 = arith.constant true
        %reduce_sum3A_391 = vector.broadcast %reduce_sum3A_390 : i1 to vector<16xi1>
        %reduce_sum3A_392 = tpu.scan <sum>, %add3A_389 masked %reduce_sum3A_391 : vector<16xf32>, vector<16xi1> -> vector<16xf32>
        %reduce_sum3A_393 = vector.extract %reduce_sum3A_392[15] : f32 from vector<16xf32>
        %broadcast_in_dim3A_394 = vector.broadcast %reduce_sum3A_393 : f32 to vector<16xf32>
        %select_n3A_395 = arith.select %eq3A_316, %broadcast_in_dim3A_394, %select_n3A : vector<16xi1>, vector<16xf32>
        %eq3A_396 = arith.constant 2 : i32
        %eq3A_397 = vector.broadcast %eq3A_396 : i32 to vector<16xi32>
        %eq3A_398 = arith.cmpi eq, %iota3A, %eq3A_397 : vector<16xi32>
        %add3A_399 = arith.constant 2 : i32
        %add3A_400 = arith.addi %mul3A_234, %add3A_399 : i32
        %get3A_401 = arith.constant 0 : i32
        %get3A_402 = arith.constant 0 : i32
        %get3A_403 = tpu.memref_slice %arg12[%scan3A_168, %get3A_401, %get3A_402] : memref<2x320x128xf32, #tpu.memory_space<vmem>> -> memref<1x320x128xf32, #tpu.memory_space<vmem>>
        %get3A_404 = tpu.memref_squeeze %get3A_403 : memref<1x320x128xf32, #tpu.memory_space<vmem>> -> memref<320x128xf32, #tpu.memory_space<vmem>>
        %get3A_405 = arith.index_cast %add3A_400 : i32 to index
        %get3A_406 = arith.constant 0 : index
        %get3A_407 = tpu.vector_load %get3A_404[%get3A_405, %get3A_406] {strides = array<i32>} : memref<320x128xf32, #tpu.memory_space<vmem>>, vector<16xf32>,
        %mul3A_408 = arith.mulf %get3A_183, %get3A_407 : vector<16xf32>
        %get3A_409 = arith.constant 0 : i32
        %get3A_410 = arith.constant 0 : i32
        %get3A_411 = tpu.memref_slice %arg12[%scan3A_168, %get3A_409, %get3A_410] : memref<2x320x128xf32, #tpu.memory_space<vmem>> -> memref<1x320x128xf32, #tpu.memory_space<vmem>>
        %get3A_412 = tpu.memref_squeeze %get3A_411 : memref<1x320x128xf32, #tpu.memory_space<vmem>> -> memref<320x128xf32, #tpu.memory_space<vmem>>
        %get3A_413 = arith.index_cast %add3A_400 : i32 to index
        %get3A_414 = arith.constant 16 : index
        %get3A_415 = tpu.vector_load %get3A_412[%get3A_413, %get3A_414] {strides = array<i32>} : memref<320x128xf32, #tpu.memory_space<vmem>>, vector<16xf32>,
        %mul3A_416 = arith.mulf %get3A_190, %get3A_415 : vector<16xf32>
        %add3A_417 = arith.addf %mul3A_408, %mul3A_416 : vector<16xf32>
        %get3A_418 = arith.constant 0 : i32
        %get3A_419 = arith.constant 0 : i32
        %get3A_420 = tpu.memref_slice %arg12[%scan3A_168, %get3A_418, %get3A_419] : memref<2x320x128xf32, #tpu.memory_space<vmem>> -> memref<1x320x128xf32, #tpu.memory_space<vmem>>
        %get3A_421 = tpu.memref_squeeze %get3A_420 : memref<1x320x128xf32, #tpu.memory_space<vmem>> -> memref<320x128xf32, #tpu.memory_space<vmem>>
        %get3A_422 = arith.index_cast %add3A_400 : i32 to index
        %get3A_423 = arith.constant 32 : index
        %get3A_424 = tpu.vector_load %get3A_421[%get3A_422, %get3A_423] {strides = array<i32>} : memref<320x128xf32, #tpu.memory_space<vmem>>, vector<16xf32>,
        %mul3A_425 = arith.mulf %get3A_197, %get3A_424 : vector<16xf32>
        %add3A_426 = arith.addf %add3A_417, %mul3A_425 : vector<16xf32>
        %get3A_427 = arith.constant 0 : i32
        %get3A_428 = arith.constant 0 : i32
        %get3A_429 = tpu.memref_slice %arg12[%scan3A_168, %get3A_427, %get3A_428] : memref<2x320x128xf32, #tpu.memory_space<vmem>> -> memref<1x320x128xf32, #tpu.memory_space<vmem>>
        %get3A_430 = tpu.memref_squeeze %get3A_429 : memref<1x320x128xf32, #tpu.memory_space<vmem>> -> memref<320x128xf32, #tpu.memory_space<vmem>>
        %get3A_431 = arith.index_cast %add3A_400 : i32 to index
        %get3A_432 = arith.constant 48 : index
        %get3A_433 = tpu.vector_load %get3A_430[%get3A_431, %get3A_432] {strides = array<i32>} : memref<320x128xf32, #tpu.memory_space<vmem>>, vector<16xf32>,
        %mul3A_434 = arith.mulf %get3A_204, %get3A_433 : vector<16xf32>
        %add3A_435 = arith.addf %add3A_426, %mul3A_434 : vector<16xf32>
        %get3A_436 = arith.constant 0 : i32
        %get3A_437 = arith.constant 0 : i32
        %get3A_438 = tpu.memref_slice %arg12[%scan3A_168, %get3A_436, %get3A_437] : memref<2x320x128xf32, #tpu.memory_space<vmem>> -> memref<1x320x128xf32, #tpu.memory_space<vmem>>
        %get3A_439 = tpu.memref_squeeze %get3A_438 : memref<1x320x128xf32, #tpu.memory_space<vmem>> -> memref<320x128xf32, #tpu.memory_space<vmem>>
        %get3A_440 = arith.index_cast %add3A_400 : i32 to index
        %get3A_441 = arith.constant 64 : index
        %get3A_442 = tpu.vector_load %get3A_439[%get3A_440, %get3A_441] {strides = array<i32>} : memref<320x128xf32, #tpu.memory_space<vmem>>, vector<16xf32>,
        %mul3A_443 = arith.mulf %get3A_211, %get3A_442 : vector<16xf32>
        %add3A_444 = arith.addf %add3A_435, %mul3A_443 : vector<16xf32>
        %get3A_445 = arith.constant 0 : i32
        %get3A_446 = arith.constant 0 : i32
        %get3A_447 = tpu.memref_slice %arg12[%scan3A_168, %get3A_445, %get3A_446] : memref<2x320x128xf32, #tpu.memory_space<vmem>> -> memref<1x320x128xf32, #tpu.memory_space<vmem>>
        %get3A_448 = tpu.memref_squeeze %get3A_447 : memref<1x320x128xf32, #tpu.memory_space<vmem>> -> memref<320x128xf32, #tpu.memory_space<vmem>>
        %get3A_449 = arith.index_cast %add3A_400 : i32 to index
        %get3A_450 = arith.constant 80 : index
        %get3A_451 = tpu.vector_load %get3A_448[%get3A_449, %get3A_450] {strides = array<i32>} : memref<320x128xf32, #tpu.memory_space<vmem>>, vector<16xf32>,
        %mul3A_452 = arith.mulf %get3A_218, %get3A_451 : vector<16xf32>
        %add3A_453 = arith.addf %add3A_444, %mul3A_452 : vector<16xf32>
        %get3A_454 = arith.constant 0 : i32
        %get3A_455 = arith.constant 0 : i32
        %get3A_456 = tpu.memref_slice %arg12[%scan3A_168, %get3A_454, %get3A_455] : memref<2x320x128xf32, #tpu.memory_space<vmem>> -> memref<1x320x128xf32, #tpu.memory_space<vmem>>
        %get3A_457 = tpu.memref_squeeze %get3A_456 : memref<1x320x128xf32, #tpu.memory_space<vmem>> -> memref<320x128xf32, #tpu.memory_space<vmem>>
        %get3A_458 = arith.index_cast %add3A_400 : i32 to index
        %get3A_459 = arith.constant 96 : index
        %get3A_460 = tpu.vector_load %get3A_457[%get3A_458, %get3A_459] {strides = array<i32>} : memref<320x128xf32, #tpu.memory_space<vmem>>, vector<16xf32>,
        %mul3A_461 = arith.mulf %get3A_225, %get3A_460 : vector<16xf32>
        %add3A_462 = arith.addf %add3A_453, %mul3A_461 : vector<16xf32>
        %get3A_463 = arith.constant 0 : i32
        %get3A_464 = arith.constant 0 : i32
        %get3A_465 = tpu.memref_slice %arg12[%scan3A_168, %get3A_463, %get3A_464] : memref<2x320x128xf32, #tpu.memory_space<vmem>> -> memref<1x320x128xf32, #tpu.memory_space<vmem>>
        %get3A_466 = tpu.memref_squeeze %get3A_465 : memref<1x320x128xf32, #tpu.memory_space<vmem>> -> memref<320x128xf32, #tpu.memory_space<vmem>>
        %get3A_467 = arith.index_cast %add3A_400 : i32 to index
        %get3A_468 = arith.constant 112 : index
        %get3A_469 = tpu.vector_load %get3A_466[%get3A_467, %get3A_468] {strides = array<i32>} : memref<320x128xf32, #tpu.memory_space<vmem>>, vector<16xf32>,
        %mul3A_470 = arith.mulf %get3A_232, %get3A_469 : vector<16xf32>
        %add3A_471 = arith.addf %add3A_462, %mul3A_470 : vector<16xf32>
        %reduce_sum3A_472 = arith.constant true
        %reduce_sum3A_473 = vector.broadcast %reduce_sum3A_472 : i1 to vector<16xi1>
        %reduce_sum3A_474 = tpu.scan <sum>, %add3A_471 masked %reduce_sum3A_473 : vector<16xf32>, vector<16xi1> -> vector<16xf32>
        %reduce_sum3A_475 = vector.extract %reduce_sum3A_474[15] : f32 from vector<16xf32>
        %broadcast_in_dim3A_476 = vector.broadcast %reduce_sum3A_475 : f32 to vector<16xf32>
        %select_n3A_477 = arith.select %eq3A_398, %broadcast_in_dim3A_476, %select_n3A_395 : vector<16xi1>, vector<16xf32>
        %eq3A_478 = arith.constant 3 : i32
        %eq3A_479 = vector.broadcast %eq3A_478 : i32 to vector<16xi32>
        %eq3A_480 = arith.cmpi eq, %iota3A, %eq3A_479 : vector<16xi32>
        %add3A_481 = arith.constant 3 : i32
        %add3A_482 = arith.addi %mul3A_234, %add3A_481 : i32
        %get3A_483 = arith.constant 0 : i32
        %get3A_484 = arith.constant 0 : i32
        %get3A_485 = tpu.memref_slice %arg12[%scan3A_168, %get3A_483, %get3A_484] : memref<2x320x128xf32, #tpu.memory_space<vmem>> -> memref<1x320x128xf32, #tpu.memory_space<vmem>>
        %get3A_486 = tpu.memref_squeeze %get3A_485 : memref<1x320x128xf32, #tpu.memory_space<vmem>> -> memref<320x128xf32, #tpu.memory_space<vmem>>
        %get3A_487 = arith.index_cast %add3A_482 : i32 to index
        %get3A_488 = arith.constant 0 : index
        %get3A_489 = tpu.vector_load %get3A_486[%get3A_487, %get3A_488] {strides = array<i32>} : memref<320x128xf32, #tpu.memory_space<vmem>>, vector<16xf32>,
        %mul3A_490 = arith.mulf %get3A_183, %get3A_489 : vector<16xf32>
        %get3A_491 = arith.constant 0 : i32
        %get3A_492 = arith.constant 0 : i32
        %get3A_493 = tpu.memref_slice %arg12[%scan3A_168, %get3A_491, %get3A_492] : memref<2x320x128xf32, #tpu.memory_space<vmem>> -> memref<1x320x128xf32, #tpu.memory_space<vmem>>
        %get3A_494 = tpu.memref_squeeze %get3A_493 : memref<1x320x128xf32, #tpu.memory_space<vmem>> -> memref<320x128xf32, #tpu.memory_space<vmem>>
        %get3A_495 = arith.index_cast %add3A_482 : i32 to index
        %get3A_496 = arith.constant 16 : index
        %get3A_497 = tpu.vector_load %get3A_494[%get3A_495, %get3A_496] {strides = array<i32>} : memref<320x128xf32, #tpu.memory_space<vmem>>, vector<16xf32>,
        %mul3A_498 = arith.mulf %get3A_190, %get3A_497 : vector<16xf32>
        %add3A_499 = arith.addf %mul3A_490, %mul3A_498 : vector<16xf32>
        %get3A_500 = arith.constant 0 : i32
        %get3A_501 = arith.constant 0 : i32
        %get3A_502 = tpu.memref_slice %arg12[%scan3A_168, %get3A_500, %get3A_501] : memref<2x320x128xf32, #tpu.memory_space<vmem>> -> memref<1x320x128xf32, #tpu.memory_space<vmem>>
        %get3A_503 = tpu.memref_squeeze %get3A_502 : memref<1x320x128xf32, #tpu.memory_space<vmem>> -> memref<320x128xf32, #tpu.memory_space<vmem>>
        %get3A_504 = arith.index_cast %add3A_482 : i32 to index
        %get3A_505 = arith.constant 32 : index
        %get3A_506 = tpu.vector_load %get3A_503[%get3A_504, %get3A_505] {strides = array<i32>} : memref<320x128xf32, #tpu.memory_space<vmem>>, vector<16xf32>,
        %mul3A_507 = arith.mulf %get3A_197, %get3A_506 : vector<16xf32>
        %add3A_508 = arith.addf %add3A_499, %mul3A_507 : vector<16xf32>
        %get3A_509 = arith.constant 0 : i32
        %get3A_510 = arith.constant 0 : i32
        %get3A_511 = tpu.memref_slice %arg12[%scan3A_168, %get3A_509, %get3A_510] : memref<2x320x128xf32, #tpu.memory_space<vmem>> -> memref<1x320x128xf32, #tpu.memory_space<vmem>>
        %get3A_512 = tpu.memref_squeeze %get3A_511 : memref<1x320x128xf32, #tpu.memory_space<vmem>> -> memref<320x128xf32, #tpu.memory_space<vmem>>
        %get3A_513 = arith.index_cast %add3A_482 : i32 to index
        %get3A_514 = arith.constant 48 : index
        %get3A_515 = tpu.vector_load %get3A_512[%get3A_513, %get3A_514] {strides = array<i32>} : memref<320x128xf32, #tpu.memory_space<vmem>>, vector<16xf32>,
        %mul3A_516 = arith.mulf %get3A_204, %get3A_515 : vector<16xf32>
        %add3A_517 = arith.addf %add3A_508, %mul3A_516 : vector<16xf32>
        %get3A_518 = arith.constant 0 : i32
        %get3A_519 = arith.constant 0 : i32
        %get3A_520 = tpu.memref_slice %arg12[%scan3A_168, %get3A_518, %get3A_519] : memref<2x320x128xf32, #tpu.memory_space<vmem>> -> memref<1x320x128xf32, #tpu.memory_space<vmem>>
        %get3A_521 = tpu.memref_squeeze %get3A_520 : memref<1x320x128xf32, #tpu.memory_space<vmem>> -> memref<320x128xf32, #tpu.memory_space<vmem>>
        %get3A_522 = arith.index_cast %add3A_482 : i32 to index
        %get3A_523 = arith.constant 64 : index
        %get3A_524 = tpu.vector_load %get3A_521[%get3A_522, %get3A_523] {strides = array<i32>} : memref<320x128xf32, #tpu.memory_space<vmem>>, vector<16xf32>,
        %mul3A_525 = arith.mulf %get3A_211, %get3A_524 : vector<16xf32>
        %add3A_526 = arith.addf %add3A_517, %mul3A_525 : vector<16xf32>
        %get3A_527 = arith.constant 0 : i32
        %get3A_528 = arith.constant 0 : i32
        %get3A_529 = tpu.memref_slice %arg12[%scan3A_168, %get3A_527, %get3A_528] : memref<2x320x128xf32, #tpu.memory_space<vmem>> -> memref<1x320x128xf32, #tpu.memory_space<vmem>>
        %get3A_530 = tpu.memref_squeeze %get3A_529 : memref<1x320x128xf32, #tpu.memory_space<vmem>> -> memref<320x128xf32, #tpu.memory_space<vmem>>
        %get3A_531 = arith.index_cast %add3A_482 : i32 to index
        %get3A_532 = arith.constant 80 : index
        %get3A_533 = tpu.vector_load %get3A_530[%get3A_531, %get3A_532] {strides = array<i32>} : memref<320x128xf32, #tpu.memory_space<vmem>>, vector<16xf32>,
        %mul3A_534 = arith.mulf %get3A_218, %get3A_533 : vector<16xf32>
        %add3A_535 = arith.addf %add3A_526, %mul3A_534 : vector<16xf32>
        %get3A_536 = arith.constant 0 : i32
        %get3A_537 = arith.constant 0 : i32
        %get3A_538 = tpu.memref_slice %arg12[%scan3A_168, %get3A_536, %get3A_537] : memref<2x320x128xf32, #tpu.memory_space<vmem>> -> memref<1x320x128xf32, #tpu.memory_space<vmem>>
        %get3A_539 = tpu.memref_squeeze %get3A_538 : memref<1x320x128xf32, #tpu.memory_space<vmem>> -> memref<320x128xf32, #tpu.memory_space<vmem>>
        %get3A_540 = arith.index_cast %add3A_482 : i32 to index
        %get3A_541 = arith.constant 96 : index
        %get3A_542 = tpu.vector_load %get3A_539[%get3A_540, %get3A_541] {strides = array<i32>} : memref<320x128xf32, #tpu.memory_space<vmem>>, vector<16xf32>,
        %mul3A_543 = arith.mulf %get3A_225, %get3A_542 : vector<16xf32>
        %add3A_544 = arith.addf %add3A_535, %mul3A_543 : vector<16xf32>
        %get3A_545 = arith.constant 0 : i32
        %get3A_546 = arith.constant 0 : i32
        %get3A_547 = tpu.memref_slice %arg12[%scan3A_168, %get3A_545, %get3A_546] : memref<2x320x128xf32, #tpu.memory_space<vmem>> -> memref<1x320x128xf32, #tpu.memory_space<vmem>>
        %get3A_548 = tpu.memref_squeeze %get3A_547 : memref<1x320x128xf32, #tpu.memory_space<vmem>> -> memref<320x128xf32, #tpu.memory_space<vmem>>
        %get3A_549 = arith.index_cast %add3A_482 : i32 to index
        %get3A_550 = arith.constant 112 : index
        %get3A_551 = tpu.vector_load %get3A_548[%get3A_549, %get3A_550] {strides = array<i32>} : memref<320x128xf32, #tpu.memory_space<vmem>>, vector<16xf32>,
        %mul3A_552 = arith.mulf %get3A_232, %get3A_551 : vector<16xf32>
        %add3A_553 = arith.addf %add3A_544, %mul3A_552 : vector<16xf32>
        %reduce_sum3A_554 = arith.constant true
        %reduce_sum3A_555 = vector.broadcast %reduce_sum3A_554 : i1 to vector<16xi1>
        %reduce_sum3A_556 = tpu.scan <sum>, %add3A_553 masked %reduce_sum3A_555 : vector<16xf32>, vector<16xi1> -> vector<16xf32>
        %reduce_sum3A_557 = vector.extract %reduce_sum3A_556[15] : f32 from vector<16xf32>
        %broadcast_in_dim3A_558 = vector.broadcast %reduce_sum3A_557 : f32 to vector<16xf32>
        %select_n3A_559 = arith.select %eq3A_480, %broadcast_in_dim3A_558, %select_n3A_477 : vector<16xi1>, vector<16xf32>
        %eq3A_560 = arith.constant 4 : i32
        %eq3A_561 = vector.broadcast %eq3A_560 : i32 to vector<16xi32>
        %eq3A_562 = arith.cmpi eq, %iota3A, %eq3A_561 : vector<16xi32>
        %add3A_563 = arith.constant 4 : i32
        %add3A_564 = arith.addi %mul3A_234, %add3A_563 : i32
        %get3A_565 = arith.constant 0 : i32
        %get3A_566 = arith.constant 0 : i32
        %get3A_567 = tpu.memref_slice %arg12[%scan3A_168, %get3A_565, %get3A_566] : memref<2x320x128xf32, #tpu.memory_space<vmem>> -> memref<1x320x128xf32, #tpu.memory_space<vmem>>
        %get3A_568 = tpu.memref_squeeze %get3A_567 : memref<1x320x128xf32, #tpu.memory_space<vmem>> -> memref<320x128xf32, #tpu.memory_space<vmem>>
        %get3A_569 = arith.index_cast %add3A_564 : i32 to index
        %get3A_570 = arith.constant 0 : index
        %get3A_571 = tpu.vector_load %get3A_568[%get3A_569, %get3A_570] {strides = array<i32>} : memref<320x128xf32, #tpu.memory_space<vmem>>, vector<16xf32>,
        %mul3A_572 = arith.mulf %get3A_183, %get3A_571 : vector<16xf32>
        %get3A_573 = arith.constant 0 : i32
        %get3A_574 = arith.constant 0 : i32
        %get3A_575 = tpu.memref_slice %arg12[%scan3A_168, %get3A_573, %get3A_574] : memref<2x320x128xf32, #tpu.memory_space<vmem>> -> memref<1x320x128xf32, #tpu.memory_space<vmem>>
        %get3A_576 = tpu.memref_squeeze %get3A_575 : memref<1x320x128xf32, #tpu.memory_space<vmem>> -> memref<320x128xf32, #tpu.memory_space<vmem>>
        %get3A_577 = arith.index_cast %add3A_564 : i32 to index
        %get3A_578 = arith.constant 16 : index
        %get3A_579 = tpu.vector_load %get3A_576[%get3A_577, %get3A_578] {strides = array<i32>} : memref<320x128xf32, #tpu.memory_space<vmem>>, vector<16xf32>,
        %mul3A_580 = arith.mulf %get3A_190, %get3A_579 : vector<16xf32>
        %add3A_581 = arith.addf %mul3A_572, %mul3A_580 : vector<16xf32>
        %get3A_582 = arith.constant 0 : i32
        %get3A_583 = arith.constant 0 : i32
        %get3A_584 = tpu.memref_slice %arg12[%scan3A_168, %get3A_582, %get3A_583] : memref<2x320x128xf32, #tpu.memory_space<vmem>> -> memref<1x320x128xf32, #tpu.memory_space<vmem>>
        %get3A_585 = tpu.memref_squeeze %get3A_584 : memref<1x320x128xf32, #tpu.memory_space<vmem>> -> memref<320x128xf32, #tpu.memory_space<vmem>>
        %get3A_586 = arith.index_cast %add3A_564 : i32 to index
        %get3A_587 = arith.constant 32 : index
        %get3A_588 = tpu.vector_load %get3A_585[%get3A_586, %get3A_587] {strides = array<i32>} : memref<320x128xf32, #tpu.memory_space<vmem>>, vector<16xf32>,
        %mul3A_589 = arith.mulf %get3A_197, %get3A_588 : vector<16xf32>
        %add3A_590 = arith.addf %add3A_581, %mul3A_589 : vector<16xf32>
        %get3A_591 = arith.constant 0 : i32
        %get3A_592 = arith.constant 0 : i32
        %get3A_593 = tpu.memref_slice %arg12[%scan3A_168, %get3A_591, %get3A_592] : memref<2x320x128xf32, #tpu.memory_space<vmem>> -> memref<1x320x128xf32, #tpu.memory_space<vmem>>
        %get3A_594 = tpu.memref_squeeze %get3A_593 : memref<1x320x128xf32, #tpu.memory_space<vmem>> -> memref<320x128xf32, #tpu.memory_space<vmem>>
        %get3A_595 = arith.index_cast %add3A_564 : i32 to index
        %get3A_596 = arith.constant 48 : index
        %get3A_597 = tpu.vector_load %get3A_594[%get3A_595, %get3A_596] {strides = array<i32>} : memref<320x128xf32, #tpu.memory_space<vmem>>, vector<16xf32>,
        %mul3A_598 = arith.mulf %get3A_204, %get3A_597 : vector<16xf32>
        %add3A_599 = arith.addf %add3A_590, %mul3A_598 : vector<16xf32>
        %get3A_600 = arith.constant 0 : i32
        %get3A_601 = arith.constant 0 : i32
        %get3A_602 = tpu.memref_slice %arg12[%scan3A_168, %get3A_600, %get3A_601] : memref<2x320x128xf32, #tpu.memory_space<vmem>> -> memref<1x320x128xf32, #tpu.memory_space<vmem>>
        %get3A_603 = tpu.memref_squeeze %get3A_602 : memref<1x320x128xf32, #tpu.memory_space<vmem>> -> memref<320x128xf32, #tpu.memory_space<vmem>>
        %get3A_604 = arith.index_cast %add3A_564 : i32 to index
        %get3A_605 = arith.constant 64 : index
        %get3A_606 = tpu.vector_load %get3A_603[%get3A_604, %get3A_605] {strides = array<i32>} : memref<320x128xf32, #tpu.memory_space<vmem>>, vector<16xf32>,
        %mul3A_607 = arith.mulf %get3A_211, %get3A_606 : vector<16xf32>
        %add3A_608 = arith.addf %add3A_599, %mul3A_607 : vector<16xf32>
        %get3A_609 = arith.constant 0 : i32
        %get3A_610 = arith.constant 0 : i32
        %get3A_611 = tpu.memref_slice %arg12[%scan3A_168, %get3A_609, %get3A_610] : memref<2x320x128xf32, #tpu.memory_space<vmem>> -> memref<1x320x128xf32, #tpu.memory_space<vmem>>
        %get3A_612 = tpu.memref_squeeze %get3A_611 : memref<1x320x128xf32, #tpu.memory_space<vmem>> -> memref<320x128xf32, #tpu.memory_space<vmem>>
        %get3A_613 = arith.index_cast %add3A_564 : i32 to index
        %get3A_614 = arith.constant 80 : index
        %get3A_615 = tpu.vector_load %get3A_612[%get3A_613, %get3A_614] {strides = array<i32>} : memref<320x128xf32, #tpu.memory_space<vmem>>, vector<16xf32>,
        %mul3A_616 = arith.mulf %get3A_218, %get3A_615 : vector<16xf32>
        %add3A_617 = arith.addf %add3A_608, %mul3A_616 : vector<16xf32>
        %get3A_618 = arith.constant 0 : i32
        %get3A_619 = arith.constant 0 : i32
        %get3A_620 = tpu.memref_slice %arg12[%scan3A_168, %get3A_618, %get3A_619] : memref<2x320x128xf32, #tpu.memory_space<vmem>> -> memref<1x320x128xf32, #tpu.memory_space<vmem>>
        %get3A_621 = tpu.memref_squeeze %get3A_620 : memref<1x320x128xf32, #tpu.memory_space<vmem>> -> memref<320x128xf32, #tpu.memory_space<vmem>>
        %get3A_622 = arith.index_cast %add3A_564 : i32 to index
        %get3A_623 = arith.constant 96 : index
        %get3A_624 = tpu.vector_load %get3A_621[%get3A_622, %get3A_623] {strides = array<i32>} : memref<320x128xf32, #tpu.memory_space<vmem>>, vector<16xf32>,
        %mul3A_625 = arith.mulf %get3A_225, %get3A_624 : vector<16xf32>
        %add3A_626 = arith.addf %add3A_617, %mul3A_625 : vector<16xf32>
        %get3A_627 = arith.constant 0 : i32
        %get3A_628 = arith.constant 0 : i32
        %get3A_629 = tpu.memref_slice %arg12[%scan3A_168, %get3A_627, %get3A_628] : memref<2x320x128xf32, #tpu.memory_space<vmem>> -> memref<1x320x128xf32, #tpu.memory_space<vmem>>
        %get3A_630 = tpu.memref_squeeze %get3A_629 : memref<1x320x128xf32, #tpu.memory_space<vmem>> -> memref<320x128xf32, #tpu.memory_space<vmem>>
        %get3A_631 = arith.index_cast %add3A_564 : i32 to index
        %get3A_632 = arith.constant 112 : index
        %get3A_633 = tpu.vector_load %get3A_630[%get3A_631, %get3A_632] {strides = array<i32>} : memref<320x128xf32, #tpu.memory_space<vmem>>, vector<16xf32>,
        %mul3A_634 = arith.mulf %get3A_232, %get3A_633 : vector<16xf32>
        %add3A_635 = arith.addf %add3A_626, %mul3A_634 : vector<16xf32>
        %reduce_sum3A_636 = arith.constant true
        %reduce_sum3A_637 = vector.broadcast %reduce_sum3A_636 : i1 to vector<16xi1>
        %reduce_sum3A_638 = tpu.scan <sum>, %add3A_635 masked %reduce_sum3A_637 : vector<16xf32>, vector<16xi1> -> vector<16xf32>
        %reduce_sum3A_639 = vector.extract %reduce_sum3A_638[15] : f32 from vector<16xf32>
        %broadcast_in_dim3A_640 = vector.broadcast %reduce_sum3A_639 : f32 to vector<16xf32>
        %select_n3A_641 = arith.select %eq3A_562, %broadcast_in_dim3A_640, %select_n3A_559 : vector<16xi1>, vector<16xf32>
        %eq3A_642 = arith.constant 5 : i32
        %eq3A_643 = vector.broadcast %eq3A_642 : i32 to vector<16xi32>
        %eq3A_644 = arith.cmpi eq, %iota3A, %eq3A_643 : vector<16xi32>
        %add3A_645 = arith.constant 5 : i32
        %add3A_646 = arith.addi %mul3A_234, %add3A_645 : i32
        %get3A_647 = arith.constant 0 : i32
        %get3A_648 = arith.constant 0 : i32
        %get3A_649 = tpu.memref_slice %arg12[%scan3A_168, %get3A_647, %get3A_648] : memref<2x320x128xf32, #tpu.memory_space<vmem>> -> memref<1x320x128xf32, #tpu.memory_space<vmem>>
        %get3A_650 = tpu.memref_squeeze %get3A_649 : memref<1x320x128xf32, #tpu.memory_space<vmem>> -> memref<320x128xf32, #tpu.memory_space<vmem>>
        %get3A_651 = arith.index_cast %add3A_646 : i32 to index
        %get3A_652 = arith.constant 0 : index
        %get3A_653 = tpu.vector_load %get3A_650[%get3A_651, %get3A_652] {strides = array<i32>} : memref<320x128xf32, #tpu.memory_space<vmem>>, vector<16xf32>,
        %mul3A_654 = arith.mulf %get3A_183, %get3A_653 : vector<16xf32>
        %get3A_655 = arith.constant 0 : i32
        %get3A_656 = arith.constant 0 : i32
        %get3A_657 = tpu.memref_slice %arg12[%scan3A_168, %get3A_655, %get3A_656] : memref<2x320x128xf32, #tpu.memory_space<vmem>> -> memref<1x320x128xf32, #tpu.memory_space<vmem>>
        %get3A_658 = tpu.memref_squeeze %get3A_657 : memref<1x320x128xf32, #tpu.memory_space<vmem>> -> memref<320x128xf32, #tpu.memory_space<vmem>>
        %get3A_659 = arith.index_cast %add3A_646 : i32 to index
        %get3A_660 = arith.constant 16 : index
        %get3A_661 = tpu.vector_load %get3A_658[%get3A_659, %get3A_660] {strides = array<i32>} : memref<320x128xf32, #tpu.memory_space<vmem>>, vector<16xf32>,
        %mul3A_662 = arith.mulf %get3A_190, %get3A_661 : vector<16xf32>
        %add3A_663 = arith.addf %mul3A_654, %mul3A_662 : vector<16xf32>
        %get3A_664 = arith.constant 0 : i32
        %get3A_665 = arith.constant 0 : i32
        %get3A_666 = tpu.memref_slice %arg12[%scan3A_168, %get3A_664, %get3A_665] : memref<2x320x128xf32, #tpu.memory_space<vmem>> -> memref<1x320x128xf32, #tpu.memory_space<vmem>>
        %get3A_667 = tpu.memref_squeeze %get3A_666 : memref<1x320x128xf32, #tpu.memory_space<vmem>> -> memref<320x128xf32, #tpu.memory_space<vmem>>
        %get3A_668 = arith.index_cast %add3A_646 : i32 to index
        %get3A_669 = arith.constant 32 : index
        %get3A_670 = tpu.vector_load %get3A_667[%get3A_668, %get3A_669] {strides = array<i32>} : memref<320x128xf32, #tpu.memory_space<vmem>>, vector<16xf32>,
        %mul3A_671 = arith.mulf %get3A_197, %get3A_670 : vector<16xf32>
        %add3A_672 = arith.addf %add3A_663, %mul3A_671 : vector<16xf32>
        %get3A_673 = arith.constant 0 : i32
        %get3A_674 = arith.constant 0 : i32
        %get3A_675 = tpu.memref_slice %arg12[%scan3A_168, %get3A_673, %get3A_674] : memref<2x320x128xf32, #tpu.memory_space<vmem>> -> memref<1x320x128xf32, #tpu.memory_space<vmem>>
        %get3A_676 = tpu.memref_squeeze %get3A_675 : memref<1x320x128xf32, #tpu.memory_space<vmem>> -> memref<320x128xf32, #tpu.memory_space<vmem>>
        %get3A_677 = arith.index_cast %add3A_646 : i32 to index
        %get3A_678 = arith.constant 48 : index
        %get3A_679 = tpu.vector_load %get3A_676[%get3A_677, %get3A_678] {strides = array<i32>} : memref<320x128xf32, #tpu.memory_space<vmem>>, vector<16xf32>,
        %mul3A_680 = arith.mulf %get3A_204, %get3A_679 : vector<16xf32>
        %add3A_681 = arith.addf %add3A_672, %mul3A_680 : vector<16xf32>
        %get3A_682 = arith.constant 0 : i32
        %get3A_683 = arith.constant 0 : i32
        %get3A_684 = tpu.memref_slice %arg12[%scan3A_168, %get3A_682, %get3A_683] : memref<2x320x128xf32, #tpu.memory_space<vmem>> -> memref<1x320x128xf32, #tpu.memory_space<vmem>>
        %get3A_685 = tpu.memref_squeeze %get3A_684 : memref<1x320x128xf32, #tpu.memory_space<vmem>> -> memref<320x128xf32, #tpu.memory_space<vmem>>
        %get3A_686 = arith.index_cast %add3A_646 : i32 to index
        %get3A_687 = arith.constant 64 : index
        %get3A_688 = tpu.vector_load %get3A_685[%get3A_686, %get3A_687] {strides = array<i32>} : memref<320x128xf32, #tpu.memory_space<vmem>>, vector<16xf32>,
        %mul3A_689 = arith.mulf %get3A_211, %get3A_688 : vector<16xf32>
        %add3A_690 = arith.addf %add3A_681, %mul3A_689 : vector<16xf32>
        %get3A_691 = arith.constant 0 : i32
        %get3A_692 = arith.constant 0 : i32
        %get3A_693 = tpu.memref_slice %arg12[%scan3A_168, %get3A_691, %get3A_692] : memref<2x320x128xf32, #tpu.memory_space<vmem>> -> memref<1x320x128xf32, #tpu.memory_space<vmem>>
        %get3A_694 = tpu.memref_squeeze %get3A_693 : memref<1x320x128xf32, #tpu.memory_space<vmem>> -> memref<320x128xf32, #tpu.memory_space<vmem>>
        %get3A_695 = arith.index_cast %add3A_646 : i32 to index
        %get3A_696 = arith.constant 80 : index
        %get3A_697 = tpu.vector_load %get3A_694[%get3A_695, %get3A_696] {strides = array<i32>} : memref<320x128xf32, #tpu.memory_space<vmem>>, vector<16xf32>,
        %mul3A_698 = arith.mulf %get3A_218, %get3A_697 : vector<16xf32>
        %add3A_699 = arith.addf %add3A_690, %mul3A_698 : vector<16xf32>
        %get3A_700 = arith.constant 0 : i32
        %get3A_701 = arith.constant 0 : i32
        %get3A_702 = tpu.memref_slice %arg12[%scan3A_168, %get3A_700, %get3A_701] : memref<2x320x128xf32, #tpu.memory_space<vmem>> -> memref<1x320x128xf32, #tpu.memory_space<vmem>>
        %get3A_703 = tpu.memref_squeeze %get3A_702 : memref<1x320x128xf32, #tpu.memory_space<vmem>> -> memref<320x128xf32, #tpu.memory_space<vmem>>
        %get3A_704 = arith.index_cast %add3A_646 : i32 to index
        %get3A_705 = arith.constant 96 : index
        %get3A_706 = tpu.vector_load %get3A_703[%get3A_704, %get3A_705] {strides = array<i32>} : memref<320x128xf32, #tpu.memory_space<vmem>>, vector<16xf32>,
        %mul3A_707 = arith.mulf %get3A_225, %get3A_706 : vector<16xf32>
        %add3A_708 = arith.addf %add3A_699, %mul3A_707 : vector<16xf32>
        %get3A_709 = arith.constant 0 : i32
        %get3A_710 = arith.constant 0 : i32
        %get3A_711 = tpu.memref_slice %arg12[%scan3A_168, %get3A_709, %get3A_710] : memref<2x320x128xf32, #tpu.memory_space<vmem>> -> memref<1x320x128xf32, #tpu.memory_space<vmem>>
        %get3A_712 = tpu.memref_squeeze %get3A_711 : memref<1x320x128xf32, #tpu.memory_space<vmem>> -> memref<320x128xf32, #tpu.memory_space<vmem>>
        %get3A_713 = arith.index_cast %add3A_646 : i32 to index
        %get3A_714 = arith.constant 112 : index
        %get3A_715 = tpu.vector_load %get3A_712[%get3A_713, %get3A_714] {strides = array<i32>} : memref<320x128xf32, #tpu.memory_space<vmem>>, vector<16xf32>,
        %mul3A_716 = arith.mulf %get3A_232, %get3A_715 : vector<16xf32>
        %add3A_717 = arith.addf %add3A_708, %mul3A_716 : vector<16xf32>
        %reduce_sum3A_718 = arith.constant true
        %reduce_sum3A_719 = vector.broadcast %reduce_sum3A_718 : i1 to vector<16xi1>
        %reduce_sum3A_720 = tpu.scan <sum>, %add3A_717 masked %reduce_sum3A_719 : vector<16xf32>, vector<16xi1> -> vector<16xf32>
        %reduce_sum3A_721 = vector.extract %reduce_sum3A_720[15] : f32 from vector<16xf32>
        %broadcast_in_dim3A_722 = vector.broadcast %reduce_sum3A_721 : f32 to vector<16xf32>
        %select_n3A_723 = arith.select %eq3A_644, %broadcast_in_dim3A_722, %select_n3A_641 : vector<16xi1>, vector<16xf32>
        %eq3A_724 = arith.constant 6 : i32
        %eq3A_725 = vector.broadcast %eq3A_724 : i32 to vector<16xi32>
        %eq3A_726 = arith.cmpi eq, %iota3A, %eq3A_725 : vector<16xi32>
        %add3A_727 = arith.constant 6 : i32
        %add3A_728 = arith.addi %mul3A_234, %add3A_727 : i32
        %get3A_729 = arith.constant 0 : i32
        %get3A_730 = arith.constant 0 : i32
        %get3A_731 = tpu.memref_slice %arg12[%scan3A_168, %get3A_729, %get3A_730] : memref<2x320x128xf32, #tpu.memory_space<vmem>> -> memref<1x320x128xf32, #tpu.memory_space<vmem>>
        %get3A_732 = tpu.memref_squeeze %get3A_731 : memref<1x320x128xf32, #tpu.memory_space<vmem>> -> memref<320x128xf32, #tpu.memory_space<vmem>>
        %get3A_733 = arith.index_cast %add3A_728 : i32 to index
        %get3A_734 = arith.constant 0 : index
        %get3A_735 = tpu.vector_load %get3A_732[%get3A_733, %get3A_734] {strides = array<i32>} : memref<320x128xf32, #tpu.memory_space<vmem>>, vector<16xf32>,
        %mul3A_736 = arith.mulf %get3A_183, %get3A_735 : vector<16xf32>
        %get3A_737 = arith.constant 0 : i32
        %get3A_738 = arith.constant 0 : i32
        %get3A_739 = tpu.memref_slice %arg12[%scan3A_168, %get3A_737, %get3A_738] : memref<2x320x128xf32, #tpu.memory_space<vmem>> -> memref<1x320x128xf32, #tpu.memory_space<vmem>>
        %get3A_740 = tpu.memref_squeeze %get3A_739 : memref<1x320x128xf32, #tpu.memory_space<vmem>> -> memref<320x128xf32, #tpu.memory_space<vmem>>
        %get3A_741 = arith.index_cast %add3A_728 : i32 to index
        %get3A_742 = arith.constant 16 : index
        %get3A_743 = tpu.vector_load %get3A_740[%get3A_741, %get3A_742] {strides = array<i32>} : memref<320x128xf32, #tpu.memory_space<vmem>>, vector<16xf32>,
        %mul3A_744 = arith.mulf %get3A_190, %get3A_743 : vector<16xf32>
        %add3A_745 = arith.addf %mul3A_736, %mul3A_744 : vector<16xf32>
        %get3A_746 = arith.constant 0 : i32
        %get3A_747 = arith.constant 0 : i32
        %get3A_748 = tpu.memref_slice %arg12[%scan3A_168, %get3A_746, %get3A_747] : memref<2x320x128xf32, #tpu.memory_space<vmem>> -> memref<1x320x128xf32, #tpu.memory_space<vmem>>
        %get3A_749 = tpu.memref_squeeze %get3A_748 : memref<1x320x128xf32, #tpu.memory_space<vmem>> -> memref<320x128xf32, #tpu.memory_space<vmem>>
        %get3A_750 = arith.index_cast %add3A_728 : i32 to index
        %get3A_751 = arith.constant 32 : index
        %get3A_752 = tpu.vector_load %get3A_749[%get3A_750, %get3A_751] {strides = array<i32>} : memref<320x128xf32, #tpu.memory_space<vmem>>, vector<16xf32>,
        %mul3A_753 = arith.mulf %get3A_197, %get3A_752 : vector<16xf32>
        %add3A_754 = arith.addf %add3A_745, %mul3A_753 : vector<16xf32>
        %get3A_755 = arith.constant 0 : i32
        %get3A_756 = arith.constant 0 : i32
        %get3A_757 = tpu.memref_slice %arg12[%scan3A_168, %get3A_755, %get3A_756] : memref<2x320x128xf32, #tpu.memory_space<vmem>> -> memref<1x320x128xf32, #tpu.memory_space<vmem>>
        %get3A_758 = tpu.memref_squeeze %get3A_757 : memref<1x320x128xf32, #tpu.memory_space<vmem>> -> memref<320x128xf32, #tpu.memory_space<vmem>>
        %get3A_759 = arith.index_cast %add3A_728 : i32 to index
        %get3A_760 = arith.constant 48 : index
        %get3A_761 = tpu.vector_load %get3A_758[%get3A_759, %get3A_760] {strides = array<i32>} : memref<320x128xf32, #tpu.memory_space<vmem>>, vector<16xf32>,
        %mul3A_762 = arith.mulf %get3A_204, %get3A_761 : vector<16xf32>
        %add3A_763 = arith.addf %add3A_754, %mul3A_762 : vector<16xf32>
        %get3A_764 = arith.constant 0 : i32
        %get3A_765 = arith.constant 0 : i32
        %get3A_766 = tpu.memref_slice %arg12[%scan3A_168, %get3A_764, %get3A_765] : memref<2x320x128xf32, #tpu.memory_space<vmem>> -> memref<1x320x128xf32, #tpu.memory_space<vmem>>
        %get3A_767 = tpu.memref_squeeze %get3A_766 : memref<1x320x128xf32, #tpu.memory_space<vmem>> -> memref<320x128xf32, #tpu.memory_space<vmem>>
        %get3A_768 = arith.index_cast %add3A_728 : i32 to index
        %get3A_769 = arith.constant 64 : index
        %get3A_770 = tpu.vector_load %get3A_767[%get3A_768, %get3A_769] {strides = array<i32>} : memref<320x128xf32, #tpu.memory_space<vmem>>, vector<16xf32>,
        %mul3A_771 = arith.mulf %get3A_211, %get3A_770 : vector<16xf32>
        %add3A_772 = arith.addf %add3A_763, %mul3A_771 : vector<16xf32>
        %get3A_773 = arith.constant 0 : i32
        %get3A_774 = arith.constant 0 : i32
        %get3A_775 = tpu.memref_slice %arg12[%scan3A_168, %get3A_773, %get3A_774] : memref<2x320x128xf32, #tpu.memory_space<vmem>> -> memref<1x320x128xf32, #tpu.memory_space<vmem>>
        %get3A_776 = tpu.memref_squeeze %get3A_775 : memref<1x320x128xf32, #tpu.memory_space<vmem>> -> memref<320x128xf32, #tpu.memory_space<vmem>>
        %get3A_777 = arith.index_cast %add3A_728 : i32 to index
        %get3A_778 = arith.constant 80 : index
        %get3A_779 = tpu.vector_load %get3A_776[%get3A_777, %get3A_778] {strides = array<i32>} : memref<320x128xf32, #tpu.memory_space<vmem>>, vector<16xf32>,
        %mul3A_780 = arith.mulf %get3A_218, %get3A_779 : vector<16xf32>
        %add3A_781 = arith.addf %add3A_772, %mul3A_780 : vector<16xf32>
        %get3A_782 = arith.constant 0 : i32
        %get3A_783 = arith.constant 0 : i32
        %get3A_784 = tpu.memref_slice %arg12[%scan3A_168, %get3A_782, %get3A_783] : memref<2x320x128xf32, #tpu.memory_space<vmem>> -> memref<1x320x128xf32, #tpu.memory_space<vmem>>
        %get3A_785 = tpu.memref_squeeze %get3A_784 : memref<1x320x128xf32, #tpu.memory_space<vmem>> -> memref<320x128xf32, #tpu.memory_space<vmem>>
        %get3A_786 = arith.index_cast %add3A_728 : i32 to index
        %get3A_787 = arith.constant 96 : index
        %get3A_788 = tpu.vector_load %get3A_785[%get3A_786, %get3A_787] {strides = array<i32>} : memref<320x128xf32, #tpu.memory_space<vmem>>, vector<16xf32>,
        %mul3A_789 = arith.mulf %get3A_225, %get3A_788 : vector<16xf32>
        %add3A_790 = arith.addf %add3A_781, %mul3A_789 : vector<16xf32>
        %get3A_791 = arith.constant 0 : i32
        %get3A_792 = arith.constant 0 : i32
        %get3A_793 = tpu.memref_slice %arg12[%scan3A_168, %get3A_791, %get3A_792] : memref<2x320x128xf32, #tpu.memory_space<vmem>> -> memref<1x320x128xf32, #tpu.memory_space<vmem>>
        %get3A_794 = tpu.memref_squeeze %get3A_793 : memref<1x320x128xf32, #tpu.memory_space<vmem>> -> memref<320x128xf32, #tpu.memory_space<vmem>>
        %get3A_795 = arith.index_cast %add3A_728 : i32 to index
        %get3A_796 = arith.constant 112 : index
        %get3A_797 = tpu.vector_load %get3A_794[%get3A_795, %get3A_796] {strides = array<i32>} : memref<320x128xf32, #tpu.memory_space<vmem>>, vector<16xf32>,
        %mul3A_798 = arith.mulf %get3A_232, %get3A_797 : vector<16xf32>
        %add3A_799 = arith.addf %add3A_790, %mul3A_798 : vector<16xf32>
        %reduce_sum3A_800 = arith.constant true
        %reduce_sum3A_801 = vector.broadcast %reduce_sum3A_800 : i1 to vector<16xi1>
        %reduce_sum3A_802 = tpu.scan <sum>, %add3A_799 masked %reduce_sum3A_801 : vector<16xf32>, vector<16xi1> -> vector<16xf32>
        %reduce_sum3A_803 = vector.extract %reduce_sum3A_802[15] : f32 from vector<16xf32>
        %broadcast_in_dim3A_804 = vector.broadcast %reduce_sum3A_803 : f32 to vector<16xf32>
        %select_n3A_805 = arith.select %eq3A_726, %broadcast_in_dim3A_804, %select_n3A_723 : vector<16xi1>, vector<16xf32>
        %eq3A_806 = arith.constant 7 : i32
        %eq3A_807 = vector.broadcast %eq3A_806 : i32 to vector<16xi32>
        %eq3A_808 = arith.cmpi eq, %iota3A, %eq3A_807 : vector<16xi32>
        %add3A_809 = arith.constant 7 : i32
        %add3A_810 = arith.addi %mul3A_234, %add3A_809 : i32
        %get3A_811 = arith.constant 0 : i32
        %get3A_812 = arith.constant 0 : i32
        %get3A_813 = tpu.memref_slice %arg12[%scan3A_168, %get3A_811, %get3A_812] : memref<2x320x128xf32, #tpu.memory_space<vmem>> -> memref<1x320x128xf32, #tpu.memory_space<vmem>>
        %get3A_814 = tpu.memref_squeeze %get3A_813 : memref<1x320x128xf32, #tpu.memory_space<vmem>> -> memref<320x128xf32, #tpu.memory_space<vmem>>
        %get3A_815 = arith.index_cast %add3A_810 : i32 to index
        %get3A_816 = arith.constant 0 : index
        %get3A_817 = tpu.vector_load %get3A_814[%get3A_815, %get3A_816] {strides = array<i32>} : memref<320x128xf32, #tpu.memory_space<vmem>>, vector<16xf32>,
        %mul3A_818 = arith.mulf %get3A_183, %get3A_817 : vector<16xf32>
        %get3A_819 = arith.constant 0 : i32
        %get3A_820 = arith.constant 0 : i32
        %get3A_821 = tpu.memref_slice %arg12[%scan3A_168, %get3A_819, %get3A_820] : memref<2x320x128xf32, #tpu.memory_space<vmem>> -> memref<1x320x128xf32, #tpu.memory_space<vmem>>
        %get3A_822 = tpu.memref_squeeze %get3A_821 : memref<1x320x128xf32, #tpu.memory_space<vmem>> -> memref<320x128xf32, #tpu.memory_space<vmem>>
        %get3A_823 = arith.index_cast %add3A_810 : i32 to index
        %get3A_824 = arith.constant 16 : index
        %get3A_825 = tpu.vector_load %get3A_822[%get3A_823, %get3A_824] {strides = array<i32>} : memref<320x128xf32, #tpu.memory_space<vmem>>, vector<16xf32>,
        %mul3A_826 = arith.mulf %get3A_190, %get3A_825 : vector<16xf32>
        %add3A_827 = arith.addf %mul3A_818, %mul3A_826 : vector<16xf32>
        %get3A_828 = arith.constant 0 : i32
        %get3A_829 = arith.constant 0 : i32
        %get3A_830 = tpu.memref_slice %arg12[%scan3A_168, %get3A_828, %get3A_829] : memref<2x320x128xf32, #tpu.memory_space<vmem>> -> memref<1x320x128xf32, #tpu.memory_space<vmem>>
        %get3A_831 = tpu.memref_squeeze %get3A_830 : memref<1x320x128xf32, #tpu.memory_space<vmem>> -> memref<320x128xf32, #tpu.memory_space<vmem>>
        %get3A_832 = arith.index_cast %add3A_810 : i32 to index
        %get3A_833 = arith.constant 32 : index
        %get3A_834 = tpu.vector_load %get3A_831[%get3A_832, %get3A_833] {strides = array<i32>} : memref<320x128xf32, #tpu.memory_space<vmem>>, vector<16xf32>,
        %mul3A_835 = arith.mulf %get3A_197, %get3A_834 : vector<16xf32>
        %add3A_836 = arith.addf %add3A_827, %mul3A_835 : vector<16xf32>
        %get3A_837 = arith.constant 0 : i32
        %get3A_838 = arith.constant 0 : i32
        %get3A_839 = tpu.memref_slice %arg12[%scan3A_168, %get3A_837, %get3A_838] : memref<2x320x128xf32, #tpu.memory_space<vmem>> -> memref<1x320x128xf32, #tpu.memory_space<vmem>>
        %get3A_840 = tpu.memref_squeeze %get3A_839 : memref<1x320x128xf32, #tpu.memory_space<vmem>> -> memref<320x128xf32, #tpu.memory_space<vmem>>
        %get3A_841 = arith.index_cast %add3A_810 : i32 to index
        %get3A_842 = arith.constant 48 : index
        %get3A_843 = tpu.vector_load %get3A_840[%get3A_841, %get3A_842] {strides = array<i32>} : memref<320x128xf32, #tpu.memory_space<vmem>>, vector<16xf32>,
        %mul3A_844 = arith.mulf %get3A_204, %get3A_843 : vector<16xf32>
        %add3A_845 = arith.addf %add3A_836, %mul3A_844 : vector<16xf32>
        %get3A_846 = arith.constant 0 : i32
        %get3A_847 = arith.constant 0 : i32
        %get3A_848 = tpu.memref_slice %arg12[%scan3A_168, %get3A_846, %get3A_847] : memref<2x320x128xf32, #tpu.memory_space<vmem>> -> memref<1x320x128xf32, #tpu.memory_space<vmem>>
        %get3A_849 = tpu.memref_squeeze %get3A_848 : memref<1x320x128xf32, #tpu.memory_space<vmem>> -> memref<320x128xf32, #tpu.memory_space<vmem>>
        %get3A_850 = arith.index_cast %add3A_810 : i32 to index
        %get3A_851 = arith.constant 64 : index
        %get3A_852 = tpu.vector_load %get3A_849[%get3A_850, %get3A_851] {strides = array<i32>} : memref<320x128xf32, #tpu.memory_space<vmem>>, vector<16xf32>,
        %mul3A_853 = arith.mulf %get3A_211, %get3A_852 : vector<16xf32>
        %add3A_854 = arith.addf %add3A_845, %mul3A_853 : vector<16xf32>
        %get3A_855 = arith.constant 0 : i32
        %get3A_856 = arith.constant 0 : i32
        %get3A_857 = tpu.memref_slice %arg12[%scan3A_168, %get3A_855, %get3A_856] : memref<2x320x128xf32, #tpu.memory_space<vmem>> -> memref<1x320x128xf32, #tpu.memory_space<vmem>>
        %get3A_858 = tpu.memref_squeeze %get3A_857 : memref<1x320x128xf32, #tpu.memory_space<vmem>> -> memref<320x128xf32, #tpu.memory_space<vmem>>
        %get3A_859 = arith.index_cast %add3A_810 : i32 to index
        %get3A_860 = arith.constant 80 : index
        %get3A_861 = tpu.vector_load %get3A_858[%get3A_859, %get3A_860] {strides = array<i32>} : memref<320x128xf32, #tpu.memory_space<vmem>>, vector<16xf32>,
        %mul3A_862 = arith.mulf %get3A_218, %get3A_861 : vector<16xf32>
        %add3A_863 = arith.addf %add3A_854, %mul3A_862 : vector<16xf32>
        %get3A_864 = arith.constant 0 : i32
        %get3A_865 = arith.constant 0 : i32
        %get3A_866 = tpu.memref_slice %arg12[%scan3A_168, %get3A_864, %get3A_865] : memref<2x320x128xf32, #tpu.memory_space<vmem>> -> memref<1x320x128xf32, #tpu.memory_space<vmem>>
        %get3A_867 = tpu.memref_squeeze %get3A_866 : memref<1x320x128xf32, #tpu.memory_space<vmem>> -> memref<320x128xf32, #tpu.memory_space<vmem>>
        %get3A_868 = arith.index_cast %add3A_810 : i32 to index
        %get3A_869 = arith.constant 96 : index
        %get3A_870 = tpu.vector_load %get3A_867[%get3A_868, %get3A_869] {strides = array<i32>} : memref<320x128xf32, #tpu.memory_space<vmem>>, vector<16xf32>,
        %mul3A_871 = arith.mulf %get3A_225, %get3A_870 : vector<16xf32>
        %add3A_872 = arith.addf %add3A_863, %mul3A_871 : vector<16xf32>
        %get3A_873 = arith.constant 0 : i32
        %get3A_874 = arith.constant 0 : i32
        %get3A_875 = tpu.memref_slice %arg12[%scan3A_168, %get3A_873, %get3A_874] : memref<2x320x128xf32, #tpu.memory_space<vmem>> -> memref<1x320x128xf32, #tpu.memory_space<vmem>>
        %get3A_876 = tpu.memref_squeeze %get3A_875 : memref<1x320x128xf32, #tpu.memory_space<vmem>> -> memref<320x128xf32, #tpu.memory_space<vmem>>
        %get3A_877 = arith.index_cast %add3A_810 : i32 to index
        %get3A_878 = arith.constant 112 : index
        %get3A_879 = tpu.vector_load %get3A_876[%get3A_877, %get3A_878] {strides = array<i32>} : memref<320x128xf32, #tpu.memory_space<vmem>>, vector<16xf32>,
        %mul3A_880 = arith.mulf %get3A_232, %get3A_879 : vector<16xf32>
        %add3A_881 = arith.addf %add3A_872, %mul3A_880 : vector<16xf32>
        %reduce_sum3A_882 = arith.constant true
        %reduce_sum3A_883 = vector.broadcast %reduce_sum3A_882 : i1 to vector<16xi1>
        %reduce_sum3A_884 = tpu.scan <sum>, %add3A_881 masked %reduce_sum3A_883 : vector<16xf32>, vector<16xi1> -> vector<16xf32>
        %reduce_sum3A_885 = vector.extract %reduce_sum3A_884[15] : f32 from vector<16xf32>
        %broadcast_in_dim3A_886 = vector.broadcast %reduce_sum3A_885 : f32 to vector<16xf32>
        %select_n3A_887 = arith.select %eq3A_808, %broadcast_in_dim3A_886, %select_n3A_805 : vector<16xi1>, vector<16xf32>
        %eq3A_888 = arith.constant 8 : i32
        %eq3A_889 = vector.broadcast %eq3A_888 : i32 to vector<16xi32>
        %eq3A_890 = arith.cmpi eq, %iota3A, %eq3A_889 : vector<16xi32>
        %add3A_891 = arith.constant 8 : i32
        %add3A_892 = arith.addi %mul3A_234, %add3A_891 : i32
        %get3A_893 = arith.constant 0 : i32
        %get3A_894 = arith.constant 0 : i32
        %get3A_895 = tpu.memref_slice %arg12[%scan3A_168, %get3A_893, %get3A_894] : memref<2x320x128xf32, #tpu.memory_space<vmem>> -> memref<1x320x128xf32, #tpu.memory_space<vmem>>
        %get3A_896 = tpu.memref_squeeze %get3A_895 : memref<1x320x128xf32, #tpu.memory_space<vmem>> -> memref<320x128xf32, #tpu.memory_space<vmem>>
        %get3A_897 = arith.index_cast %add3A_892 : i32 to index
        %get3A_898 = arith.constant 0 : index
        %get3A_899 = tpu.vector_load %get3A_896[%get3A_897, %get3A_898] {strides = array<i32>} : memref<320x128xf32, #tpu.memory_space<vmem>>, vector<16xf32>,
        %mul3A_900 = arith.mulf %get3A_183, %get3A_899 : vector<16xf32>
        %get3A_901 = arith.constant 0 : i32
        %get3A_902 = arith.constant 0 : i32
        %get3A_903 = tpu.memref_slice %arg12[%scan3A_168, %get3A_901, %get3A_902] : memref<2x320x128xf32, #tpu.memory_space<vmem>> -> memref<1x320x128xf32, #tpu.memory_space<vmem>>
        %get3A_904 = tpu.memref_squeeze %get3A_903 : memref<1x320x128xf32, #tpu.memory_space<vmem>> -> memref<320x128xf32, #tpu.memory_space<vmem>>
        %get3A_905 = arith.index_cast %add3A_892 : i32 to index
        %get3A_906 = arith.constant 16 : index
        %get3A_907 = tpu.vector_load %get3A_904[%get3A_905, %get3A_906] {strides = array<i32>} : memref<320x128xf32, #tpu.memory_space<vmem>>, vector<16xf32>,
        %mul3A_908 = arith.mulf %get3A_190, %get3A_907 : vector<16xf32>
        %add3A_909 = arith.addf %mul3A_900, %mul3A_908 : vector<16xf32>
        %get3A_910 = arith.constant 0 : i32
        %get3A_911 = arith.constant 0 : i32
        %get3A_912 = tpu.memref_slice %arg12[%scan3A_168, %get3A_910, %get3A_911] : memref<2x320x128xf32, #tpu.memory_space<vmem>> -> memref<1x320x128xf32, #tpu.memory_space<vmem>>
        %get3A_913 = tpu.memref_squeeze %get3A_912 : memref<1x320x128xf32, #tpu.memory_space<vmem>> -> memref<320x128xf32, #tpu.memory_space<vmem>>
        %get3A_914 = arith.index_cast %add3A_892 : i32 to index
        %get3A_915 = arith.constant 32 : index
        %get3A_916 = tpu.vector_load %get3A_913[%get3A_914, %get3A_915] {strides = array<i32>} : memref<320x128xf32, #tpu.memory_space<vmem>>, vector<16xf32>,
        %mul3A_917 = arith.mulf %get3A_197, %get3A_916 : vector<16xf32>
        %add3A_918 = arith.addf %add3A_909, %mul3A_917 : vector<16xf32>
        %get3A_919 = arith.constant 0 : i32
        %get3A_920 = arith.constant 0 : i32
        %get3A_921 = tpu.memref_slice %arg12[%scan3A_168, %get3A_919, %get3A_920] : memref<2x320x128xf32, #tpu.memory_space<vmem>> -> memref<1x320x128xf32, #tpu.memory_space<vmem>>
        %get3A_922 = tpu.memref_squeeze %get3A_921 : memref<1x320x128xf32, #tpu.memory_space<vmem>> -> memref<320x128xf32, #tpu.memory_space<vmem>>
        %get3A_923 = arith.index_cast %add3A_892 : i32 to index
        %get3A_924 = arith.constant 48 : index
        %get3A_925 = tpu.vector_load %get3A_922[%get3A_923, %get3A_924] {strides = array<i32>} : memref<320x128xf32, #tpu.memory_space<vmem>>, vector<16xf32>,
        %mul3A_926 = arith.mulf %get3A_204, %get3A_925 : vector<16xf32>
        %add3A_927 = arith.addf %add3A_918, %mul3A_926 : vector<16xf32>
        %get3A_928 = arith.constant 0 : i32
        %get3A_929 = arith.constant 0 : i32
        %get3A_930 = tpu.memref_slice %arg12[%scan3A_168, %get3A_928, %get3A_929] : memref<2x320x128xf32, #tpu.memory_space<vmem>> -> memref<1x320x128xf32, #tpu.memory_space<vmem>>
        %get3A_931 = tpu.memref_squeeze %get3A_930 : memref<1x320x128xf32, #tpu.memory_space<vmem>> -> memref<320x128xf32, #tpu.memory_space<vmem>>
        %get3A_932 = arith.index_cast %add3A_892 : i32 to index
        %get3A_933 = arith.constant 64 : index
        %get3A_934 = tpu.vector_load %get3A_931[%get3A_932, %get3A_933] {strides = array<i32>} : memref<320x128xf32, #tpu.memory_space<vmem>>, vector<16xf32>,
        %mul3A_935 = arith.mulf %get3A_211, %get3A_934 : vector<16xf32>
        %add3A_936 = arith.addf %add3A_927, %mul3A_935 : vector<16xf32>
        %get3A_937 = arith.constant 0 : i32
        %get3A_938 = arith.constant 0 : i32
        %get3A_939 = tpu.memref_slice %arg12[%scan3A_168, %get3A_937, %get3A_938] : memref<2x320x128xf32, #tpu.memory_space<vmem>> -> memref<1x320x128xf32, #tpu.memory_space<vmem>>
        %get3A_940 = tpu.memref_squeeze %get3A_939 : memref<1x320x128xf32, #tpu.memory_space<vmem>> -> memref<320x128xf32, #tpu.memory_space<vmem>>
        %get3A_941 = arith.index_cast %add3A_892 : i32 to index
        %get3A_942 = arith.constant 80 : index
        %get3A_943 = tpu.vector_load %get3A_940[%get3A_941, %get3A_942] {strides = array<i32>} : memref<320x128xf32, #tpu.memory_space<vmem>>, vector<16xf32>,
        %mul3A_944 = arith.mulf %get3A_218, %get3A_943 : vector<16xf32>
        %add3A_945 = arith.addf %add3A_936, %mul3A_944 : vector<16xf32>
        %get3A_946 = arith.constant 0 : i32
        %get3A_947 = arith.constant 0 : i32
        %get3A_948 = tpu.memref_slice %arg12[%scan3A_168, %get3A_946, %get3A_947] : memref<2x320x128xf32, #tpu.memory_space<vmem>> -> memref<1x320x128xf32, #tpu.memory_space<vmem>>
        %get3A_949 = tpu.memref_squeeze %get3A_948 : memref<1x320x128xf32, #tpu.memory_space<vmem>> -> memref<320x128xf32, #tpu.memory_space<vmem>>
        %get3A_950 = arith.index_cast %add3A_892 : i32 to index
        %get3A_951 = arith.constant 96 : index
        %get3A_952 = tpu.vector_load %get3A_949[%get3A_950, %get3A_951] {strides = array<i32>} : memref<320x128xf32, #tpu.memory_space<vmem>>, vector<16xf32>,
        %mul3A_953 = arith.mulf %get3A_225, %get3A_952 : vector<16xf32>
        %add3A_954 = arith.addf %add3A_945, %mul3A_953 : vector<16xf32>
        %get3A_955 = arith.constant 0 : i32
        %get3A_956 = arith.constant 0 : i32
        %get3A_957 = tpu.memref_slice %arg12[%scan3A_168, %get3A_955, %get3A_956] : memref<2x320x128xf32, #tpu.memory_space<vmem>> -> memref<1x320x128xf32, #tpu.memory_space<vmem>>
        %get3A_958 = tpu.memref_squeeze %get3A_957 : memref<1x320x128xf32, #tpu.memory_space<vmem>> -> memref<320x128xf32, #tpu.memory_space<vmem>>
        %get3A_959 = arith.index_cast %add3A_892 : i32 to index
        %get3A_960 = arith.constant 112 : index
        %get3A_961 = tpu.vector_load %get3A_958[%get3A_959, %get3A_960] {strides = array<i32>} : memref<320x128xf32, #tpu.memory_space<vmem>>, vector<16xf32>,
        %mul3A_962 = arith.mulf %get3A_232, %get3A_961 : vector<16xf32>
        %add3A_963 = arith.addf %add3A_954, %mul3A_962 : vector<16xf32>
        %reduce_sum3A_964 = arith.constant true
        %reduce_sum3A_965 = vector.broadcast %reduce_sum3A_964 : i1 to vector<16xi1>
        %reduce_sum3A_966 = tpu.scan <sum>, %add3A_963 masked %reduce_sum3A_965 : vector<16xf32>, vector<16xi1> -> vector<16xf32>
        %reduce_sum3A_967 = vector.extract %reduce_sum3A_966[15] : f32 from vector<16xf32>
        %broadcast_in_dim3A_968 = vector.broadcast %reduce_sum3A_967 : f32 to vector<16xf32>
        %select_n3A_969 = arith.select %eq3A_890, %broadcast_in_dim3A_968, %select_n3A_887 : vector<16xi1>, vector<16xf32>
        %eq3A_970 = arith.constant 9 : i32
        %eq3A_971 = vector.broadcast %eq3A_970 : i32 to vector<16xi32>
        %eq3A_972 = arith.cmpi eq, %iota3A, %eq3A_971 : vector<16xi32>
        %add3A_973 = arith.constant 9 : i32
        %add3A_974 = arith.addi %mul3A_234, %add3A_973 : i32
        %get3A_975 = arith.constant 0 : i32
        %get3A_976 = arith.constant 0 : i32
        %get3A_977 = tpu.memref_slice %arg12[%scan3A_168, %get3A_975, %get3A_976] : memref<2x320x128xf32, #tpu.memory_space<vmem>> -> memref<1x320x128xf32, #tpu.memory_space<vmem>>
        %get3A_978 = tpu.memref_squeeze %get3A_977 : memref<1x320x128xf32, #tpu.memory_space<vmem>> -> memref<320x128xf32, #tpu.memory_space<vmem>>
        %get3A_979 = arith.index_cast %add3A_974 : i32 to index
        %get3A_980 = arith.constant 0 : index
        %get3A_981 = tpu.vector_load %get3A_978[%get3A_979, %get3A_980] {strides = array<i32>} : memref<320x128xf32, #tpu.memory_space<vmem>>, vector<16xf32>,
        %mul3A_982 = arith.mulf %get3A_183, %get3A_981 : vector<16xf32>
        %get3A_983 = arith.constant 0 : i32
        %get3A_984 = arith.constant 0 : i32
        %get3A_985 = tpu.memref_slice %arg12[%scan3A_168, %get3A_983, %get3A_984] : memref<2x320x128xf32, #tpu.memory_space<vmem>> -> memref<1x320x128xf32, #tpu.memory_space<vmem>>
        %get3A_986 = tpu.memref_squeeze %get3A_985 : memref<1x320x128xf32, #tpu.memory_space<vmem>> -> memref<320x128xf32, #tpu.memory_space<vmem>>
        %get3A_987 = arith.index_cast %add3A_974 : i32 to index
        %get3A_988 = arith.constant 16 : index
        %get3A_989 = tpu.vector_load %get3A_986[%get3A_987, %get3A_988] {strides = array<i32>} : memref<320x128xf32, #tpu.memory_space<vmem>>, vector<16xf32>,
        %mul3A_990 = arith.mulf %get3A_190, %get3A_989 : vector<16xf32>
        %add3A_991 = arith.addf %mul3A_982, %mul3A_990 : vector<16xf32>
        %get3A_992 = arith.constant 0 : i32
        %get3A_993 = arith.constant 0 : i32
        %get3A_994 = tpu.memref_slice %arg12[%scan3A_168, %get3A_992, %get3A_993] : memref<2x320x128xf32, #tpu.memory_space<vmem>> -> memref<1x320x128xf32, #tpu.memory_space<vmem>>
        %get3A_995 = tpu.memref_squeeze %get3A_994 : memref<1x320x128xf32, #tpu.memory_space<vmem>> -> memref<320x128xf32, #tpu.memory_space<vmem>>
        %get3A_996 = arith.index_cast %add3A_974 : i32 to index
        %get3A_997 = arith.constant 32 : index
        %get3A_998 = tpu.vector_load %get3A_995[%get3A_996, %get3A_997] {strides = array<i32>} : memref<320x128xf32, #tpu.memory_space<vmem>>, vector<16xf32>,
        %mul3A_999 = arith.mulf %get3A_197, %get3A_998 : vector<16xf32>
        %add3A_1000 = arith.addf %add3A_991, %mul3A_999 : vector<16xf32>
        %get3A_1001 = arith.constant 0 : i32
        %get3A_1002 = arith.constant 0 : i32
        %get3A_1003 = tpu.memref_slice %arg12[%scan3A_168, %get3A_1001, %get3A_1002] : memref<2x320x128xf32, #tpu.memory_space<vmem>> -> memref<1x320x128xf32, #tpu.memory_space<vmem>>
        %get3A_1004 = tpu.memref_squeeze %get3A_1003 : memref<1x320x128xf32, #tpu.memory_space<vmem>> -> memref<320x128xf32, #tpu.memory_space<vmem>>
        %get3A_1005 = arith.index_cast %add3A_974 : i32 to index
        %get3A_1006 = arith.constant 48 : index
        %get3A_1007 = tpu.vector_load %get3A_1004[%get3A_1005, %get3A_1006] {strides = array<i32>} : memref<320x128xf32, #tpu.memory_space<vmem>>, vector<16xf32>,
        %mul3A_1008 = arith.mulf %get3A_204, %get3A_1007 : vector<16xf32>
        %add3A_1009 = arith.addf %add3A_1000, %mul3A_1008 : vector<16xf32>
        %get3A_1010 = arith.constant 0 : i32
        %get3A_1011 = arith.constant 0 : i32
        %get3A_1012 = tpu.memref_slice %arg12[%scan3A_168, %get3A_1010, %get3A_1011] : memref<2x320x128xf32, #tpu.memory_space<vmem>> -> memref<1x320x128xf32, #tpu.memory_space<vmem>>
        %get3A_1013 = tpu.memref_squeeze %get3A_1012 : memref<1x320x128xf32, #tpu.memory_space<vmem>> -> memref<320x128xf32, #tpu.memory_space<vmem>>
        %get3A_1014 = arith.index_cast %add3A_974 : i32 to index
        %get3A_1015 = arith.constant 64 : index
        %get3A_1016 = tpu.vector_load %get3A_1013[%get3A_1014, %get3A_1015] {strides = array<i32>} : memref<320x128xf32, #tpu.memory_space<vmem>>, vector<16xf32>,
        %mul3A_1017 = arith.mulf %get3A_211, %get3A_1016 : vector<16xf32>
        %add3A_1018 = arith.addf %add3A_1009, %mul3A_1017 : vector<16xf32>
        %get3A_1019 = arith.constant 0 : i32
        %get3A_1020 = arith.constant 0 : i32
        %get3A_1021 = tpu.memref_slice %arg12[%scan3A_168, %get3A_1019, %get3A_1020] : memref<2x320x128xf32, #tpu.memory_space<vmem>> -> memref<1x320x128xf32, #tpu.memory_space<vmem>>
        %get3A_1022 = tpu.memref_squeeze %get3A_1021 : memref<1x320x128xf32, #tpu.memory_space<vmem>> -> memref<320x128xf32, #tpu.memory_space<vmem>>
        %get3A_1023 = arith.index_cast %add3A_974 : i32 to index
        %get3A_1024 = arith.constant 80 : index
        %get3A_1025 = tpu.vector_load %get3A_1022[%get3A_1023, %get3A_1024] {strides = array<i32>} : memref<320x128xf32, #tpu.memory_space<vmem>>, vector<16xf32>,
        %mul3A_1026 = arith.mulf %get3A_218, %get3A_1025 : vector<16xf32>
        %add3A_1027 = arith.addf %add3A_1018, %mul3A_1026 : vector<16xf32>
        %get3A_1028 = arith.constant 0 : i32
        %get3A_1029 = arith.constant 0 : i32
        %get3A_1030 = tpu.memref_slice %arg12[%scan3A_168, %get3A_1028, %get3A_1029] : memref<2x320x128xf32, #tpu.memory_space<vmem>> -> memref<1x320x128xf32, #tpu.memory_space<vmem>>
        %get3A_1031 = tpu.memref_squeeze %get3A_1030 : memref<1x320x128xf32, #tpu.memory_space<vmem>> -> memref<320x128xf32, #tpu.memory_space<vmem>>
        %get3A_1032 = arith.index_cast %add3A_974 : i32 to index
        %get3A_1033 = arith.constant 96 : index
        %get3A_1034 = tpu.vector_load %get3A_1031[%get3A_1032, %get3A_1033] {strides = array<i32>} : memref<320x128xf32, #tpu.memory_space<vmem>>, vector<16xf32>,
        %mul3A_1035 = arith.mulf %get3A_225, %get3A_1034 : vector<16xf32>
        %add3A_1036 = arith.addf %add3A_1027, %mul3A_1035 : vector<16xf32>
        %get3A_1037 = arith.constant 0 : i32
        %get3A_1038 = arith.constant 0 : i32
        %get3A_1039 = tpu.memref_slice %arg12[%scan3A_168, %get3A_1037, %get3A_1038] : memref<2x320x128xf32, #tpu.memory_space<vmem>> -> memref<1x320x128xf32, #tpu.memory_space<vmem>>
        %get3A_1040 = tpu.memref_squeeze %get3A_1039 : memref<1x320x128xf32, #tpu.memory_space<vmem>> -> memref<320x128xf32, #tpu.memory_space<vmem>>
        %get3A_1041 = arith.index_cast %add3A_974 : i32 to index
        %get3A_1042 = arith.constant 112 : index
        %get3A_1043 = tpu.vector_load %get3A_1040[%get3A_1041, %get3A_1042] {strides = array<i32>} : memref<320x128xf32, #tpu.memory_space<vmem>>, vector<16xf32>,
        %mul3A_1044 = arith.mulf %get3A_232, %get3A_1043 : vector<16xf32>
        %add3A_1045 = arith.addf %add3A_1036, %mul3A_1044 : vector<16xf32>
        %reduce_sum3A_1046 = arith.constant true
        %reduce_sum3A_1047 = vector.broadcast %reduce_sum3A_1046 : i1 to vector<16xi1>
        %reduce_sum3A_1048 = tpu.scan <sum>, %add3A_1045 masked %reduce_sum3A_1047 : vector<16xf32>, vector<16xi1> -> vector<16xf32>
        %reduce_sum3A_1049 = vector.extract %reduce_sum3A_1048[15] : f32 from vector<16xf32>
        %broadcast_in_dim3A_1050 = vector.broadcast %reduce_sum3A_1049 : f32 to vector<16xf32>
        %select_n3A_1051 = arith.select %eq3A_972, %broadcast_in_dim3A_1050, %select_n3A_969 : vector<16xi1>, vector<16xf32>
        %eq3A_1052 = arith.constant 10 : i32
        %eq3A_1053 = vector.broadcast %eq3A_1052 : i32 to vector<16xi32>
        %eq3A_1054 = arith.cmpi eq, %iota3A, %eq3A_1053 : vector<16xi32>
        %add3A_1055 = arith.constant 10 : i32
        %add3A_1056 = arith.addi %mul3A_234, %add3A_1055 : i32
        %get3A_1057 = arith.constant 0 : i32
        %get3A_1058 = arith.constant 0 : i32
        %get3A_1059 = tpu.memref_slice %arg12[%scan3A_168, %get3A_1057, %get3A_1058] : memref<2x320x128xf32, #tpu.memory_space<vmem>> -> memref<1x320x128xf32, #tpu.memory_space<vmem>>
        %get3A_1060 = tpu.memref_squeeze %get3A_1059 : memref<1x320x128xf32, #tpu.memory_space<vmem>> -> memref<320x128xf32, #tpu.memory_space<vmem>>
        %get3A_1061 = arith.index_cast %add3A_1056 : i32 to index
        %get3A_1062 = arith.constant 0 : index
        %get3A_1063 = tpu.vector_load %get3A_1060[%get3A_1061, %get3A_1062] {strides = array<i32>} : memref<320x128xf32, #tpu.memory_space<vmem>>, vector<16xf32>,
        %mul3A_1064 = arith.mulf %get3A_183, %get3A_1063 : vector<16xf32>
        %get3A_1065 = arith.constant 0 : i32
        %get3A_1066 = arith.constant 0 : i32
        %get3A_1067 = tpu.memref_slice %arg12[%scan3A_168, %get3A_1065, %get3A_1066] : memref<2x320x128xf32, #tpu.memory_space<vmem>> -> memref<1x320x128xf32, #tpu.memory_space<vmem>>
        %get3A_1068 = tpu.memref_squeeze %get3A_1067 : memref<1x320x128xf32, #tpu.memory_space<vmem>> -> memref<320x128xf32, #tpu.memory_space<vmem>>
        %get3A_1069 = arith.index_cast %add3A_1056 : i32 to index
        %get3A_1070 = arith.constant 16 : index
        %get3A_1071 = tpu.vector_load %get3A_1068[%get3A_1069, %get3A_1070] {strides = array<i32>} : memref<320x128xf32, #tpu.memory_space<vmem>>, vector<16xf32>,
        %mul3A_1072 = arith.mulf %get3A_190, %get3A_1071 : vector<16xf32>
        %add3A_1073 = arith.addf %mul3A_1064, %mul3A_1072 : vector<16xf32>
        %get3A_1074 = arith.constant 0 : i32
        %get3A_1075 = arith.constant 0 : i32
        %get3A_1076 = tpu.memref_slice %arg12[%scan3A_168, %get3A_1074, %get3A_1075] : memref<2x320x128xf32, #tpu.memory_space<vmem>> -> memref<1x320x128xf32, #tpu.memory_space<vmem>>
        %get3A_1077 = tpu.memref_squeeze %get3A_1076 : memref<1x320x128xf32, #tpu.memory_space<vmem>> -> memref<320x128xf32, #tpu.memory_space<vmem>>
        %get3A_1078 = arith.index_cast %add3A_1056 : i32 to index
        %get3A_1079 = arith.constant 32 : index
        %get3A_1080 = tpu.vector_load %get3A_1077[%get3A_1078, %get3A_1079] {strides = array<i32>} : memref<320x128xf32, #tpu.memory_space<vmem>>, vector<16xf32>,
        %mul3A_1081 = arith.mulf %get3A_197, %get3A_1080 : vector<16xf32>
        %add3A_1082 = arith.addf %add3A_1073, %mul3A_1081 : vector<16xf32>
        %get3A_1083 = arith.constant 0 : i32
        %get3A_1084 = arith.constant 0 : i32
        %get3A_1085 = tpu.memref_slice %arg12[%scan3A_168, %get3A_1083, %get3A_1084] : memref<2x320x128xf32, #tpu.memory_space<vmem>> -> memref<1x320x128xf32, #tpu.memory_space<vmem>>
        %get3A_1086 = tpu.memref_squeeze %get3A_1085 : memref<1x320x128xf32, #tpu.memory_space<vmem>> -> memref<320x128xf32, #tpu.memory_space<vmem>>
        %get3A_1087 = arith.index_cast %add3A_1056 : i32 to index
        %get3A_1088 = arith.constant 48 : index
        %get3A_1089 = tpu.vector_load %get3A_1086[%get3A_1087, %get3A_1088] {strides = array<i32>} : memref<320x128xf32, #tpu.memory_space<vmem>>, vector<16xf32>,
        %mul3A_1090 = arith.mulf %get3A_204, %get3A_1089 : vector<16xf32>
        %add3A_1091 = arith.addf %add3A_1082, %mul3A_1090 : vector<16xf32>
        %get3A_1092 = arith.constant 0 : i32
        %get3A_1093 = arith.constant 0 : i32
        %get3A_1094 = tpu.memref_slice %arg12[%scan3A_168, %get3A_1092, %get3A_1093] : memref<2x320x128xf32, #tpu.memory_space<vmem>> -> memref<1x320x128xf32, #tpu.memory_space<vmem>>
        %get3A_1095 = tpu.memref_squeeze %get3A_1094 : memref<1x320x128xf32, #tpu.memory_space<vmem>> -> memref<320x128xf32, #tpu.memory_space<vmem>>
        %get3A_1096 = arith.index_cast %add3A_1056 : i32 to index
        %get3A_1097 = arith.constant 64 : index
        %get3A_1098 = tpu.vector_load %get3A_1095[%get3A_1096, %get3A_1097] {strides = array<i32>} : memref<320x128xf32, #tpu.memory_space<vmem>>, vector<16xf32>,
        %mul3A_1099 = arith.mulf %get3A_211, %get3A_1098 : vector<16xf32>
        %add3A_1100 = arith.addf %add3A_1091, %mul3A_1099 : vector<16xf32>
        %get3A_1101 = arith.constant 0 : i32
        %get3A_1102 = arith.constant 0 : i32
        %get3A_1103 = tpu.memref_slice %arg12[%scan3A_168, %get3A_1101, %get3A_1102] : memref<2x320x128xf32, #tpu.memory_space<vmem>> -> memref<1x320x128xf32, #tpu.memory_space<vmem>>
        %get3A_1104 = tpu.memref_squeeze %get3A_1103 : memref<1x320x128xf32, #tpu.memory_space<vmem>> -> memref<320x128xf32, #tpu.memory_space<vmem>>
        %get3A_1105 = arith.index_cast %add3A_1056 : i32 to index
        %get3A_1106 = arith.constant 80 : index
        %get3A_1107 = tpu.vector_load %get3A_1104[%get3A_1105, %get3A_1106] {strides = array<i32>} : memref<320x128xf32, #tpu.memory_space<vmem>>, vector<16xf32>,
        %mul3A_1108 = arith.mulf %get3A_218, %get3A_1107 : vector<16xf32>
        %add3A_1109 = arith.addf %add3A_1100, %mul3A_1108 : vector<16xf32>
        %get3A_1110 = arith.constant 0 : i32
        %get3A_1111 = arith.constant 0 : i32
        %get3A_1112 = tpu.memref_slice %arg12[%scan3A_168, %get3A_1110, %get3A_1111] : memref<2x320x128xf32, #tpu.memory_space<vmem>> -> memref<1x320x128xf32, #tpu.memory_space<vmem>>
        %get3A_1113 = tpu.memref_squeeze %get3A_1112 : memref<1x320x128xf32, #tpu.memory_space<vmem>> -> memref<320x128xf32, #tpu.memory_space<vmem>>
        %get3A_1114 = arith.index_cast %add3A_1056 : i32 to index
        %get3A_1115 = arith.constant 96 : index
        %get3A_1116 = tpu.vector_load %get3A_1113[%get3A_1114, %get3A_1115] {strides = array<i32>} : memref<320x128xf32, #tpu.memory_space<vmem>>, vector<16xf32>,
        %mul3A_1117 = arith.mulf %get3A_225, %get3A_1116 : vector<16xf32>
        %add3A_1118 = arith.addf %add3A_1109, %mul3A_1117 : vector<16xf32>
        %get3A_1119 = arith.constant 0 : i32
        %get3A_1120 = arith.constant 0 : i32
        %get3A_1121 = tpu.memref_slice %arg12[%scan3A_168, %get3A_1119, %get3A_1120] : memref<2x320x128xf32, #tpu.memory_space<vmem>> -> memref<1x320x128xf32, #tpu.memory_space<vmem>>
        %get3A_1122 = tpu.memref_squeeze %get3A_1121 : memref<1x320x128xf32, #tpu.memory_space<vmem>> -> memref<320x128xf32, #tpu.memory_space<vmem>>
        %get3A_1123 = arith.index_cast %add3A_1056 : i32 to index
        %get3A_1124 = arith.constant 112 : index
        %get3A_1125 = tpu.vector_load %get3A_1122[%get3A_1123, %get3A_1124] {strides = array<i32>} : memref<320x128xf32, #tpu.memory_space<vmem>>, vector<16xf32>,
        %mul3A_1126 = arith.mulf %get3A_232, %get3A_1125 : vector<16xf32>
        %add3A_1127 = arith.addf %add3A_1118, %mul3A_1126 : vector<16xf32>
        %reduce_sum3A_1128 = arith.constant true
        %reduce_sum3A_1129 = vector.broadcast %reduce_sum3A_1128 : i1 to vector<16xi1>
        %reduce_sum3A_1130 = tpu.scan <sum>, %add3A_1127 masked %reduce_sum3A_1129 : vector<16xf32>, vector<16xi1> -> vector<16xf32>
        %reduce_sum3A_1131 = vector.extract %reduce_sum3A_1130[15] : f32 from vector<16xf32>
        %broadcast_in_dim3A_1132 = vector.broadcast %reduce_sum3A_1131 : f32 to vector<16xf32>
        %select_n3A_1133 = arith.select %eq3A_1054, %broadcast_in_dim3A_1132, %select_n3A_1051 : vector<16xi1>, vector<16xf32>
        %eq3A_1134 = arith.constant 11 : i32
        %eq3A_1135 = vector.broadcast %eq3A_1134 : i32 to vector<16xi32>
        %eq3A_1136 = arith.cmpi eq, %iota3A, %eq3A_1135 : vector<16xi32>
        %add3A_1137 = arith.constant 11 : i32
        %add3A_1138 = arith.addi %mul3A_234, %add3A_1137 : i32
        %get3A_1139 = arith.constant 0 : i32
        %get3A_1140 = arith.constant 0 : i32
        %get3A_1141 = tpu.memref_slice %arg12[%scan3A_168, %get3A_1139, %get3A_1140] : memref<2x320x128xf32, #tpu.memory_space<vmem>> -> memref<1x320x128xf32, #tpu.memory_space<vmem>>
        %get3A_1142 = tpu.memref_squeeze %get3A_1141 : memref<1x320x128xf32, #tpu.memory_space<vmem>> -> memref<320x128xf32, #tpu.memory_space<vmem>>
        %get3A_1143 = arith.index_cast %add3A_1138 : i32 to index
        %get3A_1144 = arith.constant 0 : index
        %get3A_1145 = tpu.vector_load %get3A_1142[%get3A_1143, %get3A_1144] {strides = array<i32>} : memref<320x128xf32, #tpu.memory_space<vmem>>, vector<16xf32>,
        %mul3A_1146 = arith.mulf %get3A_183, %get3A_1145 : vector<16xf32>
        %get3A_1147 = arith.constant 0 : i32
        %get3A_1148 = arith.constant 0 : i32
        %get3A_1149 = tpu.memref_slice %arg12[%scan3A_168, %get3A_1147, %get3A_1148] : memref<2x320x128xf32, #tpu.memory_space<vmem>> -> memref<1x320x128xf32, #tpu.memory_space<vmem>>
        %get3A_1150 = tpu.memref_squeeze %get3A_1149 : memref<1x320x128xf32, #tpu.memory_space<vmem>> -> memref<320x128xf32, #tpu.memory_space<vmem>>
        %get3A_1151 = arith.index_cast %add3A_1138 : i32 to index
        %get3A_1152 = arith.constant 16 : index
        %get3A_1153 = tpu.vector_load %get3A_1150[%get3A_1151, %get3A_1152] {strides = array<i32>} : memref<320x128xf32, #tpu.memory_space<vmem>>, vector<16xf32>,
        %mul3A_1154 = arith.mulf %get3A_190, %get3A_1153 : vector<16xf32>
        %add3A_1155 = arith.addf %mul3A_1146, %mul3A_1154 : vector<16xf32>
        %get3A_1156 = arith.constant 0 : i32
        %get3A_1157 = arith.constant 0 : i32
        %get3A_1158 = tpu.memref_slice %arg12[%scan3A_168, %get3A_1156, %get3A_1157] : memref<2x320x128xf32, #tpu.memory_space<vmem>> -> memref<1x320x128xf32, #tpu.memory_space<vmem>>
        %get3A_1159 = tpu.memref_squeeze %get3A_1158 : memref<1x320x128xf32, #tpu.memory_space<vmem>> -> memref<320x128xf32, #tpu.memory_space<vmem>>
        %get3A_1160 = arith.index_cast %add3A_1138 : i32 to index
        %get3A_1161 = arith.constant 32 : index
        %get3A_1162 = tpu.vector_load %get3A_1159[%get3A_1160, %get3A_1161] {strides = array<i32>} : memref<320x128xf32, #tpu.memory_space<vmem>>, vector<16xf32>,
        %mul3A_1163 = arith.mulf %get3A_197, %get3A_1162 : vector<16xf32>
        %add3A_1164 = arith.addf %add3A_1155, %mul3A_1163 : vector<16xf32>
        %get3A_1165 = arith.constant 0 : i32
        %get3A_1166 = arith.constant 0 : i32
        %get3A_1167 = tpu.memref_slice %arg12[%scan3A_168, %get3A_1165, %get3A_1166] : memref<2x320x128xf32, #tpu.memory_space<vmem>> -> memref<1x320x128xf32, #tpu.memory_space<vmem>>
        %get3A_1168 = tpu.memref_squeeze %get3A_1167 : memref<1x320x128xf32, #tpu.memory_space<vmem>> -> memref<320x128xf32, #tpu.memory_space<vmem>>
        %get3A_1169 = arith.index_cast %add3A_1138 : i32 to index
        %get3A_1170 = arith.constant 48 : index
        %get3A_1171 = tpu.vector_load %get3A_1168[%get3A_1169, %get3A_1170] {strides = array<i32>} : memref<320x128xf32, #tpu.memory_space<vmem>>, vector<16xf32>,
        %mul3A_1172 = arith.mulf %get3A_204, %get3A_1171 : vector<16xf32>
        %add3A_1173 = arith.addf %add3A_1164, %mul3A_1172 : vector<16xf32>
        %get3A_1174 = arith.constant 0 : i32
        %get3A_1175 = arith.constant 0 : i32
        %get3A_1176 = tpu.memref_slice %arg12[%scan3A_168, %get3A_1174, %get3A_1175] : memref<2x320x128xf32, #tpu.memory_space<vmem>> -> memref<1x320x128xf32, #tpu.memory_space<vmem>>
        %get3A_1177 = tpu.memref_squeeze %get3A_1176 : memref<1x320x128xf32, #tpu.memory_space<vmem>> -> memref<320x128xf32, #tpu.memory_space<vmem>>
        %get3A_1178 = arith.index_cast %add3A_1138 : i32 to index
        %get3A_1179 = arith.constant 64 : index
        %get3A_1180 = tpu.vector_load %get3A_1177[%get3A_1178, %get3A_1179] {strides = array<i32>} : memref<320x128xf32, #tpu.memory_space<vmem>>, vector<16xf32>,
        %mul3A_1181 = arith.mulf %get3A_211, %get3A_1180 : vector<16xf32>
        %add3A_1182 = arith.addf %add3A_1173, %mul3A_1181 : vector<16xf32>
        %get3A_1183 = arith.constant 0 : i32
        %get3A_1184 = arith.constant 0 : i32
        %get3A_1185 = tpu.memref_slice %arg12[%scan3A_168, %get3A_1183, %get3A_1184] : memref<2x320x128xf32, #tpu.memory_space<vmem>> -> memref<1x320x128xf32, #tpu.memory_space<vmem>>
        %get3A_1186 = tpu.memref_squeeze %get3A_1185 : memref<1x320x128xf32, #tpu.memory_space<vmem>> -> memref<320x128xf32, #tpu.memory_space<vmem>>
        %get3A_1187 = arith.index_cast %add3A_1138 : i32 to index
        %get3A_1188 = arith.constant 80 : index
        %get3A_1189 = tpu.vector_load %get3A_1186[%get3A_1187, %get3A_1188] {strides = array<i32>} : memref<320x128xf32, #tpu.memory_space<vmem>>, vector<16xf32>,
        %mul3A_1190 = arith.mulf %get3A_218, %get3A_1189 : vector<16xf32>
        %add3A_1191 = arith.addf %add3A_1182, %mul3A_1190 : vector<16xf32>
        %get3A_1192 = arith.constant 0 : i32
        %get3A_1193 = arith.constant 0 : i32
        %get3A_1194 = tpu.memref_slice %arg12[%scan3A_168, %get3A_1192, %get3A_1193] : memref<2x320x128xf32, #tpu.memory_space<vmem>> -> memref<1x320x128xf32, #tpu.memory_space<vmem>>
        %get3A_1195 = tpu.memref_squeeze %get3A_1194 : memref<1x320x128xf32, #tpu.memory_space<vmem>> -> memref<320x128xf32, #tpu.memory_space<vmem>>
        %get3A_1196 = arith.index_cast %add3A_1138 : i32 to index
        %get3A_1197 = arith.constant 96 : index
        %get3A_1198 = tpu.vector_load %get3A_1195[%get3A_1196, %get3A_1197] {strides = array<i32>} : memref<320x128xf32, #tpu.memory_space<vmem>>, vector<16xf32>,
        %mul3A_1199 = arith.mulf %get3A_225, %get3A_1198 : vector<16xf32>
        %add3A_1200 = arith.addf %add3A_1191, %mul3A_1199 : vector<16xf32>
        %get3A_1201 = arith.constant 0 : i32
        %get3A_1202 = arith.constant 0 : i32
        %get3A_1203 = tpu.memref_slice %arg12[%scan3A_168, %get3A_1201, %get3A_1202] : memref<2x320x128xf32, #tpu.memory_space<vmem>> -> memref<1x320x128xf32, #tpu.memory_space<vmem>>
        %get3A_1204 = tpu.memref_squeeze %get3A_1203 : memref<1x320x128xf32, #tpu.memory_space<vmem>> -> memref<320x128xf32, #tpu.memory_space<vmem>>
        %get3A_1205 = arith.index_cast %add3A_1138 : i32 to index
        %get3A_1206 = arith.constant 112 : index
        %get3A_1207 = tpu.vector_load %get3A_1204[%get3A_1205, %get3A_1206] {strides = array<i32>} : memref<320x128xf32, #tpu.memory_space<vmem>>, vector<16xf32>,
        %mul3A_1208 = arith.mulf %get3A_232, %get3A_1207 : vector<16xf32>
        %add3A_1209 = arith.addf %add3A_1200, %mul3A_1208 : vector<16xf32>
        %reduce_sum3A_1210 = arith.constant true
        %reduce_sum3A_1211 = vector.broadcast %reduce_sum3A_1210 : i1 to vector<16xi1>
        %reduce_sum3A_1212 = tpu.scan <sum>, %add3A_1209 masked %reduce_sum3A_1211 : vector<16xf32>, vector<16xi1> -> vector<16xf32>
        %reduce_sum3A_1213 = vector.extract %reduce_sum3A_1212[15] : f32 from vector<16xf32>
        %broadcast_in_dim3A_1214 = vector.broadcast %reduce_sum3A_1213 : f32 to vector<16xf32>
        %select_n3A_1215 = arith.select %eq3A_1136, %broadcast_in_dim3A_1214, %select_n3A_1133 : vector<16xi1>, vector<16xf32>
        %eq3A_1216 = arith.constant 12 : i32
        %eq3A_1217 = vector.broadcast %eq3A_1216 : i32 to vector<16xi32>
        %eq3A_1218 = arith.cmpi eq, %iota3A, %eq3A_1217 : vector<16xi32>
        %add3A_1219 = arith.constant 12 : i32
        %add3A_1220 = arith.addi %mul3A_234, %add3A_1219 : i32
        %get3A_1221 = arith.constant 0 : i32
        %get3A_1222 = arith.constant 0 : i32
        %get3A_1223 = tpu.memref_slice %arg12[%scan3A_168, %get3A_1221, %get3A_1222] : memref<2x320x128xf32, #tpu.memory_space<vmem>> -> memref<1x320x128xf32, #tpu.memory_space<vmem>>
        %get3A_1224 = tpu.memref_squeeze %get3A_1223 : memref<1x320x128xf32, #tpu.memory_space<vmem>> -> memref<320x128xf32, #tpu.memory_space<vmem>>
        %get3A_1225 = arith.index_cast %add3A_1220 : i32 to index
        %get3A_1226 = arith.constant 0 : index
        %get3A_1227 = tpu.vector_load %get3A_1224[%get3A_1225, %get3A_1226] {strides = array<i32>} : memref<320x128xf32, #tpu.memory_space<vmem>>, vector<16xf32>,
        %mul3A_1228 = arith.mulf %get3A_183, %get3A_1227 : vector<16xf32>
        %get3A_1229 = arith.constant 0 : i32
        %get3A_1230 = arith.constant 0 : i32
        %get3A_1231 = tpu.memref_slice %arg12[%scan3A_168, %get3A_1229, %get3A_1230] : memref<2x320x128xf32, #tpu.memory_space<vmem>> -> memref<1x320x128xf32, #tpu.memory_space<vmem>>
        %get3A_1232 = tpu.memref_squeeze %get3A_1231 : memref<1x320x128xf32, #tpu.memory_space<vmem>> -> memref<320x128xf32, #tpu.memory_space<vmem>>
        %get3A_1233 = arith.index_cast %add3A_1220 : i32 to index
        %get3A_1234 = arith.constant 16 : index
        %get3A_1235 = tpu.vector_load %get3A_1232[%get3A_1233, %get3A_1234] {strides = array<i32>} : memref<320x128xf32, #tpu.memory_space<vmem>>, vector<16xf32>,
        %mul3A_1236 = arith.mulf %get3A_190, %get3A_1235 : vector<16xf32>
        %add3A_1237 = arith.addf %mul3A_1228, %mul3A_1236 : vector<16xf32>
        %get3A_1238 = arith.constant 0 : i32
        %get3A_1239 = arith.constant 0 : i32
        %get3A_1240 = tpu.memref_slice %arg12[%scan3A_168, %get3A_1238, %get3A_1239] : memref<2x320x128xf32, #tpu.memory_space<vmem>> -> memref<1x320x128xf32, #tpu.memory_space<vmem>>
        %get3A_1241 = tpu.memref_squeeze %get3A_1240 : memref<1x320x128xf32, #tpu.memory_space<vmem>> -> memref<320x128xf32, #tpu.memory_space<vmem>>
        %get3A_1242 = arith.index_cast %add3A_1220 : i32 to index
        %get3A_1243 = arith.constant 32 : index
        %get3A_1244 = tpu.vector_load %get3A_1241[%get3A_1242, %get3A_1243] {strides = array<i32>} : memref<320x128xf32, #tpu.memory_space<vmem>>, vector<16xf32>,
        %mul3A_1245 = arith.mulf %get3A_197, %get3A_1244 : vector<16xf32>
        %add3A_1246 = arith.addf %add3A_1237, %mul3A_1245 : vector<16xf32>
        %get3A_1247 = arith.constant 0 : i32
        %get3A_1248 = arith.constant 0 : i32
        %get3A_1249 = tpu.memref_slice %arg12[%scan3A_168, %get3A_1247, %get3A_1248] : memref<2x320x128xf32, #tpu.memory_space<vmem>> -> memref<1x320x128xf32, #tpu.memory_space<vmem>>
        %get3A_1250 = tpu.memref_squeeze %get3A_1249 : memref<1x320x128xf32, #tpu.memory_space<vmem>> -> memref<320x128xf32, #tpu.memory_space<vmem>>
        %get3A_1251 = arith.index_cast %add3A_1220 : i32 to index
        %get3A_1252 = arith.constant 48 : index
        %get3A_1253 = tpu.vector_load %get3A_1250[%get3A_1251, %get3A_1252] {strides = array<i32>} : memref<320x128xf32, #tpu.memory_space<vmem>>, vector<16xf32>,
        %mul3A_1254 = arith.mulf %get3A_204, %get3A_1253 : vector<16xf32>
        %add3A_1255 = arith.addf %add3A_1246, %mul3A_1254 : vector<16xf32>
        %get3A_1256 = arith.constant 0 : i32
        %get3A_1257 = arith.constant 0 : i32
        %get3A_1258 = tpu.memref_slice %arg12[%scan3A_168, %get3A_1256, %get3A_1257] : memref<2x320x128xf32, #tpu.memory_space<vmem>> -> memref<1x320x128xf32, #tpu.memory_space<vmem>>
        %get3A_1259 = tpu.memref_squeeze %get3A_1258 : memref<1x320x128xf32, #tpu.memory_space<vmem>> -> memref<320x128xf32, #tpu.memory_space<vmem>>
        %get3A_1260 = arith.index_cast %add3A_1220 : i32 to index
        %get3A_1261 = arith.constant 64 : index
        %get3A_1262 = tpu.vector_load %get3A_1259[%get3A_1260, %get3A_1261] {strides = array<i32>} : memref<320x128xf32, #tpu.memory_space<vmem>>, vector<16xf32>,
        %mul3A_1263 = arith.mulf %get3A_211, %get3A_1262 : vector<16xf32>
        %add3A_1264 = arith.addf %add3A_1255, %mul3A_1263 : vector<16xf32>
        %get3A_1265 = arith.constant 0 : i32
        %get3A_1266 = arith.constant 0 : i32
        %get3A_1267 = tpu.memref_slice %arg12[%scan3A_168, %get3A_1265, %get3A_1266] : memref<2x320x128xf32, #tpu.memory_space<vmem>> -> memref<1x320x128xf32, #tpu.memory_space<vmem>>
        %get3A_1268 = tpu.memref_squeeze %get3A_1267 : memref<1x320x128xf32, #tpu.memory_space<vmem>> -> memref<320x128xf32, #tpu.memory_space<vmem>>
        %get3A_1269 = arith.index_cast %add3A_1220 : i32 to index
        %get3A_1270 = arith.constant 80 : index
        %get3A_1271 = tpu.vector_load %get3A_1268[%get3A_1269, %get3A_1270] {strides = array<i32>} : memref<320x128xf32, #tpu.memory_space<vmem>>, vector<16xf32>,
        %mul3A_1272 = arith.mulf %get3A_218, %get3A_1271 : vector<16xf32>
        %add3A_1273 = arith.addf %add3A_1264, %mul3A_1272 : vector<16xf32>
        %get3A_1274 = arith.constant 0 : i32
        %get3A_1275 = arith.constant 0 : i32
        %get3A_1276 = tpu.memref_slice %arg12[%scan3A_168, %get3A_1274, %get3A_1275] : memref<2x320x128xf32, #tpu.memory_space<vmem>> -> memref<1x320x128xf32, #tpu.memory_space<vmem>>
        %get3A_1277 = tpu.memref_squeeze %get3A_1276 : memref<1x320x128xf32, #tpu.memory_space<vmem>> -> memref<320x128xf32, #tpu.memory_space<vmem>>
        %get3A_1278 = arith.index_cast %add3A_1220 : i32 to index
        %get3A_1279 = arith.constant 96 : index
        %get3A_1280 = tpu.vector_load %get3A_1277[%get3A_1278, %get3A_1279] {strides = array<i32>} : memref<320x128xf32, #tpu.memory_space<vmem>>, vector<16xf32>,
        %mul3A_1281 = arith.mulf %get3A_225, %get3A_1280 : vector<16xf32>
        %add3A_1282 = arith.addf %add3A_1273, %mul3A_1281 : vector<16xf32>
        %get3A_1283 = arith.constant 0 : i32
        %get3A_1284 = arith.constant 0 : i32
        %get3A_1285 = tpu.memref_slice %arg12[%scan3A_168, %get3A_1283, %get3A_1284] : memref<2x320x128xf32, #tpu.memory_space<vmem>> -> memref<1x320x128xf32, #tpu.memory_space<vmem>>
        %get3A_1286 = tpu.memref_squeeze %get3A_1285 : memref<1x320x128xf32, #tpu.memory_space<vmem>> -> memref<320x128xf32, #tpu.memory_space<vmem>>
        %get3A_1287 = arith.index_cast %add3A_1220 : i32 to index
        %get3A_1288 = arith.constant 112 : index
        %get3A_1289 = tpu.vector_load %get3A_1286[%get3A_1287, %get3A_1288] {strides = array<i32>} : memref<320x128xf32, #tpu.memory_space<vmem>>, vector<16xf32>,
        %mul3A_1290 = arith.mulf %get3A_232, %get3A_1289 : vector<16xf32>
        %add3A_1291 = arith.addf %add3A_1282, %mul3A_1290 : vector<16xf32>
        %reduce_sum3A_1292 = arith.constant true
        %reduce_sum3A_1293 = vector.broadcast %reduce_sum3A_1292 : i1 to vector<16xi1>
        %reduce_sum3A_1294 = tpu.scan <sum>, %add3A_1291 masked %reduce_sum3A_1293 : vector<16xf32>, vector<16xi1> -> vector<16xf32>
        %reduce_sum3A_1295 = vector.extract %reduce_sum3A_1294[15] : f32 from vector<16xf32>
        %broadcast_in_dim3A_1296 = vector.broadcast %reduce_sum3A_1295 : f32 to vector<16xf32>
        %select_n3A_1297 = arith.select %eq3A_1218, %broadcast_in_dim3A_1296, %select_n3A_1215 : vector<16xi1>, vector<16xf32>
        %eq3A_1298 = arith.constant 13 : i32
        %eq3A_1299 = vector.broadcast %eq3A_1298 : i32 to vector<16xi32>
        %eq3A_1300 = arith.cmpi eq, %iota3A, %eq3A_1299 : vector<16xi32>
        %add3A_1301 = arith.constant 13 : i32
        %add3A_1302 = arith.addi %mul3A_234, %add3A_1301 : i32
        %get3A_1303 = arith.constant 0 : i32
        %get3A_1304 = arith.constant 0 : i32
        %get3A_1305 = tpu.memref_slice %arg12[%scan3A_168, %get3A_1303, %get3A_1304] : memref<2x320x128xf32, #tpu.memory_space<vmem>> -> memref<1x320x128xf32, #tpu.memory_space<vmem>>
        %get3A_1306 = tpu.memref_squeeze %get3A_1305 : memref<1x320x128xf32, #tpu.memory_space<vmem>> -> memref<320x128xf32, #tpu.memory_space<vmem>>
        %get3A_1307 = arith.index_cast %add3A_1302 : i32 to index
        %get3A_1308 = arith.constant 0 : index
        %get3A_1309 = tpu.vector_load %get3A_1306[%get3A_1307, %get3A_1308] {strides = array<i32>} : memref<320x128xf32, #tpu.memory_space<vmem>>, vector<16xf32>,
        %mul3A_1310 = arith.mulf %get3A_183, %get3A_1309 : vector<16xf32>
        %get3A_1311 = arith.constant 0 : i32
        %get3A_1312 = arith.constant 0 : i32
        %get3A_1313 = tpu.memref_slice %arg12[%scan3A_168, %get3A_1311, %get3A_1312] : memref<2x320x128xf32, #tpu.memory_space<vmem>> -> memref<1x320x128xf32, #tpu.memory_space<vmem>>
        %get3A_1314 = tpu.memref_squeeze %get3A_1313 : memref<1x320x128xf32, #tpu.memory_space<vmem>> -> memref<320x128xf32, #tpu.memory_space<vmem>>
        %get3A_1315 = arith.index_cast %add3A_1302 : i32 to index
        %get3A_1316 = arith.constant 16 : index
        %get3A_1317 = tpu.vector_load %get3A_1314[%get3A_1315, %get3A_1316] {strides = array<i32>} : memref<320x128xf32, #tpu.memory_space<vmem>>, vector<16xf32>,
        %mul3A_1318 = arith.mulf %get3A_190, %get3A_1317 : vector<16xf32>
        %add3A_1319 = arith.addf %mul3A_1310, %mul3A_1318 : vector<16xf32>
        %get3A_1320 = arith.constant 0 : i32
        %get3A_1321 = arith.constant 0 : i32
        %get3A_1322 = tpu.memref_slice %arg12[%scan3A_168, %get3A_1320, %get3A_1321] : memref<2x320x128xf32, #tpu.memory_space<vmem>> -> memref<1x320x128xf32, #tpu.memory_space<vmem>>
        %get3A_1323 = tpu.memref_squeeze %get3A_1322 : memref<1x320x128xf32, #tpu.memory_space<vmem>> -> memref<320x128xf32, #tpu.memory_space<vmem>>
        %get3A_1324 = arith.index_cast %add3A_1302 : i32 to index
        %get3A_1325 = arith.constant 32 : index
        %get3A_1326 = tpu.vector_load %get3A_1323[%get3A_1324, %get3A_1325] {strides = array<i32>} : memref<320x128xf32, #tpu.memory_space<vmem>>, vector<16xf32>,
        %mul3A_1327 = arith.mulf %get3A_197, %get3A_1326 : vector<16xf32>
        %add3A_1328 = arith.addf %add3A_1319, %mul3A_1327 : vector<16xf32>
        %get3A_1329 = arith.constant 0 : i32
        %get3A_1330 = arith.constant 0 : i32
        %get3A_1331 = tpu.memref_slice %arg12[%scan3A_168, %get3A_1329, %get3A_1330] : memref<2x320x128xf32, #tpu.memory_space<vmem>> -> memref<1x320x128xf32, #tpu.memory_space<vmem>>
        %get3A_1332 = tpu.memref_squeeze %get3A_1331 : memref<1x320x128xf32, #tpu.memory_space<vmem>> -> memref<320x128xf32, #tpu.memory_space<vmem>>
        %get3A_1333 = arith.index_cast %add3A_1302 : i32 to index
        %get3A_1334 = arith.constant 48 : index
        %get3A_1335 = tpu.vector_load %get3A_1332[%get3A_1333, %get3A_1334] {strides = array<i32>} : memref<320x128xf32, #tpu.memory_space<vmem>>, vector<16xf32>,
        %mul3A_1336 = arith.mulf %get3A_204, %get3A_1335 : vector<16xf32>
        %add3A_1337 = arith.addf %add3A_1328, %mul3A_1336 : vector<16xf32>
        %get3A_1338 = arith.constant 0 : i32
        %get3A_1339 = arith.constant 0 : i32
        %get3A_1340 = tpu.memref_slice %arg12[%scan3A_168, %get3A_1338, %get3A_1339] : memref<2x320x128xf32, #tpu.memory_space<vmem>> -> memref<1x320x128xf32, #tpu.memory_space<vmem>>
        %get3A_1341 = tpu.memref_squeeze %get3A_1340 : memref<1x320x128xf32, #tpu.memory_space<vmem>> -> memref<320x128xf32, #tpu.memory_space<vmem>>
        %get3A_1342 = arith.index_cast %add3A_1302 : i32 to index
        %get3A_1343 = arith.constant 64 : index
        %get3A_1344 = tpu.vector_load %get3A_1341[%get3A_1342, %get3A_1343] {strides = array<i32>} : memref<320x128xf32, #tpu.memory_space<vmem>>, vector<16xf32>,
        %mul3A_1345 = arith.mulf %get3A_211, %get3A_1344 : vector<16xf32>
        %add3A_1346 = arith.addf %add3A_1337, %mul3A_1345 : vector<16xf32>
        %get3A_1347 = arith.constant 0 : i32
        %get3A_1348 = arith.constant 0 : i32
        %get3A_1349 = tpu.memref_slice %arg12[%scan3A_168, %get3A_1347, %get3A_1348] : memref<2x320x128xf32, #tpu.memory_space<vmem>> -> memref<1x320x128xf32, #tpu.memory_space<vmem>>
        %get3A_1350 = tpu.memref_squeeze %get3A_1349 : memref<1x320x128xf32, #tpu.memory_space<vmem>> -> memref<320x128xf32, #tpu.memory_space<vmem>>
        %get3A_1351 = arith.index_cast %add3A_1302 : i32 to index
        %get3A_1352 = arith.constant 80 : index
        %get3A_1353 = tpu.vector_load %get3A_1350[%get3A_1351, %get3A_1352] {strides = array<i32>} : memref<320x128xf32, #tpu.memory_space<vmem>>, vector<16xf32>,
        %mul3A_1354 = arith.mulf %get3A_218, %get3A_1353 : vector<16xf32>
        %add3A_1355 = arith.addf %add3A_1346, %mul3A_1354 : vector<16xf32>
        %get3A_1356 = arith.constant 0 : i32
        %get3A_1357 = arith.constant 0 : i32
        %get3A_1358 = tpu.memref_slice %arg12[%scan3A_168, %get3A_1356, %get3A_1357] : memref<2x320x128xf32, #tpu.memory_space<vmem>> -> memref<1x320x128xf32, #tpu.memory_space<vmem>>
        %get3A_1359 = tpu.memref_squeeze %get3A_1358 : memref<1x320x128xf32, #tpu.memory_space<vmem>> -> memref<320x128xf32, #tpu.memory_space<vmem>>
        %get3A_1360 = arith.index_cast %add3A_1302 : i32 to index
        %get3A_1361 = arith.constant 96 : index
        %get3A_1362 = tpu.vector_load %get3A_1359[%get3A_1360, %get3A_1361] {strides = array<i32>} : memref<320x128xf32, #tpu.memory_space<vmem>>, vector<16xf32>,
        %mul3A_1363 = arith.mulf %get3A_225, %get3A_1362 : vector<16xf32>
        %add3A_1364 = arith.addf %add3A_1355, %mul3A_1363 : vector<16xf32>
        %get3A_1365 = arith.constant 0 : i32
        %get3A_1366 = arith.constant 0 : i32
        %get3A_1367 = tpu.memref_slice %arg12[%scan3A_168, %get3A_1365, %get3A_1366] : memref<2x320x128xf32, #tpu.memory_space<vmem>> -> memref<1x320x128xf32, #tpu.memory_space<vmem>>
        %get3A_1368 = tpu.memref_squeeze %get3A_1367 : memref<1x320x128xf32, #tpu.memory_space<vmem>> -> memref<320x128xf32, #tpu.memory_space<vmem>>
        %get3A_1369 = arith.index_cast %add3A_1302 : i32 to index
        %get3A_1370 = arith.constant 112 : index
        %get3A_1371 = tpu.vector_load %get3A_1368[%get3A_1369, %get3A_1370] {strides = array<i32>} : memref<320x128xf32, #tpu.memory_space<vmem>>, vector<16xf32>,
        %mul3A_1372 = arith.mulf %get3A_232, %get3A_1371 : vector<16xf32>
        %add3A_1373 = arith.addf %add3A_1364, %mul3A_1372 : vector<16xf32>
        %reduce_sum3A_1374 = arith.constant true
        %reduce_sum3A_1375 = vector.broadcast %reduce_sum3A_1374 : i1 to vector<16xi1>
        %reduce_sum3A_1376 = tpu.scan <sum>, %add3A_1373 masked %reduce_sum3A_1375 : vector<16xf32>, vector<16xi1> -> vector<16xf32>
        %reduce_sum3A_1377 = vector.extract %reduce_sum3A_1376[15] : f32 from vector<16xf32>
        %broadcast_in_dim3A_1378 = vector.broadcast %reduce_sum3A_1377 : f32 to vector<16xf32>
        %select_n3A_1379 = arith.select %eq3A_1300, %broadcast_in_dim3A_1378, %select_n3A_1297 : vector<16xi1>, vector<16xf32>
        %eq3A_1380 = arith.constant 14 : i32
        %eq3A_1381 = vector.broadcast %eq3A_1380 : i32 to vector<16xi32>
        %eq3A_1382 = arith.cmpi eq, %iota3A, %eq3A_1381 : vector<16xi32>
        %add3A_1383 = arith.constant 14 : i32
        %add3A_1384 = arith.addi %mul3A_234, %add3A_1383 : i32
        %get3A_1385 = arith.constant 0 : i32
        %get3A_1386 = arith.constant 0 : i32
        %get3A_1387 = tpu.memref_slice %arg12[%scan3A_168, %get3A_1385, %get3A_1386] : memref<2x320x128xf32, #tpu.memory_space<vmem>> -> memref<1x320x128xf32, #tpu.memory_space<vmem>>
        %get3A_1388 = tpu.memref_squeeze %get3A_1387 : memref<1x320x128xf32, #tpu.memory_space<vmem>> -> memref<320x128xf32, #tpu.memory_space<vmem>>
        %get3A_1389 = arith.index_cast %add3A_1384 : i32 to index
        %get3A_1390 = arith.constant 0 : index
        %get3A_1391 = tpu.vector_load %get3A_1388[%get3A_1389, %get3A_1390] {strides = array<i32>} : memref<320x128xf32, #tpu.memory_space<vmem>>, vector<16xf32>,
        %mul3A_1392 = arith.mulf %get3A_183, %get3A_1391 : vector<16xf32>
        %get3A_1393 = arith.constant 0 : i32
        %get3A_1394 = arith.constant 0 : i32
        %get3A_1395 = tpu.memref_slice %arg12[%scan3A_168, %get3A_1393, %get3A_1394] : memref<2x320x128xf32, #tpu.memory_space<vmem>> -> memref<1x320x128xf32, #tpu.memory_space<vmem>>
        %get3A_1396 = tpu.memref_squeeze %get3A_1395 : memref<1x320x128xf32, #tpu.memory_space<vmem>> -> memref<320x128xf32, #tpu.memory_space<vmem>>
        %get3A_1397 = arith.index_cast %add3A_1384 : i32 to index
        %get3A_1398 = arith.constant 16 : index
        %get3A_1399 = tpu.vector_load %get3A_1396[%get3A_1397, %get3A_1398] {strides = array<i32>} : memref<320x128xf32, #tpu.memory_space<vmem>>, vector<16xf32>,
        %mul3A_1400 = arith.mulf %get3A_190, %get3A_1399 : vector<16xf32>
        %add3A_1401 = arith.addf %mul3A_1392, %mul3A_1400 : vector<16xf32>
        %get3A_1402 = arith.constant 0 : i32
        %get3A_1403 = arith.constant 0 : i32
        %get3A_1404 = tpu.memref_slice %arg12[%scan3A_168, %get3A_1402, %get3A_1403] : memref<2x320x128xf32, #tpu.memory_space<vmem>> -> memref<1x320x128xf32, #tpu.memory_space<vmem>>
        %get3A_1405 = tpu.memref_squeeze %get3A_1404 : memref<1x320x128xf32, #tpu.memory_space<vmem>> -> memref<320x128xf32, #tpu.memory_space<vmem>>
        %get3A_1406 = arith.index_cast %add3A_1384 : i32 to index
        %get3A_1407 = arith.constant 32 : index
        %get3A_1408 = tpu.vector_load %get3A_1405[%get3A_1406, %get3A_1407] {strides = array<i32>} : memref<320x128xf32, #tpu.memory_space<vmem>>, vector<16xf32>,
        %mul3A_1409 = arith.mulf %get3A_197, %get3A_1408 : vector<16xf32>
        %add3A_1410 = arith.addf %add3A_1401, %mul3A_1409 : vector<16xf32>
        %get3A_1411 = arith.constant 0 : i32
        %get3A_1412 = arith.constant 0 : i32
        %get3A_1413 = tpu.memref_slice %arg12[%scan3A_168, %get3A_1411, %get3A_1412] : memref<2x320x128xf32, #tpu.memory_space<vmem>> -> memref<1x320x128xf32, #tpu.memory_space<vmem>>
        %get3A_1414 = tpu.memref_squeeze %get3A_1413 : memref<1x320x128xf32, #tpu.memory_space<vmem>> -> memref<320x128xf32, #tpu.memory_space<vmem>>
        %get3A_1415 = arith.index_cast %add3A_1384 : i32 to index
        %get3A_1416 = arith.constant 48 : index
        %get3A_1417 = tpu.vector_load %get3A_1414[%get3A_1415, %get3A_1416] {strides = array<i32>} : memref<320x128xf32, #tpu.memory_space<vmem>>, vector<16xf32>,
        %mul3A_1418 = arith.mulf %get3A_204, %get3A_1417 : vector<16xf32>
        %add3A_1419 = arith.addf %add3A_1410, %mul3A_1418 : vector<16xf32>
        %get3A_1420 = arith.constant 0 : i32
        %get3A_1421 = arith.constant 0 : i32
        %get3A_1422 = tpu.memref_slice %arg12[%scan3A_168, %get3A_1420, %get3A_1421] : memref<2x320x128xf32, #tpu.memory_space<vmem>> -> memref<1x320x128xf32, #tpu.memory_space<vmem>>
        %get3A_1423 = tpu.memref_squeeze %get3A_1422 : memref<1x320x128xf32, #tpu.memory_space<vmem>> -> memref<320x128xf32, #tpu.memory_space<vmem>>
        %get3A_1424 = arith.index_cast %add3A_1384 : i32 to index
        %get3A_1425 = arith.constant 64 : index
        %get3A_1426 = tpu.vector_load %get3A_1423[%get3A_1424, %get3A_1425] {strides = array<i32>} : memref<320x128xf32, #tpu.memory_space<vmem>>, vector<16xf32>,
        %mul3A_1427 = arith.mulf %get3A_211, %get3A_1426 : vector<16xf32>
        %add3A_1428 = arith.addf %add3A_1419, %mul3A_1427 : vector<16xf32>
        %get3A_1429 = arith.constant 0 : i32
        %get3A_1430 = arith.constant 0 : i32
        %get3A_1431 = tpu.memref_slice %arg12[%scan3A_168, %get3A_1429, %get3A_1430] : memref<2x320x128xf32, #tpu.memory_space<vmem>> -> memref<1x320x128xf32, #tpu.memory_space<vmem>>
        %get3A_1432 = tpu.memref_squeeze %get3A_1431 : memref<1x320x128xf32, #tpu.memory_space<vmem>> -> memref<320x128xf32, #tpu.memory_space<vmem>>
        %get3A_1433 = arith.index_cast %add3A_1384 : i32 to index
        %get3A_1434 = arith.constant 80 : index
        %get3A_1435 = tpu.vector_load %get3A_1432[%get3A_1433, %get3A_1434] {strides = array<i32>} : memref<320x128xf32, #tpu.memory_space<vmem>>, vector<16xf32>,
        %mul3A_1436 = arith.mulf %get3A_218, %get3A_1435 : vector<16xf32>
        %add3A_1437 = arith.addf %add3A_1428, %mul3A_1436 : vector<16xf32>
        %get3A_1438 = arith.constant 0 : i32
        %get3A_1439 = arith.constant 0 : i32
        %get3A_1440 = tpu.memref_slice %arg12[%scan3A_168, %get3A_1438, %get3A_1439] : memref<2x320x128xf32, #tpu.memory_space<vmem>> -> memref<1x320x128xf32, #tpu.memory_space<vmem>>
        %get3A_1441 = tpu.memref_squeeze %get3A_1440 : memref<1x320x128xf32, #tpu.memory_space<vmem>> -> memref<320x128xf32, #tpu.memory_space<vmem>>
        %get3A_1442 = arith.index_cast %add3A_1384 : i32 to index
        %get3A_1443 = arith.constant 96 : index
        %get3A_1444 = tpu.vector_load %get3A_1441[%get3A_1442, %get3A_1443] {strides = array<i32>} : memref<320x128xf32, #tpu.memory_space<vmem>>, vector<16xf32>,
        %mul3A_1445 = arith.mulf %get3A_225, %get3A_1444 : vector<16xf32>
        %add3A_1446 = arith.addf %add3A_1437, %mul3A_1445 : vector<16xf32>
        %get3A_1447 = arith.constant 0 : i32
        %get3A_1448 = arith.constant 0 : i32
        %get3A_1449 = tpu.memref_slice %arg12[%scan3A_168, %get3A_1447, %get3A_1448] : memref<2x320x128xf32, #tpu.memory_space<vmem>> -> memref<1x320x128xf32, #tpu.memory_space<vmem>>
        %get3A_1450 = tpu.memref_squeeze %get3A_1449 : memref<1x320x128xf32, #tpu.memory_space<vmem>> -> memref<320x128xf32, #tpu.memory_space<vmem>>
        %get3A_1451 = arith.index_cast %add3A_1384 : i32 to index
        %get3A_1452 = arith.constant 112 : index
        %get3A_1453 = tpu.vector_load %get3A_1450[%get3A_1451, %get3A_1452] {strides = array<i32>} : memref<320x128xf32, #tpu.memory_space<vmem>>, vector<16xf32>,
        %mul3A_1454 = arith.mulf %get3A_232, %get3A_1453 : vector<16xf32>
        %add3A_1455 = arith.addf %add3A_1446, %mul3A_1454 : vector<16xf32>
        %reduce_sum3A_1456 = arith.constant true
        %reduce_sum3A_1457 = vector.broadcast %reduce_sum3A_1456 : i1 to vector<16xi1>
        %reduce_sum3A_1458 = tpu.scan <sum>, %add3A_1455 masked %reduce_sum3A_1457 : vector<16xf32>, vector<16xi1> -> vector<16xf32>
        %reduce_sum3A_1459 = vector.extract %reduce_sum3A_1458[15] : f32 from vector<16xf32>
        %broadcast_in_dim3A_1460 = vector.broadcast %reduce_sum3A_1459 : f32 to vector<16xf32>
        %select_n3A_1461 = arith.select %eq3A_1382, %broadcast_in_dim3A_1460, %select_n3A_1379 : vector<16xi1>, vector<16xf32>
        %eq3A_1462 = arith.constant 15 : i32
        %eq3A_1463 = vector.broadcast %eq3A_1462 : i32 to vector<16xi32>
        %eq3A_1464 = arith.cmpi eq, %iota3A, %eq3A_1463 : vector<16xi32>
        %add3A_1465 = arith.constant 15 : i32
        %add3A_1466 = arith.addi %mul3A_234, %add3A_1465 : i32
        %get3A_1467 = arith.constant 0 : i32
        %get3A_1468 = arith.constant 0 : i32
        %get3A_1469 = tpu.memref_slice %arg12[%scan3A_168, %get3A_1467, %get3A_1468] : memref<2x320x128xf32, #tpu.memory_space<vmem>> -> memref<1x320x128xf32, #tpu.memory_space<vmem>>
        %get3A_1470 = tpu.memref_squeeze %get3A_1469 : memref<1x320x128xf32, #tpu.memory_space<vmem>> -> memref<320x128xf32, #tpu.memory_space<vmem>>
        %get3A_1471 = arith.index_cast %add3A_1466 : i32 to index
        %get3A_1472 = arith.constant 0 : index
        %get3A_1473 = tpu.vector_load %get3A_1470[%get3A_1471, %get3A_1472] {strides = array<i32>} : memref<320x128xf32, #tpu.memory_space<vmem>>, vector<16xf32>,
        %mul3A_1474 = arith.mulf %get3A_183, %get3A_1473 : vector<16xf32>
        %get3A_1475 = arith.constant 0 : i32
        %get3A_1476 = arith.constant 0 : i32
        %get3A_1477 = tpu.memref_slice %arg12[%scan3A_168, %get3A_1475, %get3A_1476] : memref<2x320x128xf32, #tpu.memory_space<vmem>> -> memref<1x320x128xf32, #tpu.memory_space<vmem>>
        %get3A_1478 = tpu.memref_squeeze %get3A_1477 : memref<1x320x128xf32, #tpu.memory_space<vmem>> -> memref<320x128xf32, #tpu.memory_space<vmem>>
        %get3A_1479 = arith.index_cast %add3A_1466 : i32 to index
        %get3A_1480 = arith.constant 16 : index
        %get3A_1481 = tpu.vector_load %get3A_1478[%get3A_1479, %get3A_1480] {strides = array<i32>} : memref<320x128xf32, #tpu.memory_space<vmem>>, vector<16xf32>,
        %mul3A_1482 = arith.mulf %get3A_190, %get3A_1481 : vector<16xf32>
        %add3A_1483 = arith.addf %mul3A_1474, %mul3A_1482 : vector<16xf32>
        %get3A_1484 = arith.constant 0 : i32
        %get3A_1485 = arith.constant 0 : i32
        %get3A_1486 = tpu.memref_slice %arg12[%scan3A_168, %get3A_1484, %get3A_1485] : memref<2x320x128xf32, #tpu.memory_space<vmem>> -> memref<1x320x128xf32, #tpu.memory_space<vmem>>
        %get3A_1487 = tpu.memref_squeeze %get3A_1486 : memref<1x320x128xf32, #tpu.memory_space<vmem>> -> memref<320x128xf32, #tpu.memory_space<vmem>>
        %get3A_1488 = arith.index_cast %add3A_1466 : i32 to index
        %get3A_1489 = arith.constant 32 : index
        %get3A_1490 = tpu.vector_load %get3A_1487[%get3A_1488, %get3A_1489] {strides = array<i32>} : memref<320x128xf32, #tpu.memory_space<vmem>>, vector<16xf32>,
        %mul3A_1491 = arith.mulf %get3A_197, %get3A_1490 : vector<16xf32>
        %add3A_1492 = arith.addf %add3A_1483, %mul3A_1491 : vector<16xf32>
        %get3A_1493 = arith.constant 0 : i32
        %get3A_1494 = arith.constant 0 : i32
        %get3A_1495 = tpu.memref_slice %arg12[%scan3A_168, %get3A_1493, %get3A_1494] : memref<2x320x128xf32, #tpu.memory_space<vmem>> -> memref<1x320x128xf32, #tpu.memory_space<vmem>>
        %get3A_1496 = tpu.memref_squeeze %get3A_1495 : memref<1x320x128xf32, #tpu.memory_space<vmem>> -> memref<320x128xf32, #tpu.memory_space<vmem>>
        %get3A_1497 = arith.index_cast %add3A_1466 : i32 to index
        %get3A_1498 = arith.constant 48 : index
        %get3A_1499 = tpu.vector_load %get3A_1496[%get3A_1497, %get3A_1498] {strides = array<i32>} : memref<320x128xf32, #tpu.memory_space<vmem>>, vector<16xf32>,
        %mul3A_1500 = arith.mulf %get3A_204, %get3A_1499 : vector<16xf32>
        %add3A_1501 = arith.addf %add3A_1492, %mul3A_1500 : vector<16xf32>
        %get3A_1502 = arith.constant 0 : i32
        %get3A_1503 = arith.constant 0 : i32
        %get3A_1504 = tpu.memref_slice %arg12[%scan3A_168, %get3A_1502, %get3A_1503] : memref<2x320x128xf32, #tpu.memory_space<vmem>> -> memref<1x320x128xf32, #tpu.memory_space<vmem>>
        %get3A_1505 = tpu.memref_squeeze %get3A_1504 : memref<1x320x128xf32, #tpu.memory_space<vmem>> -> memref<320x128xf32, #tpu.memory_space<vmem>>
        %get3A_1506 = arith.index_cast %add3A_1466 : i32 to index
        %get3A_1507 = arith.constant 64 : index
        %get3A_1508 = tpu.vector_load %get3A_1505[%get3A_1506, %get3A_1507] {strides = array<i32>} : memref<320x128xf32, #tpu.memory_space<vmem>>, vector<16xf32>,
        %mul3A_1509 = arith.mulf %get3A_211, %get3A_1508 : vector<16xf32>
        %add3A_1510 = arith.addf %add3A_1501, %mul3A_1509 : vector<16xf32>
        %get3A_1511 = arith.constant 0 : i32
        %get3A_1512 = arith.constant 0 : i32
        %get3A_1513 = tpu.memref_slice %arg12[%scan3A_168, %get3A_1511, %get3A_1512] : memref<2x320x128xf32, #tpu.memory_space<vmem>> -> memref<1x320x128xf32, #tpu.memory_space<vmem>>
        %get3A_1514 = tpu.memref_squeeze %get3A_1513 : memref<1x320x128xf32, #tpu.memory_space<vmem>> -> memref<320x128xf32, #tpu.memory_space<vmem>>
        %get3A_1515 = arith.index_cast %add3A_1466 : i32 to index
        %get3A_1516 = arith.constant 80 : index
        %get3A_1517 = tpu.vector_load %get3A_1514[%get3A_1515, %get3A_1516] {strides = array<i32>} : memref<320x128xf32, #tpu.memory_space<vmem>>, vector<16xf32>,
        %mul3A_1518 = arith.mulf %get3A_218, %get3A_1517 : vector<16xf32>
        %add3A_1519 = arith.addf %add3A_1510, %mul3A_1518 : vector<16xf32>
        %get3A_1520 = arith.constant 0 : i32
        %get3A_1521 = arith.constant 0 : i32
        %get3A_1522 = tpu.memref_slice %arg12[%scan3A_168, %get3A_1520, %get3A_1521] : memref<2x320x128xf32, #tpu.memory_space<vmem>> -> memref<1x320x128xf32, #tpu.memory_space<vmem>>
        %get3A_1523 = tpu.memref_squeeze %get3A_1522 : memref<1x320x128xf32, #tpu.memory_space<vmem>> -> memref<320x128xf32, #tpu.memory_space<vmem>>
        %get3A_1524 = arith.index_cast %add3A_1466 : i32 to index
        %get3A_1525 = arith.constant 96 : index
        %get3A_1526 = tpu.vector_load %get3A_1523[%get3A_1524, %get3A_1525] {strides = array<i32>} : memref<320x128xf32, #tpu.memory_space<vmem>>, vector<16xf32>,
        %mul3A_1527 = arith.mulf %get3A_225, %get3A_1526 : vector<16xf32>
        %add3A_1528 = arith.addf %add3A_1519, %mul3A_1527 : vector<16xf32>
        %get3A_1529 = arith.constant 0 : i32
        %get3A_1530 = arith.constant 0 : i32
        %get3A_1531 = tpu.memref_slice %arg12[%scan3A_168, %get3A_1529, %get3A_1530] : memref<2x320x128xf32, #tpu.memory_space<vmem>> -> memref<1x320x128xf32, #tpu.memory_space<vmem>>
        %get3A_1532 = tpu.memref_squeeze %get3A_1531 : memref<1x320x128xf32, #tpu.memory_space<vmem>> -> memref<320x128xf32, #tpu.memory_space<vmem>>
        %get3A_1533 = arith.index_cast %add3A_1466 : i32 to index
        %get3A_1534 = arith.constant 112 : index
        %get3A_1535 = tpu.vector_load %get3A_1532[%get3A_1533, %get3A_1534] {strides = array<i32>} : memref<320x128xf32, #tpu.memory_space<vmem>>, vector<16xf32>,
        %mul3A_1536 = arith.mulf %get3A_232, %get3A_1535 : vector<16xf32>
        %add3A_1537 = arith.addf %add3A_1528, %mul3A_1536 : vector<16xf32>
        %reduce_sum3A_1538 = arith.constant true
        %reduce_sum3A_1539 = vector.broadcast %reduce_sum3A_1538 : i1 to vector<16xi1>
        %reduce_sum3A_1540 = tpu.scan <sum>, %add3A_1537 masked %reduce_sum3A_1539 : vector<16xf32>, vector<16xi1> -> vector<16xf32>
        %reduce_sum3A_1541 = vector.extract %reduce_sum3A_1540[15] : f32 from vector<16xf32>
        %broadcast_in_dim3A_1542 = vector.broadcast %reduce_sum3A_1541 : f32 to vector<16xf32>
        %select_n3A_1543 = arith.select %eq3A_1464, %broadcast_in_dim3A_1542, %select_n3A_1461 : vector<16xi1>, vector<16xf32>
        %eq3A_1544 = arith.constant 4 : i32
        %eq3A_1545 = vector.broadcast %eq3A_1544 : i32 to vector<16xi32>
        %eq3A_1546 = arith.cmpi eq, %iota3A, %eq3A_1545 : vector<16xi32>
        %get3A_1547 = arith.constant 0 : i32
        %get3A_1548 = arith.constant 0 : i32
        %get3A_1549 = tpu.memref_slice %arg14[%scan3A_169, %get3A_1547, %get3A_1548] : memref<2x16x128xf32, #tpu.memory_space<vmem>> -> memref<1x16x128xf32, #tpu.memory_space<vmem>>
        %get3A_1550 = tpu.memref_squeeze %get3A_1549 : memref<1x16x128xf32, #tpu.memory_space<vmem>> -> memref<16x128xf32, #tpu.memory_space<vmem>>
        %get3A_1551 = arith.index_cast %scan3A_176 : i32 to index
        %get3A_1552 = arith.constant 0 : index
        %get3A_1553 = tpu.vector_load %get3A_1550[%get3A_1551, %get3A_1552] {strides = array<i32>} : memref<16x128xf32, #tpu.memory_space<vmem>>, vector<16xf32>,
        %mul3A_1554 = arith.mulf %get3A_183, %get3A_1553 : vector<16xf32>
        %get3A_1555 = arith.constant 0 : i32
        %get3A_1556 = arith.constant 0 : i32
        %get3A_1557 = tpu.memref_slice %arg14[%scan3A_169, %get3A_1555, %get3A_1556] : memref<2x16x128xf32, #tpu.memory_space<vmem>> -> memref<1x16x128xf32, #tpu.memory_space<vmem>>
        %get3A_1558 = tpu.memref_squeeze %get3A_1557 : memref<1x16x128xf32, #tpu.memory_space<vmem>> -> memref<16x128xf32, #tpu.memory_space<vmem>>
        %get3A_1559 = arith.index_cast %scan3A_176 : i32 to index
        %get3A_1560 = arith.constant 16 : index
        %get3A_1561 = tpu.vector_load %get3A_1558[%get3A_1559, %get3A_1560] {strides = array<i32>} : memref<16x128xf32, #tpu.memory_space<vmem>>, vector<16xf32>,
        %mul3A_1562 = arith.mulf %get3A_190, %get3A_1561 : vector<16xf32>
        %add3A_1563 = arith.addf %mul3A_1554, %mul3A_1562 : vector<16xf32>
        %get3A_1564 = arith.constant 0 : i32
        %get3A_1565 = arith.constant 0 : i32
        %get3A_1566 = tpu.memref_slice %arg14[%scan3A_169, %get3A_1564, %get3A_1565] : memref<2x16x128xf32, #tpu.memory_space<vmem>> -> memref<1x16x128xf32, #tpu.memory_space<vmem>>
        %get3A_1567 = tpu.memref_squeeze %get3A_1566 : memref<1x16x128xf32, #tpu.memory_space<vmem>> -> memref<16x128xf32, #tpu.memory_space<vmem>>
        %get3A_1568 = arith.index_cast %scan3A_176 : i32 to index
        %get3A_1569 = arith.constant 32 : index
        %get3A_1570 = tpu.vector_load %get3A_1567[%get3A_1568, %get3A_1569] {strides = array<i32>} : memref<16x128xf32, #tpu.memory_space<vmem>>, vector<16xf32>,
        %mul3A_1571 = arith.mulf %get3A_197, %get3A_1570 : vector<16xf32>
        %add3A_1572 = arith.addf %add3A_1563, %mul3A_1571 : vector<16xf32>
        %get3A_1573 = arith.constant 0 : i32
        %get3A_1574 = arith.constant 0 : i32
        %get3A_1575 = tpu.memref_slice %arg14[%scan3A_169, %get3A_1573, %get3A_1574] : memref<2x16x128xf32, #tpu.memory_space<vmem>> -> memref<1x16x128xf32, #tpu.memory_space<vmem>>
        %get3A_1576 = tpu.memref_squeeze %get3A_1575 : memref<1x16x128xf32, #tpu.memory_space<vmem>> -> memref<16x128xf32, #tpu.memory_space<vmem>>
        %get3A_1577 = arith.index_cast %scan3A_176 : i32 to index
        %get3A_1578 = arith.constant 48 : index
        %get3A_1579 = tpu.vector_load %get3A_1576[%get3A_1577, %get3A_1578] {strides = array<i32>} : memref<16x128xf32, #tpu.memory_space<vmem>>, vector<16xf32>,
        %mul3A_1580 = arith.mulf %get3A_204, %get3A_1579 : vector<16xf32>
        %add3A_1581 = arith.addf %add3A_1572, %mul3A_1580 : vector<16xf32>
        %get3A_1582 = arith.constant 0 : i32
        %get3A_1583 = arith.constant 0 : i32
        %get3A_1584 = tpu.memref_slice %arg14[%scan3A_169, %get3A_1582, %get3A_1583] : memref<2x16x128xf32, #tpu.memory_space<vmem>> -> memref<1x16x128xf32, #tpu.memory_space<vmem>>
        %get3A_1585 = tpu.memref_squeeze %get3A_1584 : memref<1x16x128xf32, #tpu.memory_space<vmem>> -> memref<16x128xf32, #tpu.memory_space<vmem>>
        %get3A_1586 = arith.index_cast %scan3A_176 : i32 to index
        %get3A_1587 = arith.constant 64 : index
        %get3A_1588 = tpu.vector_load %get3A_1585[%get3A_1586, %get3A_1587] {strides = array<i32>} : memref<16x128xf32, #tpu.memory_space<vmem>>, vector<16xf32>,
        %mul3A_1589 = arith.mulf %get3A_211, %get3A_1588 : vector<16xf32>
        %add3A_1590 = arith.addf %add3A_1581, %mul3A_1589 : vector<16xf32>
        %get3A_1591 = arith.constant 0 : i32
        %get3A_1592 = arith.constant 0 : i32
        %get3A_1593 = tpu.memref_slice %arg14[%scan3A_169, %get3A_1591, %get3A_1592] : memref<2x16x128xf32, #tpu.memory_space<vmem>> -> memref<1x16x128xf32, #tpu.memory_space<vmem>>
        %get3A_1594 = tpu.memref_squeeze %get3A_1593 : memref<1x16x128xf32, #tpu.memory_space<vmem>> -> memref<16x128xf32, #tpu.memory_space<vmem>>
        %get3A_1595 = arith.index_cast %scan3A_176 : i32 to index
        %get3A_1596 = arith.constant 80 : index
        %get3A_1597 = tpu.vector_load %get3A_1594[%get3A_1595, %get3A_1596] {strides = array<i32>} : memref<16x128xf32, #tpu.memory_space<vmem>>, vector<16xf32>,
        %mul3A_1598 = arith.mulf %get3A_218, %get3A_1597 : vector<16xf32>
        %add3A_1599 = arith.addf %add3A_1590, %mul3A_1598 : vector<16xf32>
        %get3A_1600 = arith.constant 0 : i32
        %get3A_1601 = arith.constant 0 : i32
        %get3A_1602 = tpu.memref_slice %arg14[%scan3A_169, %get3A_1600, %get3A_1601] : memref<2x16x128xf32, #tpu.memory_space<vmem>> -> memref<1x16x128xf32, #tpu.memory_space<vmem>>
        %get3A_1603 = tpu.memref_squeeze %get3A_1602 : memref<1x16x128xf32, #tpu.memory_space<vmem>> -> memref<16x128xf32, #tpu.memory_space<vmem>>
        %get3A_1604 = arith.index_cast %scan3A_176 : i32 to index
        %get3A_1605 = arith.constant 96 : index
        %get3A_1606 = tpu.vector_load %get3A_1603[%get3A_1604, %get3A_1605] {strides = array<i32>} : memref<16x128xf32, #tpu.memory_space<vmem>>, vector<16xf32>,
        %mul3A_1607 = arith.mulf %get3A_225, %get3A_1606 : vector<16xf32>
        %add3A_1608 = arith.addf %add3A_1599, %mul3A_1607 : vector<16xf32>
        %get3A_1609 = arith.constant 0 : i32
        %get3A_1610 = arith.constant 0 : i32
        %get3A_1611 = tpu.memref_slice %arg14[%scan3A_169, %get3A_1609, %get3A_1610] : memref<2x16x128xf32, #tpu.memory_space<vmem>> -> memref<1x16x128xf32, #tpu.memory_space<vmem>>
        %get3A_1612 = tpu.memref_squeeze %get3A_1611 : memref<1x16x128xf32, #tpu.memory_space<vmem>> -> memref<16x128xf32, #tpu.memory_space<vmem>>
        %get3A_1613 = arith.index_cast %scan3A_176 : i32 to index
        %get3A_1614 = arith.constant 112 : index
        %get3A_1615 = tpu.vector_load %get3A_1612[%get3A_1613, %get3A_1614] {strides = array<i32>} : memref<16x128xf32, #tpu.memory_space<vmem>>, vector<16xf32>,
        %mul3A_1616 = arith.mulf %get3A_232, %get3A_1615 : vector<16xf32>
        %add3A_1617 = arith.addf %add3A_1608, %mul3A_1616 : vector<16xf32>
        %reduce_sum3A_1618 = arith.constant true
        %reduce_sum3A_1619 = vector.broadcast %reduce_sum3A_1618 : i1 to vector<16xi1>
        %reduce_sum3A_1620 = tpu.scan <sum>, %add3A_1617 masked %reduce_sum3A_1619 : vector<16xf32>, vector<16xi1> -> vector<16xf32>
        %reduce_sum3A_1621 = vector.extract %reduce_sum3A_1620[15] : f32 from vector<16xf32>
        %broadcast_in_dim3A_1622 = vector.broadcast %reduce_sum3A_1621 : f32 to vector<16xf32>
        %select_n3A_1623 = arith.select %eq3A_1546, %broadcast_in_dim3A_1622, %broadcast_in_dim3A_45 : vector<16xi1>, vector<16xf32>
        %eq3A_1624 = arith.constant 0 : i32
        %eq3A_1625 = vector.broadcast %eq3A_1624 : i32 to vector<16xi32>
        %eq3A_1626 = arith.cmpi eq, %iota3A, %eq3A_1625 : vector<16xi32>
        %add3A_1627 = arith.constant 16 : i32
        %add3A_1628 = arith.addi %mul3A_234, %add3A_1627 : i32
        %add3A_1629 = arith.constant 0 : i32
        %add3A_1630 = arith.addi %add3A_1628, %add3A_1629 : i32
        %get3A_1631 = arith.constant 0 : i32
        %get3A_1632 = arith.constant 0 : i32
        %get3A_1633 = tpu.memref_slice %arg12[%scan3A_168, %get3A_1631, %get3A_1632] : memref<2x320x128xf32, #tpu.memory_space<vmem>> -> memref<1x320x128xf32, #tpu.memory_space<vmem>>
        %get3A_1634 = tpu.memref_squeeze %get3A_1633 : memref<1x320x128xf32, #tpu.memory_space<vmem>> -> memref<320x128xf32, #tpu.memory_space<vmem>>
        %get3A_1635 = arith.index_cast %add3A_1630 : i32 to index
        %get3A_1636 = arith.constant 0 : index
        %get3A_1637 = tpu.vector_load %get3A_1634[%get3A_1635, %get3A_1636] {strides = array<i32>} : memref<320x128xf32, #tpu.memory_space<vmem>>, vector<16xf32>,
        %mul3A_1638 = arith.mulf %get3A_183, %get3A_1637 : vector<16xf32>
        %get3A_1639 = arith.constant 0 : i32
        %get3A_1640 = arith.constant 0 : i32
        %get3A_1641 = tpu.memref_slice %arg12[%scan3A_168, %get3A_1639, %get3A_1640] : memref<2x320x128xf32, #tpu.memory_space<vmem>> -> memref<1x320x128xf32, #tpu.memory_space<vmem>>
        %get3A_1642 = tpu.memref_squeeze %get3A_1641 : memref<1x320x128xf32, #tpu.memory_space<vmem>> -> memref<320x128xf32, #tpu.memory_space<vmem>>
        %get3A_1643 = arith.index_cast %add3A_1630 : i32 to index
        %get3A_1644 = arith.constant 16 : index
        %get3A_1645 = tpu.vector_load %get3A_1642[%get3A_1643, %get3A_1644] {strides = array<i32>} : memref<320x128xf32, #tpu.memory_space<vmem>>, vector<16xf32>,
        %mul3A_1646 = arith.mulf %get3A_190, %get3A_1645 : vector<16xf32>
        %add3A_1647 = arith.addf %mul3A_1638, %mul3A_1646 : vector<16xf32>
        %get3A_1648 = arith.constant 0 : i32
        %get3A_1649 = arith.constant 0 : i32
        %get3A_1650 = tpu.memref_slice %arg12[%scan3A_168, %get3A_1648, %get3A_1649] : memref<2x320x128xf32, #tpu.memory_space<vmem>> -> memref<1x320x128xf32, #tpu.memory_space<vmem>>
        %get3A_1651 = tpu.memref_squeeze %get3A_1650 : memref<1x320x128xf32, #tpu.memory_space<vmem>> -> memref<320x128xf32, #tpu.memory_space<vmem>>
        %get3A_1652 = arith.index_cast %add3A_1630 : i32 to index
        %get3A_1653 = arith.constant 32 : index
        %get3A_1654 = tpu.vector_load %get3A_1651[%get3A_1652, %get3A_1653] {strides = array<i32>} : memref<320x128xf32, #tpu.memory_space<vmem>>, vector<16xf32>,
        %mul3A_1655 = arith.mulf %get3A_197, %get3A_1654 : vector<16xf32>
        %add3A_1656 = arith.addf %add3A_1647, %mul3A_1655 : vector<16xf32>
        %get3A_1657 = arith.constant 0 : i32
        %get3A_1658 = arith.constant 0 : i32
        %get3A_1659 = tpu.memref_slice %arg12[%scan3A_168, %get3A_1657, %get3A_1658] : memref<2x320x128xf32, #tpu.memory_space<vmem>> -> memref<1x320x128xf32, #tpu.memory_space<vmem>>
        %get3A_1660 = tpu.memref_squeeze %get3A_1659 : memref<1x320x128xf32, #tpu.memory_space<vmem>> -> memref<320x128xf32, #tpu.memory_space<vmem>>
        %get3A_1661 = arith.index_cast %add3A_1630 : i32 to index
        %get3A_1662 = arith.constant 48 : index
        %get3A_1663 = tpu.vector_load %get3A_1660[%get3A_1661, %get3A_1662] {strides = array<i32>} : memref<320x128xf32, #tpu.memory_space<vmem>>, vector<16xf32>,
        %mul3A_1664 = arith.mulf %get3A_204, %get3A_1663 : vector<16xf32>
        %add3A_1665 = arith.addf %add3A_1656, %mul3A_1664 : vector<16xf32>
        %get3A_1666 = arith.constant 0 : i32
        %get3A_1667 = arith.constant 0 : i32
        %get3A_1668 = tpu.memref_slice %arg12[%scan3A_168, %get3A_1666, %get3A_1667] : memref<2x320x128xf32, #tpu.memory_space<vmem>> -> memref<1x320x128xf32, #tpu.memory_space<vmem>>
        %get3A_1669 = tpu.memref_squeeze %get3A_1668 : memref<1x320x128xf32, #tpu.memory_space<vmem>> -> memref<320x128xf32, #tpu.memory_space<vmem>>
        %get3A_1670 = arith.index_cast %add3A_1630 : i32 to index
        %get3A_1671 = arith.constant 64 : index
        %get3A_1672 = tpu.vector_load %get3A_1669[%get3A_1670, %get3A_1671] {strides = array<i32>} : memref<320x128xf32, #tpu.memory_space<vmem>>, vector<16xf32>,
        %mul3A_1673 = arith.mulf %get3A_211, %get3A_1672 : vector<16xf32>
        %add3A_1674 = arith.addf %add3A_1665, %mul3A_1673 : vector<16xf32>
        %get3A_1675 = arith.constant 0 : i32
        %get3A_1676 = arith.constant 0 : i32
        %get3A_1677 = tpu.memref_slice %arg12[%scan3A_168, %get3A_1675, %get3A_1676] : memref<2x320x128xf32, #tpu.memory_space<vmem>> -> memref<1x320x128xf32, #tpu.memory_space<vmem>>
        %get3A_1678 = tpu.memref_squeeze %get3A_1677 : memref<1x320x128xf32, #tpu.memory_space<vmem>> -> memref<320x128xf32, #tpu.memory_space<vmem>>
        %get3A_1679 = arith.index_cast %add3A_1630 : i32 to index
        %get3A_1680 = arith.constant 80 : index
        %get3A_1681 = tpu.vector_load %get3A_1678[%get3A_1679, %get3A_1680] {strides = array<i32>} : memref<320x128xf32, #tpu.memory_space<vmem>>, vector<16xf32>,
        %mul3A_1682 = arith.mulf %get3A_218, %get3A_1681 : vector<16xf32>
        %add3A_1683 = arith.addf %add3A_1674, %mul3A_1682 : vector<16xf32>
        %get3A_1684 = arith.constant 0 : i32
        %get3A_1685 = arith.constant 0 : i32
        %get3A_1686 = tpu.memref_slice %arg12[%scan3A_168, %get3A_1684, %get3A_1685] : memref<2x320x128xf32, #tpu.memory_space<vmem>> -> memref<1x320x128xf32, #tpu.memory_space<vmem>>
        %get3A_1687 = tpu.memref_squeeze %get3A_1686 : memref<1x320x128xf32, #tpu.memory_space<vmem>> -> memref<320x128xf32, #tpu.memory_space<vmem>>
        %get3A_1688 = arith.index_cast %add3A_1630 : i32 to index
        %get3A_1689 = arith.constant 96 : index
        %get3A_1690 = tpu.vector_load %get3A_1687[%get3A_1688, %get3A_1689] {strides = array<i32>} : memref<320x128xf32, #tpu.memory_space<vmem>>, vector<16xf32>,
        %mul3A_1691 = arith.mulf %get3A_225, %get3A_1690 : vector<16xf32>
        %add3A_1692 = arith.addf %add3A_1683, %mul3A_1691 : vector<16xf32>
        %get3A_1693 = arith.constant 0 : i32
        %get3A_1694 = arith.constant 0 : i32
        %get3A_1695 = tpu.memref_slice %arg12[%scan3A_168, %get3A_1693, %get3A_1694] : memref<2x320x128xf32, #tpu.memory_space<vmem>> -> memref<1x320x128xf32, #tpu.memory_space<vmem>>
        %get3A_1696 = tpu.memref_squeeze %get3A_1695 : memref<1x320x128xf32, #tpu.memory_space<vmem>> -> memref<320x128xf32, #tpu.memory_space<vmem>>
        %get3A_1697 = arith.index_cast %add3A_1630 : i32 to index
        %get3A_1698 = arith.constant 112 : index
        %get3A_1699 = tpu.vector_load %get3A_1696[%get3A_1697, %get3A_1698] {strides = array<i32>} : memref<320x128xf32, #tpu.memory_space<vmem>>, vector<16xf32>,
        %mul3A_1700 = arith.mulf %get3A_232, %get3A_1699 : vector<16xf32>
        %add3A_1701 = arith.addf %add3A_1692, %mul3A_1700 : vector<16xf32>
        %reduce_sum3A_1702 = arith.constant true
        %reduce_sum3A_1703 = vector.broadcast %reduce_sum3A_1702 : i1 to vector<16xi1>
        %reduce_sum3A_1704 = tpu.scan <sum>, %add3A_1701 masked %reduce_sum3A_1703 : vector<16xf32>, vector<16xi1> -> vector<16xf32>
        %reduce_sum3A_1705 = vector.extract %reduce_sum3A_1704[15] : f32 from vector<16xf32>
        %broadcast_in_dim3A_1706 = vector.broadcast %reduce_sum3A_1705 : f32 to vector<16xf32>
        %select_n3A_1707 = arith.select %eq3A_1626, %broadcast_in_dim3A_1706, %select_n3A_1623 : vector<16xi1>, vector<16xf32>
        %eq3A_1708 = arith.constant 1 : i32
        %eq3A_1709 = vector.broadcast %eq3A_1708 : i32 to vector<16xi32>
        %eq3A_1710 = arith.cmpi eq, %iota3A, %eq3A_1709 : vector<16xi32>
        %add3A_1711 = arith.constant 16 : i32
        %add3A_1712 = arith.addi %mul3A_234, %add3A_1711 : i32
        %add3A_1713 = arith.constant 1 : i32
        %add3A_1714 = arith.addi %add3A_1712, %add3A_1713 : i32
        %get3A_1715 = arith.constant 0 : i32
        %get3A_1716 = arith.constant 0 : i32
        %get3A_1717 = tpu.memref_slice %arg12[%scan3A_168, %get3A_1715, %get3A_1716] : memref<2x320x128xf32, #tpu.memory_space<vmem>> -> memref<1x320x128xf32, #tpu.memory_space<vmem>>
        %get3A_1718 = tpu.memref_squeeze %get3A_1717 : memref<1x320x128xf32, #tpu.memory_space<vmem>> -> memref<320x128xf32, #tpu.memory_space<vmem>>
        %get3A_1719 = arith.index_cast %add3A_1714 : i32 to index
        %get3A_1720 = arith.constant 0 : index
        %get3A_1721 = tpu.vector_load %get3A_1718[%get3A_1719, %get3A_1720] {strides = array<i32>} : memref<320x128xf32, #tpu.memory_space<vmem>>, vector<16xf32>,
        %mul3A_1722 = arith.mulf %get3A_183, %get3A_1721 : vector<16xf32>
        %get3A_1723 = arith.constant 0 : i32
        %get3A_1724 = arith.constant 0 : i32
        %get3A_1725 = tpu.memref_slice %arg12[%scan3A_168, %get3A_1723, %get3A_1724] : memref<2x320x128xf32, #tpu.memory_space<vmem>> -> memref<1x320x128xf32, #tpu.memory_space<vmem>>
        %get3A_1726 = tpu.memref_squeeze %get3A_1725 : memref<1x320x128xf32, #tpu.memory_space<vmem>> -> memref<320x128xf32, #tpu.memory_space<vmem>>
        %get3A_1727 = arith.index_cast %add3A_1714 : i32 to index
        %get3A_1728 = arith.constant 16 : index
        %get3A_1729 = tpu.vector_load %get3A_1726[%get3A_1727, %get3A_1728] {strides = array<i32>} : memref<320x128xf32, #tpu.memory_space<vmem>>, vector<16xf32>,
        %mul3A_1730 = arith.mulf %get3A_190, %get3A_1729 : vector<16xf32>
        %add3A_1731 = arith.addf %mul3A_1722, %mul3A_1730 : vector<16xf32>
        %get3A_1732 = arith.constant 0 : i32
        %get3A_1733 = arith.constant 0 : i32
        %get3A_1734 = tpu.memref_slice %arg12[%scan3A_168, %get3A_1732, %get3A_1733] : memref<2x320x128xf32, #tpu.memory_space<vmem>> -> memref<1x320x128xf32, #tpu.memory_space<vmem>>
        %get3A_1735 = tpu.memref_squeeze %get3A_1734 : memref<1x320x128xf32, #tpu.memory_space<vmem>> -> memref<320x128xf32, #tpu.memory_space<vmem>>
        %get3A_1736 = arith.index_cast %add3A_1714 : i32 to index
        %get3A_1737 = arith.constant 32 : index
        %get3A_1738 = tpu.vector_load %get3A_1735[%get3A_1736, %get3A_1737] {strides = array<i32>} : memref<320x128xf32, #tpu.memory_space<vmem>>, vector<16xf32>,
        %mul3A_1739 = arith.mulf %get3A_197, %get3A_1738 : vector<16xf32>
        %add3A_1740 = arith.addf %add3A_1731, %mul3A_1739 : vector<16xf32>
        %get3A_1741 = arith.constant 0 : i32
        %get3A_1742 = arith.constant 0 : i32
        %get3A_1743 = tpu.memref_slice %arg12[%scan3A_168, %get3A_1741, %get3A_1742] : memref<2x320x128xf32, #tpu.memory_space<vmem>> -> memref<1x320x128xf32, #tpu.memory_space<vmem>>
        %get3A_1744 = tpu.memref_squeeze %get3A_1743 : memref<1x320x128xf32, #tpu.memory_space<vmem>> -> memref<320x128xf32, #tpu.memory_space<vmem>>
        %get3A_1745 = arith.index_cast %add3A_1714 : i32 to index
        %get3A_1746 = arith.constant 48 : index
        %get3A_1747 = tpu.vector_load %get3A_1744[%get3A_1745, %get3A_1746] {strides = array<i32>} : memref<320x128xf32, #tpu.memory_space<vmem>>, vector<16xf32>,
        %mul3A_1748 = arith.mulf %get3A_204, %get3A_1747 : vector<16xf32>
        %add3A_1749 = arith.addf %add3A_1740, %mul3A_1748 : vector<16xf32>
        %get3A_1750 = arith.constant 0 : i32
        %get3A_1751 = arith.constant 0 : i32
        %get3A_1752 = tpu.memref_slice %arg12[%scan3A_168, %get3A_1750, %get3A_1751] : memref<2x320x128xf32, #tpu.memory_space<vmem>> -> memref<1x320x128xf32, #tpu.memory_space<vmem>>
        %get3A_1753 = tpu.memref_squeeze %get3A_1752 : memref<1x320x128xf32, #tpu.memory_space<vmem>> -> memref<320x128xf32, #tpu.memory_space<vmem>>
        %get3A_1754 = arith.index_cast %add3A_1714 : i32 to index
        %get3A_1755 = arith.constant 64 : index
        %get3A_1756 = tpu.vector_load %get3A_1753[%get3A_1754, %get3A_1755] {strides = array<i32>} : memref<320x128xf32, #tpu.memory_space<vmem>>, vector<16xf32>,
        %mul3A_1757 = arith.mulf %get3A_211, %get3A_1756 : vector<16xf32>
        %add3A_1758 = arith.addf %add3A_1749, %mul3A_1757 : vector<16xf32>
        %get3A_1759 = arith.constant 0 : i32
        %get3A_1760 = arith.constant 0 : i32
        %get3A_1761 = tpu.memref_slice %arg12[%scan3A_168, %get3A_1759, %get3A_1760] : memref<2x320x128xf32, #tpu.memory_space<vmem>> -> memref<1x320x128xf32, #tpu.memory_space<vmem>>
        %get3A_1762 = tpu.memref_squeeze %get3A_1761 : memref<1x320x128xf32, #tpu.memory_space<vmem>> -> memref<320x128xf32, #tpu.memory_space<vmem>>
        %get3A_1763 = arith.index_cast %add3A_1714 : i32 to index
        %get3A_1764 = arith.constant 80 : index
        %get3A_1765 = tpu.vector_load %get3A_1762[%get3A_1763, %get3A_1764] {strides = array<i32>} : memref<320x128xf32, #tpu.memory_space<vmem>>, vector<16xf32>,
        %mul3A_1766 = arith.mulf %get3A_218, %get3A_1765 : vector<16xf32>
        %add3A_1767 = arith.addf %add3A_1758, %mul3A_1766 : vector<16xf32>
        %get3A_1768 = arith.constant 0 : i32
        %get3A_1769 = arith.constant 0 : i32
        %get3A_1770 = tpu.memref_slice %arg12[%scan3A_168, %get3A_1768, %get3A_1769] : memref<2x320x128xf32, #tpu.memory_space<vmem>> -> memref<1x320x128xf32, #tpu.memory_space<vmem>>
        %get3A_1771 = tpu.memref_squeeze %get3A_1770 : memref<1x320x128xf32, #tpu.memory_space<vmem>> -> memref<320x128xf32, #tpu.memory_space<vmem>>
        %get3A_1772 = arith.index_cast %add3A_1714 : i32 to index
        %get3A_1773 = arith.constant 96 : index
        %get3A_1774 = tpu.vector_load %get3A_1771[%get3A_1772, %get3A_1773] {strides = array<i32>} : memref<320x128xf32, #tpu.memory_space<vmem>>, vector<16xf32>,
        %mul3A_1775 = arith.mulf %get3A_225, %get3A_1774 : vector<16xf32>
        %add3A_1776 = arith.addf %add3A_1767, %mul3A_1775 : vector<16xf32>
        %get3A_1777 = arith.constant 0 : i32
        %get3A_1778 = arith.constant 0 : i32
        %get3A_1779 = tpu.memref_slice %arg12[%scan3A_168, %get3A_1777, %get3A_1778] : memref<2x320x128xf32, #tpu.memory_space<vmem>> -> memref<1x320x128xf32, #tpu.memory_space<vmem>>
        %get3A_1780 = tpu.memref_squeeze %get3A_1779 : memref<1x320x128xf32, #tpu.memory_space<vmem>> -> memref<320x128xf32, #tpu.memory_space<vmem>>
        %get3A_1781 = arith.index_cast %add3A_1714 : i32 to index
        %get3A_1782 = arith.constant 112 : index
        %get3A_1783 = tpu.vector_load %get3A_1780[%get3A_1781, %get3A_1782] {strides = array<i32>} : memref<320x128xf32, #tpu.memory_space<vmem>>, vector<16xf32>,
        %mul3A_1784 = arith.mulf %get3A_232, %get3A_1783 : vector<16xf32>
        %add3A_1785 = arith.addf %add3A_1776, %mul3A_1784 : vector<16xf32>
        %reduce_sum3A_1786 = arith.constant true
        %reduce_sum3A_1787 = vector.broadcast %reduce_sum3A_1786 : i1 to vector<16xi1>
        %reduce_sum3A_1788 = tpu.scan <sum>, %add3A_1785 masked %reduce_sum3A_1787 : vector<16xf32>, vector<16xi1> -> vector<16xf32>
        %reduce_sum3A_1789 = vector.extract %reduce_sum3A_1788[15] : f32 from vector<16xf32>
        %broadcast_in_dim3A_1790 = vector.broadcast %reduce_sum3A_1789 : f32 to vector<16xf32>
        %select_n3A_1791 = arith.select %eq3A_1710, %broadcast_in_dim3A_1790, %select_n3A_1707 : vector<16xi1>, vector<16xf32>
        %eq3A_1792 = arith.constant 2 : i32
        %eq3A_1793 = vector.broadcast %eq3A_1792 : i32 to vector<16xi32>
        %eq3A_1794 = arith.cmpi eq, %iota3A, %eq3A_1793 : vector<16xi32>
        %add3A_1795 = arith.constant 16 : i32
        %add3A_1796 = arith.addi %mul3A_234, %add3A_1795 : i32
        %add3A_1797 = arith.constant 2 : i32
        %add3A_1798 = arith.addi %add3A_1796, %add3A_1797 : i32
        %get3A_1799 = arith.constant 0 : i32
        %get3A_1800 = arith.constant 0 : i32
        %get3A_1801 = tpu.memref_slice %arg12[%scan3A_168, %get3A_1799, %get3A_1800] : memref<2x320x128xf32, #tpu.memory_space<vmem>> -> memref<1x320x128xf32, #tpu.memory_space<vmem>>
        %get3A_1802 = tpu.memref_squeeze %get3A_1801 : memref<1x320x128xf32, #tpu.memory_space<vmem>> -> memref<320x128xf32, #tpu.memory_space<vmem>>
        %get3A_1803 = arith.index_cast %add3A_1798 : i32 to index
        %get3A_1804 = arith.constant 0 : index
        %get3A_1805 = tpu.vector_load %get3A_1802[%get3A_1803, %get3A_1804] {strides = array<i32>} : memref<320x128xf32, #tpu.memory_space<vmem>>, vector<16xf32>,
        %mul3A_1806 = arith.mulf %get3A_183, %get3A_1805 : vector<16xf32>
        %get3A_1807 = arith.constant 0 : i32
        %get3A_1808 = arith.constant 0 : i32
        %get3A_1809 = tpu.memref_slice %arg12[%scan3A_168, %get3A_1807, %get3A_1808] : memref<2x320x128xf32, #tpu.memory_space<vmem>> -> memref<1x320x128xf32, #tpu.memory_space<vmem>>
        %get3A_1810 = tpu.memref_squeeze %get3A_1809 : memref<1x320x128xf32, #tpu.memory_space<vmem>> -> memref<320x128xf32, #tpu.memory_space<vmem>>
        %get3A_1811 = arith.index_cast %add3A_1798 : i32 to index
        %get3A_1812 = arith.constant 16 : index
        %get3A_1813 = tpu.vector_load %get3A_1810[%get3A_1811, %get3A_1812] {strides = array<i32>} : memref<320x128xf32, #tpu.memory_space<vmem>>, vector<16xf32>,
        %mul3A_1814 = arith.mulf %get3A_190, %get3A_1813 : vector<16xf32>
        %add3A_1815 = arith.addf %mul3A_1806, %mul3A_1814 : vector<16xf32>
        %get3A_1816 = arith.constant 0 : i32
        %get3A_1817 = arith.constant 0 : i32
        %get3A_1818 = tpu.memref_slice %arg12[%scan3A_168, %get3A_1816, %get3A_1817] : memref<2x320x128xf32, #tpu.memory_space<vmem>> -> memref<1x320x128xf32, #tpu.memory_space<vmem>>
        %get3A_1819 = tpu.memref_squeeze %get3A_1818 : memref<1x320x128xf32, #tpu.memory_space<vmem>> -> memref<320x128xf32, #tpu.memory_space<vmem>>
        %get3A_1820 = arith.index_cast %add3A_1798 : i32 to index
        %get3A_1821 = arith.constant 32 : index
        %get3A_1822 = tpu.vector_load %get3A_1819[%get3A_1820, %get3A_1821] {strides = array<i32>} : memref<320x128xf32, #tpu.memory_space<vmem>>, vector<16xf32>,
        %mul3A_1823 = arith.mulf %get3A_197, %get3A_1822 : vector<16xf32>
        %add3A_1824 = arith.addf %add3A_1815, %mul3A_1823 : vector<16xf32>
        %get3A_1825 = arith.constant 0 : i32
        %get3A_1826 = arith.constant 0 : i32
        %get3A_1827 = tpu.memref_slice %arg12[%scan3A_168, %get3A_1825, %get3A_1826] : memref<2x320x128xf32, #tpu.memory_space<vmem>> -> memref<1x320x128xf32, #tpu.memory_space<vmem>>
        %get3A_1828 = tpu.memref_squeeze %get3A_1827 : memref<1x320x128xf32, #tpu.memory_space<vmem>> -> memref<320x128xf32, #tpu.memory_space<vmem>>
        %get3A_1829 = arith.index_cast %add3A_1798 : i32 to index
        %get3A_1830 = arith.constant 48 : index
        %get3A_1831 = tpu.vector_load %get3A_1828[%get3A_1829, %get3A_1830] {strides = array<i32>} : memref<320x128xf32, #tpu.memory_space<vmem>>, vector<16xf32>,
        %mul3A_1832 = arith.mulf %get3A_204, %get3A_1831 : vector<16xf32>
        %add3A_1833 = arith.addf %add3A_1824, %mul3A_1832 : vector<16xf32>
        %get3A_1834 = arith.constant 0 : i32
        %get3A_1835 = arith.constant 0 : i32
        %get3A_1836 = tpu.memref_slice %arg12[%scan3A_168, %get3A_1834, %get3A_1835] : memref<2x320x128xf32, #tpu.memory_space<vmem>> -> memref<1x320x128xf32, #tpu.memory_space<vmem>>
        %get3A_1837 = tpu.memref_squeeze %get3A_1836 : memref<1x320x128xf32, #tpu.memory_space<vmem>> -> memref<320x128xf32, #tpu.memory_space<vmem>>
        %get3A_1838 = arith.index_cast %add3A_1798 : i32 to index
        %get3A_1839 = arith.constant 64 : index
        %get3A_1840 = tpu.vector_load %get3A_1837[%get3A_1838, %get3A_1839] {strides = array<i32>} : memref<320x128xf32, #tpu.memory_space<vmem>>, vector<16xf32>,
        %mul3A_1841 = arith.mulf %get3A_211, %get3A_1840 : vector<16xf32>
        %add3A_1842 = arith.addf %add3A_1833, %mul3A_1841 : vector<16xf32>
        %get3A_1843 = arith.constant 0 : i32
        %get3A_1844 = arith.constant 0 : i32
        %get3A_1845 = tpu.memref_slice %arg12[%scan3A_168, %get3A_1843, %get3A_1844] : memref<2x320x128xf32, #tpu.memory_space<vmem>> -> memref<1x320x128xf32, #tpu.memory_space<vmem>>
        %get3A_1846 = tpu.memref_squeeze %get3A_1845 : memref<1x320x128xf32, #tpu.memory_space<vmem>> -> memref<320x128xf32, #tpu.memory_space<vmem>>
        %get3A_1847 = arith.index_cast %add3A_1798 : i32 to index
        %get3A_1848 = arith.constant 80 : index
        %get3A_1849 = tpu.vector_load %get3A_1846[%get3A_1847, %get3A_1848] {strides = array<i32>} : memref<320x128xf32, #tpu.memory_space<vmem>>, vector<16xf32>,
        %mul3A_1850 = arith.mulf %get3A_218, %get3A_1849 : vector<16xf32>
        %add3A_1851 = arith.addf %add3A_1842, %mul3A_1850 : vector<16xf32>
        %get3A_1852 = arith.constant 0 : i32
        %get3A_1853 = arith.constant 0 : i32
        %get3A_1854 = tpu.memref_slice %arg12[%scan3A_168, %get3A_1852, %get3A_1853] : memref<2x320x128xf32, #tpu.memory_space<vmem>> -> memref<1x320x128xf32, #tpu.memory_space<vmem>>
        %get3A_1855 = tpu.memref_squeeze %get3A_1854 : memref<1x320x128xf32, #tpu.memory_space<vmem>> -> memref<320x128xf32, #tpu.memory_space<vmem>>
        %get3A_1856 = arith.index_cast %add3A_1798 : i32 to index
        %get3A_1857 = arith.constant 96 : index
        %get3A_1858 = tpu.vector_load %get3A_1855[%get3A_1856, %get3A_1857] {strides = array<i32>} : memref<320x128xf32, #tpu.memory_space<vmem>>, vector<16xf32>,
        %mul3A_1859 = arith.mulf %get3A_225, %get3A_1858 : vector<16xf32>
        %add3A_1860 = arith.addf %add3A_1851, %mul3A_1859 : vector<16xf32>
        %get3A_1861 = arith.constant 0 : i32
        %get3A_1862 = arith.constant 0 : i32
        %get3A_1863 = tpu.memref_slice %arg12[%scan3A_168, %get3A_1861, %get3A_1862] : memref<2x320x128xf32, #tpu.memory_space<vmem>> -> memref<1x320x128xf32, #tpu.memory_space<vmem>>
        %get3A_1864 = tpu.memref_squeeze %get3A_1863 : memref<1x320x128xf32, #tpu.memory_space<vmem>> -> memref<320x128xf32, #tpu.memory_space<vmem>>
        %get3A_1865 = arith.index_cast %add3A_1798 : i32 to index
        %get3A_1866 = arith.constant 112 : index
        %get3A_1867 = tpu.vector_load %get3A_1864[%get3A_1865, %get3A_1866] {strides = array<i32>} : memref<320x128xf32, #tpu.memory_space<vmem>>, vector<16xf32>,
        %mul3A_1868 = arith.mulf %get3A_232, %get3A_1867 : vector<16xf32>
        %add3A_1869 = arith.addf %add3A_1860, %mul3A_1868 : vector<16xf32>
        %reduce_sum3A_1870 = arith.constant true
        %reduce_sum3A_1871 = vector.broadcast %reduce_sum3A_1870 : i1 to vector<16xi1>
        %reduce_sum3A_1872 = tpu.scan <sum>, %add3A_1869 masked %reduce_sum3A_1871 : vector<16xf32>, vector<16xi1> -> vector<16xf32>
        %reduce_sum3A_1873 = vector.extract %reduce_sum3A_1872[15] : f32 from vector<16xf32>
        %broadcast_in_dim3A_1874 = vector.broadcast %reduce_sum3A_1873 : f32 to vector<16xf32>
        %select_n3A_1875 = arith.select %eq3A_1794, %broadcast_in_dim3A_1874, %select_n3A_1791 : vector<16xi1>, vector<16xf32>
        %eq3A_1876 = arith.constant 3 : i32
        %eq3A_1877 = vector.broadcast %eq3A_1876 : i32 to vector<16xi32>
        %eq3A_1878 = arith.cmpi eq, %iota3A, %eq3A_1877 : vector<16xi32>
        %add3A_1879 = arith.constant 16 : i32
        %add3A_1880 = arith.addi %mul3A_234, %add3A_1879 : i32
        %add3A_1881 = arith.constant 3 : i32
        %add3A_1882 = arith.addi %add3A_1880, %add3A_1881 : i32
        %get3A_1883 = arith.constant 0 : i32
        %get3A_1884 = arith.constant 0 : i32
        %get3A_1885 = tpu.memref_slice %arg12[%scan3A_168, %get3A_1883, %get3A_1884] : memref<2x320x128xf32, #tpu.memory_space<vmem>> -> memref<1x320x128xf32, #tpu.memory_space<vmem>>
        %get3A_1886 = tpu.memref_squeeze %get3A_1885 : memref<1x320x128xf32, #tpu.memory_space<vmem>> -> memref<320x128xf32, #tpu.memory_space<vmem>>
        %get3A_1887 = arith.index_cast %add3A_1882 : i32 to index
        %get3A_1888 = arith.constant 0 : index
        %get3A_1889 = tpu.vector_load %get3A_1886[%get3A_1887, %get3A_1888] {strides = array<i32>} : memref<320x128xf32, #tpu.memory_space<vmem>>, vector<16xf32>,
        %mul3A_1890 = arith.mulf %get3A_183, %get3A_1889 : vector<16xf32>
        %get3A_1891 = arith.constant 0 : i32
        %get3A_1892 = arith.constant 0 : i32
        %get3A_1893 = tpu.memref_slice %arg12[%scan3A_168, %get3A_1891, %get3A_1892] : memref<2x320x128xf32, #tpu.memory_space<vmem>> -> memref<1x320x128xf32, #tpu.memory_space<vmem>>
        %get3A_1894 = tpu.memref_squeeze %get3A_1893 : memref<1x320x128xf32, #tpu.memory_space<vmem>> -> memref<320x128xf32, #tpu.memory_space<vmem>>
        %get3A_1895 = arith.index_cast %add3A_1882 : i32 to index
        %get3A_1896 = arith.constant 16 : index
        %get3A_1897 = tpu.vector_load %get3A_1894[%get3A_1895, %get3A_1896] {strides = array<i32>} : memref<320x128xf32, #tpu.memory_space<vmem>>, vector<16xf32>,
        %mul3A_1898 = arith.mulf %get3A_190, %get3A_1897 : vector<16xf32>
        %add3A_1899 = arith.addf %mul3A_1890, %mul3A_1898 : vector<16xf32>
        %get3A_1900 = arith.constant 0 : i32
        %get3A_1901 = arith.constant 0 : i32
        %get3A_1902 = tpu.memref_slice %arg12[%scan3A_168, %get3A_1900, %get3A_1901] : memref<2x320x128xf32, #tpu.memory_space<vmem>> -> memref<1x320x128xf32, #tpu.memory_space<vmem>>
        %get3A_1903 = tpu.memref_squeeze %get3A_1902 : memref<1x320x128xf32, #tpu.memory_space<vmem>> -> memref<320x128xf32, #tpu.memory_space<vmem>>
        %get3A_1904 = arith.index_cast %add3A_1882 : i32 to index
        %get3A_1905 = arith.constant 32 : index
        %get3A_1906 = tpu.vector_load %get3A_1903[%get3A_1904, %get3A_1905] {strides = array<i32>} : memref<320x128xf32, #tpu.memory_space<vmem>>, vector<16xf32>,
        %mul3A_1907 = arith.mulf %get3A_197, %get3A_1906 : vector<16xf32>
        %add3A_1908 = arith.addf %add3A_1899, %mul3A_1907 : vector<16xf32>
        %get3A_1909 = arith.constant 0 : i32
        %get3A_1910 = arith.constant 0 : i32
        %get3A_1911 = tpu.memref_slice %arg12[%scan3A_168, %get3A_1909, %get3A_1910] : memref<2x320x128xf32, #tpu.memory_space<vmem>> -> memref<1x320x128xf32, #tpu.memory_space<vmem>>
        %get3A_1912 = tpu.memref_squeeze %get3A_1911 : memref<1x320x128xf32, #tpu.memory_space<vmem>> -> memref<320x128xf32, #tpu.memory_space<vmem>>
        %get3A_1913 = arith.index_cast %add3A_1882 : i32 to index
        %get3A_1914 = arith.constant 48 : index
        %get3A_1915 = tpu.vector_load %get3A_1912[%get3A_1913, %get3A_1914] {strides = array<i32>} : memref<320x128xf32, #tpu.memory_space<vmem>>, vector<16xf32>,
        %mul3A_1916 = arith.mulf %get3A_204, %get3A_1915 : vector<16xf32>
        %add3A_1917 = arith.addf %add3A_1908, %mul3A_1916 : vector<16xf32>
        %get3A_1918 = arith.constant 0 : i32
        %get3A_1919 = arith.constant 0 : i32
        %get3A_1920 = tpu.memref_slice %arg12[%scan3A_168, %get3A_1918, %get3A_1919] : memref<2x320x128xf32, #tpu.memory_space<vmem>> -> memref<1x320x128xf32, #tpu.memory_space<vmem>>
        %get3A_1921 = tpu.memref_squeeze %get3A_1920 : memref<1x320x128xf32, #tpu.memory_space<vmem>> -> memref<320x128xf32, #tpu.memory_space<vmem>>
        %get3A_1922 = arith.index_cast %add3A_1882 : i32 to index
        %get3A_1923 = arith.constant 64 : index
        %get3A_1924 = tpu.vector_load %get3A_1921[%get3A_1922, %get3A_1923] {strides = array<i32>} : memref<320x128xf32, #tpu.memory_space<vmem>>, vector<16xf32>,
        %mul3A_1925 = arith.mulf %get3A_211, %get3A_1924 : vector<16xf32>
        %add3A_1926 = arith.addf %add3A_1917, %mul3A_1925 : vector<16xf32>
        %get3A_1927 = arith.constant 0 : i32
        %get3A_1928 = arith.constant 0 : i32
        %get3A_1929 = tpu.memref_slice %arg12[%scan3A_168, %get3A_1927, %get3A_1928] : memref<2x320x128xf32, #tpu.memory_space<vmem>> -> memref<1x320x128xf32, #tpu.memory_space<vmem>>
        %get3A_1930 = tpu.memref_squeeze %get3A_1929 : memref<1x320x128xf32, #tpu.memory_space<vmem>> -> memref<320x128xf32, #tpu.memory_space<vmem>>
        %get3A_1931 = arith.index_cast %add3A_1882 : i32 to index
        %get3A_1932 = arith.constant 80 : index
        %get3A_1933 = tpu.vector_load %get3A_1930[%get3A_1931, %get3A_1932] {strides = array<i32>} : memref<320x128xf32, #tpu.memory_space<vmem>>, vector<16xf32>,
        %mul3A_1934 = arith.mulf %get3A_218, %get3A_1933 : vector<16xf32>
        %add3A_1935 = arith.addf %add3A_1926, %mul3A_1934 : vector<16xf32>
        %get3A_1936 = arith.constant 0 : i32
        %get3A_1937 = arith.constant 0 : i32
        %get3A_1938 = tpu.memref_slice %arg12[%scan3A_168, %get3A_1936, %get3A_1937] : memref<2x320x128xf32, #tpu.memory_space<vmem>> -> memref<1x320x128xf32, #tpu.memory_space<vmem>>
        %get3A_1939 = tpu.memref_squeeze %get3A_1938 : memref<1x320x128xf32, #tpu.memory_space<vmem>> -> memref<320x128xf32, #tpu.memory_space<vmem>>
        %get3A_1940 = arith.index_cast %add3A_1882 : i32 to index
        %get3A_1941 = arith.constant 96 : index
        %get3A_1942 = tpu.vector_load %get3A_1939[%get3A_1940, %get3A_1941] {strides = array<i32>} : memref<320x128xf32, #tpu.memory_space<vmem>>, vector<16xf32>,
        %mul3A_1943 = arith.mulf %get3A_225, %get3A_1942 : vector<16xf32>
        %add3A_1944 = arith.addf %add3A_1935, %mul3A_1943 : vector<16xf32>
        %get3A_1945 = arith.constant 0 : i32
        %get3A_1946 = arith.constant 0 : i32
        %get3A_1947 = tpu.memref_slice %arg12[%scan3A_168, %get3A_1945, %get3A_1946] : memref<2x320x128xf32, #tpu.memory_space<vmem>> -> memref<1x320x128xf32, #tpu.memory_space<vmem>>
        %get3A_1948 = tpu.memref_squeeze %get3A_1947 : memref<1x320x128xf32, #tpu.memory_space<vmem>> -> memref<320x128xf32, #tpu.memory_space<vmem>>
        %get3A_1949 = arith.index_cast %add3A_1882 : i32 to index
        %get3A_1950 = arith.constant 112 : index
        %get3A_1951 = tpu.vector_load %get3A_1948[%get3A_1949, %get3A_1950] {strides = array<i32>} : memref<320x128xf32, #tpu.memory_space<vmem>>, vector<16xf32>,
        %mul3A_1952 = arith.mulf %get3A_232, %get3A_1951 : vector<16xf32>
        %add3A_1953 = arith.addf %add3A_1944, %mul3A_1952 : vector<16xf32>
        %reduce_sum3A_1954 = arith.constant true
        %reduce_sum3A_1955 = vector.broadcast %reduce_sum3A_1954 : i1 to vector<16xi1>
        %reduce_sum3A_1956 = tpu.scan <sum>, %add3A_1953 masked %reduce_sum3A_1955 : vector<16xf32>, vector<16xi1> -> vector<16xf32>
        %reduce_sum3A_1957 = vector.extract %reduce_sum3A_1956[15] : f32 from vector<16xf32>
        %broadcast_in_dim3A_1958 = vector.broadcast %reduce_sum3A_1957 : f32 to vector<16xf32>
        %select_n3A_1959 = arith.select %eq3A_1878, %broadcast_in_dim3A_1958, %select_n3A_1875 : vector<16xi1>, vector<16xf32>
        %neg3A = arith.constant 0.000000e+00 : f32
        %neg3A_1960 = vector.broadcast %neg3A : f32 to vector<16xf32>
        %neg3A_1961 = arith.subf %neg3A_1960, %select_n3A_1543 : vector<16xf32>
        %abs3A = math.absf %neg3A_1961 : vector<16xf32>
        %neg3A_1962 = arith.constant 0.000000e+00 : f32
        %neg3A_1963 = vector.broadcast %neg3A_1962 : f32 to vector<16xf32>
        %neg3A_1964 = arith.subf %neg3A_1963, %abs3A : vector<16xf32>
        %exp3A = math.exp %neg3A_1964 : vector<16xf32>
        %add3A_1965 = arith.constant 2.000000e+00 : f32
        %add3A_1966 = vector.broadcast %add3A_1965 : f32 to vector<16xf32>
        %add3A_1967 = arith.addf %exp3A, %add3A_1966 : vector<16xf32>
        %div3A = arith.divf %exp3A, %add3A_1967 : vector<16xf32>
        %mul3A_1968 = arith.mulf %div3A, %div3A : vector<16xf32>
        %mul3A_1969 = arith.constant 0.222222224 : f32
        %mul3A_1970 = vector.broadcast %mul3A_1969 : f32 to vector<16xf32>
        %mul3A_1971 = arith.mulf %mul3A_1968, %mul3A_1970 : vector<16xf32>
        %add3A_1972 = arith.constant 0.285714298 : f32
        %add3A_1973 = vector.broadcast %add3A_1972 : f32 to vector<16xf32>
        %add3A_1974 = arith.addf %add3A_1973, %mul3A_1971 : vector<16xf32>
        %mul3A_1975 = arith.mulf %mul3A_1968, %add3A_1974 : vector<16xf32>
        %add3A_1976 = arith.constant 4.000000e-01 : f32
        %add3A_1977 = vector.broadcast %add3A_1976 : f32 to vector<16xf32>
        %add3A_1978 = arith.addf %add3A_1977, %mul3A_1975 : vector<16xf32>
        %mul3A_1979 = arith.mulf %mul3A_1968, %add3A_1978 : vector<16xf32>
        %add3A_1980 = arith.constant 0.666666686 : f32
        %add3A_1981 = vector.broadcast %add3A_1980 : f32 to vector<16xf32>
        %add3A_1982 = arith.addf %add3A_1981, %mul3A_1979 : vector<16xf32>
        %mul3A_1983 = arith.mulf %mul3A_1968, %add3A_1982 : vector<16xf32>
        %add3A_1984 = arith.constant 2.000000e+00 : f32
        %add3A_1985 = vector.broadcast %add3A_1984 : f32 to vector<16xf32>
        %add3A_1986 = arith.addf %add3A_1985, %mul3A_1983 : vector<16xf32>
        %mul3A_1987 = arith.mulf %div3A, %add3A_1986 : vector<16xf32>
        %min3A = arith.constant 0.000000e+00 : f32
        %min3A_1988 = vector.broadcast %min3A : f32 to vector<16xf32>
        %min3A_1989 = arith.minimumf %neg3A_1961, %min3A_1988 : vector<16xf32>
        %sub3A = arith.subf %min3A_1989, %mul3A_1987 : vector<16xf32>
        %add3A_1990 = arith.addf %scan3A_177, %sub3A : vector<16xf32>
        %lt3A_1991 = arith.constant 4 : i32
        %lt3A_1992 = vector.broadcast %lt3A_1991 : i32 to vector<16xi32>
        %lt3A_1993 = arith.cmpi slt, %iota3A, %lt3A_1992 : vector<16xi32>
        %neg3A_1994 = arith.constant 0.000000e+00 : f32
        %neg3A_1995 = vector.broadcast %neg3A_1994 : f32 to vector<16xf32>
        %neg3A_1996 = arith.subf %neg3A_1995, %select_n3A_1959 : vector<16xf32>
        %abs3A_1997 = math.absf %neg3A_1996 : vector<16xf32>
        %neg3A_1998 = arith.constant 0.000000e+00 : f32
        %neg3A_1999 = vector.broadcast %neg3A_1998 : f32 to vector<16xf32>
        %neg3A_2000 = arith.subf %neg3A_1999, %abs3A_1997 : vector<16xf32>
        %exp3A_2001 = math.exp %neg3A_2000 : vector<16xf32>
        %add3A_2002 = arith.constant 2.000000e+00 : f32
        %add3A_2003 = vector.broadcast %add3A_2002 : f32 to vector<16xf32>
        %add3A_2004 = arith.addf %exp3A_2001, %add3A_2003 : vector<16xf32>
        %div3A_2005 = arith.divf %exp3A_2001, %add3A_2004 : vector<16xf32>
        %mul3A_2006 = arith.mulf %div3A_2005, %div3A_2005 : vector<16xf32>
        %mul3A_2007 = arith.constant 0.222222224 : f32
        %mul3A_2008 = vector.broadcast %mul3A_2007 : f32 to vector<16xf32>
        %mul3A_2009 = arith.mulf %mul3A_2006, %mul3A_2008 : vector<16xf32>
        %add3A_2010 = arith.constant 0.285714298 : f32
        %add3A_2011 = vector.broadcast %add3A_2010 : f32 to vector<16xf32>
        %add3A_2012 = arith.addf %add3A_2011, %mul3A_2009 : vector<16xf32>
        %mul3A_2013 = arith.mulf %mul3A_2006, %add3A_2012 : vector<16xf32>
        %add3A_2014 = arith.constant 4.000000e-01 : f32
        %add3A_2015 = vector.broadcast %add3A_2014 : f32 to vector<16xf32>
        %add3A_2016 = arith.addf %add3A_2015, %mul3A_2013 : vector<16xf32>
        %mul3A_2017 = arith.mulf %mul3A_2006, %add3A_2016 : vector<16xf32>
        %add3A_2018 = arith.constant 0.666666686 : f32
        %add3A_2019 = vector.broadcast %add3A_2018 : f32 to vector<16xf32>
        %add3A_2020 = arith.addf %add3A_2019, %mul3A_2017 : vector<16xf32>
        %mul3A_2021 = arith.mulf %mul3A_2006, %add3A_2020 : vector<16xf32>
        %add3A_2022 = arith.constant 2.000000e+00 : f32
        %add3A_2023 = vector.broadcast %add3A_2022 : f32 to vector<16xf32>
        %add3A_2024 = arith.addf %add3A_2023, %mul3A_2021 : vector<16xf32>
        %mul3A_2025 = arith.mulf %div3A_2005, %add3A_2024 : vector<16xf32>
        %min3A_2026 = arith.constant 0.000000e+00 : f32
        %min3A_2027 = vector.broadcast %min3A_2026 : f32 to vector<16xf32>
        %min3A_2028 = arith.minimumf %neg3A_1996, %min3A_2027 : vector<16xf32>
        %sub3A_2029 = arith.subf %min3A_2028, %mul3A_2025 : vector<16xf32>
        %eq3A_2030 = arith.constant 4 : i32
        %eq3A_2031 = vector.broadcast %eq3A_2030 : i32 to vector<16xi32>
        %eq3A_2032 = arith.cmpi eq, %iota3A, %eq3A_2031 : vector<16xi32>
        %abs3A_2033 = math.absf %select_n3A_1959 : vector<16xf32>
        %neg3A_2034 = arith.constant 0.000000e+00 : f32
        %neg3A_2035 = vector.broadcast %neg3A_2034 : f32 to vector<16xf32>
        %neg3A_2036 = arith.subf %neg3A_2035, %abs3A_2033 : vector<16xf32>
        %exp3A_2037 = math.exp %neg3A_2036 : vector<16xf32>
        %add3A_2038 = arith.constant 2.000000e+00 : f32
        %add3A_2039 = vector.broadcast %add3A_2038 : f32 to vector<16xf32>
        %add3A_2040 = arith.addf %exp3A_2037, %add3A_2039 : vector<16xf32>
        %div3A_2041 = arith.divf %exp3A_2037, %add3A_2040 : vector<16xf32>
        %mul3A_2042 = arith.mulf %div3A_2041, %div3A_2041 : vector<16xf32>
        %mul3A_2043 = arith.constant 0.222222224 : f32
        %mul3A_2044 = vector.broadcast %mul3A_2043 : f32 to vector<16xf32>
        %mul3A_2045 = arith.mulf %mul3A_2042, %mul3A_2044 : vector<16xf32>
        %add3A_2046 = arith.constant 0.285714298 : f32
        %add3A_2047 = vector.broadcast %add3A_2046 : f32 to vector<16xf32>
        %add3A_2048 = arith.addf %add3A_2047, %mul3A_2045 : vector<16xf32>
        %mul3A_2049 = arith.mulf %mul3A_2042, %add3A_2048 : vector<16xf32>
        %add3A_2050 = arith.constant 4.000000e-01 : f32
        %add3A_2051 = vector.broadcast %add3A_2050 : f32 to vector<16xf32>
        %add3A_2052 = arith.addf %add3A_2051, %mul3A_2049 : vector<16xf32>
        %mul3A_2053 = arith.mulf %mul3A_2042, %add3A_2052 : vector<16xf32>
        %add3A_2054 = arith.constant 0.666666686 : f32
        %add3A_2055 = vector.broadcast %add3A_2054 : f32 to vector<16xf32>
        %add3A_2056 = arith.addf %add3A_2055, %mul3A_2053 : vector<16xf32>
        %mul3A_2057 = arith.mulf %mul3A_2042, %add3A_2056 : vector<16xf32>
        %add3A_2058 = arith.constant 2.000000e+00 : f32
        %add3A_2059 = vector.broadcast %add3A_2058 : f32 to vector<16xf32>
        %add3A_2060 = arith.addf %add3A_2059, %mul3A_2057 : vector<16xf32>
        %mul3A_2061 = arith.mulf %div3A_2041, %add3A_2060 : vector<16xf32>
        %min3A_2062 = arith.constant 0.000000e+00 : f32
        %min3A_2063 = vector.broadcast %min3A_2062 : f32 to vector<16xf32>
        %min3A_2064 = arith.minimumf %select_n3A_1959, %min3A_2063 : vector<16xf32>
        %sub3A_2065 = arith.subf %min3A_2064, %mul3A_2061 : vector<16xf32>
        %select_n3A_2066 = arith.select %eq3A_2032, %sub3A_2065, %broadcast_in_dim3A_45 : vector<16xi1>, vector<16xf32>
        %select_n3A_2067 = arith.select %lt3A_1993, %sub3A_2029, %select_n3A_2066 : vector<16xi1>, vector<16xf32>
        %add3A_2068 = arith.addf %add3A_1990, %select_n3A_2067 : vector<16xf32>
        scf.yield %add3A_2068 : vector<16xf32>
      }
      %scan3A_175 = arith.constant 16 : i32
      scf.yield %scan3A_174 : vector<16xf32>
    }
    %scan3A_52 = arith.constant 16 : i32
    %swap3A = arith.constant 0 : index
    %swap3A_53 = tpu.vector_load %arg13[%swap3A] {strides = array<i32>} : memref<16xf32, #tpu.memory_space<vmem>>, vector<16xf32>,
    tpu.vector_store %arg13[%swap3A], %scan3A_51 {strides = array<i32>} : memref<16xf32, #tpu.memory_space<vmem>>, vector<16xf32>,
    "tpu.region"() ({
      %run_scoped3A = tpu.sem_alloc : memref<!tpu.dma_semaphore, #tpu.memory_space<semaphore_mem>>
      %dma_start3A_54 = arith.constant 0 : i32
      %dma_start3A_55 = tpu.memref_slice %arg7[%add3A, %dma_start3A_54] : memref<32x16xf32, #tpu.memory_space<hbm>> -> memref<1x16xf32, #tpu.memory_space<hbm>>
      %dma_start3A_56 = tpu.memref_squeeze %dma_start3A_55 : memref<1x16xf32, #tpu.memory_space<hbm>> -> memref<16xf32, #tpu.memory_space<hbm>>
      %dma_start3A_57 = arith.constant 0 : i32
      %dma_start3A_58 = tpu.memref_slice %arg7[%add3A, %dma_start3A_57] : memref<32x16xf32, #tpu.memory_space<hbm>> -> memref<1x16xf32, #tpu.memory_space<hbm>>
      %dma_start3A_59 = tpu.memref_squeeze %dma_start3A_58 : memref<1x16xf32, #tpu.memory_space<hbm>> -> memref<16xf32, #tpu.memory_space<hbm>>
      tpu.enqueue_dma source(%arg13 : memref<16xf32, #tpu.memory_space<vmem>>) target(%dma_start3A_59 : memref<16xf32, #tpu.memory_space<hbm>>) target_semaphore(%run_scoped3A : memref<!tpu.dma_semaphore, #tpu.memory_space<semaphore_mem>>)
      %dma_wait3A = arith.constant 0 : i32
      %dma_wait3A_60 = tpu.memref_slice %arg7[%add3A, %dma_wait3A] : memref<32x16xf32, #tpu.memory_space<hbm>> -> memref<1x16xf32, #tpu.memory_space<hbm>>
      %dma_wait3A_61 = tpu.memref_squeeze %dma_wait3A_60 : memref<1x16xf32, #tpu.memory_space<hbm>> -> memref<16xf32, #tpu.memory_space<hbm>>
      %dma_wait3A_62 = arith.constant 0 : i32
      %dma_wait3A_63 = tpu.memref_slice %arg7[%add3A, %dma_wait3A_62] : memref<32x16xf32, #tpu.memory_space<hbm>> -> memref<1x16xf32, #tpu.memory_space<hbm>>
      %dma_wait3A_64 = tpu.memref_squeeze %dma_wait3A_63 : memref<1x16xf32, #tpu.memory_space<hbm>> -> memref<16xf32, #tpu.memory_space<hbm>>
      tpu.wait_dma2 semaphore(%run_scoped3A : memref<!tpu.dma_semaphore, #tpu.memory_space<semaphore_mem>>) src(%arg13 : memref<16xf32, #tpu.memory_space<vmem>>) dst(%dma_wait3A_64 : memref<16xf32, #tpu.memory_space<hbm>>)
      tpu.yield
    }) : () -> ()
    return
  }
}

</mosaic_0001>

<sc_bundles>
// kernel: kernel.3.cloned.1.call-start
scs
__scs_entry_jumppad:
0x0: {  	(pc) =	sbr.rel $0x88, $3  }
0x1: {  	(tag) =	ssettag $0x0;
	lr =	simm.s32 $0x1  }
0x2: {  	[smem:$0x3F9C] =	sst lr;
	_ =	strace $0xD0000000  }
0x3: {  	_ = 	snop  }
0x4: {  	_ = 	snop  }
0x5: {  	_ = 	snop  }
0x6: {  	_ = 	snop  }
0x7: {  	_ = 	snop  }
__scs_overlays_trampoline_lowered:
0x8: {  	[smem:$0x3FAB] =	sst s0  }
0x9: {  	[smem:$0x3FAC] =	sst s1  }
0xa: {  	[smem:$0x3FAD] =	sst s2  }
0xb: {  	[smem:$0x3FAE] =	sst s3  }
0xc: {  	[smem:$0x3FAF] =	sst s4  }
0xd: {  	[smem:$0x3FB0] =	sst s5  }
0xe: {  	[smem:$0x3FB1] =	sst s6  }
0xf: {  	[smem:$0x3FB2] =	sst s7  }
0x10: {  	[smem:$0x3FB3] =	sst s8  }
0x11: {  	[smem:$0x3FB4] =	sst s9;
	s0 =	simm.s32 @!p0 $0x0  }
0x12: {  	s1 =	sld [smem:$0x3F9A];
	s0 =	simm.s32 @p0 $0x1  }
0x13: {  	[smem:$0x3FB5] =	sst s0;
	s0 =	simm.s32 @!p1 $0x0  }
0x14: {  	s2 =	sld [smem:$0x3F99];
	s0 =	simm.s32 @p1 $0x1  }
0x15: {  	[smem:$0x3FB6] =	sst s0;
	s0 =	simm.s32 @!p2 $0x0  }
0x16: {  	s3 =	sld [smem:$0x3FDB];
	s0 =	simm.s32 @p2 $0x1  }
0x17: {  	s4 =	simm.s32 $0x1BF5;
	[smem:$0x3FB8] =	sst s0  }
0x18: {  	s0 =	sld [smem:$0x3F9B];
	_ =	swait.ge [sflag:s4], $0x0  }
0x19: {  	s7 =	sld [smem:$0x3F9C]  }
0x1a: {  	s8 =	sadd.s32 $0xFFFFE003, lr  }
0x1b: {  	s9 =	sadd.s32 $0xFFFFFEF7, lr;
	s5 =	simm.s32 $0xFFFFFFFF;
	p2 =	slt.u32 s8, $0xFFFFF086  }
0x1c: {  	p1 =	slt.u32 s9, $0xF7A;
	s5 =	simm.s32 @!p2 $0x0  }
0x1d: {  	s5 =	simm.s32 @p1 $0x1;
	p0 =	seq.s32 s7, s2  }
0x1e: {  	s7 =	smul.u32 @!p0 $0xF7A, s2;
	p2 =	seq.s32 @!p0 s5, $0x0  }
0x1f: {  	s9 =	smul.u32 $0xF7A, s1;
	s8 =	simm.s32 @!p0 $0x1BF5;
	p2 =	por !p2, p0  }
0x20: {  	[sflag:s8] =	ssyncset.s32 @!p0 $0xFFFFF086;
	s6 =	sadd.s32 @!p0 s3, s7;
	s7 =	simm.s32 @!p0 $0x108  }
0x21: {  	s3 =	sadd.s32 s3, s9;
	s6 =	sadd.s32 @!p0 $0x88, s6;
	s7 =	simm.s32 @p2 $0x1082  }
0x22: {  	[simem:s7], [sflag:s8] =	dma.local @!p0 [hbm:s6], $0xF7A  }
0x23: {  	s9 =	sor.u32 $0xD0000000, s2;
	s6 =	simm.s32 $0x108;
	_ =	swait.ge @!p0 [sflag:s8], $0x0  }
0x24: {  	s3 =	sadd.s32 $0x88, s3;
	s6 =	simm.s32 @!p1 $0x1082;
	[sflag:s4] =	ssyncset.s32 $0xFFFFF086  }
0x25: {  	[simem:s6], [sflag:s4] =	dma.local [hbm:s3], $0xF7A  }
0x26: {  	[smem:$0x3F9C] =	sst s1;
	(tag) =	ssettag s2;
	_ =	strace s9  }
0x27: {  	s1 =	sld [smem:$0x3FAC]  }
0x28: {  	s2 =	sld [smem:$0x3FAD]  }
0x29: {  	s4 =	sld [smem:$0x3FAF]  }
0x2a: {  	p0 =	seq.s32 s5, $0x0;
	s5 =	sld [smem:$0x3FB0]  }
0x2b: {  	s6 =	sld [smem:$0x3FB1]  }
0x2c: {  	s7 =	sld [smem:$0x3FB2]  }
0x2d: {  	s3 =	simm.s32 $0x108;
	s8 =	sld [smem:$0x3FB3]  }
0x2e: {  	s3 =	simm.s32 @!p0 $0x1082;
	s9 =	sld [smem:$0x3FB4]  }
0x2f: {  	lr =	sadd.s32 s0, s3;
	s0 =	sld [smem:$0x3FAB]  }
0x30: {  	s3 =	sld [smem:$0x3FAE]  }
0x31: {  	[smem:$0x3FB7] =	sst s10  }
0x32: {  	s10 =	sld [smem:$0x3FB5];
	_ =	sdelay $0x3  }
0x33: {  	p0 =	seq.s32 s10, $0x1;
	s10 =	sld [smem:$0x3FB7];
	_ =	sdelay $0x3  }
0x34: {  	[smem:$0x3FB7] =	sst s10  }
0x35: {  	s10 =	sld [smem:$0x3FB6];
	_ =	sdelay $0x3  }
0x36: {  	p1 =	seq.s32 s10, $0x1;
	s10 =	sld [smem:$0x3FB7];
	_ =	sdelay $0x3  }
0x37: {  	[smem:$0x3FB7] =	sst s10  }
0x38: {  	s10 =	sld [smem:$0x3FB8]  }
0x39: {  	_ = 	snop;
	(pc) =	sbr.ind lr, $3  }
0x3a: {  	_ = 	snop  }
0x3b: {  	_ = 	snop  }
0x3c: {  	p2 =	seq.s32 s10, $0x1;
	s10 =	sld [smem:$0x3FB7]  }
0x3d: {  	_ =	shalt  }
0x3e: {  	_ =	shalt  }
0x3f: {  	_ =	shalt  }
0x40: {  	_ =	shalt  }
0x41: {  	_ =	shalt  }
0x42: {  	_ =	shalt  }
0x43: {  	_ =	shalt  }
0x44: {  	_ =	shalt  }
0x45: {  	_ =	shalt  }
0x46: {  	_ =	shalt  }
0x47: {  	_ =	shalt  }
0x48: {  	_ =	shalt  }
0x49: {  	_ =	shalt  }
0x4a: {  	_ =	shalt  }
0x4b: {  	_ =	shalt  }
0x4c: {  	_ =	shalt  }
0x4d: {  	_ =	shalt  }
0x4e: {  	_ =	shalt  }
0x4f: {  	_ =	shalt  }
0x50: {  	_ =	shalt  }
0x51: {  	_ =	shalt  }
0x52: {  	_ =	shalt  }
0x53: {  	_ =	shalt  }
0x54: {  	_ =	shalt  }
0x55: {  	_ =	shalt  }
0x56: {  	_ =	shalt  }
0x57: {  	_ =	shalt  }
0x58: {  	_ =	shalt  }
0x59: {  	_ =	shalt  }
0x5a: {  	_ =	shalt  }
0x5b: {  	_ =	shalt  }
0x5c: {  	_ =	shalt  }
0x5d: {  	_ =	shalt  }
0x5e: {  	_ =	shalt  }
0x5f: {  	_ =	shalt  }
0x60: {  	_ =	shalt  }
0x61: {  	_ =	shalt  }
0x62: {  	_ =	shalt  }
0x63: {  	_ =	shalt  }
0x64: {  	_ =	shalt  }
0x65: {  	_ =	shalt  }
0x66: {  	_ =	shalt  }
0x67: {  	_ =	shalt  }
0x68: {  	_ =	shalt  }
0x69: {  	_ =	shalt  }
0x6a: {  	_ =	shalt  }
0x6b: {  	_ =	shalt  }
0x6c: {  	_ =	shalt  }
0x6d: {  	_ =	shalt  }
0x6e: {  	_ =	shalt  }
0x6f: {  	_ =	shalt  }
0x70: {  	_ =	shalt  }
0x71: {  	_ =	shalt  }
0x72: {  	_ =	shalt  }
0x73: {  	_ =	shalt  }
0x74: {  	_ =	shalt  }
0x75: {  	_ =	shalt  }
0x76: {  	_ =	shalt  }
0x77: {  	_ =	shalt  }
0x78: {  	_ =	shalt  }
0x79: {  	_ =	shalt  }
0x7a: {  	_ =	shalt  }
0x7b: {  	_ =	shalt  }
0x7c: {  	_ =	shalt  }
0x7d: {  	_ =	shalt  }
0x7e: {  	_ =	shalt  }
0x7f: {  	_ =	shalt  }
0x80: {  	_ =	shalt  }
0x81: {  	_ =	shalt  }
0x82: {  	_ =	shalt  }
0x83: {  	_ =	shalt  }
0x84: {  	_ =	shalt  }
0x85: {  	_ =	shalt  }
0x86: {  	_ =	shalt  }
0x87: {  	_ =	shalt  }
.Lfunc_end0:
.L_simem_size_0:
called_computation_lowered:
.L_overlay_start_0:
0x88: {  	s2 =	sld [smem:$0x3FD9]  }
0x89: {  	s3 =	sld [smem:$0x3FFE];
	_ =	sdelay $0x1  }
0x8a: {  	s1 =	srdreg.scid  }
0x8b: {  	s0 =	sand.u32 $0x1, s1  }
0x8c: {  	s17 =	sshll.u32 s0, $0xA;
	s2 =	sadd.s32 s3, s2  }
0x8d: {  	s2 =	sadd.s32 s2, s17  }
0x8e: {  	[smem:$0x3FC3] =	sst s2  }
0x8f: {  	_ = 	snop  }
0x90: {  	s2 =	sld [smem:$0x3FC9]  }
0x91: {  	s18 =	sld [smem:$0x3FC8]  }
0x92: {  	s4 =	sld [smem:$0x3FC6]  }
0x93: {  	s5 =	sld [smem:$0x3FC5];
	(tm) =	ssettm $0x1  }
0x94: {  	s6 =	sld [smem:$0x3FFB];
	_ =	sdelay $0x3  }
0x95: {  	_ =	strace s6  }
0x96: {  	s6 =	sld [smem:$0x3FFC];
	_ =	sdelay $0x3  }
0x97: {  	_ =	strace s6  }
0x98: {  	s6 =	sld [smem:$0x3FFD];
	_ =	sdelay $0x3  }
0x99: {  	_ =	strace s6  }
0x9a: {  	_ =	strace $0x8FFFFFFF  }
0x9b: {  	s19 =	sld [smem:$0x3FDB];
	_ =	sdelay $0x1  }
0x9c: {  	s7 =	simm.s32 $_scs_section_size  }
0x9d: {  	s8 =	simm.s32 $_size__tile_overlayer_lowered;
	s9 =	simm.s32 $_tile_overlayer_lowered  }
0x9e: {  	s22 =	simm.s32 $0x1BFF;
	s21 =	sshll.u32 s9, $0x1;
	s6 =	sadd.s32 s7, s19  }
0x9f: {  	s10 =	simm.s32 $0x0;
	s20 =	sshll.u32 s8, $0x1;
	s8 =	sadd.s32 s21, s6  }
0xa0: {  	[timem:s10], [sflag:s22] =	dma.local [hbm:s8], s20  }
0xa1: {  	_ =	swait.ge [sflag:s22], s20  }
0xa2: {  	s7 =	ssub.s32 $0x0, s20;
	[sflag:s22] =	ssyncset.done $0x0  }
0xa3: {  	[sflag:s22] =	ssyncadd.s32 s7;
	_ =	sdelay $0x1  }
0xa4: {  	s23 =	simm.s32 $0x1B8B  }
0xa5: {  	_ =	swait.ge [sflag:s23], $0x1  }
0xa6: {  	[sflag:s23] =	ssyncset.done $0x0  }
0xa7: {  	s25 =	simm.s32 $0x1B8E;
	s24 =	sld [smem:$0x3FFE];
	[sflag:s23] =	ssyncadd.s32 $0xFFFFFFFF  }
0xa8: {  	s26 =	simm.s32 $execute0_lowered;
	[smem:$0x3FD2] =	sst s25  }
0xa9: {  	s8 =	sshll.u32 s26, $0x1;
	_ =	strace $0x80000046;
	[dreg:$0x1] =	wrdreg $0xFFFFFFFF  }
0xaa: {  	s28 =	simm.s32 $_size_execute0_lowered;
	s6 =	sadd.s32 s6, s8;
	[dreg:$0x0] =	wrdreg $0x0  }
0xab: {  	s8 =	sshll.u32 s28, $0x1;
	[dreg:$0x2] =	wrdreg s6  }
0xac: {  	[dreg:$0x3] =	wrdreg s8  }
0xad: {  	[dreg:$0x4] =	wrdreg $0xC0  }
0xae: {  	_ =	task [dreg:s10], $0x5FFFF  }
0xaf: {  	[dreg:$0x1] =	wrdreg $0xFFFFFFFF  }
0xb0: {  	[dreg:$0x0] =	wrdreg $0x60  }
0xb1: {  	[dreg:$0x2] =	wrdreg s2  }
0xb2: {  	[dreg:$0x3] =	wrdreg s18  }
0xb3: {  	[dreg:$0x4] =	wrdreg s24  }
0xb4: {  	[dreg:$0x5] =	wrdreg s4  }
0xb5: {  	[dreg:$0x6] =	wrdreg s5  }
0xb6: {  	[dreg:$0x7] =	wrdreg $0x9  }
0xb7: {  	_ =	task.clear_ibuf [dreg:s10], $0x8FFFF;
	_ =	strace $0x90000046  }
0xb8: {  	s29 =	simm.s32 $0x9;
	_ =	strace $0x80000048  }
0xb9: {  	_ =	swait.ge [sflag:s29], $0x1  }
0xba: {  	[sflag:s29] =	ssyncadd.s32 $0xFFFFFFFF  }
0xbb: {  	_ =	strace $0x90000048  }
0xbc: {  	_ =	sfence  }
0xbd: {  	s30 =	sld [smem:$0x0];
	_ =	sdelay $0x2  }
0xbe: {  	s31 =	sshll.u32 s1, $0xD;
	s1 =	sshrl.u32 s1, $0x2  }
0xbf: {  	s3 =	sand.u32 $0x4000, s31;
	s1 =	sadd.s32 s1, s30  }
0xc0: {  	s0 =	sor.u32 s3, s0;
	s1 =	sshll.u32 s1, $0x11  }
0xc1: {  	s0 =	sor.u32 s1, s0  }
0xc2: {  	s0 =	sadd.s32 $0x8F2B, s0  }
0xc3: {  	[sflag:s0] =	ssyncadd.remote.s32 $0x1  }
0xc4: {  	_ =	sfence.sel $0xFFFF  }
0xc5: {  	[dreg:$0x0] =	wrdreg $0xFFFFFFFF;
	(pc) =	sbr.abs _section_cstart, $3  }
0xc6: {  	[dreg:$0x1] =	wrdreg $0xFFFFFFFF  }
0xc7: {  	_ =	task.clear_ibuf [dreg:s10], $0x2FFFF;
	_ =	strace $0x9FFFFFFF  }
0xc8: {  	(tm) =	ssettm $0x7FFFFFFF  }
0xc9: {  	_ =	shalt  }
tec
execute0_lowered:
.L_overlay_start_1:
0x0: {  	(tag) =	ssettag $0x1  }
0x1: {  	s5 =	rddreg [dreg:$0x0]  }
0x2: {  	s6 =	rddreg [dreg:$0x1]  }
0x3: {  	s7 =	rddreg [dreg:$0x2]  }
0x4: {  	s1 =	rddreg [dreg:$0x3]  }
0x5: {  	s2 =	rddreg [dreg:$0x4]  }
0x6: {  	s0 =	rddreg [dreg:$0x5]  }
0x7: {  	s4 =	simm.s32 $0x0;
	s8 =	srdreg.scid;
	s3 =	stileid.u32  }
0x8: {  	s13 =	simm.s32 $0x1200;
	s14 =	simm.s32 $0x10;
	s15 =	simm.s32 $0x17C80  }
0x9: {  	s16 =	simm.s32 $0x140;
	s17 =	simm.s32 $0x3C00;
	s18 =	simm.s32 $0x800  }
0xa: {  	s19 =	simm.s32 $0x18480;
	s20 =	simm.s32 $0xDC00;
	s21 =	simm.s32 $0x1  }
0xb: {  	s22 =	simm.s32 $0x2;
	s23 =	simm.s32 $0x17C00;
	s24 =	simm.s32 $0x0  }
0xc: {  	[smem:$0x7FF] =	sst s4;
	s8 =	sand.u32 $0x1, s8;
	s9 =	sshll.u32 s3, $0x4  }
0xd: {  	vm0 =	vmmov $0x1;
	v0 =	vimm.s32 $0x0;
	_ =	strace $0x80000047;
	s10 =	ssub.s32 $0x2, s8;
	s8 =	sshll.u32 s8, $0x4  }
0xe: {  	vm2 =	vmmov $0x3;
	vm4 =	vmmov $0x7;
	vm3 =	vmmov $0xf;
	s9 =	sand.u32 $0x70, s9;
	s11 =	sshrl.u32 s10, $0x1;
	s8 =	sor.u32 s3, s8  }
0xf: {  	vm15 =	vmmov $0x1f;
	vm6 =	vmmov $0x3f;
	vm7 =	vmmov $0x7f;
	s9 =	sadd.s32 s9, s7;
	s10 =	ssub.s32 s10, s11;
	s31 =	sshll.u32 s8, $0x4  }
0x10: {  	vm8 =	vmmov $0xff;
	vm9 =	vmmov $0x1ff;
	vm10 =	vmmov $0x3ff;
	s12 =	sshll.u32 s8, $0x6;
	s8 =	smul.u32 $0x500, s8;
	s11 =	sand.u32 $0x180, s31  }
0x11: {  	vm1 =	vmmov $0x7fff;
	v63 =	vimm.s32 $0x0;
	v0 =	vsel vm0, $0xFFFFFFFF, v0;
	s5 =	sadd.s32 s5, s12;
	s6 =	sadd.s32 s6, s12;
	s12 =	simm.s32 $0x3A00  }
0x12: {  	vm11 =	vmmov $0x7ff;
	vm12 =	vmmov $0xfff;
	[tilespmem:$0x1FFE0] =	vst v0;
	v0 =	vsel vm1, $0xFFFFFFFF, v63;
	s9 =	sadd.s32 s11, s9;
	s7 =	sadd.s32 s7, s8;
	s11 =	simm.s32 $0x3  }
0x13: {  	vm13 =	vmmov $0x1fff;
	vm5 =	vcmask $0x3F10;
	vm0 =	vmmov $0x3fff;
	[tilespmem:$0x1FFF0] =	vst v0;
	s8 =	sadd.s32 $0xA000, s9;
	s9 =	smax.u32 s10, $0x1;
	s10 =	simm.s32 $0x1000  }
.LBB2_1:
0x14: {  	[tilespmem:s10], [sflag:$0x3] =	stream.linear.gather [hbm4b:s5+s4], $0x200, $0x38;
	[tilespmem:$0x18C80] =	vst v63  }
0x15: {  	_ =	swait.ge [sflag:s11], $0x200  }
0x16: {  	[sflag:s11] =	ssyncset.done $0x0  }
0x17: {  	[sflag:s11] =	ssyncadd.s32 $0xFFFFFE00  }
0x18: {  	[tilespmem:s12], [sflag:$0x3] =	stream.linear.gather [hbm4b:s6+s4], $0x200, $0x38;
	[tilespmem:$0x18C80] =	vst v63  }
0x19: {  	_ =	swait.ge [sflag:s11], $0x200  }
0x1a: {  	[sflag:s11] =	ssyncset.done $0x0  }
0x1b: {  	[sflag:s11] =	ssyncadd.s32 $0xFFFFFE00  }
0x1c: {  	[tilespmem:s13], [sflag:$0x3] =	stream.linear.gather [hbm4b:s7+s4], $0x2800, $0x38;
	[tilespmem:$0x18C80] =	vst v63  }
0x1d: {  	_ =	swait.ge [sflag:s11], $0x2800  }
0x1e: {  	[sflag:s11] =	ssyncset.done $0x0  }
0x1f: {  	[sflag:s11] =	ssyncadd.s32 $0xFFFFD800  }
0x20: {  	[tilespmem:s4], [sflag:$0x1] =	stream.indirect.gather [hbm4b:s1+s14], $0x80, s10, s14, $0xb8;
	[tilespmem:$0x18C80] =	vst v63  }
0x21: {  	_ = 	snop  }
0x22: {  	[tilespmem:s15], [sflag:$0x1] =	stream.indirect.gather [hbm4b:s2+s14], $0x80, s12, s14, $0xb8;
	[tilespmem:$0x18C80] =	vst v63  }
0x23: {  	s25 =	simm.s32 $0x0  }
0x24: {  	v0 =	vimm.f32 $0.0e+00;
	[tilespmem:s17], [sflag:$0x1] =	stream.indirect.gather [hbm4b:s2+s16], $0x80, s13, s16, $0xb8;
	[tilespmem:$0x18C80] =	vst v63  }
.LBB2_2:
0x25: {  	s26 =	sshllo.u32 s25, $0x1  }
0x26: {  	s28 =	sshll.u32 s26, $0x4  }
0x27: {  	s26 =	smul.u32 $0x500, s26;
	s29 =	sadd.s32 $0x1000, s28  }
0x28: {  	[tilespmem:s18], [sflag:$0x2] =	stream.indirect.gather [hbm4b:s1+s14], $0x80, s29, s14, $0xb8;
	[tilespmem:$0x18C80] =	vst v63  }
0x29: {  	s28 =	sadd.s32 $0x3A00, s28;
	s26 =	sshra.s32 s26, $0x2  }
0x2a: {  	[tilespmem:s19], [sflag:$0x2] =	stream.indirect.gather [hbm4b:s2+s14], $0x80, s28, s14, $0xb8;
	[tilespmem:$0x18C80] =	vst v63  }
0x2b: {  	[tilespmem:$0x1FE60] =	vst v0;
	s26 =	sadd.s32 $0x1200, s26  }
0x2c: {  	[tilespmem:s20], [sflag:$0x2] =	stream.indirect.gather [hbm4b:s2+s16], $0x80, s26, s16, $0xb8;
	[tilespmem:$0x18C80] =	vst v63  }
0x2d: {  	_ =	swait.ge [sflag:s21], $0x800  }
0x2e: {  	[sflag:s21] =	ssyncset.done $0x0  }
0x2f: {  	[sflag:s21] =	ssyncadd.s32 $0xFFFFF800  }
0x30: {  	_ =	swait.ge [sflag:s21], $0x800  }
0x31: {  	[sflag:s21] =	ssyncset.done $0x0  }
0x32: {  	[sflag:s21] =	ssyncadd.s32 $0xFFFFF800  }
0x33: {  	_ =	swait.ge [sflag:s21], $0xA000  }
0x34: {  	[sflag:s21] =	ssyncset.done $0x0  }
0x35: {  	s26 =	simm.s32 $0x4100;
	[sflag:s21] =	ssyncadd.s32 $0xFFFF6000  }
0x36: {  	v0 =	vld [tilespmem:s26+$0x170];
	_ =	sdelay $0x4  }
0x37: {  	[tilespmem:$0x1FE90] =	vst v0;
	v0 =	vld [tilespmem:s26+$0xF0];
	_ =	sdelay $0x4  }
0x38: {  	[tilespmem:$0x1FEA0] =	vst v0;
	v0 =	vld [tilespmem:s26+$0x1E0];
	_ =	sdelay $0x4  }
0x39: {  	[tilespmem:$0x1FEB0] =	vst v0;
	v0 =	vld [tilespmem:s26+$0x160];
	_ =	sdelay $0x4  }
0x3a: {  	[tilespmem:$0x1FEC0] =	vst v0;
	v0 =	vld [tilespmem:s26+$0xFFFFFFF0];
	_ =	sdelay $0x2  }
0x3b: {  	v40 =	vld [tilespmem:s26+$0x2F0]  }
0x3c: {  	v49 =	vld [tilespmem:s26+$0x2E0]  }
0x3d: {  	[tilespmem:$0x1FED0] =	vst v0;
	v0 =	vld [tilespmem:s26+$0xE0]  }
0x3e: {  	v38 =	vld [tilespmem:s26+$0x470]  }
0x3f: {  	v36 =	vld [tilespmem:s26+$0x270]  }
0x40: {  	v29 =	vld [tilespmem:s26+$0x3F0]  }
0x41: {  	v54 =	vld [tilespmem:s26+$0x1F0]  }
0x42: {  	[tilespmem:$0x1FEE0] =	vst v0;
	v0 =	vld [tilespmem:s26+$0xFFFFFF70]  }
0x43: {  	v25 =	vld [tilespmem:s26+$0x2D0]  }
0x44: {  	v45 =	vld [tilespmem:s26+$0x460]  }
0x45: {  	v39 =	vld [tilespmem:s26+$0x260]  }
0x46: {  	v22 =	vld [tilespmem:s26+$0x2C0]  }
0x47: {  	[tilespmem:$0x1FEF0] =	vst v0;
	v0 =	vld [tilespmem:s26+$0x60]  }
0x48: {  	v51 =	vld [tilespmem:s26+$0x450]  }
0x49: {  	v21 =	vld [tilespmem:s26+$0x2B0]  }
0x4a: {  	v48 =	vld [tilespmem:s26+$0x440]  }
0x4b: {  	v13 =	vld [tilespmem:s26+$0x2A0]  }
0x4c: {  	[tilespmem:$0x1FF10] =	vst v0;
	v0 =	vld [tilespmem:s26+$0xFFFFFEF0]  }
0x4d: {  	s28 =	simm.s32 $0x0;
	v28 =	vld [tilespmem:s26+$0x430]  }
0x4e: {  	v3 =	vld [tilespmem:s28+$0x50]  }
0x4f: {  	v4 =	vld [tilespmem:s28+$0x40]  }
0x50: {  	v16 =	vld [tilespmem:s26+$0x280]  }
0x51: {  	[tilespmem:$0x1FF30] =	vst v0;
	v0 =	vld [tilespmem:s26+$0xFFFFFFE0]  }
0x52: {  	v30 =	vld [tilespmem:s26+$0x290]  }
0x53: {  	v34 =	vld [tilespmem:s26+$0x420]  }
0x54: {  	v5 =	vld [tilespmem:s28+$0x30]  }
0x55: {  	v42 =	vld [tilespmem:s26+$0x480]  }
0x56: {  	[tilespmem:$0x1FF40] =	vst v0;
	v0 =	vld [tilespmem:s26+$0xD0]  }
0x57: {  	v50 =	vld [tilespmem:s26+$0x490]  }
0x58: {  	v6 =	vld [tilespmem:s28+$0x20]  }
0x59: {  	v52 =	vld [tilespmem:s26+$0x400]  }
0x5a: {  	v53 =	vld [tilespmem:s26+$0x410]  }
0x5b: {  	[tilespmem:$0x1FF50] =	vst v0;
	v0 =	vld [tilespmem:s28+$0x17CD0]  }
0x5c: {  	v56 =	vld [tilespmem:s26+$0x200]  }
0x5d: {  	v57 =	vld [tilespmem:s26+$0x210]  }
0x5e: {  	v58 =	vld [tilespmem:s26+$0x380]  }
0x5f: {  	v1 =	vld [tilespmem:s28+$0x0]  }
0x60: {  	[tilespmem:$0x1FF20] =	vst v0;
	v0 =	vld [tilespmem:s26+$0xFFFFFE70]  }
0x61: {  	v60 =	vld [tilespmem:s28+$0x10]  }
0x62: {  	v61 =	vld [tilespmem:s26+$0x390]  }
0x63: {  	v62 =	vld [tilespmem:s26+$0x180]  }
0x64: {  	v63 =	vld [tilespmem:s26+$0x190]  }
0x65: {  	[tilespmem:$0x1FF60] =	vst v0;
	v0 =	vld [tilespmem:s26+$0xFFFFFF60]  }
0x66: {  	v7 =	vld [tilespmem:s26+$0x310]  }
0x67: {  	v8 =	vld [tilespmem:s26+$0x100]  }
0x68: {  	v9 =	vld [tilespmem:s26+$0x110]  }
0x69: {  	v18 =	vld [tilespmem:s26+$0x80]  }
0x6a: {  	[tilespmem:$0x1FF80] =	vst v0;
	v0 =	vld [tilespmem:s26+$0x50]  }
0x6b: {  	v17 =	vld [tilespmem:s26+$0x90]  }
0x6c: {  	v10 =	vld [tilespmem:s28+$0x17C80]  }
0x6d: {  	v11 =	vld [tilespmem:s28+$0x17C90]  }
0x6e: {  	v15 =	vld [tilespmem:s26+$0x0]  }
0x6f: {  	v20 =	vmul.f32 v13, v6;
	[tilespmem:$0x1FF90] =	vst v0;
	v0 =	vld [tilespmem:s26+$0x300]  }
0x70: {  	v14 =	vld [tilespmem:s26+$0x10];
	v16 =	vmul.f32 v16, v1;
	v30 =	vmul.f32 v30, v60  }
0x71: {  	v19 =	vld [tilespmem:s26+$0xFFFFFF80];
	v52 =	vmul.f32 v52, v1;
	v53 =	vmul.f32 v53, v60  }
0x72: {  	v12 =	vld [tilespmem:s26+$0xFFFFFF00];
	v7 =	vmul.f32 v7, v60;
	v8 =	vmul.f32 v8, v1  }
0x73: {  	v13 =	vld [tilespmem:s26+$0xFFFFFF90];
	v30 =	vadd.f32 v30, v16;
	v16 =	vmul.f32 v42, v1;
	v42 =	vmul.f32 v50, v60  }
0x74: {  	v9 =	vmul.f32 v9, v60;
	v50 =	vld [tilespmem:s26+$0xFFFFFF10];
	v53 =	vadd.f32 v53, v52;
	v0 =	vmul.f32 v0, v1  }
0x75: {  	v52 =	vmul.f32 v56, v1;
	v56 =	vmul.f32 v57, v60;
	v57 =	vld [tilespmem:s26+$0xFFFFFE80];
	v24 =	vadd.f32 v42, v16  }
0x76: {  	v16 =	vmul.f32 v58, v1;
	v42 =	vmul.f32 v61, v60;
	v58 =	vld [tilespmem:s26+$0xFFFFFE90];
	v0 =	vadd.f32 v7, v0  }
0x77: {  	v7 =	vmul.f32 v11, v60;
	v11 =	vadd.f32 v9, v8;
	v9 =	vmul.f32 v14, v60;
	v14 =	vld [tilespmem:s26+$0xFFFFFD00]  }
0x78: {  	v8 =	vmul.f32 v15, v1;
	v15 =	vmul.f32 v17, v60;
	v17 =	vld [tilespmem:s26+$0xFFFFFD10]  }
0x79: {  	v61 =	vadd.f32 v56, v52;
	v52 =	vmul.f32 v62, v1;
	v56 =	vmul.f32 v63, v60;
	v62 =	vld [tilespmem:s26+$0xFFFFFE00]  }
0x7a: {  	v63 =	vadd.f32 v42, v16;
	v16 =	vld [tilespmem:s26+$0xFFFFFE10];
	[tilespmem:$0x1FE70] =	vst v0;
	v0 =	vmul.f32 v10, v1;
	v8 =	vadd.f32 v9, v8  }
0x7b: {  	v13 =	vmul.f32 v13, v60;
	v42 =	vadd.f32 v56, v52;
	v56 =	vld [tilespmem:s26+$0xFFFFFD80];
	v9 =	vmul.f32 v50, v60  }
0x7c: {  	v10 =	vld [tilespmem:s26+$0xFFFFFD90];
	v7 =	vadd.f32 v7, v0;
	v0 =	vmul.f32 v18, v1;
	[tilespmem:$0x1FE80] =	vst v8;
	v8 =	vmul.f32 v12, v1  }
0x7d: {  	v20 =	vadd.f32 v20, v30;
	v30 =	vld [tilespmem:s26+$0xFFFFFB10];
	v14 =	vmul.f32 v14, v1;
	v17 =	vmul.f32 v17, v60  }
0x7e: {  	v12 =	vld [tilespmem:s26+$0xFFFFFC80];
	v50 =	vadd.f32 v15, v0;
	v15 =	vmul.f32 v19, v1;
	v0 =	vadd.f32 v9, v8  }
0x7f: {  	v18 =	vld [tilespmem:s26+$0xFFFFFC90];
	v8 =	vmul.f32 v57, v1;
	v9 =	vmul.f32 v58, v60  }
0x80: {  	v57 =	vld [tilespmem:s26+$0xFFFFFC00];
	[tilespmem:$0x1FFD0] =	vst v0;
	v0 =	vadd.f32 v13, v15;
	v13 =	vmul.f32 v62, v1;
	v15 =	vmul.f32 v16, v60  }
0x81: {  	v62 =	vld [tilespmem:s26+$0xFFFFFC10];
	v52 =	vadd.f32 v9, v8;
	v8 =	vmul.f32 v56, v1;
	v9 =	vmul.f32 v10, v60  }
0x82: {  	v19 =	vadd.f32 v17, v14;
	v10 =	vld [tilespmem:s26+$0xFFFFFB00]  }
0x83: {  	v17 =	vld [tilespmem:s26+$0x220];
	v8 =	vadd.f32 v9, v8;
	v9 =	vadd.f32 v15, v13;
	v13 =	vmul.f32 v21, v5  }
0x84: {  	v12 =	vmul.f32 v12, v1;
	v14 =	vmul.f32 v18, v60;
	v15 =	vld [tilespmem:s26+$0xFFFFFB80]  }
0x85: {  	v18 =	vmul.f32 v22, v4;
	v21 =	vld [tilespmem:s26+$0xFFFFFB90];
	v13 =	vadd.f32 v13, v20;
	v20 =	vmul.f32 v34, v6  }
0x86: {  	v55 =	vld [tilespmem:s26+$0x230];
	v34 =	vadd.f32 v14, v12;
	v12 =	vmul.f32 v57, v1;
	v14 =	vmul.f32 v62, v60  }
0x87: {  	v2 =	vld [tilespmem:s28+$0x60];
	v58 =	vmul.f32 v30, v60;
	v10 =	vmul.f32 v10, v1;
	v20 =	vadd.f32 v20, v53  }
0x88: {  	v23 =	vld [tilespmem:s26+$0x240];
	v13 =	vadd.f32 v18, v13;
	v30 =	vadd.f32 v14, v12;
	v12 =	vmul.f32 v28, v5  }
0x89: {  	v15 =	vmul.f32 v15, v1;
	v14 =	vld [tilespmem:s26+$0x3A0];
	v27 =	vadd.f32 v58, v10;
	v10 =	vmul.f32 v17, v6  }
0x8a: {  	v22 =	vld [tilespmem:s26+$0x3B0];
	v18 =	vmul.f32 v21, v60;
	v12 =	vadd.f32 v12, v20;
	v20 =	vmul.f32 v25, v3  }
0x8b: {  	v47 =	vld [tilespmem:s26+$0x250];
	v48 =	vmul.f32 v48, v4;
	v10 =	vadd.f32 v10, v61;
	v61 =	vmul.f32 v55, v5  }
0x8c: {  	v58 =	vadd.f32 v18, v15;
	v15 =	vmul.f32 v49, v2;
	v18 =	vld [tilespmem:s26+$0x1A0];
	v13 =	vadd.f32 v20, v13  }
0x8d: {  	v46 =	vld [tilespmem:s26+$0x3C0];
	v23 =	vmul.f32 v23, v4;
	v12 =	vadd.f32 v48, v12;
	v10 =	vadd.f32 v61, v10  }
0x8e: {  	v20 =	vld [tilespmem:s26+$0x1B0];
	v14 =	vmul.f32 v14, v6;
	v13 =	vadd.f32 v15, v13;
	v15 =	vmul.f32 v51, v3  }
0x8f: {  	v41 =	vld [tilespmem:s26+$0x3D0];
	v22 =	vmul.f32 v22, v5;
	v10 =	vadd.f32 v23, v10  }
0x90: {  	v23 =	vld [tilespmem:s26+$0x120];
	v14 =	vadd.f32 v14, v63;
	v12 =	vadd.f32 v15, v12;
	v15 =	vmul.f32 v45, v2  }
0x91: {  	v44 =	vld [tilespmem:s26+$0x1C0];
	v18 =	vmul.f32 v18, v6  }
0x92: {  	v26 =	vld [tilespmem:s26+$0x3E0];
	v14 =	vadd.f32 v22, v14;
	v12 =	vadd.f32 v15, v12;
	v15 =	vmul.f32 v47, v3  }
0x93: {  	v59 =	vld [tilespmem:s28+$0x70];
	v22 =	vmul.f32 v46, v4;
	v18 =	vadd.f32 v18, v42;
	v20 =	vmul.f32 v20, v5  }
0x94: {  	v51 =	vld [tilespmem:s26+$0x130];
	v10 =	vadd.f32 v15, v10;
	v15 =	vmul.f32 v39, v2  }
0x95: {  	v14 =	vadd.f32 v22, v14;
	v18 =	vadd.f32 v20, v18;
	v20 =	vmul.f32 v23, v6;
	v22 =	vld [tilespmem:s28+$0x17CA0]  }
0x96: {  	v43 =	vld [tilespmem:s26+$0x140];
	v23 =	vmul.f32 v44, v4;
	v10 =	vadd.f32 v15, v10;
	v15 =	vmul.f32 v41, v3  }
0x97: {  	v63 =	vmov v24;
	v24 =	vld [tilespmem:s28+$0x17CB0]  }
0x98: {  	v35 =	vld [tilespmem:s28+$0x17CF0];
	v14 =	vadd.f32 v15, v14;
	v15 =	vadd.f32 v23, v18;
	v18 =	vmul.f32 v26, v2  }
0x99: {  	v33 =	vld [tilespmem:s26+$0x150];
	v53 =	vmul.f32 v51, v5;
	v11 =	vadd.f32 v20, v11  }
0x9a: {  	v31 =	vld [tilespmem:s26+$0x70];
	v22 =	vmul.f32 v22, v6;
	v14 =	vadd.f32 v18, v14;
	v18 =	vmul.f32 v29, v59  }
0x9b: {  	v37 =	vld [tilespmem:s26+$0x1D0];
	v11 =	vadd.f32 v53, v11;
	v29 =	vmul.f32 v43, v4  }
0x9c: {  	v32 =	vld [tilespmem:s28+$0x17CE0];
	v7 =	vadd.f32 v22, v7;
	v21 =	vadd.f32 v18, v14;
	v14 =	vmul.f32 v24, v5  }
0x9d: {  	v56 =	vld [tilespmem:s26+$0xFFFFFFA0]  }
0x9e: {  	v16 =	vld [tilespmem:$0x1FED0];
	v11 =	vadd.f32 v29, v11;
	v7 =	vadd.f32 v14, v7;
	v14 =	vmul.f32 v33, v3  }
0x9f: {  	v57 =	vld [tilespmem:s26+$0xFFFFFFD0]  }
0xa0: {  	v11 =	vadd.f32 v14, v11;
	v14 =	vld [tilespmem:$0x1FEF0]  }
0xa1: {  	v62 =	vld [tilespmem:s26+$0xFFFFFDF0]  }
0xa2: {  	v48 =	vld [tilespmem:s28+$0x17CC0]  }
0xa3: {  	v17 =	vld [tilespmem:s26+$0xFFFFFEE0]  }
0xa4: {  	v1 =	vld [tilespmem:$0x1FE90];
	v60 =	vmul.f32 v31, v59  }
0xa5: {  	v31 =	vmul.f32 v32, v2;
	v32 =	vld [tilespmem:s26+$0xFFFFFF20];
	v14 =	vmul.f32 v14, v59  }
0xa6: {  	v55 =	vld [tilespmem:s26+$0xC0]  }
0xa7: {  	v25 =	vld [tilespmem:s26+$0xA0];
	[tilespmem:$0x1FF00] =	vst v14;
	v14 =	vmul.f32 v48, v4  }
0xa8: {  	v40 =	vmul.f32 v40, v59;
	v49 =	vld [tilespmem:s26+$0xFFFFFD70]  }
0xa9: {  	v7 =	vadd.f32 v14, v7;
	v14 =	vld [tilespmem:$0x1FF20]  }
0xaa: {  	v13 =	vadd.f32 v40, v13;
	v40 =	vld [tilespmem:s26+$0xFFFFFE60]  }
0xab: {  	v45 =	vld [tilespmem:s26+$0xFFFFFB70]  }
0xac: {  	v26 =	vmul.f32 v1, v59;
	v1 =	vld [tilespmem:$0x1FEA0];
	v24 =	vmul.f32 v25, v6  }
0xad: {  	v42 =	vld [tilespmem:s26+$0xFFFFFF50]  }
0xae: {  	v24 =	vadd.f32 v24, v50;
	v50 =	vmul.f32 v14, v3;
	v14 =	vld [tilespmem:$0x1FF30]  }
0xaf: {  	v46 =	vmul.f32 v16, v59;
	v16 =	vld [tilespmem:$0x1FEE0]  }
0xb0: {  	v47 =	vld [tilespmem:s26+$0xFFFFFBF0]  }
0xb1: {  	v20 =	vmul.f32 v36, v59;
	v28 =	vmul.f32 v1, v59;
	v1 =	vld [tilespmem:$0x1FEB0]  }
0xb2: {  	v44 =	vld [tilespmem:s26+$0xFFFFFE50]  }
0xb3: {  	v10 =	vadd.f32 v20, v10;
	v20 =	vmul.f32 v37, v3;
	v29 =	vmul.f32 v14, v59;
	v14 =	vld [tilespmem:$0x1FF40]  }
0xb4: {  	v39 =	vld [tilespmem:s26+$0xFFFFFCF0]  }
0xb5: {  	v38 =	vmul.f32 v38, v59;
	v15 =	vadd.f32 v20, v15;
	v20 =	vmul.f32 v54, v59;
	v54 =	vld [tilespmem:s26+$0xB0]  }
0xb6: {  	v22 =	vmul.f32 v1, v2;
	v1 =	vld [tilespmem:$0x1FEC0]  }
0xb7: {  	v12 =	vadd.f32 v38, v12;
	v38 =	vld [tilespmem:s26+$0xFFFFFDE0]  }
0xb8: {  	v15 =	vadd.f32 v22, v15;
	v18 =	vmul.f32 v14, v2;
	v14 =	vld [tilespmem:$0x1FF50]  }
0xb9: {  	v36 =	vld [tilespmem:s26+$0xFFFFFFB0]  }
0xba: {  	v41 =	vld [tilespmem:s26+$0xFFFFFED0];
	v15 =	vadd.f32 v20, v15;
	v20 =	vmul.f32 v54, v5  }
0xbb: {  	v51 =	vmul.f32 v16, v2;
	v16 =	vld [tilespmem:$0x1FF10];
	v22 =	vmul.f32 v1, v2  }
0xbc: {  	v53 =	vld [tilespmem:s26+$0xFFFFFC60];
	v20 =	vadd.f32 v20, v24  }
0xbd: {  	v24 =	vmul.f32 v56, v6;
	v11 =	vadd.f32 v22, v11;
	v22 =	vmul.f32 v14, v3;
	v14 =	vld [tilespmem:$0x1FF60]  }
0xbe: {  	v23 =	vld [tilespmem:s26+$0xFFFFFFC0]  }
0xbf: {  	v24 =	vadd.f32 v24, v0;
	v0 =	vld [tilespmem:$0x1FF80]  }
0xc0: {  	v37 =	vld [tilespmem:s26+$0xFFFFFC70]  }
0xc1: {  	v43 =	vld [tilespmem:s26+$0xFFFFFD60]  }
0xc2: {  	v61 =	vmul.f32 v16, v2;
	v16 =	vld [tilespmem:s26+$0xFFFFFE40];
	v14 =	vmul.f32 v14, v59  }
0xc3: {  	(xrf2) =	vadd.scan.msk.f32 $0xffff, v13;
	v13 =	vmul.f32 v23, v4;
	v23 =	vld [tilespmem:$0x1FFD0]  }
0xc4: {  	v55 =	vmul.f32 v55, v4;
	[tilespmem:$0x1FF70] =	vst v14;
	v14 =	vmul.f32 v0, v2;
	v0 =	vld [tilespmem:$0x1FF90]  }
0xc5: {  	v33 =	vmul.f32 v40, v2;
	v40 =	vld [tilespmem:s26+$0xFFFFFB60];
	v54 =	vmul.f32 v57, v3  }
0xc6: {  	(xrf2) =	vadd.scan.msk.f32 $0xffff, v12;
	v57 =	vmul.f32 v49, v59;
	v49 =	vmul.f32 v42, v3;
	v42 =	vld [tilespmem:s26+$0xFFFFFE20]  }
0xc7: {  	v1 =	vld [tilespmem:s26+$0xFFFFFF40];
	v20 =	vadd.f32 v55, v20;
	v55 =	vmul.f32 v17, v2;
	v17 =	vmul.f32 v36, v5  }
0xc8: {  	vm14 =	vmmov vm5;
	v48 =	vld [tilespmem:s26+$0xFFFFFCE0]  }
0xc9: {  	v35 =	vmul.f32 v35, v59;
	v56 =	vld [tilespmem:s26+$0xFFFFFDD0];
	v36 =	vadd.f32 v17, v24;
	v0 =	vmul.f32 v0, v3  }
0xca: {  	(xrf2) =	vadd.scan.msk.f32 $0xffff, v10;
	v17 =	vmul.f32 v32, v6;
	v32 =	vmul.f32 v38, v2;
	v38 =	vld [tilespmem:s26+$0xFFFFFBE0];
	v7 =	vadd.f32 v50, v7  }
0xcb: {  	(xrf2) =	vadd.scan.msk.f32 $0xffff, v21;
	v11 =	vadd.f32 v26, v11;
	v50 =	vld [tilespmem:s26+$0xFFFFFD50];
	[tilespmem:$0x1FFA0] =	vst v0;
	v0 =	vmul.f32 v62, v59  }
0xcc: {  	v45 =	vmul.f32 v45, v59;
	(xrf2) =	vadd.scan.msk.f32 $0xffff, v15;
	v7 =	vadd.f32 v31, v7;
	v12 =	vadd.f32 v22, v20;
	v22 =	vld [tilespmem:s26+$0xFFFFFE30]  }
0xcd: {  	v15 =	vmul.f32 v42, v6;
	v42 =	vmul.f32 v40, v2;
	v23 =	vadd.f32 v17, v23;
	[tilespmem:$0x1FFB0] =	vst v0;
	v0 =	vld [tilespmem:s26+$0xFFFFFF30]  }
0xce: {  	v17 =	vmul.f32 v1, v4;
	v31 =	vmul.f32 v43, v2;
	v43 =	vld [tilespmem:s26+$0xFFFFFC50];
	v1 =	vadd.f32 v35, v7  }
0xcf: {  	vm5 =	vmmov vm15;
	v21, _, _ =	vpop (xrf2);
	v24 =	vmul.f32 v39, v59;
	v39 =	vmul.f32 v37, v59;
	(xrf2) =	vadd.scan.msk.f32 $0xffff, v11;
	v35 =	vld [tilespmem:s26+$0xFFFFFDA0]  }
0xd0: {  	v13 =	vadd.f32 v13, v36;
	v36 =	vmul.f32 v47, v59;
	v37 =	vmul.f32 v50, v3;
	v50, _, _ =	vpop (xrf2);
	(xrf2) =	vadd.scan.msk.f32 $0xffff, v1;
	v1 =	vld [tilespmem:$0x1FFE0]  }
0xd1: {  	vm1 =	vmmov vm0;
	[tilespmem:$0x1FFC0] =	vst v24;
	v47 =	vmul.f32 v48, v2;
	v24 =	vmul.f32 v16, v4;
	v20 =	vld [tilespmem:s26+$0xFFFFFCD0]  }
0xd2: {  	v9 =	vadd.f32 v15, v9;
	v15 =	vmul.f32 v22, v5;
	v22 =	vld [tilespmem:s26+$0xFFFFFCA0];
	v10 =	vmul.f32 v0, v5  }
0xd3: {  	v13 =	vadd.f32 v54, v13;
	v12 =	vadd.f32 v51, v12;
	v0 =	vmul.f32 v44, v3;
	v44 =	vld [tilespmem:s26+$0xFFFFFB50]  }
0xd4: {  	v62 =	vmul.f32 v41, v3;
	v41 =	vmul.f32 v53, v2;
	v53 =	vld [tilespmem:s26+$0xFFFFFDB0];
	v10 =	vadd.f32 v10, v23  }
0xd5: {  	v7 =	vmul.f32 v56, v3;
	v54 =	vadd.f32 v18, v13;
	vm0 =	vnez.u8 v1;
	v23 =	vld [tilespmem:s26+$0xFFFFFDC0]  }
0xd6: {  	v16 =	vld [tilespmem:s26+$0xFFFFFBD0];
	v26 =	vadd.f32 v28, v12;
	v10 =	vadd.f32 v17, v10;
	v17 =	vmul.f32 v35, v6  }
0xd7: {  	v40 =	vld [tilespmem:s26+$0xFFFFFB20];
	v9 =	vadd.f32 v15, v9;
	v48 =	vmul.f32 v22, v6;
	v35 =	vmul.f32 v38, v2  }
0xd8: {  	v15 =	vld [tilespmem:s26+$0xFFFFFCB0];
	v12 =	vmul.f32 v44, v3;
	v56 =	vadd.f32 v17, v8;
	v49 =	vadd.f32 v49, v10  }
0xd9: {  	v25, _, _ =	vpop (xrf2);
	v38 =	vld [tilespmem:s26+$0xFFFFFC30];
	v10 =	vmul.f32 v43, v3;
	v43 =	vadd.f32 v24, v9;
	v9 =	vmul.f32 v53, v5  }
0xda: {  	v18, _, _ =	vpop (xrf2);
	v11 =	vadd.f32 v46, v54;
	v8 =	vmul.f32 v20, v3;
	v20 =	vld [tilespmem:s26+$0xFFFFFCC0];
	v13 =	vmul.f32 v23, v4  }
0xdb: {  	s29 =	simm.s32 $0x200;
	s28 =	sshll.u32 s25, $0x1;
	v51, _, _ =	vpop (xrf2);
	(xrf2) =	vadd.scan.msk.f32 $0xffff, v26;
	v23 =	vld [tilespmem:s26+$0xFFFFFC20];
	v44 =	vadd.f32 v9, v56;
	v46 =	vadd.f32 v14, v49;
	v9 =	vmul.f32 v16, v3  }
.LBB2_3:
0xdc: {  	v1 =	vld [tilespmem:$0x1FF70]  }
0xdd: {  	v43 =	vadd.f32 v0, v43;
	v0 =	vld [tilespmem:$0x1FF00];
	_ =	sdelay $0x1  }
0xde: {  	v49 =	vld [tilespmem:s26+$0xFFFFFC40];
	v33 =	vadd.f32 v33, v43  }
0xdf: {  	v13 =	vadd.f32 v13, v44;
	v54 =	vld [tilespmem:s26+$0xFFFFFBB0];
	v34 =	vadd.f32 v48, v34  }
0xe0: {  	v15 =	vmul.f32 v15, v5;
	v23 =	vmul.f32 v23, v6;
	v14 =	vadd.f32 v1, v33;
	v1 =	vld [tilespmem:$0x1FFB0]  }
0xe1: {  	(xrf2) =	vadd.scan.msk.f32 $0xffff, v11;
	v11 =	vld [tilespmem:s26+$0xFFFFFB30];
	v13 =	vadd.f32 v7, v13;
	v20 =	vmul.f32 v20, v4;
	v56 =	vadd.f32 v0, v46  }
0xe2: {  	v46 =	vld [tilespmem:s26+$0xFFFFFBA0];
	v15 =	vadd.f32 v15, v34;
	v23 =	vadd.f32 v23, v30;
	v30 =	vmul.f32 v38, v5  }
0xe3: {  	v48 =	vld [tilespmem:s26+$0xFFFFFB40];
	v13 =	vadd.f32 v32, v13  }
0xe4: {  	v53 =	vmul.f32 v40, v6;
	v15 =	vadd.f32 v20, v15;
	v20 =	vadd.f32 v30, v23;
	v30 =	vld [tilespmem:s26+$0xFFFFFD20]  }
0xe5: {  	v23 =	vmul.f32 v49, v4;
	v13 =	vadd.f32 v1, v13;
	v1 =	vld [tilespmem:$0x1FFC0]  }
0xe6: {  	v0, _, _ =	vpop (xrf2);
	v28 =	vadd.f32 v53, v27;
	(xrf2) =	vadd.scan.msk.f32 $0xffff, v56;
	v56 =	vld [tilespmem:s26+$0xFFFFFBC0];
	v15 =	vadd.f32 v8, v15  }
0xe7: {  	v11 =	vmul.f32 v11, v5;
	v7, _, _ =	vpop (xrf2);
	(xrf2) =	vadd.scan.msk.f32 $0xffff, v14;
	v20 =	vadd.f32 v23, v20;
	v23 =	vld [tilespmem:s26+$0xFFFFFD30];
	v14 =	vmul.f32 v46, v6  }
0xe8: {  	v22 =	vmul.f32 v48, v4;
	v15 =	vadd.f32 v47, v15  }
0xe9: {  	v27 =	vmul.f32 v54, v5;
	v11 =	vadd.f32 v11, v28;
	v14 =	vadd.f32 v14, v58;
	v58 =	vld [tilespmem:s26+$0xFFFFFD40]  }
0xea: {  	v28 =	vld [tilespmem:s26+$0xFFFFFEA0];
	v8, _, _ =	vpop (xrf2);
	v20 =	vadd.f32 v10, v20;
	(xrf2) =	vadd.scan.msk.f32 $0xffff, v13;
	v13 =	vadd.f32 v1, v15;
	v15 =	vmul.f32 v30, v6  }
0xeb: {  	v16 =	vadd.f32 v22, v11;
	v24 =	vmul.f32 v56, v4;
	v14 =	vadd.f32 v27, v14;
	v27 =	vld [tilespmem:s26+$0x20]  }
0xec: {  	v22 =	vld [tilespmem:s26+$0xFFFFFEB0];
	v20 =	vadd.f32 v41, v20;
	v15 =	vadd.f32 v15, v19;
	v19 =	vmul.f32 v23, v5  }
0xed: {  	v10, _, _ =	vpop (xrf2);
	v12 =	vadd.f32 v12, v16;
	v1 =	vld [tilespmem:$0x1FE80];
	(xrf2) =	vadd.scan.msk.f32 $0xffff, v13;
	v13 =	vadd.f32 v24, v14  }
0xee: {  	v23 =	vld [tilespmem:s26+$0xFFFFFEC0];
	v14 =	vadd.f32 v39, v20;
	v15 =	vadd.f32 v19, v15;
	v19 =	vmul.f32 v58, v4  }
0xef: {  	v20 =	vmul.f32 v28, v6;
	v24 =	vld [tilespmem:s26+$0x30]  }
0xf0: {  	v12 =	vadd.f32 v42, v12;
	v28 =	vld [tilespmem:s26+$0x320];
	v11, _, _ =	vpop (xrf2);
	(xrf2) =	vadd.scan.msk.f32 $0xffff, v14;
	v14 =	vadd.f32 v19, v15;
	v15 =	vmul.f32 v27, v6  }
0xf1: {  	v16 =	vmul.f32 v22, v5;
	v9 =	vadd.f32 v9, v13;
	v13 =	vadd.f32 v20, v52;
	v20 =	vld [tilespmem:s26+$0x40]  }
0xf2: {  	v15 =	vadd.f32 v15, v1;
	v1 =	vld [tilespmem:$0x1FE70]  }
0xf3: {  	v12 =	vadd.f32 v45, v12;
	v19 =	vld [tilespmem:s26+$0x330];
	v13 =	vadd.f32 v16, v13;
	v16 =	vmul.f32 v23, v4  }
0xf4: {  	v27 =	vld [tilespmem:s26+$0x340]  }
0xf5: {  	v22, _, _ =	vpop (xrf2);
	(xrf2) =	vadd.scan.msk.f32 $0xffff, v12;
	v9 =	vadd.f32 v35, v9;
	v23 =	vld [tilespmem:s26+$0x4A0];
	v12 =	vadd.f32 v16, v13;
	v13 =	vmul.f32 v28, v6  }
0xf6: {  	v24 =	vmul.f32 v24, v5;
	v14 =	vadd.f32 v37, v14;
	v16 =	vld [tilespmem:s26+$0x4B0]  }
0xf7: {  	v9 =	vadd.f32 v36, v9;
	v13 =	vadd.f32 v13, v1;
	v1 =	vld [tilespmem:$0x1FFA0]  }
0xf8: {  	v20 =	vmul.f32 v20, v4;
	v14 =	vadd.f32 v31, v14;
	v15 =	vadd.f32 v24, v15;
	v24 =	vld [tilespmem:s26+$0x350]  }
0xf9: {  	v28, _, _ =	vpop (xrf2);
	(xrf2) =	vadd.scan.msk.f32 $0xffff, v9;
	v12 =	vadd.f32 v62, v12;
	v17 =	vmul.f32 v19, v5;
	v19 =	vld [tilespmem:s26+$0x4C0]  }
0xfa: {  	v9 =	vadd.f32 v57, v14;
	v14 =	vadd.f32 v20, v15;
	v15 =	vld [tilespmem:s26+$0x360]  }
0xfb: {  	v6 =	vmul.f32 v23, v6;
	v20 =	vld [tilespmem:s26+$0x4D0];
	v12 =	vadd.f32 v55, v12  }
0xfc: {  	v26 =	vmul.f32 v27, v4;
	v30, _, _ =	vpop (xrf2);
	v23 =	vld [tilespmem:s26+$0x370];
	(xrf2) =	vadd.scan.msk.f32 $0xffff, v9;
	v13 =	vadd.f32 v17, v13;
	v14 =	vadd.f32 v1, v14  }
0xfd: {  	v6 =	vadd.f32 v6, v63;
	v5 =	vmul.f32 v16, v5;
	v16 =	vld [tilespmem:s26+$0x4E0];
	v9 =	vadd.f32 v29, v12  }
0xfe: {  	v12 =	vadd.f32 v26, v13;
	v13 =	vmul.f32 v24, v3;
	v1 =	vadd.f32 v61, v14  }
0xff: {  	v17, _, _ =	vpop (xrf2);
	v6 =	vadd.f32 v5, v6;
	v19 =	vmul.f32 v19, v4;
	(xrf2) =	vadd.scan.msk.f32 $0xffff, v9  }
0x100: {  	v24 =	vld [tilespmem:s26+$0x4F0];
	v12 =	vadd.f32 v13, v12;
	v13 =	vmul.f32 v15, v2;
	v15 =	vadd.f32 v60, v1  }
0x101: {  	v3 =	vmul.f32 v20, v3;
	v6 =	vadd.f32 v19, v6  }
0x102: {  	v2 =	vmul.f32 v16, v2;
	v12 =	vadd.f32 v13, v12;
	v13 =	vmul.f32 v23, v59;
	v14, _, _ =	vpop (xrf2);
	(xrf2) =	vadd.scan.msk.f32 $0xffff, v15  }
0x103: {  	v3 =	vadd.f32 v3, v6;
	v9, _, _ =	vpop (xrf2)  }
0x104: {  	v6 =	vadd.f32 v13, v12;
	v12 =	vbroadcast v14, $0xF;
	v9 =	vbroadcast v9, $0xF  }
0x105: {  	v1 =	vmul.f32 v24, v59;
	v13 =	vadd.f32 v2, v3;
	v3 =	vbroadcast v17, $0xF  }
0x106: {  	v2, _, _ =	vpop (xrf2);
	(xrf2) =	vadd.scan.msk.f32 $0xffff, v6;
	v6 =	vsel vm0, v12, v9;
	v9 =	vbroadcast v30, $0xF  }
0x107: {  	v1 =	vadd.f32 v1, v13;
	v2 =	vbroadcast v2, $0xF;
	v12 =	vsel vm2, v6, v3  }
0x108: {  	v6 =	vbroadcast v28, $0xF;
	v9 =	vsel vm4, v12, v9  }
0x109: {  	(xrf2) =	vadd.scan.msk.f32 $0xffff, v1;
	v3, _, _ =	vpop (xrf2);
	v1 =	vsel vm3, v9, v2;
	v2 =	vbroadcast v22, $0xF  }
0x10a: {  	v3 =	vbroadcast v3, $0xF;
	v1 =	vsel vm5, v1, v6  }
0x10b: {  	v1 =	vsel vm6, v1, v2;
	v2 =	vbroadcast v11, $0xF  }
0x10c: {  	v1 =	vsel vm7, v1, v3;
	v3 =	vbroadcast v10, $0xF;
	v6, _, _ =	vpop (xrf2)  }
0x10d: {  	v1 =	vsel vm8, v1, v2;
	v2 =	vbroadcast v6, $0xF  }
0x10e: {  	v1 =	vsel vm9, v1, v3;
	v3 =	vbroadcast v8, $0xF  }
0x10f: {  	v0 =	vbroadcast v0, $0xF;
	v1 =	vsel vm10, v1, v2  }
0x110: {  	v1 =	vsel vm11, v1, v3;
	v3 =	vbroadcast v51, $0xF  }
0x111: {  	v6 =	vbroadcast v25, $0xF;
	v0 =	vsel vm12, v1, v0  }
0x112: {  	v0 =	vsel vm13, v0, v3  }
0x113: {  	v0 =	vsel vm1, v0, v6;
	v6 =	vld [tilespmem:$0x1FFF0]  }
0x114: {  	v2 =	vbroadcast v7, $0xF;
	v7, _, _ =	vpop (xrf2)  }
0x115: {  	vm15 =	vcmask $0x1310;
	v8 =	vbroadcast v7, $0xF  }
0x116: {  	v1 =	vnsel vm15, $0x0, v2;
	v2 =	vbroadcast v18, $0xF  }
0x117: {  	vm15 =	vcmask $0x310;
	v1 =	vsel vm14, v1, v8  }
0x118: {  	v7, _, _ =	vpop (xrf2);
	v3 =	vbroadcast v50, $0xF;
	v1 =	vsel vm15, v1, v2;
	vm15 =	vnez.u8 v6  }
0x119: {  	v2 =	vbroadcast v7, $0xF;
	v7 =	vsel vm15, v0, v21;
	vm15 =	vcmask $0x710  }
0x11a: {  	v1 =	vsel vm15, v1, v3;
	vm15 =	vcmask $0xB10  }
0x11b: {  	v6 =	vsel vm15, v1, v2  }
0x11c: {  	v8 =	vsub.f32 $0.0e+00, v7;
	v1 =	vand.u32 $0x7FFFFFFF, v6  }
0x11d: {  	v11 =	vsub.f32 $0.0e+00, v6;
	v1 =	vsub.f32 $0.0e+00, v1  }
0x11e: {  	s30 =	sshra.s32 s29, $0x2;
	v2 =	vand.u32 $0x7FFFFFFF, v8  }
0x11f: {  	v35 =	vld [tilespmem:s30+$0x17CF0];
	v2 =	vsub.f32 $0.0e+00, v2;
	v3 =	vand.u32 $0x7FFFFFFF, v11;
	v1 =	vmul.f32 $1.442695020e+00, v1  }
0x120: {  	v57 =	vld [tilespmem:s30+$0x17CD0];
	s26 =	sadd.s32 $0xA00, s26;
	v3 =	vsub.f32 $0.0e+00, v3  }
0x121: {  	v0 =	vld [tilespmem:s26+$0xFFFFFEF0];
	v2 =	vmul.f32 $1.442695020e+00, v2;
	(erf) = vpow2.f32 v1  }
0x122: {  	v4 =	vld [tilespmem:s26+$0x2F0];
	v3 =	vmul.f32 $1.442695020e+00, v3  }
0x123: {  	v5 =	vld [tilespmem:s26+$0x2E0];
	(erf) = vpow2.f32 v2  }
0x124: {  	v19 =	vld [tilespmem:s26+$0x470];
	(erf) = vpow2.f32 v3  }
0x125: {  	v20 =	vld [tilespmem:s26+$0x270]  }
0x126: {  	[tilespmem:$0x1FBD0] =	vst v0;
	v0 =	vld [tilespmem:s26+$0xD0]  }
0x127: {  	v27 =	vld [tilespmem:s26+$0x1F0]  }
0x128: {  	v34 =	vld [tilespmem:s26+$0x2D0]  }
0x129: {  	v38 =	vld [tilespmem:s26+$0x460]  }
0x12a: {  	v59 =	vld [tilespmem:s30+$0x70];
	v9 =	vpop (erf)  }
0x12b: {  	[tilespmem:$0x1FBE0] =	vst v0;
	v0 =	vld [tilespmem:s26+$0x2A0];
	v2 =	vadd.f32 $2.000000000e+00, v9  }
0x12c: {  	v45 =	vld [tilespmem:s26+$0x170];
	v10 =	vpop (erf)  }
0x12d: {  	v25 =	vpop (erf);
	(erf) = vrcp.f32 v2;
	v2 =	vld [tilespmem:s30+$0x60]  }
0x12e: {  	v52 =	vld [tilespmem:s26+$0x260]  }
0x12f: {  	v42 =	vld [tilespmem:s26+$0x3E0]  }
0x130: {  	v56 =	vld [tilespmem:s26+$0xF0];
	[tilespmem:$0x1FBF0] =	vst v0;
	v0 =	vmul.f32 v4, v59  }
0x131: {  	v58 =	vld [tilespmem:s26+$0x70]  }
0x132: {  	v26 =	vld [tilespmem:s26+$0x160];
	[tilespmem:$0x1FC70] =	vst v0;
	v0 =	vmul.f32 v5, v2  }
0x133: {  	v23 =	vld [tilespmem:s26+$0x3F0]  }
0x134: {  	v48 =	vld [tilespmem:s26+$0x250];
	[tilespmem:$0x1FC40] =	vst v0;
	v0 =	vmul.f32 v19, v59  }
0x135: {  	v44 =	vld [tilespmem:s26+$0x3D0];
	v3 =	vadd.f32 $2.000000000e+00, v10  }
0x136: {  	v29 =	vld [tilespmem:s26+$0xFFFFFFF0];
	[tilespmem:$0x1FCB0] =	vst v0;
	v0 =	vmul.f32 v20, v59  }
0x137: {  	(erf) = vrcp.f32 v3;
	v3 =	vld [tilespmem:s30+$0x50]  }
0x138: {  	v39 =	vld [tilespmem:s26+$0xE0];
	[tilespmem:$0x1FCE0] =	vst v0;
	v0 =	vmul.f32 v23, v59  }
0x139: {  	v49 =	vld [tilespmem:s26+$0x2B0]  }
0x13a: {  	v53 =	vld [tilespmem:s26+$0xFFFFFF70];
	[tilespmem:$0x1FD20] =	vst v0;
	v0 =	vmul.f32 v27, v59  }
0x13b: {  	v46 =	vld [tilespmem:s26+$0x60]  }
0x13c: {  	v54 =	vld [tilespmem:s26+$0x150];
	v21 =	vadd.f32 $2.000000000e+00, v25;
	[tilespmem:$0x1FD50] =	vst v0;
	v0 =	vmul.f32 v34, v3  }
0x13d: {  	v36 =	vld [tilespmem:s26+$0x3C0]  }
0x13e: {  	v37 =	vld [tilespmem:s26+$0xFFFFFFE0];
	(erf) = vrcp.f32 v21;
	[tilespmem:$0x1FC20] =	vst v0;
	v0 =	vmul.f32 v45, v59  }
0x13f: {  	v41 =	vld [tilespmem:s26+$0x1C0]  }
0x140: {  	v47 =	vld [tilespmem:s26+$0x430];
	[tilespmem:$0x1FDA0] =	vst v0;
	v0 =	vmul.f32 v38, v2  }
0x141: {  	v32 =	vld [tilespmem:s26+$0x50]  }
0x142: {  	v40 =	vld [tilespmem:s26+$0x140];
	[tilespmem:$0x1FC80] =	vst v0;
	v0 =	vmul.f32 v52, v2  }
0x143: {  	v24 =	vld [tilespmem:s26+$0x1E0]  }
0x144: {  	v28 =	vld [tilespmem:s26+$0x2C0];
	v4 =	vpop (erf);
	[tilespmem:$0x1FCC0] =	vst v0;
	v0 =	vmul.f32 v35, v59  }
0x145: {  	v63 =	vmul.f32 v4, v9;
	v4 =	vld [tilespmem:s30+$0x40]  }
0x146: {  	v43 =	vld [tilespmem:s26+$0x230];
	v5 =	vpop (erf);
	[tilespmem:$0x1FDD0] =	vst v0;
	v0 =	vmul.f32 v42, v2  }
0x147: {  	v33 =	vld [tilespmem:s26+$0x3B0];
	v1 =	vmul.f32 v56, v59;
	v62 =	vmul.f32 v5, v10;
	v5 =	vpop (erf)  }
0x148: {  	v55 =	vld [tilespmem:s26+$0xFFFFFEE0];
	v7 =	vmul.f32 v24, v2;
	[tilespmem:$0x1FCF0] =	vst v0;
	v0 =	vmul.f32 v5, v25  }
0x149: {  	v30 =	vld [tilespmem:s26+$0x450];
	[tilespmem:$0x1FE00] =	vst v1;
	v35 =	vmul.f32 v63, v63  }
0x14a: {  	v16 =	vld [tilespmem:s26+$0xFFFFFD70];
	[tilespmem:$0x1FD30] =	vst v7;
	v7 =	vmul.f32 v28, v4;
	v1 =	vmul.f32 v0, v0  }
0x14b: {  	v61 =	vld [tilespmem:s26+$0x1B0];
	v10 =	vmul.f32 $2.222222240e-01, v35  }
0x14c: {  	v60 =	vld [tilespmem:s26+$0xFFFFFE70];
	[tilespmem:$0x1FC10] =	vst v7;
	v7 =	vmul.f32 v58, v59;
	v21 =	vmul.f32 $2.222222240e-01, v1  }
0x14d: {  	v18 =	vld [tilespmem:s30+$0x17CE0];
	v25 =	vadd.f32 $2.857142980e-01, v10  }
0x14e: {  	v17 =	vld [tilespmem:s26+$0xFFFFFF60];
	[tilespmem:$0x1FC00] =	vst v7;
	v7 =	vmul.f32 v30, v3;
	v21 =	vadd.f32 $2.857142980e-01, v21  }
0x14f: {  	v14 =	vld [tilespmem:s26+$0x130];
	v42 =	vmul.f32 v25, v35  }
0x150: {  	v15 =	vld [tilespmem:s26+$0xFFFFFE60];
	[tilespmem:$0x1FC50] =	vst v7;
	v7 =	vmul.f32 v48, v3;
	v25 =	vmul.f32 v21, v1  }
0x151: {  	v12 =	vld [tilespmem:s26+$0x1D0];
	v45 =	vadd.f32 $4.000000060e-01, v42  }
0x152: {  	v13 =	vld [tilespmem:s30+$0x17CC0];
	v31 =	vmul.f32 v62, v62;
	[tilespmem:$0x1FC90] =	vst v7;
	v7 =	vmul.f32 v18, v2;
	v18 =	vadd.f32 $4.000000060e-01, v25  }
0x153: {  	v22 =	vld [tilespmem:s26+$0x240];
	v25 =	vmul.f32 v45, v35  }
0x154: {  	v51 =	vld [tilespmem:s26+$0x440];
	v5 =	vmul.f32 $2.222222240e-01, v31;
	v18 =	vmul.f32 v18, v1  }
0x155: {  	v50 =	vld [tilespmem:s26+$0xFFFFFED0];
	v25 =	vadd.f32 $6.666666860e-01, v25  }
0x156: {  	v24 =	vld [tilespmem:s26+$0x420];
	v10 =	vmul.f32 v12, v3;
	v5 =	vadd.f32 $2.857142980e-01, v5;
	v12 =	vadd.f32 $6.666666860e-01, v18  }
0x157: {  	v19 =	vld [tilespmem:s26+$0xFFFFFDF0];
	v25 =	vmul.f32 v25, v35  }
0x158: {  	v20 =	vld [tilespmem:s26+$0x280];
	v30 =	vmul.f32 v5, v31;
	v1 =	vmul.f32 v12, v1  }
0x159: {  	v9 =	vld [tilespmem:s26+$0x220];
	v25 =	vadd.f32 $2.000000000e+00, v25  }
0x15a: {  	v23 =	vld [tilespmem:s26+$0x290];
	v30 =	vadd.f32 $4.000000060e-01, v30;
	v1 =	vadd.f32 $2.000000000e+00, v1  }
0x15b: {  	v27 =	vld [tilespmem:s26+$0xFFFFFF50];
	[tilespmem:$0x1FDB0] =	vst v7;
	v7 =	vmul.f32 v44, v3;
	v25 =	vmul.f32 v25, v63  }
0x15c: {  	v34 =	vld [tilespmem:s26+$0xFFFFFFD0];
	v21 =	vmul.f32 v30, v31;
	v0 =	vmul.f32 v1, v0;
	v1 =	vmin.f32 v6, $0.0e+00  }
0x15d: {  	v28 =	vld [tilespmem:s26+$0xFFFFFC80];
	v25 =	vsub.f32 v1, v25;
	v1 =	vmul.f32 v22, v4  }
0x15e: {  	v58 =	vld [tilespmem:s26+$0x1A0];
	[tilespmem:$0x1FCD0] =	vst v7;
	v7 =	vmul.f32 v29, v59;
	v29 =	vadd.f32 $6.666666860e-01, v21  }
0x15f: {  	v38 =	vld [tilespmem:s26+$0xC0];
	[tilespmem:$0x1FC60] =	vst v1;
	v1 =	vmul.f32 v57, v3  }
0x160: {  	v52 =	vld [tilespmem:s26+$0x3A0];
	v29 =	vmul.f32 v29, v31;
	v12 =	vmul.f32 v53, v59  }
0x161: {  	v48 =	vld [tilespmem:s26+$0x490];
	[tilespmem:$0x1FD80] =	vst v1;
	v1 =	vmul.f32 v36, v4  }
0x162: {  	v44 =	vld [tilespmem:s26+$0x480];
	[tilespmem:$0x1FF00] =	vst v12;
	v12 =	vadd.f32 $2.000000000e+00, v29  }
0x163: {  	[tilespmem:$0x1FCA0] =	vst v1;
	v1 =	vld [tilespmem:$0x1FE60]  }
0x164: {  	[tilespmem:$0x1FE40] =	vst v7;
	v7 =	vmul.f32 v39, v2;
	v39 =	vld [tilespmem:s30+$0x10];
	v12 =	vmul.f32 v12, v62  }
0x165: {  	v8 =	vmin.f32 v8, $0.0e+00;
	[tilespmem:$0x1FD00] =	vst v10;
	v10 =	vmul.f32 v51, v4;
	v51 =	vld [tilespmem:s26+$0x90];
	v5 =	vmul.f32 v26, v2  }
0x166: {  	[tilespmem:$0x1FDE0] =	vst v7;
	v7 =	vld [tilespmem:s26+$0xFFFFFCF0];
	v12 =	vsub.f32 v8, v12  }
0x167: {  	[tilespmem:$0x1FD70] =	vst v5;
	v5 =	vld [tilespmem:s30+$0x30]  }
0x168: {  	v12 =	vadd.f32 v12, v1;
	v1 =	vld [tilespmem:$0x1FBD0]  }
0x169: {  	[tilespmem:$0x1FC30] =	vst v10;
	v10 =	vmul.f32 v54, v3;
	v54 =	vld [tilespmem:s26+$0x200]  }
0x16a: {  	v26 =	vld [tilespmem:s26+$0xFFFFFD00]  }
0x16b: {  	[tilespmem:$0x1FD40] =	vst v10;
	v10 =	vmul.f32 v16, v59;
	v16 =	vld [tilespmem:s26+$0xFFFFFE90]  }
0x16c: {  	v21 =	vld [tilespmem:s26+$0x100];
	v45 =	vmul.f32 v49, v5  }
0x16d: {  	v49 =	vld [tilespmem:s26+$0xFFFFFDE0];
	v29 =	vmul.f32 v1, v59;
	v1 =	vmul.f32 v37, v2  }
0x16e: {  	v31 =	vmul.f32 v47, v5;
	v47 =	vld [tilespmem:s26+$0x390]  }
0x16f: {  	v11 =	vmin.f32 v11, $0.0e+00;
	[tilespmem:$0x1FE10] =	vst v1;
	v1 =	vld [tilespmem:$0x1FBE0]  }
0x170: {  	vm15 =	vcmask $0x3F14;
	v18 =	vld [tilespmem:s26+$0xFFFFFF10];
	v0 =	vsub.f32 v11, v0  }
0x171: {  	v53 =	vld [tilespmem:s26+$0xFFFFFFC0];
	v25 =	vsel vm15, $0x0, v25  }
0x172: {  	v63 =	vld [tilespmem:s30+$0x17CB0];
	v0 =	vsel vm3, v0, v25  }
0x173: {  	v48 =	vmul.f32 v48, v39;
	v51 =	vmul.f32 v51, v39;
	v6 =	vld [tilespmem:s30+$0x20];
	v0 =	vadd.f32 v0, v12  }
0x174: {  	v30 =	vmul.f32 v46, v2;
	v22 =	vld [tilespmem:s26+$0x400];
	v1 =	vmul.f32 v1, v3  }
0x175: {  	v16 =	vmul.f32 v16, v39;
	v47 =	vmul.f32 v47, v39;
	v11 =	vld [tilespmem:s26+$0x410];
	[tilespmem:$0x1FE60] =	vst v0  }
0x176: {  	v18 =	vmul.f32 v18, v39;
	v0 =	vld [tilespmem:$0x1FBF0];
	[tilespmem:$0x1FDC0] =	vst v1;
	v1 =	vmul.f32 v60, v59  }
0x177: {  	v8 =	vmul.f32 v50, v3;
	v50 =	vld [tilespmem:s26+$0x10];
	v57 =	vmul.f32 v23, v39  }
0x178: {  	v42 =	vmul.f32 v63, v5;
	v12 =	vld [tilespmem:s30+$0x0];
	[tilespmem:$0x1FF70] =	vst v1;
	v1 =	vmul.f32 v17, v2  }
0x179: {  	v25 =	vld [tilespmem:s26+$0xFFFFFD90];
	v36 =	vmul.f32 v43, v5;
	v43 =	vmul.f32 v33, v5  }
0x17a: {  	v33 =	vmul.f32 v15, v2;
	v15 =	vld [tilespmem:s26+$0x110];
	[tilespmem:$0x1FE50] =	vst v1;
	v1 =	vmul.f32 v32, v3  }
0x17b: {  	v23 =	vmul.f32 v24, v6;
	v46 =	vmul.f32 v0, v6;
	v0 =	vld [tilespmem:s26+$0x380]  }
0x17c: {  	v62 =	vld [tilespmem:s26+$0x80];
	v11 =	vmul.f32 v11, v39;
	[tilespmem:$0x1FFA0] =	vst v1;
	v1 =	vmul.f32 v40, v4  }
0x17d: {  	v24 =	vld [tilespmem:s26+$0xFFFFFE80];
	v50 =	vmul.f32 v50, v39;
	v22 =	vmul.f32 v22, v12  }
0x17e: {  	v37 =	vmul.f32 v41, v4;
	v41 =	vld [tilespmem:s26+$0x210];
	[tilespmem:$0x1FD10] =	vst v1;
	v1 =	vmul.f32 v13, v4  }
0x17f: {  	v25 =	vmul.f32 v25, v39;
	v15 =	vmul.f32 v15, v39;
	v22 =	vadd.f32 v11, v22;
	v11 =	vld [tilespmem:s26+$0xFFFFFC00]  }
0x180: {  	v60 =	vld [tilespmem:s26+$0x310];
	v0 =	vmul.f32 v0, v12;
	[tilespmem:$0x1FD60] =	vst v1;
	v1 =	vmul.f32 v19, v59  }
0x181: {  	v63 =	vmul.f32 v44, v12;
	v54 =	vmul.f32 v54, v12;
	v17 =	vld [tilespmem:s26+$0x300]  }
0x182: {  	v21 =	vmul.f32 v21, v12;
	v47 =	vadd.f32 v47, v0;
	v0 =	vld [tilespmem:s26+$0xFFFFFC10];
	[tilespmem:$0x1FFB0] =	vst v1;
	v1 =	vmul.f32 v34, v3  }
0x183: {  	v62 =	vmul.f32 v62, v12;
	v24 =	vmul.f32 v24, v12;
	v32 =	vld [tilespmem:s26+$0xFFFFFD80]  }
0x184: {  	v41 =	vmul.f32 v41, v39;
	v19 =	vld [tilespmem:s26+$0x180];
	[tilespmem:$0x1FDF0] =	vst v1;
	v1 =	vmul.f32 v38, v4  }
0x185: {  	v60 =	vmul.f32 v60, v39;
	v34 =	vld [tilespmem:s26+$0x190];
	v38 =	vmul.f32 v14, v5  }
0x186: {  	v14 =	vmul.f32 v52, v6;
	v52 =	vld [tilespmem:s30+$0x17C80];
	[tilespmem:$0x1FD90] =	vst v1;
	v1 =	vmul.f32 v27, v3  }
0x187: {  	v40 =	vmul.f32 v61, v5;
	v61 =	vmul.f32 v20, v12;
	v27 =	vld [tilespmem:s26+$0xFFFFFD10]  }
0x188: {  	v20 =	vmul.f32 v9, v6;
	[tilespmem:$0x1FE30] =	vst v1;
	v1 =	vmul.f32 v7, v59;
	v7 =	vld [tilespmem:s30+$0x17C90]  }
0x189: {  	v63 =	vadd.f32 v48, v63;
	v9 =	vmul.f32 v58, v6;
	v58 =	vld [tilespmem:s26+$0xFFFFFF00];
	v17 =	vmul.f32 v17, v12  }
0x18a: {  	v0 =	vmul.f32 v0, v39;
	v57 =	vadd.f32 v57, v61;
	v61 =	vld [tilespmem:s26+$0xFFFFFC90];
	v19 =	vmul.f32 v19, v12  }
0x18b: {  	v21 =	vadd.f32 v15, v21;
	v34 =	vmul.f32 v34, v39;
	[tilespmem:$0x1FFC0] =	vst v1;
	v1 =	vmul.f32 v49, v2;
	v49 =	vld [tilespmem:s26+$0x0]  }
0x18c: {  	v13 =	vmul.f32 v55, v2;
	v55 =	vld [tilespmem:s26+$0xFFFFFE00];
	v17 =	vadd.f32 v60, v17;
	v52 =	vmul.f32 v52, v12  }
0x18d: {  	v48 =	vadd.f32 v34, v19;
	v19 =	vmul.f32 v27, v39;
	[tilespmem:$0x1FE20] =	vst v1;
	v1 =	vld [tilespmem:s26+$0xFFFFFE10];
	v7 =	vmul.f32 v7, v39  }
0x18e: {  	[tilespmem:$0x1FE70] =	vst v17;
	v17 =	vld [tilespmem:s26+$0xFFFFFB00];
	v27 =	vmul.f32 v28, v12;
	v28 =	vadd.f32 v51, v62;
	v51 =	vmul.f32 v11, v12  }
0x18f: {  	v41 =	vadd.f32 v41, v54;
	v58 =	vmul.f32 v58, v12;
	v54 =	vadd.f32 v7, v52;
	v7 =	vld [tilespmem:s26+$0xFFFFFB10]  }
0x190: {  	v34 =	vmul.f32 v61, v39;
	v61 =	vmovc v30;
	v30 =	vadd.f32 v0, v51;
	v0 =	vld [tilespmem:$0x1FC10];
	v49 =	vmul.f32 v49, v12  }
0x191: {  	v55 =	vmul.f32 v55, v12;
	v62 =	vmovc v8;
	v8 =	vld [tilespmem:$0x1FC20];
	v52 =	vadd.f32 v16, v24;
	v16 =	vadd.f32 v46, v57  }
0x192: {  	v1 =	vmul.f32 v1, v39;
	v15 =	vadd.f32 v50, v49;
	v49 =	vadd.f32 v18, v58;
	v18 =	vld [tilespmem:s26+$0xFFFFFB90]  }
0x193: {  	v44 =	vmul.f32 v53, v4;
	v53 =	vld [tilespmem:s26+$0xFFFFFF80];
	v32 =	vmul.f32 v32, v12;
	v16 =	vadd.f32 v45, v16  }
0x194: {  	v50 =	vld [tilespmem:s26+$0xFFFFFB80];
	v11 =	vadd.f32 v1, v55;
	v1 =	vmul.f32 v17, v12;
	v7 =	vmul.f32 v7, v39  }
0x195: {  	v46 =	vadd.f32 v25, v32;
	v25 =	vld [tilespmem:s26+$0xFFFFFE50];
	v0 =	vadd.f32 v0, v16  }
0x196: {  	v34 =	vadd.f32 v34, v27;
	v27 =	vadd.f32 v7, v1;
	v7 =	vld [tilespmem:s26+$0x120]  }
0x197: {  	v1 =	vmul.f32 v18, v39;
	v18 =	vadd.f32 v20, v41;
	v20 =	vadd.f32 v8, v0;
	v0 =	vld [tilespmem:$0x1FC30]  }
0x198: {  	v26 =	vmul.f32 v26, v12;
	v22 =	vadd.f32 v23, v22  }
0x199: {  	v53 =	vmul.f32 v53, v12;
	v12 =	vmul.f32 v50, v12  }
0x19a: {  	v16 =	vadd.f32 v31, v22  }
0x19b: {  	v58 =	vadd.f32 v1, v12  }
0x19c: {  	v1 =	vadd.f32 v0, v16;
	v0 =	vmul.f32 v25, v3;
	v25 =	vmul.f32 v7, v6;
	v7 =	vld [tilespmem:$0x1FC60]  }
0x19d: {  	v17 =	vld [tilespmem:s26+$0xFFFFFD60]  }
0x19e: {  	v55 =	vmov v13;
	v13 =	vadd.f32 v9, v48;
	v9 =	vld [tilespmem:$0x1FC90]  }
0x19f: {  	v8 =	vld [tilespmem:$0x1FC40];
	v16 =	vadd.f32 v36, v18;
	_ =	sdelay $0x1  }
0x1a0: {  	v7 =	vadd.f32 v7, v16  }
0x1a1: {  	v12 =	vld [tilespmem:s26+$0xFFFFFBF0]  }
0x1a2: {  	v7 =	vadd.f32 v9, v7;
	v9 =	vld [tilespmem:$0x1FCA0]  }
0x1a3: {  	v14 =	vadd.f32 v14, v47;
	v31 =	vmul.f32 v17, v2;
	v17 =	vadd.f32 v8, v20;
	v8 =	vld [tilespmem:$0x1FC50];
	_ =	sdelay $0x1  }
0x1a4: {  	v14 =	vadd.f32 v43, v14;
	v57 =	vmov v10;
	v10 =	vld [tilespmem:$0x1FC80];
	_ =	sdelay $0x1  }
0x1a5: {  	v36 =	vmul.f32 v12, v59;
	v12 =	vadd.f32 v9, v14;
	v9 =	vld [tilespmem:$0x1FCB0]  }
0x1a6: {  	v1 =	vadd.f32 v8, v1;
	_ =	sdelay $0x1  }
0x1a7: {  	v1 =	vadd.f32 v10, v1  }
0x1a8: {  	v18 =	vld [tilespmem:s26+$0xFFFFFCE0]  }
0x1a9: {  	v1 =	vadd.f32 v9, v1;
	v9 =	vld [tilespmem:$0x1FCC0];
	_ =	sdelay $0x4  }
0x1aa: {  	v47 =	vmul.f32 v18, v2;
	v18 =	vadd.f32 v9, v7;
	v9 =	vld [tilespmem:$0x1FCD0];
	_ =	sdelay $0x4  }
0x1ab: {  	v12 =	vadd.f32 v9, v12;
	v9 =	vld [tilespmem:$0x1FCE0];
	_ =	sdelay $0x4  }
0x1ac: {  	v18 =	vadd.f32 v9, v18;
	v9 =	vld [tilespmem:$0x1FCF0]  }
0x1ad: {  	v8 =	vld [tilespmem:$0x1FC70];
	_ =	sdelay $0x2  }
0x1ae: {  	v14 =	vld [tilespmem:s26+$0xFFFFFD50]  }
0x1af: {  	v12 =	vadd.f32 v9, v12;
	v9 =	vld [tilespmem:$0x1FD10]  }
0x1b0: {  	v21 =	vadd.f32 v25, v21;
	v8 =	vadd.f32 v8, v17;
	_ =	sdelay $0x1  }
0x1b1: {  	v13 =	vadd.f32 v40, v13;
	v21 =	vadd.f32 v38, v21;
	(xrf2) =	vadd.scan.msk.f32 $0xffff, v8;
	v8 =	vld [tilespmem:s26+$0xFFFFFC60];
	_ =	sdelay $0x1  }
0x1b2: {  	v13 =	vadd.f32 v37, v13;
	v37 =	vmul.f32 v14, v3;
	v14 =	vadd.f32 v9, v21;
	v9 =	vld [tilespmem:$0x1FD20];
	_ =	sdelay $0x2  }
0x1b3: {  	v41 =	vmul.f32 v8, v2;
	v8 =	vld [tilespmem:$0x1FD00];
	_ =	sdelay $0x1  }
0x1b4: {  	v12 =	vadd.f32 v9, v12;
	v9 =	vld [tilespmem:$0x1FD30];
	_ =	sdelay $0x2  }
0x1b5: {  	v56 =	vld [tilespmem:s26+$0xB0];
	v8 =	vadd.f32 v8, v13;
	_ =	sdelay $0x1  }
0x1b6: {  	v8 =	vadd.f32 v9, v8;
	v9 =	vld [tilespmem:$0x1FD40]  }
0x1b7: {  	v22 =	vld [tilespmem:s30+$0x17CA0];
	_ =	sdelay $0x1  }
0x1b8: {  	v35 =	vmul.f32 v56, v5;
	v56 =	vld [tilespmem:s26+$0xFFFFFF90]  }
0x1b9: {  	v24 =	vld [tilespmem:s26+$0xFFFFFC70]  }
0x1ba: {  	v14 =	vadd.f32 v9, v14;
	v9 =	vld [tilespmem:$0x1FD50]  }
0x1bb: {  	v17 =	vmul.f32 v22, v6;
	v22 =	vld [tilespmem:s26+$0xA0];
	_ =	sdelay $0x1  }
0x1bc: {  	v23 =	vld [tilespmem:s26+$0xFFFFFF40]  }
0x1bd: {  	v56 =	vmul.f32 v56, v39;
	v39 =	vmul.f32 v24, v59;
	v24 =	vld [tilespmem:s26+$0xFFFFFB70];
	(xrf2) =	vadd.scan.msk.f32 $0xffff, v1  }
0x1be: {  	(xrf2) =	vadd.scan.msk.f32 $0xffff, v18;
	v8 =	vadd.f32 v9, v8;
	v9 =	vld [tilespmem:$0x1FD60]  }
0x1bf: {  	v22 =	vmul.f32 v22, v6;
	v13 =	vadd.f32 v17, v54;
	(xrf2) =	vadd.scan.msk.f32 $0xffff, v12  }
0x1c0: {  	v21, _, _ =	vpop (xrf2);
	(xrf2) =	vadd.scan.msk.f32 $0xffff, v8;
	v8 =	vld [tilespmem:$0x1FD90]  }
0x1c1: {  	v20 =	vmul.f32 v23, v4;
	v23 =	vld [tilespmem:s26+$0xFFFFFDD0];
	v22 =	vadd.f32 v22, v28;
	v10 =	vadd.f32 v42, v13  }
0x1c2: {  	v45 =	vmul.f32 v24, v59;
	v24 =	vld [tilespmem:s26+$0xFFFFFFA0]  }
0x1c3: {  	v10 =	vadd.f32 v9, v10;
	v9 =	vadd.f32 v35, v22;
	v22 =	vld [tilespmem:$0x1FD70]  }
0x1c4: {  	v13 =	vld [tilespmem:s26+$0xFFFFFCD0]  }
0x1c5: {  	v9 =	vadd.f32 v8, v9;
	v8 =	vld [tilespmem:$0x1FDA0]  }
0x1c6: {  	v1 =	vld [tilespmem:s26+$0xFFFFFF30]  }
0x1c7: {  	v18 =	vld [tilespmem:s26+$0xFFFFFF20]  }
0x1c8: {  	v14 =	vadd.f32 v22, v14;
	v22 =	vld [tilespmem:$0x1FD80]  }
0x1c9: {  	v12 =	vld [tilespmem:s26+$0xFFFFFDC0]  }
0x1ca: {  	v14 =	vadd.f32 v8, v14;
	v8 =	vmul.f32 v13, v3;
	v13 =	vld [tilespmem:$0x1FDB0]  }
0x1cb: {  	v7 =	vmul.f32 v23, v3;
	v23 =	vld [tilespmem:s26+$0xFFFFFE40];
	_ =	sdelay $0x1  }
0x1cc: {  	v60 =	vld [tilespmem:$0x1FC00];
	v18 =	vmul.f32 v18, v6;
	v10 =	vadd.f32 v22, v10  }
0x1cd: {  	v16 =	vld [tilespmem:s26+$0xFFFFFFB0];
	v1 =	vmul.f32 v1, v5  }
0x1ce: {  	v10 =	vadd.f32 v13, v10;
	v13 =	vmul.f32 v12, v4;
	v12 =	vadd.f32 v18, v49;
	v18 =	vld [tilespmem:$0x1FDC0]  }
0x1cf: {  	v19 =	vadd.f32 v19, v26;
	v26 =	vmul.f32 v23, v4;
	v23 =	vmul.f32 v24, v6;
	v24 =	vld [tilespmem:s26+$0xFFFFFE20]  }
0x1d0: {  	v1 =	vadd.f32 v1, v12;
	v12 =	vld [tilespmem:$0x1FDE0]  }
0x1d1: {  	[tilespmem:$0x1FE80] =	vst v15;
	v15 =	vadd.f32 v56, v53;
	v25 =	vld [tilespmem:s26+$0xFFFFFB60]  }
0x1d2: {  	v17 =	vld [tilespmem:s26+$0xFFFFFBE0]  }
0x1d3: {  	v15 =	vadd.f32 v23, v15;
	v23 =	vld [tilespmem:s26+$0xFFFFFDA0];
	v9 =	vadd.f32 v18, v9  }
0x1d4: {  	v16 =	vmul.f32 v16, v5;
	v54 =	vmul.f32 v24, v6;
	v24 =	vld [tilespmem:$0x1FDD0]  }
0x1d5: {  	v9 =	vadd.f32 v12, v9;
	v12 =	vld [tilespmem:$0x1FDF0]  }
0x1d6: {  	v15 =	vadd.f32 v16, v15;
	v16 =	vld [tilespmem:s26+$0xFFFFFB50]  }
0x1d7: {  	v22 =	vld [tilespmem:s26+$0xFFFFFE30]  }
0x1d8: {  	v15 =	vadd.f32 v44, v15;
	v35 =	vmul.f32 v17, v2;
	v17 =	vld [tilespmem:s26+$0xFFFFFC50]  }
0x1d9: {  	v50, _, _ =	vpop (xrf2);
	(xrf2) =	vadd.scan.msk.f32 $0xffff, v14;
	v14 =	vld [tilespmem:s26+$0xFFFFFDB0]  }
0x1da: {  	v24 =	vadd.f32 v24, v10;
	v56 =	vadd.f32 v12, v15;
	v12 =	vld [tilespmem:$0x1FE00]  }
0x1db: {  	v32 =	vld [tilespmem:$0x1FE20];
	v42 =	vmul.f32 v25, v2  }
0x1dc: {  	v28 =	vld [tilespmem:s26+$0xFFFFFBD0];
	v11 =	vadd.f32 v54, v11;
	v25, _, _ =	vpop (xrf2);
	v22 =	vmul.f32 v22, v5;
	(xrf2) =	vadd.scan.msk.f32 $0xffff, v24;
	v24 =	vmul.f32 v23, v6  }
0x1dd: {  	v10 =	vmul.f32 v17, v3;
	v17 =	vld [tilespmem:s26+$0xFFFFFCA0]  }
0x1de: {  	v14 =	vmul.f32 v14, v5;
	v11 =	vadd.f32 v22, v11;
	v22 =	vadd.f32 v24, v46;
	v24 =	vld [tilespmem:$0x1FE30]  }
0x1df: {  	v9 =	vadd.f32 v12, v9;
	v12 =	vmul.f32 v16, v3;
	v16 =	vld [tilespmem:$0x1FE10]  }
0x1e0: {  	v44 =	vadd.f32 v14, v22;
	v14 =	vld [tilespmem:$0x1FE50]  }
0x1e1: {  	p0 =	sne.s32 s29, $0x1E00;
	v18, _, _ =	vpop (xrf2);
	(xrf2) =	vadd.scan.msk.f32 $0xffff, v9;
	v9 =	vld [tilespmem:$0x1FE40]  }
.Ltmp0:
0x1e2: {  	v40 =	vld [tilespmem:s26+$0xFFFFFB20];
	v1 =	vadd.f32 v20, v1;
	(pc) =	sbr.rel @p0 .LBB2_3-.Ltmp0, $4  }
0x1e3: {  	v38 =	vld [tilespmem:s26+$0xFFFFFC30]  }
0x1e4: {  	v23 =	vld [tilespmem:s26+$0xFFFFFC20];
	v1 =	vadd.f32 v24, v1;
	v16 =	vadd.f32 v16, v56  }
0x1e5: {  	v20 =	vld [tilespmem:s26+$0xFFFFFCC0];
	v48 =	vmul.f32 v17, v6;
	v43 =	vadd.f32 v26, v11  }
0x1e6: {  	s29 =	sadd.s32 $0x200, s29;
	v51, _, _ =	vpop (xrf2);
	v15 =	vld [tilespmem:s26+$0xFFFFFCB0];
	v46 =	vadd.f32 v14, v1;
	v11 =	vadd.f32 v9, v16;
	v9 =	vmul.f32 v28, v3  }
0x1e7: {  	_ =	sdelay $0x3  }
0x1e8: {  	v14 =	vadd.f32 v48, v34;
	v15 =	vmul.f32 v15, v5  }
0x1e9: {  	v16 =	vld [tilespmem:s26+$0xFFFFFB30]  }
0x1ea: {  	v13 =	vadd.f32 v13, v44;
	v14 =	vadd.f32 v15, v14;
	v15 =	vmul.f32 v20, v4  }
0x1eb: {  	v20 =	vld [tilespmem:s26+$0xFFFFFB40]  }
0x1ec: {  	v7 =	vadd.f32 v7, v13;
	v13 =	vmul.f32 v40, v6;
	v14 =	vadd.f32 v15, v14;
	v15 =	vld [tilespmem:$0x1FF70]  }
0x1ed: {  	v1 =	vld [tilespmem:s26+$0xFFFFFC40];
	v0 =	vadd.f32 v0, v43;
	v17 =	vmul.f32 v23, v6  }
0x1ee: {  	v23 =	vld [tilespmem:s26+$0xFFFFFBA0];
	v13 =	vadd.f32 v13, v27;
	v16 =	vmul.f32 v16, v5  }
0x1ef: {  	v22 =	vld [tilespmem:$0x1FF00];
	v24 =	vmul.f32 v38, v5;
	v0 =	vadd.f32 v33, v0;
	v17 =	vadd.f32 v17, v30  }
0x1f0: {  	v26 =	vld [tilespmem:s26+$0xFFFFFBB0];
	v13 =	vadd.f32 v16, v13;
	v16 =	vmul.f32 v20, v4  }
0x1f1: {  	v0 =	vadd.f32 v15, v0;
	v15 =	vadd.f32 v24, v17;
	v17 =	vld [tilespmem:s26+$0xFFFFFD20]  }
0x1f2: {  	v1 =	vmul.f32 v1, v4;
	v13 =	vadd.f32 v16, v13;
	v16 =	vld [tilespmem:$0x1FFC0]  }
0x1f3: {  	v8 =	vadd.f32 v8, v14;
	v14 =	vmul.f32 v23, v6;
	v23 =	vld [tilespmem:$0x1FFB0]  }
0x1f4: {  	v1 =	vadd.f32 v1, v15;
	v15 =	vld [tilespmem:s26+$0xFFFFFD30]  }
0x1f5: {  	v8 =	vadd.f32 v47, v8;
	v24 =	vld [tilespmem:s26+$0xFFFFFBC0]  }
0x1f6: {  	v7 =	vadd.f32 v32, v7;
	v1 =	vadd.f32 v10, v1;
	v10 =	vld [tilespmem:s26+$0xFFFFFD40]  }
0x1f7: {  	v8 =	vadd.f32 v16, v8;
	v16 =	vmul.f32 v17, v6  }
0x1f8: {  	v20 =	vld [tilespmem:s26+$0xFFFFFEA0];
	v14 =	vadd.f32 v14, v58;
	v7 =	vadd.f32 v23, v7;
	v23 =	vmul.f32 v26, v5  }
0x1f9: {  	v12 =	vadd.f32 v12, v13;
	v13 =	vadd.f32 v16, v19;
	v15 =	vmul.f32 v15, v5  }
0x1fa: {  	v22 =	vadd.f32 v22, v46;
	v14 =	vadd.f32 v23, v14;
	v17 =	vld [tilespmem:s26+$0xFFFFFEB0];
	v23 =	vmul.f32 v24, v4  }
0x1fb: {  	(xrf2) =	vadd.scan.msk.f32 $0xffff, v11;
	v11 =	vadd.f32 v42, v12;
	v24 =	vld [tilespmem:s26+$0x20];
	v12 =	vadd.f32 v15, v13;
	v10 =	vmul.f32 v10, v4  }
0x1fc: {  	(xrf2) =	vadd.scan.msk.f32 $0xffff, v22;
	v16 =	vld [tilespmem:s26+$0xFFFFFEC0];
	v14 =	vadd.f32 v23, v14  }
0x1fd: {  	(xrf2) =	vadd.scan.msk.f32 $0xffff, v0;
	v19 =	vmul.f32 v20, v6;
	v20 =	vld [tilespmem:s26+$0x30];
	v10 =	vadd.f32 v10, v12  }
0x1fe: {  	(xrf2) =	vadd.scan.msk.f32 $0xffff, v7;
	v1 =	vadd.f32 v41, v1;
	v13 =	vld [tilespmem:s26+$0x320];
	v9 =	vadd.f32 v9, v14  }
0x1ff: {  	(xrf2) =	vadd.scan.msk.f32 $0xffff, v8;
	v14 =	vadd.f32 v19, v52;
	v15 =	vmul.f32 v17, v5;
	v8 =	vadd.f32 v37, v10;
	v10 =	vld [tilespmem:$0x1FE80]  }
0x200: {  	v1 =	vadd.f32 v39, v1;
	v17 =	vld [tilespmem:s26+$0x40]  }
0x201: {  	v7 =	vadd.f32 v35, v9;
	v9 =	vadd.f32 v15, v14;
	v14 =	vmul.f32 v16, v4;
	v15 =	vld [tilespmem:s26+$0x4A0]  }
0x202: {  	v0 =	vadd.f32 v45, v11;
	v11 =	vmul.f32 v24, v6;
	v12 =	vld [tilespmem:s26+$0x330]  }
0x203: {  	(xrf2) =	vadd.scan.msk.f32 $0xffff, v1;
	v1 =	vadd.f32 v36, v7;
	v7 =	vadd.f32 v14, v9;
	v9 =	vmul.f32 v13, v6;
	v13 =	vld [tilespmem:s26+$0x4B0]  }
0x204: {  	v10 =	vadd.f32 v11, v10;
	v11 =	vmul.f32 v20, v5  }
0x205: {  	(xrf2) =	vadd.scan.msk.f32 $0xffff, v0;
	v0 =	vadd.f32 v31, v8  }
0x206: {  	v6 =	vmul.f32 v15, v6;
	v8 =	vadd.f32 v11, v10;
	v10 =	vmul.f32 v17, v4;
	v17 =	vld [tilespmem:$0x1FE70]  }
0x207: {  	v16 =	vld [tilespmem:s26+$0x340]  }
0x208: {  	v12 =	vmul.f32 v12, v5;
	v20 =	vld [tilespmem:$0x1FFA0];
	v6 =	vadd.f32 v6, v63;
	v5 =	vmul.f32 v13, v5  }
0x209: {  	v7 =	vadd.f32 v62, v7;
	v11 =	vld [tilespmem:s26+$0x350]  }
0x20a: {  	v0 =	vadd.f32 v57, v0;
	v5 =	vadd.f32 v5, v6;
	v6 =	vld [tilespmem:s26+$0x4F0]  }
0x20b: {  	v14, _, _ =	vpop (xrf2);
	(xrf2) =	vadd.scan.msk.f32 $0xffff, v1;
	v8 =	vadd.f32 v10, v8;
	v9 =	vadd.f32 v9, v17;
	v17 =	vld [tilespmem:s26+$0x4C0]  }
0x20c: {  	v1, _, _ =	vpop (xrf2);
	v7 =	vadd.f32 v55, v7;
	v10 =	vld [tilespmem:s26+$0x360]  }
0x20d: {  	v15, _, _ =	vpop (xrf2);
	v8 =	vadd.f32 v20, v8;
	v9 =	vadd.f32 v12, v9;
	v12 =	vmul.f32 v16, v4;
	v16 =	vld [tilespmem:s26+$0x4D0]  }
0x20e: {  	v19, _, _ =	vpop (xrf2);
	(xrf2) =	vadd.scan.msk.f32 $0xffff, v0;
	v7 =	vadd.f32 v29, v7;
	v20 =	vld [tilespmem:s26+$0x370]  }
0x20f: {  	v0, _, _ =	vpop (xrf2);
	v11 =	vmul.f32 v11, v3;
	v8 =	vadd.f32 v61, v8;
	v9 =	vadd.f32 v12, v9;
	v12 =	vld [tilespmem:s26+$0x4E0]  }
0x210: {  	v13, _, _ =	vpop (xrf2);
	v4 =	vmul.f32 v17, v4  }
0x211: {  	v10 =	vmul.f32 v10, v2;
	v8 =	vadd.f32 v60, v8;
	v17, _, _ =	vpop (xrf2);
	v9 =	vadd.f32 v11, v9  }
0x212: {  	(xrf2) =	vadd.scan.msk.f32 $0xffff, v7;
	v7, _, _ =	vpop (xrf2);
	v4 =	vadd.f32 v4, v5;
	v3 =	vmul.f32 v16, v3  }
0x213: {  	v5, _, _ =	vpop (xrf2);
	v9 =	vadd.f32 v10, v9;
	v10 =	vmul.f32 v20, v59  }
0x214: {  	v6 =	vmul.f32 v6, v59;
	v11, _, _ =	vpop (xrf2);
	v3 =	vadd.f32 v3, v4;
	v2 =	vmul.f32 v12, v2  }
0x215: {  	(xrf2) =	vadd.scan.msk.f32 $0xffff, v8;
	v8, _, _ =	vpop (xrf2);
	v4 =	vadd.f32 v10, v9  }
0x216: {  	v9 =	vbroadcast v11, $0xF;
	v8 =	vbroadcast v8, $0xF;
	v2 =	vadd.f32 v2, v3  }
0x217: {  	v3 =	vbroadcast v5, $0xF  }
0x218: {  	(xrf2) =	vadd.scan.msk.f32 $0xffff, v4;
	v4 =	vsel vm0, v9, v8;
	v2 =	vadd.f32 v6, v2;
	v6, _, _ =	vpop (xrf2)  }
0x219: {  	v3 =	vsel vm2, v4, v3;
	v4 =	vbroadcast v6, $0xF  }
0x21a: {  	v5 =	vbroadcast v7, $0xF;
	_ =	sdelay $0x1  }
0x21b: {  	v3 =	vsel vm4, v3, v5  }
0x21c: {  	(xrf2) =	vadd.scan.msk.f32 $0xffff, v2;
	v2 =	vsel vm3, v3, v4;
	v4, _, _ =	vpop (xrf2)  }
0x21d: {  	v5 =	vbroadcast v17, $0xF;
	v4 =	vbroadcast v4, $0xF  }
0x21e: {  	v3 =	vbroadcast v13, $0xF  }
0x21f: {  	v2 =	vsel vm5, v2, v5  }
0x220: {  	v0 =	vbroadcast v0, $0xF;
	v2 =	vsel vm6, v2, v3  }
0x221: {  	v3 =	vbroadcast v19, $0xF;
	v2 =	vsel vm7, v2, v4;
	v4, _, _ =	vpop (xrf2)  }
0x222: {  	v0 =	vsel vm8, v2, v0;
	v2 =	vbroadcast v4, $0xF  }
0x223: {  	v0 =	vsel vm9, v0, v3;
	v3 =	vbroadcast v15, $0xF  }
0x224: {  	v0 =	vsel vm10, v0, v2;
	v2 =	vbroadcast v14, $0xF  }
0x225: {  	v0 =	vsel vm11, v0, v3;
	v3 =	vbroadcast v51, $0xF  }
0x226: {  	v4 =	vbroadcast v25, $0xF;
	v0 =	vsel vm12, v0, v2  }
0x227: {  	v0 =	vsel vm13, v0, v3  }
0x228: {  	v5, _, _ =	vpop (xrf2);
	v0 =	vsel vm1, v0, v4;
	v4 =	vld [tilespmem:$0x1FFF0]  }
0x229: {  	v1 =	vbroadcast v1, $0xF;
	v5 =	vbroadcast v5, $0xF  }
0x22a: {  	vm15 =	vcmask $0x1310  }
0x22b: {  	v1 =	vnsel vm15, $0x0, v1;
	v2 =	vbroadcast v18, $0xF  }
0x22c: {  	vm15 =	vcmask $0x310;
	v1 =	vsel vm14, v1, v5  }
0x22d: {  	v3 =	vbroadcast v50, $0xF;
	v5, _, _ =	vpop (xrf2);
	v1 =	vsel vm15, v1, v2;
	vm15 =	vnez.u8 v4  }
0x22e: {  	v2 =	vbroadcast v5, $0xF;
	v0 =	vsel vm15, v0, v21;
	vm15 =	vcmask $0x710  }
0x22f: {  	v1 =	vsel vm15, v1, v3;
	vm15 =	vcmask $0xB10  }
0x230: {  	v30 =	vsub.f32 $0.0e+00, v0;
	v21 =	vsel vm15, v1, v2  }
0x231: {  	v22 =	vsub.f32 $0.0e+00, v21;
	v0 =	vand.u32 $0x7FFFFFFF, v21  }
0x232: {  	v1 =	vand.u32 $0x7FFFFFFF, v30;
	v0 =	vsub.f32 $0.0e+00, v0  }
0x233: {  	v1 =	vsub.f32 $0.0e+00, v1;
	v2 =	vand.u32 $0x7FFFFFFF, v22  }
0x234: {  	v2 =	vsub.f32 $0.0e+00, v2;
	v0 =	vmul.f32 $1.442695020e+00, v0  }
0x235: {  	v1 =	vmul.f32 $1.442695020e+00, v1  }
0x236: {  	v2 =	vmul.f32 $1.442695020e+00, v2;
	(erf) = vpow2.f32 v0  }
0x237: {  	(erf) = vpow2.f32 v1  }
0x238: {  	(erf) = vpow2.f32 v2;
	_ =	sdelay $0x6  }
0x239: {  	v5 =	vpop (erf)  }
0x23a: {  	v0 =	vadd.f32 $2.000000000e+00, v5;
	v6 =	vpop (erf)  }
0x23b: {  	v1 =	vadd.f32 $2.000000000e+00, v6;
	v46 =	vpop (erf)  }
0x23c: {  	v2 =	vadd.f32 $2.000000000e+00, v46;
	(erf) = vrcp.f32 v0  }
0x23d: {  	(erf) = vrcp.f32 v1  }
0x23e: {  	(erf) = vrcp.f32 v2  }
0x23f: {  	p0 =	seq.s32 s25, $0xF  }
0x240: {  	s26 =	sadd.s32 @!p0 $0x2, s28  }
0x241: {  	s30 =	simm.s32 @!p0 $0x10;
	s28 =	sshll.u32 @!p0 s26, $0x4  }
0x242: {  	s31 =	simm.s32 @!p0 $0x0;
	s26 =	smul.u32 @!p0 $0x500, s26;
	s29 =	sadd.s32 @!p0 $0x1000, s28  }
0x243: {  	[tilespmem:s31], [sflag:$0x1] =	stream.indirect.gather @!p0 [hbm4b:s1+s30], $0x80, s29, s30, $0xb8;
	[tilespmem:$0x18C80] =	vst v63  }
0x244: {  	s28 =	sadd.s32 @!p0 $0x3A00, s28;
	s29 =	simm.s32 @!p0 $0x17C80;
	s26 =	sshra.s32 @!p0 s26, $0x2  }
0x245: {  	[tilespmem:s29], [sflag:$0x1] =	stream.indirect.gather @!p0 [hbm4b:s2+s30], $0x80, s28, s30, $0xb8;
	v50 =	vpop (erf);
	[tilespmem:$0x18C80] =	vst v63  }
0x246: {  	s26 =	sadd.s32 @!p0 $0x1200, s26;
	s28 =	simm.s32 @!p0 $0x140;
	s29 =	simm.s32 @!p0 $0x3C00;
	v52 =	vpop (erf)  }
0x247: {  	[tilespmem:s29], [sflag:$0x1] =	stream.indirect.gather @!p0 [hbm4b:s2+s28], $0x80, s26, s28, $0xb8;
	v54 =	vpop (erf);
	[tilespmem:$0x18C80] =	vst v63  }
0x248: {  	_ =	swait.ge [sflag:s22], $0x800  }
0x249: {  	[sflag:s22] =	ssyncset.done $0x0  }
0x24a: {  	[sflag:s22] =	ssyncadd.s32 $0xFFFFF800  }
0x24b: {  	_ =	swait.ge [sflag:s22], $0x800  }
0x24c: {  	[sflag:s22] =	ssyncset.done $0x0  }
0x24d: {  	[sflag:s22] =	ssyncadd.s32 $0xFFFFF800  }
0x24e: {  	_ =	swait.ge [sflag:s22], $0xA000  }
0x24f: {  	[sflag:s22] =	ssyncset.done $0x0  }
0x250: {  	s26 =	simm.s32 $0x0;
	[sflag:s22] =	ssyncadd.s32 $0xFFFF6000  }
0x251: {  	v0 =	vld [tilespmem:s26+$0xE2F0];
	_ =	sdelay $0x3  }
0x252: {  	s28 =	simm.s32 $0x184F0  }
0x253: {  	[tilespmem:$0x1FA50] =	vst v0;
	v0 =	vld [tilespmem:s28+$0x0];
	_ =	sdelay $0x4  }
0x254: {  	[tilespmem:$0x1FA60] =	vst v0;
	v0 =	vld [tilespmem:s26+$0xE2E0];
	_ =	sdelay $0x4  }
0x255: {  	[tilespmem:$0x1FA70] =	vst v0;
	v0 =	vld [tilespmem:s28+$0xFFFFFFF0];
	_ =	sdelay $0x4  }
0x256: {  	[tilespmem:$0x1FA80] =	vst v0;
	v0 =	vld [tilespmem:s26+$0xE170];
	_ =	sdelay $0x4  }
0x257: {  	[tilespmem:$0x1FA90] =	vst v0;
	v0 =	vld [tilespmem:s26+$0xE260];
	_ =	sdelay $0x4  }
0x258: {  	[tilespmem:$0x1FAA0] =	vst v0;
	v0 =	vld [tilespmem:s26+$0xE0F0];
	_ =	sdelay $0x4  }
0x259: {  	[tilespmem:$0x1FAB0] =	vst v0;
	v0 =	vld [tilespmem:s26+$0xE1E0];
	_ =	sdelay $0x4  }
0x25a: {  	[tilespmem:$0x1FAC0] =	vst v0;
	v0 =	vld [tilespmem:s26+$0xE070];
	_ =	sdelay $0x4  }
0x25b: {  	[tilespmem:$0x1FAD0] =	vst v0;
	v0 =	vld [tilespmem:s26+$0xE160];
	_ =	sdelay $0x4  }
0x25c: {  	[tilespmem:$0x1FAE0] =	vst v0;
	v0 =	vld [tilespmem:s26+$0xE250];
	_ =	sdelay $0x4  }
0x25d: {  	[tilespmem:$0x1FAF0] =	vst v0;
	v0 =	vld [tilespmem:s26+$0xDFF0];
	_ =	sdelay $0x2  }
0x25e: {  	v45 =	vld [tilespmem:s26+$0xE3F0]  }
0x25f: {  	v48 =	vld [tilespmem:s26+$0xE3E0]  }
0x260: {  	[tilespmem:$0x1FB00] =	vst v0;
	v0 =	vld [tilespmem:s26+$0xE0E0]  }
0x261: {  	v24 =	vld [tilespmem:s26+$0xE3D0]  }
0x262: {  	v31 =	vld [tilespmem:s26+$0xE560]  }
0x263: {  	v28 =	vld [tilespmem:s26+$0xE3C0]  }
0x264: {  	v26 =	vld [tilespmem:s26+$0xE550]  }
0x265: {  	[tilespmem:$0x1FB20] =	vst v0;
	v0 =	vld [tilespmem:s26+$0xE1D0]  }
0x266: {  	v23 =	vld [tilespmem:s26+$0xE3B0]  }
0x267: {  	v53 =	vld [tilespmem:s26+$0xE540]  }
0x268: {  	v51 =	vld [tilespmem:s26+$0xE340]  }
0x269: {  	v56 =	vld [tilespmem:s26+$0xE3A0]  }
0x26a: {  	[tilespmem:$0x1FB30] =	vst v0;
	v0 =	vld [tilespmem:s26+$0xDF70]  }
0x26b: {  	s29 =	simm.s32 $0x870;
	v55 =	vld [tilespmem:s26+$0xE530]  }
0x26c: {  	v3 =	vld [tilespmem:s29+$0xFFFFFFE0]  }
0x26d: {  	v4 =	vld [tilespmem:s29+$0xFFFFFFD0]  }
0x26e: {  	v58 =	vld [tilespmem:s26+$0xE380]  }
0x26f: {  	[tilespmem:$0x1FB40] =	vst v0;
	v0 =	vld [tilespmem:s26+$0xE060]  }
0x270: {  	v59 =	vld [tilespmem:s26+$0xE390]  }
0x271: {  	v34 =	vld [tilespmem:s26+$0xE520]  }
0x272: {  	v1 =	vmul.f32 v50, v5;
	v5 =	vld [tilespmem:s29+$0xFFFFFFC0]  }
0x273: {  	v52 =	vmul.f32 v52, v6;
	v46 =	vmul.f32 v54, v46;
	v54 =	vld [tilespmem:s26+$0xE580]  }
0x274: {  	v62 =	vmul.f32 v1, v1;
	[tilespmem:$0x1FB60] =	vst v0;
	v0 =	vld [tilespmem:s26+$0xE150]  }
0x275: {  	v15 =	vmul.f32 v52, v52;
	v63 =	vld [tilespmem:s26+$0xE590]  }
0x276: {  	v60 =	vmul.f32 $2.222222240e-01, v62;
	v6 =	vld [tilespmem:s29+$0xFFFFFFB0]  }
0x277: {  	v50 =	vmul.f32 $2.222222240e-01, v15;
	v17 =	vld [tilespmem:s26+$0xE500]  }
0x278: {  	v57 =	vadd.f32 $2.857142980e-01, v60;
	v16 =	vld [tilespmem:s26+$0xE510]  }
0x279: {  	v50 =	vadd.f32 $2.857142980e-01, v50;
	v20 =	vld [tilespmem:s26+$0xE300];
	[tilespmem:$0x1FB70] =	vst v0;
	v0 =	vmul.f32 v46, v46  }
0x27a: {  	v8 =	vmul.f32 v57, v62;
	v19 =	vld [tilespmem:s26+$0xE310]  }
0x27b: {  	v50 =	vmul.f32 v50, v15;
	v18 =	vld [tilespmem:s26+$0xE480];
	v7 =	vmul.f32 $2.222222240e-01, v0  }
0x27c: {  	v8 =	vadd.f32 $4.000000060e-01, v8;
	v57 =	vld [tilespmem:s29+$0xFFFFFF90]  }
0x27d: {  	v9 =	vadd.f32 $4.000000060e-01, v50;
	v50 =	vld [tilespmem:s29+$0xFFFFFFA0];
	v7 =	vadd.f32 $2.857142980e-01, v7  }
0x27e: {  	v11 =	vld [tilespmem:s28+$0xFFFFFF90];
	v8 =	vmul.f32 v8, v62  }
0x27f: {  	v10 =	vld [tilespmem:s28+$0xFFFFFFA0];
	v7 =	vmul.f32 v7, v0  }
0x280: {  	v13 =	vld [tilespmem:s26+$0xE280];
	v9 =	vmul.f32 v9, v15;
	v8 =	vadd.f32 $6.666666860e-01, v8  }
0x281: {  	v60 =	vld [tilespmem:s26+$0xE400];
	v7 =	vadd.f32 $4.000000060e-01, v7  }
0x282: {  	v14 =	vld [tilespmem:s26+$0xE490];
	v9 =	vadd.f32 $6.666666860e-01, v9;
	v8 =	vmul.f32 v8, v62  }
0x283: {  	v12 =	vld [tilespmem:s26+$0xE290];
	v11 =	vmul.f32 v11, v57;
	v7 =	vmul.f32 v7, v0  }
0x284: {  	v62 =	vld [tilespmem:s26+$0xE200];
	v10 =	vmul.f32 v10, v50;
	v9 =	vmul.f32 v9, v15  }
0x285: {  	v13 =	vmul.f32 v13, v57;
	v15 =	vld [tilespmem:s26+$0xE410];
	v8 =	vadd.f32 $2.000000000e+00, v8;
	v7 =	vadd.f32 $6.666666860e-01, v7  }
0x286: {  	v10 =	vadd.f32 v10, v11;
	v11 =	vmul.f32 v60, v57;
	v60 =	vld [tilespmem:s26+$0xDE90];
	v9 =	vadd.f32 $2.000000000e+00, v9  }
0x287: {  	v8 =	vmul.f32 v8, v1;
	v1 =	vld [tilespmem:$0x1FE60];
	v0 =	vmul.f32 v7, v0  }
0x288: {  	v12 =	vmul.f32 v12, v50;
	v9 =	vmul.f32 v9, v52;
	v52 =	vld [tilespmem:s26+$0xE180]  }
0x289: {  	v30 =	vmin.f32 v30, $0.0e+00;
	v21 =	vmin.f32 v21, $0.0e+00;
	v7 =	vld [tilespmem:s26+$0xE210];
	v0 =	vadd.f32 $2.000000000e+00, v0  }
0x28a: {  	v12 =	vadd.f32 v12, v13;
	v13 =	vmul.f32 v62, v57;
	v62 =	vld [tilespmem:s26+$0xDE10];
	v8 =	vsub.f32 v21, v8  }
0x28b: {  	v21 =	vmin.f32 v22, $0.0e+00;
	v22 =	vld [tilespmem:s26+$0xE100];
	v9 =	vsub.f32 v30, v9;
	v0 =	vmul.f32 v0, v46  }
0x28c: {  	vm15 =	vcmask $0x3F14;
	v30 =	vmul.f32 v56, v6;
	v56 =	vld [tilespmem:s26+$0xE080]  }
0x28d: {  	v63 =	vmul.f32 v63, v50;
	v9 =	vadd.f32 v9, v1;
	v1 =	vld [tilespmem:s26+$0xDE80];
	v0 =	vsub.f32 v21, v0  }
0x28e: {  	v19 =	vmul.f32 v19, v50;
	v8 =	vsel vm15, $0x0, v8;
	v46 =	vld [tilespmem:s26+$0xE190];
	v7 =	vmul.f32 v7, v50  }
0x28f: {  	v14 =	vmul.f32 v14, v50;
	v15 =	vmul.f32 v15, v50;
	v21 =	vld [tilespmem:s26+$0xE110];
	v0 =	vsel vm3, v0, v8  }
0x290: {  	v7 =	vadd.f32 v7, v13;
	v13 =	vmul.f32 v22, v57;
	v22 =	vld [tilespmem:s26+$0xDE00];
	v0 =	vadd.f32 v0, v9  }
0x291: {  	v11 =	vadd.f32 v15, v11;
	v8 =	vmul.f32 v58, v57;
	v58 =	vmul.f32 v59, v50;
	v59 =	vld [tilespmem:s26+$0xE090]  }
0x292: {  	v9 =	vmul.f32 v16, v50;
	v16 =	vld [tilespmem:s26+$0xE000];
	[tilespmem:$0x1FA40] =	vst v0;
	v0 =	vmul.f32 v17, v57  }
0x293: {  	[tilespmem:$0x1FBC0] =	vst v11;
	v11 =	vmul.f32 v52, v57;
	v8 =	vadd.f32 v58, v8;
	v58 =	vld [tilespmem:s26+$0xE010];
	v17 =	vmul.f32 v54, v57  }
0x294: {  	v21 =	vmul.f32 v21, v50;
	v0 =	vadd.f32 v9, v0;
	v9 =	vmul.f32 v20, v57;
	v20 =	vld [tilespmem:s26+$0xDF80]  }
0x295: {  	v15 =	vmul.f32 v46, v50;
	v63 =	vadd.f32 v63, v17;
	v17 =	vmul.f32 v18, v57;
	v18 =	vld [tilespmem:s26+$0xDF90]  }
0x296: {  	v25 =	vadd.f32 v21, v13;
	v9 =	vadd.f32 v19, v9;
	v19 =	vld [tilespmem:s26+$0xDF00]  }
0x297: {  	v13 =	vadd.f32 v15, v11;
	v15 =	vmul.f32 v59, v50;
	v14 =	vadd.f32 v14, v17;
	v17 =	vld [tilespmem:s26+$0xDF10]  }
0x298: {  	v59 =	vld [tilespmem:s26+$0xDD90];
	v16 =	vmul.f32 v16, v57;
	v21 =	vmul.f32 v58, v50  }
0x299: {  	v8 =	vadd.f32 v30, v8;
	v22 =	vmul.f32 v22, v57;
	v58 =	vld [tilespmem:s26+$0xDD80]  }
0x29a: {  	v30 =	vmul.f32 v62, v50;
	v11 =	vmul.f32 v56, v57;
	v27 =	vadd.f32 v21, v16;
	v21 =	vld [tilespmem:s26+$0xDC00]  }
0x29b: {  	v16 =	vmul.f32 v20, v57;
	v18 =	vmul.f32 v18, v50;
	v20 =	vld [tilespmem:s26+$0xDD00]  }
0x29c: {  	v46 =	vadd.f32 v15, v11;
	v11 =	vmul.f32 v19, v57;
	v15 =	vmul.f32 v17, v50;
	v17 =	vld [tilespmem:s26+$0xDD10]  }
0x29d: {  	v16 =	vadd.f32 v18, v16;
	v18 =	vmul.f32 v1, v57;
	v19 =	vmul.f32 v60, v50;
	v1 =	vld [tilespmem:s26+$0xDC10]  }
0x29e: {  	v54 =	vadd.f32 v30, v22;
	v62 =	vadd.f32 v15, v11;
	v11 =	vmul.f32 v23, v5;
	v15 =	vld [tilespmem:s26+$0xDC80]  }
0x29f: {  	v22 =	vmul.f32 v59, v50;
	v19 =	vadd.f32 v19, v18;
	v18 =	vmul.f32 v58, v57;
	v23 =	vld [tilespmem:s26+$0xE320]  }
0x2a0: {  	v60 =	vld [tilespmem:s26+$0xDC90];
	v8 =	vadd.f32 v11, v8;
	v11 =	vmul.f32 v28, v4;
	v28 =	vmul.f32 v34, v6  }
0x2a1: {  	v34 =	vadd.f32 v22, v18;
	v18 =	vmul.f32 v20, v57;
	v20 =	vld [tilespmem:s26+$0xE330];
	v17 =	vmul.f32 v17, v50  }
0x2a2: {  	v2 =	vld [tilespmem:s29+$0xFFFFFFF0];
	v21 =	vmul.f32 v21, v57;
	v22 =	vmul.f32 v1, v50;
	v0 =	vadd.f32 v28, v0  }
0x2a3: {  	v8 =	vadd.f32 v11, v8;
	v30 =	vadd.f32 v17, v18;
	v17 =	vmul.f32 v55, v5;
	v18 =	vld [tilespmem:s26+$0xE4A0]  }
0x2a4: {  	v61 =	vld [tilespmem:s29+$0x0];
	v15 =	vmul.f32 v15, v57;
	v56 =	vadd.f32 v22, v21;
	v11 =	vmul.f32 v23, v6  }
0x2a5: {  	v59 =	vld [tilespmem:s26+$0xE4B0];
	v22 =	vmul.f32 v60, v50;
	v0 =	vadd.f32 v17, v0;
	v17 =	vmul.f32 v24, v3  }
0x2a6: {  	v47 =	vld [tilespmem:s26+$0xE350];
	v9 =	vadd.f32 v11, v9;
	v11 =	vmul.f32 v53, v4;
	v20 =	vmul.f32 v20, v5  }
0x2a7: {  	v60 =	vadd.f32 v22, v15;
	v15 =	vmul.f32 v48, v2;
	v8 =	vadd.f32 v17, v8;
	v17 =	vld [tilespmem:s26+$0xE2A0]  }
0x2a8: {  	v49 =	vld [tilespmem:s26+$0xE4C0];
	v0 =	vadd.f32 v11, v0;
	v9 =	vadd.f32 v20, v9;
	v11 =	vmul.f32 v18, v6  }
0x2a9: {  	v41 =	vld [tilespmem:s26+$0xE570];
	v20 =	vmul.f32 v51, v4;
	v8 =	vadd.f32 v15, v8;
	v15 =	vmul.f32 v26, v3  }
0x2aa: {  	v43 =	vld [tilespmem:s26+$0xE360];
	v23 =	vmul.f32 v59, v5;
	v11 =	vadd.f32 v11, v14;
	v14 =	vmul.f32 v45, v61  }
0x2ab: {  	v9 =	vadd.f32 v20, v9;
	v20 =	vld [tilespmem:s28+$0xFFFFFFB0];
	v0 =	vadd.f32 v15, v0;
	v15 =	vmul.f32 v31, v2  }
0x2ac: {  	v8 =	vadd.f32 v14, v8;
	v11 =	vadd.f32 v23, v11;
	v14 =	vmul.f32 v17, v6  }
0x2ad: {  	v37 =	vld [tilespmem:s26+$0xE370];
	v23 =	vmul.f32 v49, v4;
	v0 =	vadd.f32 v15, v0;
	v15 =	vmul.f32 v47, v3  }
0x2ae: {  	v12 =	vadd.f32 v14, v12;
	v14 =	vmul.f32 v41, v61  }
0x2af: {  	v11 =	vadd.f32 v23, v11;
	v23 =	vld [tilespmem:s26+$0xE220];
	v9 =	vadd.f32 v15, v9  }
0x2b0: {  	v15 =	vmul.f32 v43, v2;
	v0 =	vadd.f32 v14, v0;
	v14 =	vmul.f32 v20, v6  }
0x2b1: {  	v1 =	vld [tilespmem:$0x1FA50]  }
0x2b2: {  	v9 =	vadd.f32 v15, v9;
	v10 =	vadd.f32 v14, v10;
	v14 =	vmul.f32 v37, v61  }
0x2b3: {  	v44 =	vld [tilespmem:s26+$0xE4D0]  }
0x2b4: {  	v22 =	vld [tilespmem:s26+$0xE2B0];
	v9 =	vadd.f32 v14, v9;
	v14 =	vmul.f32 v23, v6  }
0x2b5: {  	v29 =	vld [tilespmem:s26+$0xE2C0]  }
0x2b6: {  	v7 =	vadd.f32 v14, v7;
	v14 =	vmul.f32 v1, v61;
	v1 =	vld [tilespmem:$0x1FA60]  }
0x2b7: {  	v39 =	vld [tilespmem:s26+$0xE4E0];
	_ =	sdelay $0x1  }
0x2b8: {  	v36 =	vld [tilespmem:s26+$0xE4F0];
	v22 =	vmul.f32 v22, v5  }
0x2b9: {  	v15 =	vmul.f32 v44, v3  }
0x2ba: {  	v12 =	vadd.f32 v22, v12;
	v22 =	vmul.f32 v29, v4;
	v29 =	vmul.f32 v1, v61;
	v1 =	vld [tilespmem:$0x1FA70]  }
0x2bb: {  	v11 =	vadd.f32 v15, v11;
	v15 =	vmul.f32 v39, v2;
	_ =	sdelay $0x1  }
0x2bc: {  	v40 =	vld [tilespmem:s26+$0xE2D0];
	v11 =	vadd.f32 v15, v11;
	v15 =	vmul.f32 v36, v61;
	_ =	sdelay $0x1  }
0x2bd: {  	v11 =	vadd.f32 v15, v11;
	v15 =	vmul.f32 v1, v2;
	v1 =	vld [tilespmem:$0x1FA80];
	_ =	sdelay $0x2  }
0x2be: {  	v12 =	vadd.f32 v22, v12;
	v22 =	vmul.f32 v40, v3;
	_ =	sdelay $0x1  }
0x2bf: {  	v12 =	vadd.f32 v22, v12;
	v22 =	vmul.f32 v1, v2;
	v1 =	vld [tilespmem:$0x1FA90]  }
0x2c0: {  	v32 =	vld [tilespmem:s26+$0xE270]  }
0x2c1: {  	v33 =	vld [tilespmem:s26+$0xE1F0]  }
0x2c2: {  	v35 =	vld [tilespmem:s28+$0xFFFFFFE0]  }
0x2c3: {  	v42 =	vld [tilespmem:s28+$0xFFFFFFD0]  }
0x2c4: {  	v58 =	vmul.f32 v1, v61;
	v1 =	vld [tilespmem:$0x1FAA0]  }
0x2c5: {  	v38 =	vld [tilespmem:s26+$0xE240]  }
0x2c6: {  	v52 =	vld [tilespmem:s26+$0xDE70]  }
0x2c7: {  	v21 =	vld [tilespmem:s26+$0xDEF0]  }
0x2c8: {  	v57 =	vld [tilespmem:s26+$0xDFE0]  }
0x2c9: {  	v12 =	vadd.f32 v15, v12;
	v15 =	vmul.f32 v1, v2;
	v1 =	vld [tilespmem:$0x1FAB0]  }
0x2ca: {  	v20 =	vld [tilespmem:s26+$0xE230]  }
0x2cb: {  	v50 =	vld [tilespmem:s26+$0xDCF0]  }
0x2cc: {  	v23 =	vld [tilespmem:s26+$0xE1A0]  }
0x2cd: {  	v53 =	vld [tilespmem:s26+$0xE0D0]  }
0x2ce: {  	v49 =	vmul.f32 v1, v61;
	v1 =	vld [tilespmem:$0x1FAC0]  }
0x2cf: {  	v24 =	vld [tilespmem:s28+$0xFFFFFFC0];
	v20 =	vmul.f32 v20, v5  }
0x2d0: {  	v48 =	vld [tilespmem:s26+$0xE040]  }
0x2d1: {  	v51 =	vld [tilespmem:s26+$0xDDF0];
	v7 =	vadd.f32 v20, v7;
	v20 =	vmul.f32 v23, v6  }
0x2d2: {  	v18 =	vld [tilespmem:s26+$0xE1C0]  }
0x2d3: {  	v13 =	vadd.f32 v20, v13;
	v20 =	vmul.f32 v38, v4;
	v38 =	vmul.f32 v1, v2;
	v1 =	vld [tilespmem:$0x1FAD0]  }
0x2d4: {  	v26 =	vld [tilespmem:s26+$0xDF60]  }
0x2d5: {  	v45 =	vld [tilespmem:s26+$0xDE60]  }
0x2d6: {  	v31 =	vld [tilespmem:s26+$0xE1B0]  }
0x2d7: {  	v17 =	vld [tilespmem:s26+$0xDED0]  }
0x2d8: {  	v28 =	vmul.f32 v1, v61;
	v1 =	vld [tilespmem:$0x1FAE0]  }
0x2d9: {  	v47 =	vld [tilespmem:s26+$0xDF50]  }
0x2da: {  	v41 =	vld [tilespmem:s26+$0xE050]  }
0x2db: {  	v24 =	vmul.f32 v24, v5;
	v43 =	vld [tilespmem:s26+$0xE0C0]  }
0x2dc: {  	v44 =	vmul.f32 v33, v61;
	v33 =	vmul.f32 v26, v2;
	v26 =	vld [tilespmem:s26+$0xDF20]  }
0x2dd: {  	v10 =	vadd.f32 v24, v10;
	v24 =	vmul.f32 v42, v4;
	v59 =	vmul.f32 v1, v2;
	v1 =	vld [tilespmem:$0x1FAF0]  }
0x2de: {  	v37 =	vld [tilespmem:s26+$0xDEE0]  }
0x2df: {  	v10 =	vadd.f32 v24, v10;
	v24 =	vld [tilespmem:s26+$0xE0A0]  }
0x2e0: {  	v40 =	vld [tilespmem:s26+$0xDD70];
	v7 =	vadd.f32 v20, v7;
	v20 =	vmul.f32 v31, v5  }
0x2e1: {  	v18 =	vmul.f32 v18, v4;
	v31 =	vld [tilespmem:s26+$0xE0B0]  }
0x2e2: {  	v13 =	vadd.f32 v20, v13;
	v12 =	vadd.f32 v14, v12;
	v14 =	vmul.f32 v1, v3;
	v1 =	vld [tilespmem:$0x1FB00]  }
0x2e3: {  	v20 =	vld [tilespmem:$0x1FB40]  }
0x2e4: {  	v39 =	vld [tilespmem:s26+$0xDFD0];
	v24 =	vmul.f32 v24, v6;
	v13 =	vadd.f32 v18, v13;
	v18 =	vmul.f32 v57, v2  }
0x2e5: {  	v42 =	vld [tilespmem:s26+$0xE020];
	v23 =	vmul.f32 v35, v3  }
0x2e6: {  	v35 =	vld [tilespmem:s26+$0xDC70];
	v24 =	vadd.f32 v24, v46;
	[tilespmem:$0x1FBA0] =	vst v18;
	v18 =	vmul.f32 v31, v5  }
0x2e7: {  	v10 =	vadd.f32 v23, v10;
	v23 =	vld [tilespmem:s26+$0xDDE0];
	v1 =	vmul.f32 v1, v61  }
0x2e8: {  	v20 =	vmul.f32 v20, v61;
	v18 =	vadd.f32 v18, v24;
	v24 =	vld [tilespmem:s26+$0xDC60]  }
0x2e9: {  	(xrf2) =	vadd.scan.msk.f32 $0xffff, v8;
	v10 =	vadd.f32 v22, v10;
	[tilespmem:$0x1FB10] =	vst v1;
	v1 =	vld [tilespmem:$0x1FB20]  }
0x2ea: {  	(xrf2) =	vadd.scan.msk.f32 $0xffff, v0;
	[tilespmem:$0x1FB50] =	vst v20;
	v20 =	vld [tilespmem:$0x1FB60]  }
0x2eb: {  	(xrf2) =	vadd.scan.msk.f32 $0xffff, v9;
	v10 =	vadd.f32 v29, v10;
	v29 =	vmul.f32 v53, v3;
	v53 =	vmul.f32 v52, v61;
	v52 =	vld [tilespmem:s26+$0xE030]  }
0x2ec: {  	(xrf2) =	vadd.scan.msk.f32 $0xffff, v11;
	v7 =	vadd.f32 v14, v7;
	v14 =	vld [tilespmem:$0x1FB70]  }
0x2ed: {  	v8 =	vmul.f32 v43, v4;
	v36 =	vmul.f32 v32, v61;
	(xrf2) =	vadd.scan.msk.f32 $0xffff, v12;
	v12 =	vld [tilespmem:s26+$0xDEC0]  }
0x2ee: {  	v57 =	vmov v25;
	v25 =	vmul.f32 v42, v6;
	v55 =	vmul.f32 v1, v2;
	v1 =	vld [tilespmem:$0x1FB30]  }
0x2ef: {  	v22 =	vld [tilespmem:s26+$0xDD60];
	v46 =	vmul.f32 v20, v2;
	v20 =	vmul.f32 v51, v61  }
0x2f0: {  	v51 =	vmul.f32 v39, v3;
	v39 =	vld [tilespmem:s26+$0xDDD0];
	v9 =	vmul.f32 v52, v5  }
0x2f1: {  	[tilespmem:$0x1FBB0] =	vst v20;
	v20 =	vld [tilespmem:s26+$0xDCE0];
	v7 =	vadd.f32 v15, v7;
	v15 =	vmul.f32 v41, v3;
	v14 =	vmul.f32 v14, v3  }
0x2f2: {  	v52 =	vld [tilespmem:s26+$0xDEA0];
	v41 =	vadd.f32 v25, v27;
	v27 =	vmul.f32 v37, v2;
	v37 =	vmul.f32 v50, v61  }
0x2f3: {  	v50 =	vld [tilespmem:s26+$0xDC50];
	[tilespmem:$0x1FB80] =	vst v14;
	v14 =	vmul.f32 v21, v61;
	v1 =	vmul.f32 v1, v3  }
0x2f4: {  	v11 =	vmul.f32 v48, v4;
	v42 =	vmul.f32 v40, v61;
	v9 =	vadd.f32 v9, v41;
	v21 =	vld [tilespmem:s26+$0xDF40]  }
0x2f5: {  	v31 =	vmul.f32 v45, v2;
	[tilespmem:$0x1FB90] =	vst v14;
	v14 =	vld [tilespmem:s26+$0xDE50];
	v0 =	vadd.f32 v1, v13;
	v13 =	vadd.f32 v8, v18  }
0x2f6: {  	v45 =	vmul.f32 v35, v61;
	v43 =	vmul.f32 v24, v2;
	v9 =	vadd.f32 v11, v9;
	v18 =	vld [tilespmem:s26+$0xDF30]  }
0x2f7: {  	v35 =	vmul.f32 v20, v2;
	v11 =	vmul.f32 v52, v6;
	v13 =	vadd.f32 v29, v13;
	v29 =	vld [tilespmem:s26+$0xDEB0]  }
0x2f8: {  	v48 =	vadd.f32 v36, v7;
	v41 =	vmul.f32 v22, v2;
	v22 =	vld [tilespmem:s26+$0xDDA0];
	v9 =	vadd.f32 v15, v9  }
0x2f9: {  	v7 =	vmul.f32 v17, v3;
	v17 =	vld [tilespmem:s26+$0xDCD0];
	v19 =	vadd.f32 v11, v19;
	v1 =	vmul.f32 v26, v6  }
0x2fa: {  	v46 =	vadd.f32 v46, v9;
	v8 =	vmul.f32 v47, v3;
	v47 =	vmul.f32 v23, v2;
	v23 =	vld [tilespmem:s26+$0xDD50]  }
0x2fb: {  	v15 =	vld [tilespmem:s26+$0xDD20];
	v36 =	vmul.f32 v14, v3;
	v1 =	vadd.f32 v1, v62;
	v14 =	vmul.f32 v18, v5  }
0x2fc: {  	v21 =	vmul.f32 v21, v4;
	v0 =	vadd.f32 v38, v0;
	v62 =	vld [tilespmem:$0x1FBC0];
	v18, _, _ =	vpop (xrf2);
	v29 =	vmul.f32 v29, v5  }
0x2fd: {  	v38 =	vmul.f32 v39, v3;
	v39 =	vld [tilespmem:s26+$0xDC20];
	v14 =	vadd.f32 v14, v1;
	v1 =	vadd.f32 v55, v13;
	v55, _, _ =	vpop (xrf2)  }
0x2fe: {  	v9 =	vmul.f32 v17, v3;
	v44 =	vadd.f32 v44, v0;
	v0 =	vmul.f32 v12, v4;
	(xrf2) =	vadd.scan.msk.f32 $0xffff, v10;
	v13 =	vld [tilespmem:s26+$0xDDB0];
	v25, _, _ =	vpop (xrf2)  }
0x2ff: {  	v12 =	vmul.f32 v50, v3;
	v10 =	vmul.f32 v23, v3;
	(xrf2) =	vadd.scan.msk.f32 $0xffff, v48;
	v40 =	vadd.f32 v21, v14;
	v14 =	vld [tilespmem:s26+$0xDDC0];
	v20, _, _ =	vpop (xrf2)  }
0x300: {  	s30 =	simm.s32 $0x2800;
	v48 =	vmul.f32 v22, v6;
	(xrf2) =	vadd.scan.msk.f32 $0xffff, v44;
	v11 =	vadd.f32 v49, v1;
	v21 =	vld [tilespmem:s26+$0xDD30];
	v44 =	vadd.f32 v29, v19;
	v29, _, _ =	vpop (xrf2)  }
.LBB2_5:
0x301: {  	v1 =	vld [tilespmem:$0x1FB50]  }
0x302: {  	v8 =	vadd.f32 v8, v40  }
0x303: {  	v49 =	vld [tilespmem:s26+$0xDD40]  }
0x304: {  	v34 =	vadd.f32 v48, v34;
	(xrf2) =	vadd.scan.msk.f32 $0xffff, v11;
	v11 =	vld [tilespmem:s26+$0xDC30];
	v8 =	vadd.f32 v33, v8;
	v13 =	vmul.f32 v13, v5  }
0x305: {  	v48 =	vadd.f32 v0, v44;
	v15 =	vmul.f32 v15, v6;
	v50 =	vadd.f32 v28, v46;
	v46 =	vld [tilespmem:s26+$0xDCA0]  }
0x306: {  	v14 =	vmul.f32 v14, v4;
	v17 =	vadd.f32 v1, v8;
	v1 =	vld [tilespmem:$0x1FB90];
	v13 =	vadd.f32 v13, v34  }
0x307: {  	v52 =	vld [tilespmem:s26+$0xDC40];
	v21 =	vmul.f32 v21, v5;
	v15 =	vadd.f32 v15, v30;
	v30 =	vadd.f32 v7, v48  }
0x308: {  	v0, _, _ =	vpop (xrf2);
	(xrf2) =	vadd.scan.msk.f32 $0xffff, v50;
	v48 =	vmul.f32 v39, v6;
	v50 =	vld [tilespmem:s26+$0xDCB0];
	v13 =	vadd.f32 v14, v13  }
0x309: {  	v14 =	vadd.f32 v21, v15;
	v21 =	vld [tilespmem:s26+$0xDE20];
	v23 =	vadd.f32 v27, v30  }
0x30a: {  	v11 =	vmul.f32 v11, v5;
	v15 =	vmul.f32 v49, v4;
	v28 =	vadd.f32 v48, v56;
	v30 =	vld [tilespmem:s26+$0xDCC0]  }
0x30b: {  	v32 =	vmul.f32 v46, v6;
	v13 =	vadd.f32 v38, v13;
	v22 =	vadd.f32 v1, v23;
	v1 =	vld [tilespmem:$0x1FBB0]  }
0x30c: {  	v14 =	vadd.f32 v15, v14;
	v15 =	vld [tilespmem:s26+$0xDE30];
	v11 =	vadd.f32 v11, v28  }
0x30d: {  	v23 =	vmul.f32 v52, v4;
	v28 =	vld [tilespmem:s26+$0xDFA0];
	v27 =	vadd.f32 v32, v60;
	v52 =	vmul.f32 v50, v5  }
0x30e: {  	v7, _, _ =	vpop (xrf2);
	(xrf2) =	vadd.scan.msk.f32 $0xffff, v17;
	v56 =	vld [tilespmem:s26+$0xDE40];
	v13 =	vadd.f32 v47, v13;
	v14 =	vadd.f32 v10, v14  }
0x30f: {  	v8, _, _ =	vpop (xrf2);
	(xrf2) =	vadd.scan.msk.f32 $0xffff, v22;
	v17 =	vadd.f32 v23, v11;
	v22 =	vld [tilespmem:s26+$0xDFB0];
	v21 =	vmul.f32 v21, v6;
	v23 =	vadd.f32 v52, v27  }
0x310: {  	v24 =	vmul.f32 v30, v4;
	v27 =	vld [tilespmem:s26+$0xE120];
	v14 =	vadd.f32 v41, v14;
	v13 =	vadd.f32 v1, v13  }
0x311: {  	v12 =	vadd.f32 v12, v17;
	v19 =	vadd.f32 v21, v54;
	v15 =	vmul.f32 v15, v5  }
0x312: {  	v10, _, _ =	vpop (xrf2);
	v1 =	vmul.f32 v28, v6;
	v14 =	vadd.f32 v42, v14;
	(xrf2) =	vadd.scan.msk.f32 $0xffff, v13;
	v13 =	vadd.f32 v24, v23;
	v24 =	vld [tilespmem:s26+$0xE130]  }
0x313: {  	v21 =	vld [tilespmem:s26+$0xDFC0];
	v12 =	vadd.f32 v43, v12;
	v15 =	vadd.f32 v15, v19;
	v19 =	vmul.f32 v56, v4  }
0x314: {  	v9 =	vadd.f32 v9, v13;
	v13 =	vadd.f32 v1, v16;
	v16 =	vmul.f32 v22, v5;
	v22 =	vld [tilespmem:s26+$0xE140]  }
0x315: {  	v11, _, _ =	vpop (xrf2);
	(xrf2) =	vadd.scan.msk.f32 $0xffff, v14;
	v14 =	vadd.f32 v19, v15;
	v15 =	vmul.f32 v27, v6  }
0x316: {  	v28 =	vld [tilespmem:s26+$0xE420];
	v12 =	vadd.f32 v45, v12;
	v9 =	vadd.f32 v35, v9  }
0x317: {  	v14 =	vadd.f32 v36, v14;
	v15 =	vadd.f32 v15, v57;
	v24 =	vmul.f32 v24, v5  }
0x318: {  	v13 =	vadd.f32 v16, v13;
	v16 =	vmul.f32 v21, v4;
	v9 =	vadd.f32 v37, v9  }
0x319: {  	v14 =	vadd.f32 v31, v14;
	v15 =	vadd.f32 v24, v15;
	v1 =	vmul.f32 v22, v4  }
0x31a: {  	v23, _, _ =	vpop (xrf2);
	(xrf2) =	vadd.scan.msk.f32 $0xffff, v12;
	v12 =	vadd.f32 v16, v13  }
0x31b: {  	v13 =	vmul.f32 v28, v6;
	v28, _, _ =	vpop (xrf2);
	(xrf2) =	vadd.scan.msk.f32 $0xffff, v9;
	v9 =	vadd.f32 v53, v14;
	v14 =	vadd.f32 v1, v15;
	v1 =	vld [tilespmem:$0x1FBA0];
	_ =	sdelay $0x2  }
0x31c: {  	v12 =	vadd.f32 v51, v12  }
0x31d: {  	v19 =	vld [tilespmem:s26+$0xE430]  }
0x31e: {  	v12 =	vadd.f32 v1, v12;
	v1 =	vld [tilespmem:$0x1FB80]  }
0x31f: {  	v27 =	vld [tilespmem:s26+$0xE440]  }
0x320: {  	v21 =	vld [tilespmem:s26+$0xE5A0]  }
0x321: {  	v16 =	vld [tilespmem:s26+$0xE5B0]  }
0x322: {  	v24 =	vld [tilespmem:s26+$0xE450]  }
0x323: {  	v14 =	vadd.f32 v1, v14;
	v1 =	vld [tilespmem:$0x1FB10]  }
0x324: {  	v17 =	vmul.f32 v19, v5;
	v19 =	vld [tilespmem:s26+$0xE5C0];
	v13 =	vadd.f32 v13, v62  }
0x325: {  	v15 =	vld [tilespmem:s26+$0xE460];
	v6 =	vmul.f32 v21, v6  }
0x326: {  	v21 =	vld [tilespmem:s26+$0xE5D0];
	v13 =	vadd.f32 v17, v13;
	v17 =	vmul.f32 v27, v4  }
0x327: {  	v22, _, _ =	vpop (xrf2);
	v27 =	vld [tilespmem:s26+$0xE470];
	(xrf2) =	vadd.scan.msk.f32 $0xffff, v9;
	v6 =	vadd.f32 v6, v63  }
0x328: {  	v5 =	vmul.f32 v16, v5;
	v9 =	vadd.f32 v1, v12;
	v12 =	vadd.f32 v17, v13;
	v17 =	vld [tilespmem:s26+$0xE5E0]  }
0x329: {  	v13 =	vmul.f32 v24, v3;
	v1 =	vadd.f32 v59, v14  }
0x32a: {  	v30, _, _ =	vpop (xrf2);
	v16 =	vmul.f32 v19, v4;
	v6 =	vadd.f32 v5, v6;
	(xrf2) =	vadd.scan.msk.f32 $0xffff, v9  }
0x32b: {  	v19 =	vld [tilespmem:s26+$0xE5F0];
	v12 =	vadd.f32 v13, v12;
	v13 =	vmul.f32 v15, v2;
	v15 =	vadd.f32 v58, v1  }
0x32c: {  	v6 =	vadd.f32 v16, v6;
	v3 =	vmul.f32 v21, v3  }
0x32d: {  	v14, _, _ =	vpop (xrf2);
	v12 =	vadd.f32 v13, v12;
	v13 =	vmul.f32 v27, v61;
	(xrf2) =	vadd.scan.msk.f32 $0xffff, v15;
	v2 =	vmul.f32 v17, v2  }
0x32e: {  	v3 =	vadd.f32 v3, v6;
	v9, _, _ =	vpop (xrf2)  }
0x32f: {  	v9 =	vbroadcast v9, $0xF;
	v6 =	vadd.f32 v13, v12;
	v12 =	vbroadcast v14, $0xF  }
0x330: {  	v1 =	vmul.f32 v19, v61;
	v13 =	vadd.f32 v2, v3;
	v3 =	vbroadcast v30, $0xF  }
0x331: {  	(xrf2) =	vadd.scan.msk.f32 $0xffff, v6;
	v6 =	vsel vm0, v12, v9;
	v9 =	vbroadcast v22, $0xF;
	v2, _, _ =	vpop (xrf2)  }
0x332: {  	v1 =	vadd.f32 v1, v13;
	v12 =	vsel vm2, v6, v3;
	v2 =	vbroadcast v2, $0xF  }
0x333: {  	v6 =	vbroadcast v28, $0xF;
	v9 =	vsel vm4, v12, v9  }
0x334: {  	(xrf2) =	vadd.scan.msk.f32 $0xffff, v1;
	v1 =	vsel vm3, v9, v2;
	v2 =	vbroadcast v23, $0xF;
	v3, _, _ =	vpop (xrf2)  }
0x335: {  	v1 =	vsel vm5, v1, v6;
	v3 =	vbroadcast v3, $0xF  }
0x336: {  	v1 =	vsel vm6, v1, v2;
	v2 =	vbroadcast v11, $0xF  }
0x337: {  	v6, _, _ =	vpop (xrf2);
	v1 =	vsel vm7, v1, v3;
	v3 =	vbroadcast v10, $0xF  }
0x338: {  	v1 =	vsel vm8, v1, v2;
	v2 =	vbroadcast v6, $0xF  }
0x339: {  	v1 =	vsel vm9, v1, v3;
	v3 =	vbroadcast v8, $0xF  }
0x33a: {  	v1 =	vsel vm10, v1, v2;
	v2 =	vbroadcast v7, $0xF  }
0x33b: {  	v1 =	vsel vm11, v1, v3;
	v3 =	vbroadcast v29, $0xF  }
0x33c: {  	v6 =	vbroadcast v25, $0xF;
	v1 =	vsel vm12, v1, v2  }
0x33d: {  	v1 =	vsel vm13, v1, v3  }
0x33e: {  	v1 =	vsel vm1, v1, v6;
	v6 =	vld [tilespmem:$0x1FFF0]  }
0x33f: {  	v0 =	vbroadcast v0, $0xF;
	v7, _, _ =	vpop (xrf2)  }
0x340: {  	vm15 =	vcmask $0x1310;
	v8 =	vbroadcast v7, $0xF  }
0x341: {  	v0 =	vnsel vm15, $0x0, v0;
	v2 =	vbroadcast v20, $0xF  }
0x342: {  	vm15 =	vcmask $0x310;
	v0 =	vsel vm14, v0, v8  }
0x343: {  	v3 =	vbroadcast v55, $0xF;
	v7, _, _ =	vpop (xrf2);
	v0 =	vsel vm15, v0, v2;
	vm15 =	vnez.u8 v6  }
0x344: {  	v2 =	vbroadcast v7, $0xF;
	v1 =	vsel vm15, v1, v18;
	vm15 =	vcmask $0x710  }
0x345: {  	v0 =	vsel vm15, v0, v3;
	vm15 =	vcmask $0xB10  }
0x346: {  	v6 =	vsel vm15, v0, v2  }
0x347: {  	v53 =	vsub.f32 $0.0e+00, v1;
	v1 =	vand.u32 $0x7FFFFFFF, v6  }
0x348: {  	v11 =	vsub.f32 $0.0e+00, v6;
	v1 =	vsub.f32 $0.0e+00, v1  }
0x349: {  	v2 =	vand.u32 $0x7FFFFFFF, v53  }
0x34a: {  	v2 =	vsub.f32 $0.0e+00, v2;
	v3 =	vand.u32 $0x7FFFFFFF, v11;
	v1 =	vmul.f32 $1.442695020e+00, v1  }
0x34b: {  	s28 =	sadd.s32 $0x80, s28;
	v3 =	vsub.f32 $0.0e+00, v3  }
0x34c: {  	v42 =	vld [tilespmem:s28+$0x0];
	v2 =	vmul.f32 $1.442695020e+00, v2;
	(erf) = vpow2.f32 v1  }
0x34d: {  	v36 =	vld [tilespmem:s28+$0xFFFFFFD0];
	v3 =	vmul.f32 $1.442695020e+00, v3  }
0x34e: {  	v31 =	vld [tilespmem:s28+$0xFFFFFFF0];
	s26 =	sshra.s32 s30, $0x2;
	(erf) = vpow2.f32 v2  }
0x34f: {  	v4 =	vld [tilespmem:s26+$0xE3F0];
	(erf) = vpow2.f32 v3  }
0x350: {  	v5 =	vld [tilespmem:s26+$0xE3E0]  }
0x351: {  	v16 =	vld [tilespmem:s26+$0xE570]  }
0x352: {  	v21 =	vld [tilespmem:s26+$0xE370]  }
0x353: {  	v24 =	vld [tilespmem:s26+$0xE4F0]  }
0x354: {  	v32 =	vld [tilespmem:s26+$0xE3D0]  }
0x355: {  	s29 =	sadd.s32 $0x80, s29;
	v45 =	vld [tilespmem:s26+$0xE560];
	v9 =	vpop (erf)  }
0x356: {  	v61 =	vld [tilespmem:s29+$0x0];
	v2 =	vadd.f32 $2.000000000e+00, v9  }
0x357: {  	v52 =	vld [tilespmem:s26+$0xE270];
	v10 =	vpop (erf)  }
0x358: {  	v13 =	vpop (erf);
	(erf) = vrcp.f32 v2;
	v2 =	vld [tilespmem:s29+$0xFFFFFFF0]  }
0x359: {  	v57 =	vld [tilespmem:s26+$0xE360]  }
0x35a: {  	v56 =	vld [tilespmem:s26+$0xE4E0]  }
0x35b: {  	v43 =	vld [tilespmem:s26+$0xE1F0];
	v0 =	vmul.f32 v4, v61  }
0x35c: {  	v33 =	vld [tilespmem:s26+$0xE3C0]  }
0x35d: {  	v48 =	vld [tilespmem:s26+$0xE550];
	[tilespmem:$0x1F830] =	vst v0;
	v0 =	vmul.f32 v5, v2  }
0x35e: {  	v26 =	vld [tilespmem:s26+$0xE260]  }
0x35f: {  	v54 =	vld [tilespmem:s26+$0xE4D0];
	[tilespmem:$0x1F810] =	vst v0;
	v0 =	vmul.f32 v16, v61  }
0x360: {  	v27 =	vld [tilespmem:s26+$0xE2F0];
	v3 =	vadd.f32 $2.000000000e+00, v10  }
0x361: {  	v50 =	vld [tilespmem:s26+$0xE0F0];
	[tilespmem:$0x1F870] =	vst v0;
	v0 =	vmul.f32 v21, v61  }
0x362: {  	(erf) = vrcp.f32 v3;
	v3 =	vld [tilespmem:s29+$0xFFFFFFE0]  }
0x363: {  	v51 =	vld [tilespmem:s26+$0xE1E0];
	[tilespmem:$0x1F8A0] =	vst v0;
	v0 =	vmul.f32 v24, v61  }
0x364: {  	v49 =	vld [tilespmem:s26+$0xE2D0]  }
0x365: {  	v44 =	vld [tilespmem:s26+$0xE540];
	[tilespmem:$0x1F8E0] =	vst v0;
	v0 =	vmul.f32 v27, v61  }
0x366: {  	v46 =	vld [tilespmem:s26+$0xE160];
	v18 =	vadd.f32 $2.000000000e+00, v13  }
0x367: {  	v63 =	vld [tilespmem:s26+$0xDFF0];
	[tilespmem:$0x1F940] =	vst v0;
	v0 =	vmul.f32 v32, v3  }
0x368: {  	v37 =	vld [tilespmem:s26+$0xE1D0];
	(erf) = vrcp.f32 v18  }
0x369: {  	v35 =	vld [tilespmem:s26+$0xE2C0];
	[tilespmem:$0x1F800] =	vst v0;
	v0 =	vmul.f32 v42, v61  }
0x36a: {  	v41 =	vld [tilespmem:s26+$0xE3A0]  }
0x36b: {  	v47 =	vld [tilespmem:s26+$0xE530];
	[tilespmem:$0x1F980] =	vst v0;
	v0 =	vmul.f32 v45, v2  }
0x36c: {  	v34 =	vld [tilespmem:s26+$0xE150]  }
0x36d: {  	v38 =	vld [tilespmem:s26+$0xE240];
	[tilespmem:$0x1F840] =	vst v0;
	v0 =	vmul.f32 v52, v61  }
0x36e: {  	v59 =	vld [tilespmem:s26+$0xE0D0]  }
0x36f: {  	v28 =	vld [tilespmem:s26+$0xE2E0];
	v4 =	vpop (erf);
	[tilespmem:$0x1F9C0] =	vst v0;
	v0 =	vmul.f32 v57, v2  }
0x370: {  	v62 =	vld [tilespmem:s26+$0xE1C0];
	v5 =	vpop (erf);
	v39 =	vmul.f32 v4, v9  }
0x371: {  	v4 =	vld [tilespmem:s29+$0xFFFFFFD0];
	v42 =	vmul.f32 v5, v10;
	v5 =	vpop (erf);
	[tilespmem:$0x1F880] =	vst v0;
	v0 =	vmul.f32 v56, v2  }
0x372: {  	v60 =	vld [tilespmem:s26+$0xE2A0];
	v1 =	vmul.f32 v39, v39;
	v40 =	vmul.f32 v5, v13  }
0x373: {  	v58 =	vld [tilespmem:s26+$0xE350];
	v5 =	vmul.f32 v43, v61;
	[tilespmem:$0x1F8B0] =	vst v0;
	v0 =	vmul.f32 v42, v42  }
0x374: {  	v19 =	vld [tilespmem:s26+$0xE250];
	v8 =	vmul.f32 v28, v2;
	v57 =	vmul.f32 v40, v40  }
0x375: {  	v15 =	vld [tilespmem:s26+$0xE390];
	v13 =	vmul.f32 $2.222222240e-01, v1;
	[tilespmem:$0x1F9F0] =	vst v5;
	v5 =	vmul.f32 $2.222222240e-01, v0  }
0x376: {  	v25 =	vld [tilespmem:s26+$0xE170];
	[tilespmem:$0x1F900] =	vst v8;
	v8 =	vmul.f32 v33, v4;
	v18 =	vmul.f32 $2.222222240e-01, v57  }
0x377: {  	v17 =	vld [tilespmem:s26+$0xDF70];
	v43 =	vadd.f32 $2.857142980e-01, v13;
	v5 =	vadd.f32 $2.857142980e-01, v5  }
0x378: {  	v14 =	vld [tilespmem:s28+$0xFFFFFFC0];
	[tilespmem:$0x1F7F0] =	vst v8;
	v8 =	vmul.f32 v31, v2;
	v18 =	vadd.f32 $2.857142980e-01, v18  }
0x379: {  	v30 =	vld [tilespmem:s26+$0xE060];
	v52 =	vmul.f32 v43, v1;
	v31 =	vmul.f32 v5, v0  }
0x37a: {  	v22 =	vld [tilespmem:s26+$0xE4C0];
	[tilespmem:$0x1F950] =	vst v8;
	v8 =	vmul.f32 v48, v3;
	v18 =	vmul.f32 v18, v57  }
0x37b: {  	v12 =	vld [tilespmem:s26+$0xE0E0];
	v5 =	vmul.f32 v25, v61;
	v25 =	vadd.f32 $4.000000060e-01, v31;
	v31 =	vadd.f32 $4.000000060e-01, v52  }
0x37c: {  	v23 =	vld [tilespmem:s26+$0xE340];
	[tilespmem:$0x1F820] =	vst v8;
	v8 =	vmul.f32 v26, v2;
	v18 =	vadd.f32 $4.000000060e-01, v18  }
0x37d: {  	v20 =	vld [tilespmem:s28+$0xFFFFFFE0];
	v25 =	vmul.f32 v25, v0;
	v26 =	vmul.f32 v31, v1  }
0x37e: {  	v29 =	vld [tilespmem:s26+$0xE070];
	v31 =	vmul.f32 v18, v57;
	v18 =	vmul.f32 v51, v2  }
0x37f: {  	v55 =	vld [tilespmem:s26+$0xE330];
	v25 =	vadd.f32 $6.666666860e-01, v25  }
0x380: {  	v7 =	vld [tilespmem:s26+$0xE3B0];
	[tilespmem:$0x1F9D0] =	vst v18;
	v18 =	vmul.f32 v49, v3;
	v31 =	vadd.f32 $6.666666860e-01, v31  }
0x381: {  	v16 =	vld [tilespmem:s26+$0xE4B0];
	v0 =	vmul.f32 v25, v0  }
0x382: {  	v21 =	vld [tilespmem:s26+$0xE380];
	[tilespmem:$0x1F8C0] =	vst v18;
	v18 =	vmul.f32 v20, v3;
	v20 =	vmul.f32 v31, v57  }
0x383: {  	v9 =	vld [tilespmem:s26+$0xE230];
	v0 =	vadd.f32 $2.000000000e+00, v0  }
0x384: {  	v24 =	vld [tilespmem:s26+$0xDEF0];
	v20 =	vadd.f32 $2.000000000e+00, v20  }
0x385: {  	v27 =	vmul.f32 v50, v61;
	v50 =	vld [tilespmem:s26+$0xE4A0];
	v45 =	vadd.f32 $6.666666860e-01, v26;
	v0 =	vmul.f32 v0, v42  }
0x386: {  	v32 =	vld [tilespmem:s26+$0xDFE0];
	[tilespmem:$0x1F920] =	vst v18;
	v18 =	vmul.f32 v29, v61;
	v29 =	vmin.f32 v53, $0.0e+00;
	v53 =	vmul.f32 v20, v40  }
0x387: {  	v33 =	vld [tilespmem:s26+$0xE520];
	v29 =	vsub.f32 v29, v0;
	v0 =	vmin.f32 v11, $0.0e+00;
	v11 =	vmul.f32 v19, v3  }
0x388: {  	v10 =	vld [tilespmem:s26+$0xE050];
	v1 =	vmul.f32 v45, v1  }
0x389: {  	v48 =	vld [tilespmem:s26+$0xDF60];
	[tilespmem:$0x1F960] =	vst v11;
	v11 =	vsub.f32 v0, v53;
	v0 =	vmul.f32 v22, v4  }
0x38a: {  	[tilespmem:$0x1F990] =	vst v8;
	v8 =	vmul.f32 v58, v3;
	v58 =	vld [tilespmem:s26+$0xE1B0];
	v1 =	vadd.f32 $2.000000000e+00, v1  }
0x38b: {  	[tilespmem:$0x1F860] =	vst v0;
	v0 =	vld [tilespmem:$0x1FA40]  }
0x38c: {  	[tilespmem:$0x1F850] =	vst v8;
	v8 =	vmul.f32 v54, v3;
	v54 =	vld [tilespmem:s26+$0xDFD0];
	v1 =	vmul.f32 v1, v39  }
0x38d: {  	[tilespmem:$0x1F7E0] =	vst v5;
	v5 =	vld [tilespmem:s29+$0xFFFFFFC0];
	v20 =	vmin.f32 v6, $0.0e+00  }
0x38e: {  	[tilespmem:$0x1F890] =	vst v8;
	v8 =	vld [tilespmem:s26+$0xE320];
	v1 =	vsub.f32 v20, v1  }
0x38f: {  	vm15 =	vcmask $0x3F14;
	v52 =	vld [tilespmem:s26+$0xE580]  }
0x390: {  	v49 =	vld [tilespmem:s26+$0xE590];
	v1 =	vsel vm15, $0x0, v1;
	v19 =	vadd.f32 v29, v0  }
0x391: {  	v26 =	vld [tilespmem:s26+$0xDD80];
	v1 =	vsel vm3, v11, v1  }
0x392: {  	v10 =	vmul.f32 v10, v3;
	v43 =	vmul.f32 v7, v5;
	v7 =	vld [tilespmem:s26+$0xDDF0];
	v1 =	vadd.f32 v1, v19  }
0x393: {  	v28 =	vmul.f32 v9, v5;
	v9 =	vmul.f32 v54, v3;
	v54 =	vld [tilespmem:s26+$0xE100]  }
0x394: {  	v57 =	vld [tilespmem:s26+$0xE0C0];
	[tilespmem:$0x1FA40] =	vst v1;
	v1 =	vmul.f32 v36, v4  }
0x395: {  	[tilespmem:$0x1FA10] =	vst v10;
	v25 =	vld [tilespmem:s26+$0xDEE0];
	v31 =	vmul.f32 v44, v4  }
0x396: {  	v45 =	vmul.f32 v23, v4;
	v23 =	vld [tilespmem:s26+$0xE500];
	[tilespmem:$0x1F8D0] =	vst v1;
	v1 =	vmul.f32 v17, v61  }
0x397: {  	v44 =	vmul.f32 v55, v5;
	v55 =	vld [tilespmem:s26+$0xE400];
	[tilespmem:$0x1F8F0] =	vst v18;
	v7 =	vmul.f32 v7, v61  }
0x398: {  	v6 =	vld [tilespmem:s29+$0xFFFFFFB0];
	[tilespmem:$0x1FB50] =	vst v1;
	v1 =	vmul.f32 v30, v2  }
0x399: {  	v18 =	vmul.f32 v46, v2;
	v46 =	vld [tilespmem:s29+$0xFFFFFFA0];
	v10 =	vmul.f32 v57, v4;
	[tilespmem:$0x1FBB0] =	vst v7  }
0x39a: {  	v40 =	vmul.f32 v16, v5;
	v16 =	vld [tilespmem:s26+$0xE290];
	[tilespmem:$0x1FA30] =	vst v1;
	v1 =	vmul.f32 v34, v3  }
0x39b: {  	v7 =	vld [tilespmem:s26+$0xE190];
	[tilespmem:$0x1F9B0] =	vst v10;
	v0 =	vmul.f32 v63, v61  }
0x39c: {  	v10 =	vmul.f32 v58, v5;
	v22 =	vld [tilespmem:s26+$0xE510];
	[tilespmem:$0x1FB80] =	vst v1;
	v1 =	vmul.f32 v38, v4  }
0x39d: {  	v11 =	vmul.f32 v37, v3;
	v37 =	vld [tilespmem:s26+$0xE310];
	[tilespmem:$0x1FB10] =	vst v0;
	v0 =	vmul.f32 v12, v2  }
0x39e: {  	v15 =	vmul.f32 v15, v46;
	v63 =	vld [tilespmem:s26+$0xDF90];
	[tilespmem:$0x1F930] =	vst v1;
	v1 =	vmul.f32 v24, v61  }
0x39f: {  	v49 =	vmul.f32 v49, v46;
	v16 =	vmul.f32 v16, v46;
	v12 =	vld [tilespmem:s29+$0xFFFFFF90];
	[tilespmem:$0x1FA00] =	vst v0  }
0x3a0: {  	v7 =	vmul.f32 v7, v46;
	v0 =	vld [tilespmem:s26+$0xE300];
	[tilespmem:$0x1FB90] =	vst v1;
	v1 =	vmul.f32 v32, v2  }
0x3a1: {  	[tilespmem:$0x1F9A0] =	vst v11;
	v11 =	vmul.f32 v41, v6;
	v41 =	vld [tilespmem:s26+$0xE280];
	v22 =	vmul.f32 v22, v46  }
0x3a2: {  	v29 =	vmul.f32 v35, v4;
	v17 =	vld [tilespmem:s26+$0xDF80];
	[tilespmem:$0x1FBA0] =	vst v1;
	v1 =	vmul.f32 v59, v3  }
0x3a3: {  	v58 =	vld [tilespmem:s26+$0xE080];
	v35 =	vmul.f32 v50, v6;
	v37 =	vmul.f32 v37, v46  }
0x3a4: {  	v36 =	vld [tilespmem:s26+$0xE480];
	v51 =	vmul.f32 v63, v46;
	[tilespmem:$0x1F9E0] =	vst v1;
	v1 =	vmul.f32 v62, v4  }
0x3a5: {  	v50 =	vmul.f32 v52, v12;
	v0 =	vmul.f32 v0, v12;
	v34 =	vld [tilespmem:s26+$0xE490]  }
0x3a6: {  	[tilespmem:$0x1F970] =	vst v1;
	v1 =	vmul.f32 v21, v12;
	v21 =	vmul.f32 v8, v6;
	v8 =	vld [tilespmem:s26+$0xE180]  }
0x3a7: {  	v53 =	vld [tilespmem:s26+$0xDE10];
	v41 =	vmul.f32 v41, v12;
	v17 =	vmul.f32 v17, v12;
	v0 =	vadd.f32 v37, v0  }
0x3a8: {  	v38 =	vmul.f32 v14, v5;
	v14 =	vmul.f32 v60, v6;
	v60 =	vld [tilespmem:s26+$0xE090];
	v1 =	vadd.f32 v15, v1  }
0x3a9: {  	v23 =	vmul.f32 v23, v12;
	v37 =	vadd.f32 v16, v41;
	v16 =	vadd.f32 v51, v17;
	v51 =	vmovc v9;
	v9 =	vld [tilespmem:$0x1F7F0]  }
0x3aa: {  	v36 =	vmul.f32 v36, v12;
	v34 =	vmul.f32 v34, v46;
	v15 =	vld [tilespmem:s26+$0xDD90];
	v1 =	vadd.f32 v11, v1  }
0x3ab: {  	v22 =	vadd.f32 v22, v23;
	v63 =	vadd.f32 v49, v50;
	v23 =	vld [tilespmem:s26+$0xDD00];
	v8 =	vmul.f32 v8, v12  }
0x3ac: {  	v58 =	vmul.f32 v58, v12;
	v36 =	vadd.f32 v34, v36;
	v34 =	vld [tilespmem:s26+$0xDD10];
	v1 =	vadd.f32 v43, v1  }
0x3ad: {  	v49 =	vmul.f32 v53, v46;
	v60 =	vmul.f32 v60, v46;
	v53 =	vadd.f32 v7, v8;
	v7 =	vld [tilespmem:s26+$0xDC80]  }
0x3ae: {  	v26 =	vmul.f32 v26, v12;
	v1 =	vadd.f32 v9, v1;
	v9 =	vld [tilespmem:$0x1F800]  }
0x3af: {  	v30 =	vmul.f32 v33, v6;
	v8 =	vmul.f32 v15, v46;
	v15 =	vadd.f32 v60, v58;
	v60 =	vld [tilespmem:s26+$0xDC90]  }
0x3b0: {  	v42 =	vmul.f32 v47, v5;
	v47 =	vld [tilespmem:s28+$0xFFFFFF90]  }
0x3b1: {  	v22 =	vadd.f32 v30, v22;
	v17 =	vmul.f32 v34, v46;
	v34 =	vadd.f32 v8, v26;
	v8 =	vld [tilespmem:s26+$0xDE60]  }
0x3b2: {  	[tilespmem:$0x1FA20] =	vst v27;
	v27 =	vmul.f32 v25, v2;
	v25 =	vld [tilespmem:s26+$0xDE00];
	v23 =	vmul.f32 v23, v12  }
0x3b3: {  	v22 =	vadd.f32 v42, v22;
	v1 =	vadd.f32 v9, v1;
	v9 =	vld [tilespmem:$0x1F820]  }
0x3b4: {  	v20 =	vld [tilespmem:s26+$0xDE80];
	v30 =	vadd.f32 v17, v23;
	v7 =	vmul.f32 v7, v12;
	v17 =	vmul.f32 v60, v46  }
0x3b5: {  	v19 =	vld [tilespmem:s26+$0xE210]  }
0x3b6: {  	v60 =	vadd.f32 v17, v7;
	v7 =	vadd.f32 v31, v22;
	v31 =	vmul.f32 v8, v2;
	v8 =	vld [tilespmem:$0x1F810]  }
0x3b7: {  	v62 =	vld [tilespmem:s28+$0xFFFFFFA0]  }
0x3b8: {  	v7 =	vadd.f32 v9, v7;
	v9 =	vld [tilespmem:$0x1F830]  }
0x3b9: {  	v52 =	vld [tilespmem:s26+$0xE000]  }
0x3ba: {  	v33 =	vmul.f32 v48, v2;
	v48 =	vld [tilespmem:s26+$0xE200]  }
0x3bb: {  	v24 =	vld [tilespmem:s26+$0xDF00];
	v1 =	vadd.f32 v8, v1  }
0x3bc: {  	v47 =	vmul.f32 v47, v12;
	v59 =	vld [tilespmem:s26+$0xDF10];
	v62 =	vmul.f32 v62, v46  }
0x3bd: {  	v1 =	vadd.f32 v9, v1;
	v9 =	vld [tilespmem:$0x1F840]  }
0x3be: {  	v55 =	vmul.f32 v55, v12;
	v19 =	vmul.f32 v19, v46;
	v41 =	vadd.f32 v62, v47;
	v47 =	vld [tilespmem:s26+$0xDC00]  }
0x3bf: {  	v54 =	vmul.f32 v54, v12;
	v20 =	vmul.f32 v20, v12  }
0x3c0: {  	v25 =	vmul.f32 v25, v12;
	v48 =	vmul.f32 v48, v12  }
0x3c1: {  	v24 =	vmul.f32 v24, v12;
	v59 =	vmul.f32 v59, v46;
	v0 =	vadd.f32 v21, v0  }
0x3c2: {  	v52 =	vmul.f32 v52, v12;
	v19 =	vadd.f32 v19, v48;
	v7 =	vadd.f32 v9, v7;
	v9 =	vld [tilespmem:$0x1F850]  }
0x3c3: {  	v48 =	vadd.f32 v59, v24;
	v0 =	vadd.f32 v44, v0;
	v24 =	vmul.f32 v47, v12;
	v12 =	vld [tilespmem:s26+$0xDF50];
	_ =	sdelay $0x1  }
0x3c4: {  	v0 =	vadd.f32 v45, v0;
	_ =	sdelay $0x1  }
0x3c5: {  	v0 =	vadd.f32 v9, v0;
	v9 =	vld [tilespmem:$0x1F860]  }
0x3c6: {  	v8 =	vmul.f32 v12, v3;
	v12 =	vadd.f32 v35, v36;
	_ =	sdelay $0x1  }
0x3c7: {  	v13 =	vld [tilespmem:s26+$0xDE70];
	v12 =	vadd.f32 v40, v12  }
0x3c8: {  	v17 =	vld [tilespmem:s26+$0xDCF0]  }
0x3c9: {  	v12 =	vadd.f32 v9, v12;
	v9 =	vld [tilespmem:$0x1F870];
	_ =	sdelay $0x1  }
0x3ca: {  	v56 =	vld [tilespmem:s26+$0xE2B0];
	_ =	sdelay $0x1  }
0x3cb: {  	v13 =	vmul.f32 v13, v61  }
0x3cc: {  	v14 =	vadd.f32 v14, v37;
	v37 =	vmul.f32 v17, v61;
	v17 =	vadd.f32 v9, v7;
	v9 =	vld [tilespmem:$0x1F890]  }
0x3cd: {  	[tilespmem:$0x1F910] =	vst v13;
	v13 =	vld [tilespmem:s26+$0xE410]  }
0x3ce: {  	v39 =	vmul.f32 v56, v5;
	v56 =	vld [tilespmem:s26+$0xE010]  }
0x3cf: {  	v7 =	vld [tilespmem:$0x1F880]  }
0x3d0: {  	v50 =	vld [tilespmem:s26+$0xDC10]  }
0x3d1: {  	v12 =	vadd.f32 v9, v12;
	v9 =	vld [tilespmem:$0x1F8A0];
	_ =	sdelay $0x1  }
0x3d2: {  	v32 =	vld [tilespmem:s26+$0xDE90]  }
0x3d3: {  	v13 =	vmul.f32 v13, v46;
	v0 =	vadd.f32 v7, v0  }
0x3d4: {  	v56 =	vmul.f32 v56, v46;
	v59 =	vmov v18;
	v18 =	vmul.f32 v50, v46  }
0x3d5: {  	v62 =	vadd.f32 v13, v55;
	v0 =	vadd.f32 v9, v0;
	v9 =	vld [tilespmem:$0x1F8B0]  }
0x3d6: {  	v13 =	vadd.f32 v56, v52;
	v56 =	vadd.f32 v18, v24;
	v18 =	vld [tilespmem:s26+$0xE040]  }
0x3d7: {  	v57 =	vld [tilespmem:s26+$0xE110];
	v32 =	vmul.f32 v32, v46  }
0x3d8: {  	v23 =	vld [tilespmem:s26+$0xE220]  }
0x3d9: {  	v11 =	vadd.f32 v32, v20;
	v20 =	vld [tilespmem:s28+$0xFFFFFFB0]  }
0x3da: {  	v12 =	vadd.f32 v9, v12;
	v9 =	vld [tilespmem:$0x1F8C0]  }
0x3db: {  	v14 =	vadd.f32 v39, v14;
	v26 =	vmul.f32 v18, v4;
	v18 =	vld [tilespmem:s26+$0xE0B0]  }
0x3dc: {  	(xrf2) =	vadd.scan.msk.f32 $0xffff, v1;
	v1 =	vld [tilespmem:s26+$0xDD60]  }
0x3dd: {  	v57 =	vmul.f32 v57, v46;
	v14 =	vadd.f32 v29, v14  }
0x3de: {  	v21 =	vld [tilespmem:s26+$0xDC70];
	v20 =	vmul.f32 v20, v6  }
0x3df: {  	v57 =	vadd.f32 v57, v54;
	v23 =	vmul.f32 v23, v6;
	v14 =	vadd.f32 v9, v14;
	v9 =	vld [tilespmem:$0x1F8D0]  }
0x3e0: {  	v54 =	vadd.f32 v49, v25;
	v20 =	vadd.f32 v20, v41;
	v25 =	vmul.f32 v18, v5;
	v18 =	vld [tilespmem:s26+$0xE0A0]  }
0x3e1: {  	v41 =	vmul.f32 v1, v2;
	v1 =	vadd.f32 v23, v19;
	v23 =	vld [tilespmem:$0x1F920]  }
0x3e2: {  	v20 =	vadd.f32 v38, v20;
	(xrf2) =	vadd.scan.msk.f32 $0xffff, v17  }
0x3e3: {  	(xrf2) =	vadd.scan.msk.f32 $0xffff, v0;
	v0 =	vld [tilespmem:s26+$0xDCE0]  }
0x3e4: {  	v19 =	vadd.f32 v9, v20  }
0x3e5: {  	v45 =	vmul.f32 v21, v61;
	v21 =	vld [tilespmem:s26+$0xE1A0]  }
0x3e6: {  	v19 =	vadd.f32 v23, v19;
	v23 =	vmul.f32 v18, v6;
	v18 =	vld [tilespmem:$0x1F930]  }
0x3e7: {  	v20 =	vld [tilespmem:s26+$0xE020]  }
0x3e8: {  	v35 =	vmul.f32 v0, v2;
	v0 =	vadd.f32 v23, v15;
	v15 =	vld [tilespmem:$0x1F960]  }
0x3e9: {  	v1 =	vadd.f32 v28, v1;
	_ =	sdelay $0x1  }
0x3ea: {  	v1 =	vadd.f32 v18, v1  }
0x3eb: {  	v21 =	vmul.f32 v21, v6  }
0x3ec: {  	v1 =	vadd.f32 v15, v1;
	v15 =	vmul.f32 v20, v6;
	v20 =	vld [tilespmem:$0x1F970]  }
0x3ed: {  	v39 =	vld [tilespmem:s26+$0xDC20];
	v21 =	vadd.f32 v21, v53  }
0x3ee: {  	v9 =	vld [tilespmem:$0x1F8E0]  }
0x3ef: {  	v10 =	vadd.f32 v10, v21;
	v21 =	vld [tilespmem:$0x1F950]  }
0x3f0: {  	v29 =	vld [tilespmem:s26+$0xDC60]  }
0x3f1: {  	v10 =	vadd.f32 v20, v10;
	v20 =	vld [tilespmem:$0x1F980]  }
0x3f2: {  	v52 =	vld [tilespmem:s26+$0xDCD0]  }
0x3f3: {  	v47 =	vld [tilespmem:s26+$0xDD70];
	v12 =	vadd.f32 v9, v12  }
0x3f4: {  	v22 =	vld [tilespmem:s26+$0xDDE0];
	v19 =	vadd.f32 v21, v19  }
0x3f5: {  	(xrf2) =	vadd.scan.msk.f32 $0xffff, v12;
	v12 =	vld [tilespmem:s26+$0xDEC0]  }
0x3f6: {  	v19 =	vadd.f32 v20, v19;
	v20 =	vadd.f32 v25, v0;
	v0 =	vld [tilespmem:$0x1F990]  }
0x3f7: {  	v24 =	vld [tilespmem:s26+$0xDED0]  }
0x3f8: {  	v58 =	vld [tilespmem:$0x1F7E0]  }
0x3f9: {  	v42 =	vmul.f32 v47, v61;
	v47 =	vmul.f32 v22, v2;
	v22 =	vld [tilespmem:s26+$0xDE50]  }
0x3fa: {  	v9 =	vld [tilespmem:$0x1F900]  }
0x3fb: {  	v1 =	vadd.f32 v0, v1;
	v0 =	vmul.f32 v12, v4;
	v12 =	vadd.f32 v15, v13;
	v13 =	vld [tilespmem:$0x1F9A0]  }
0x3fc: {  	v7 =	vmul.f32 v24, v3;
	v24 =	vld [tilespmem:s26+$0xDF40]  }
0x3fd: {  	v18 =	vld [tilespmem:$0x1F940]  }
0x3fe: {  	v53 =	vld [tilespmem:$0x1F910]  }
0x3ff: {  	v17 =	vld [tilespmem:s26+$0xE030]  }
0x400: {  	v9 =	vadd.f32 v9, v14;
	v13 =	vadd.f32 v13, v10;
	v10 =	vld [tilespmem:$0x1F9B0]  }
0x401: {  	v14 =	vld [tilespmem:s26+$0xDDD0]  }
0x402: {  	v36 =	vmul.f32 v22, v3;
	v22 =	vmul.f32 v24, v4;
	v24 =	vld [tilespmem:s26+$0xDF20];
	v9 =	vadd.f32 v18, v9  }
0x403: {  	v21 =	vld [tilespmem:s26+$0xDD50]  }
0x404: {  	v18, _, _ =	vpop (xrf2);
	(xrf2) =	vadd.scan.msk.f32 $0xffff, v9;
	v9 =	vld [tilespmem:s26+$0xDF30]  }
0x405: {  	v17 =	vmul.f32 v17, v5;
	v50 =	vadd.f32 v10, v20;
	v10 =	vld [tilespmem:$0x1F9C0]  }
0x406: {  	v38 =	vmul.f32 v14, v3;
	v14 =	vld [tilespmem:s26+$0xDEA0]  }
0x407: {  	v12 =	vadd.f32 v17, v12;
	v17 =	vld [tilespmem:$0x1F9D0]  }
0x408: {  	v23 =	vld [tilespmem:s26+$0xDC50]  }
0x409: {  	v55, _, _ =	vpop (xrf2);
	(xrf2) =	vadd.scan.msk.f32 $0xffff, v19;
	v19 =	vld [tilespmem:s26+$0xDEB0];
	v15 =	vmul.f32 v24, v6  }
0x40a: {  	v9 =	vmul.f32 v9, v5;
	v24 =	vld [tilespmem:s26+$0xDDA0];
	v1 =	vadd.f32 v10, v1  }
0x40b: {  	v26 =	vadd.f32 v26, v12;
	v12 =	vld [tilespmem:$0x1F9F0];
	v10 =	vmul.f32 v21, v3;
	v21 =	vadd.f32 v15, v48  }
0x40c: {  	v25, _, _ =	vpop (xrf2);
	v17 =	vadd.f32 v17, v13;
	v13 =	vld [tilespmem:$0x1F9E0];
	(xrf2) =	vadd.scan.msk.f32 $0xffff, v1;
	v1 =	vmul.f32 v14, v6  }
0x40d: {  	v9 =	vadd.f32 v9, v21;
	v14 =	vld [tilespmem:$0x1FA00]  }
0x40e: {  	v19 =	vmul.f32 v19, v5;
	v1 =	vadd.f32 v1, v11;
	v11 =	vld [tilespmem:$0x1FA10]  }
0x40f: {  	v40 =	vadd.f32 v22, v9;
	v9 =	vld [tilespmem:$0x1FA20]  }
0x410: {  	p0 =	sne.s32 s30, $0x25800;
	v44 =	vadd.f32 v19, v1;
	v1 =	vld [tilespmem:$0x1FA30]  }
.Ltmp1:
0x411: {  	v43 =	vmul.f32 v29, v2;
	v28 =	vld [tilespmem:$0x1F8F0];
	v29 =	vadd.f32 v13, v50;
	(pc) =	sbr.rel @p0 .LBB2_5-.Ltmp1, $4  }
0x412: {  	v17 =	vadd.f32 v12, v17;
	v13 =	vld [tilespmem:s26+$0xDDB0]  }
0x413: {  	v12 =	vmul.f32 v23, v3;
	v15 =	vld [tilespmem:s26+$0xDD20];
	v23 =	vadd.f32 v14, v29;
	v26 =	vadd.f32 v11, v26  }
0x414: {  	v20, _, _ =	vpop (xrf2);
	v48 =	vmul.f32 v24, v6;
	v21 =	vld [tilespmem:s26+$0xDD30]  }
0x415: {  	s30 =	sadd.s32 $0x2800, s30;
	(xrf2) =	vadd.scan.msk.f32 $0xffff, v17;
	v14 =	vld [tilespmem:s26+$0xDDC0];
	v29, _, _ =	vpop (xrf2);
	v11 =	vadd.f32 v9, v23;
	v9 =	vmul.f32 v52, v3;
	v46 =	vadd.f32 v1, v26  }
0x416: {  	v1 =	vld [tilespmem:s26+$0xDD40]  }
0x417: {  	v19 =	vld [tilespmem:s26+$0xDC30]  }
0x418: {  	v23 =	vld [tilespmem:s26+$0xDCA0]  }
0x419: {  	v17 =	vadd.f32 v48, v34;
	v24 =	vld [tilespmem:s26+$0xDCB0]  }
0x41a: {  	v8 =	vadd.f32 v8, v40;
	v0 =	vadd.f32 v0, v44;
	v26 =	vld [tilespmem:$0x1FB90]  }
0x41b: {  	v32 =	vmul.f32 v39, v6;
	v13 =	vmul.f32 v13, v5;
	v22 =	vadd.f32 v28, v46;
	v28 =	vld [tilespmem:s26+$0xDC40]  }
0x41c: {  	v15 =	vmul.f32 v15, v6;
	v8 =	vadd.f32 v33, v8;
	v0 =	vadd.f32 v7, v0;
	v33 =	vld [tilespmem:$0x1FB50]  }
0x41d: {  	v39 =	vld [tilespmem:s26+$0xDE20];
	v7 =	vadd.f32 v32, v56;
	v13 =	vadd.f32 v13, v17;
	v21 =	vmul.f32 v21, v5  }
0x41e: {  	v40 =	vld [tilespmem:s26+$0xDCC0];
	v14 =	vmul.f32 v14, v4;
	v15 =	vadd.f32 v15, v30;
	v1 =	vmul.f32 v1, v4  }
0x41f: {  	v46 =	vld [tilespmem:s26+$0xDFA0];
	v0 =	vadd.f32 v27, v0;
	v19 =	vmul.f32 v19, v5;
	v23 =	vmul.f32 v23, v6  }
0x420: {  	v44 =	vld [tilespmem:s26+$0xDE30];
	v24 =	vmul.f32 v24, v5;
	v13 =	vadd.f32 v14, v13;
	v34 =	vadd.f32 v21, v15  }
0x421: {  	v49 =	vld [tilespmem:s26+$0xDFB0];
	v0 =	vadd.f32 v26, v0;
	v17 =	vmul.f32 v28, v4;
	v8 =	vadd.f32 v33, v8  }
0x422: {  	v15 =	vmul.f32 v39, v6;
	v7 =	vadd.f32 v19, v7;
	v23 =	vadd.f32 v23, v60  }
0x423: {  	v48 =	vld [tilespmem:$0x1FBB0];
	v21 =	vmul.f32 v40, v4;
	v13 =	vadd.f32 v38, v13;
	v1 =	vadd.f32 v1, v34  }
0x424: {  	v50 =	vld [tilespmem:s26+$0xE120];
	v19 =	vmul.f32 v46, v6;
	v52 =	vadd.f32 v15, v54;
	v7 =	vadd.f32 v17, v7  }
0x425: {  	v14 =	vmul.f32 v44, v5;
	v23 =	vadd.f32 v24, v23;
	v13 =	vadd.f32 v47, v13;
	v47 =	vld [tilespmem:s26+$0xDE40]  }
0x426: {  	v28 =	vmul.f32 v49, v5;
	v54 =	vld [tilespmem:s26+$0xDFC0];
	v27 =	vadd.f32 v19, v16;
	v1 =	vadd.f32 v10, v1  }
0x427: {  	v56 =	vld [tilespmem:s26+$0xE130];
	v60 =	vadd.f32 v14, v52;
	v7 =	vadd.f32 v12, v7  }
0x428: {  	(xrf2) =	vadd.scan.msk.f32 $0xffff, v11;
	v26 =	vld [tilespmem:s26+$0xE420];
	v21 =	vadd.f32 v21, v23;
	v38 =	vadd.f32 v28, v27  }
0x429: {  	(xrf2) =	vadd.scan.msk.f32 $0xffff, v22;
	v30 =	vld [tilespmem:s26+$0xE140];
	v33 =	vmul.f32 v50, v6;
	v1 =	vadd.f32 v41, v1;
	v7 =	vadd.f32 v43, v7  }
0x42a: {  	v40 =	vld [tilespmem:s26+$0xE5A0];
	(xrf2) =	vadd.scan.msk.f32 $0xffff, v8;
	v13 =	vadd.f32 v48, v13;
	v9 =	vadd.f32 v9, v21;
	v10 =	vmul.f32 v47, v4  }
0x42b: {  	v34 =	vld [tilespmem:s26+$0xE430];
	(xrf2) =	vadd.scan.msk.f32 $0xffff, v0;
	v39 =	vmul.f32 v54, v4;
	v1 =	vadd.f32 v42, v1;
	v7 =	vadd.f32 v45, v7  }
0x42c: {  	v54 =	vld [tilespmem:$0x1FBA0];
	(xrf2) =	vadd.scan.msk.f32 $0xffff, v13;
	v0 =	vadd.f32 v35, v9;
	v32 =	vadd.f32 v10, v60  }
0x42d: {  	v28 =	vld [tilespmem:$0x1FB10];
	v43 =	vmul.f32 v26, v6;
	(xrf2) =	vadd.scan.msk.f32 $0xffff, v1;
	v1 =	vadd.f32 v39, v38;
	v10 =	vadd.f32 v33, v57  }
0x42e: {  	v41 =	vmul.f32 v56, v5;
	v42 =	vld [tilespmem:s26+$0xE440];
	v0 =	vadd.f32 v37, v0;
	v8 =	vadd.f32 v36, v32  }
0x42f: {  	v9 =	vadd.f32 v43, v62;
	v62 =	vld [tilespmem:$0x1FB80];
	v1 =	vadd.f32 v51, v1  }
0x430: {  	v44 =	vld [tilespmem:s26+$0xE5B0];
	v47 =	vmul.f32 v30, v4;
	(xrf2) =	vadd.scan.msk.f32 $0xffff, v7;
	v46 =	vadd.f32 v41, v10;
	v45 =	vadd.f32 v31, v8  }
0x431: {  	v49, _, _ =	vpop (xrf2);
	v48 =	vld [tilespmem:s26+$0xE450];
	v11 =	vmul.f32 v34, v5;
	(xrf2) =	vadd.scan.msk.f32 $0xffff, v0;
	v1 =	vadd.f32 v54, v1  }
0x432: {  	v50 =	vld [tilespmem:s26+$0xE5C0];
	v0, _, _ =	vpop (xrf2);
	v8 =	vadd.f32 v47, v46;
	v7 =	vadd.f32 v53, v45  }
0x433: {  	v52 =	vmul.f32 v40, v6;
	v9 =	vadd.f32 v11, v9;
	v51 =	vld [tilespmem:s26+$0xE460];
	v53, _, _ =	vpop (xrf2)  }
0x434: {  	v57 =	vld [tilespmem:s26+$0xE5D0];
	v56 =	vmul.f32 v42, v4;
	v1 =	vadd.f32 v28, v1;
	v8 =	vadd.f32 v62, v8;
	v60, _, _ =	vpop (xrf2);
	(xrf2) =	vadd.scan.msk.f32 $0xffff, v7  }
0x435: {  	v24 =	vld [tilespmem:s26+$0xE470];
	v6 =	vadd.f32 v52, v63;
	v26 =	vmul.f32 v44, v5;
	v27, _, _ =	vpop (xrf2)  }
0x436: {  	v30 =	vmul.f32 v48, v3;
	v9 =	vadd.f32 v56, v9;
	v31 =	vld [tilespmem:s26+$0xE5E0];
	v8 =	vadd.f32 v59, v8;
	v32, _, _ =	vpop (xrf2)  }
0x437: {  	v5 =	vadd.f32 v26, v6;
	v33 =	vmul.f32 v50, v4;
	(xrf2) =	vadd.scan.msk.f32 $0xffff, v1;
	v35, _, _ =	vpop (xrf2)  }
0x438: {  	v34 =	vld [tilespmem:s26+$0xE5F0];
	v9 =	vadd.f32 v30, v9;
	v10 =	vmul.f32 v51, v2;
	v8 =	vadd.f32 v58, v8;
	v1, _, _ =	vpop (xrf2)  }
0x439: {  	v4 =	vadd.f32 v33, v5;
	v3 =	vmul.f32 v57, v3;
	v36, _, _ =	vpop (xrf2)  }
0x43a: {  	v37 =	vmul.f32 v24, v61;
	v9 =	vadd.f32 v10, v9;
	(xrf2) =	vadd.scan.msk.f32 $0xffff, v8;
	v38, _, _ =	vpop (xrf2)  }
0x43b: {  	v3 =	vadd.f32 v3, v4;
	v2 =	vmul.f32 v31, v2;
	v40, _, _ =	vpop (xrf2)  }
0x43c: {  	v39 =	vadd.f32 v37, v9;
	v41 =	vbroadcast v38, $0xF;
	v8 =	vbroadcast v40, $0xF  }
0x43d: {  	v6 =	vmul.f32 v34, v61;
	v2 =	vadd.f32 v2, v3;
	v3 =	vbroadcast v36, $0xF  }
0x43e: {  	v1 =	vbroadcast v1, $0xF;
	(xrf2) =	vadd.scan.msk.f32 $0xffff, v39;
	v42 =	vsel vm0, v41, v8;
	v43, _, _ =	vpop (xrf2)  }
0x43f: {  	v2 =	vadd.f32 v6, v2;
	v3 =	vsel vm2, v42, v3;
	v44 =	vbroadcast v43, $0xF  }
0x440: {  	v1 =	vsel vm4, v3, v1;
	v3 =	vbroadcast v35, $0xF  }
0x441: {  	(xrf2) =	vadd.scan.msk.f32 $0xffff, v2;
	v2 =	vbroadcast v32, $0xF;
	v45, _, _ =	vpop (xrf2);
	v1 =	vsel vm3, v1, v44  }
0x442: {  	v1 =	vsel vm5, v1, v3;
	v3 =	vbroadcast v45, $0xF  }
0x443: {  	v1 =	vsel vm6, v1, v2;
	v2 =	vbroadcast v27, $0xF  }
0x444: {  	vm15 =	vmmov vm2;
	v46, _, _ =	vpop (xrf2);
	v1 =	vsel vm7, v1, v3;
	v3 =	vbroadcast v60, $0xF  }
0x445: {  	v47 =	vbroadcast v25, $0xF;
	v1 =	vsel vm8, v1, v2;
	v2 =	vbroadcast v46, $0xF  }
0x446: {  	v0 =	vbroadcast v0, $0xF;
	v1 =	vsel vm9, v1, v3;
	v3 =	vbroadcast v53, $0xF  }
0x447: {  	vm0 =	vmmov vm5;
	vm2 =	vcmask $0x1310;
	v1 =	vsel vm10, v1, v2  }
0x448: {  	vm5 =	vmmov vm14;
	v48, _, _ =	vpop (xrf2);
	v2 =	vbroadcast v49, $0xF;
	v1 =	vsel vm11, v1, v3  }
0x449: {  	v50 =	vld [tilespmem:$0x1FFF0];
	v5 =	vbroadcast v48, $0xF;
	v3 =	vbroadcast v29, $0xF;
	v0 =	vsel vm12, v1, v0  }
0x44a: {  	v1 =	vnsel vm2, $0x0, v2;
	v2 =	vbroadcast v20, $0xF;
	vm2 =	vcmask $0x310  }
0x44b: {  	v49, _, _ =	vpop (xrf2);
	v0 =	vsel vm13, v0, v3;
	v1 =	vsel vm14, v1, v5;
	v3 =	vbroadcast v55, $0xF  }
0x44c: {  	v1 =	vsel vm2, v1, v2;
	v2 =	vbroadcast v49, $0xF;
	vm2 =	vcmask $0x710  }
0x44d: {  	vm14 =	vmmov vm1;
	v1 =	vsel vm2, v1, v3;
	vm2 =	vcmask $0xB10  }
0x44e: {  	v0 =	vsel vm1, v0, v47;
	vm1 =	vnez.u8 v50;
	v1 =	vsel vm2, v1, v2  }
0x44f: {  	v0 =	vsel vm1, v0, v18;
	v3 =	vand.u32 $0x7FFFFFFF, v1  }
0x450: {  	v0 =	vsub.f32 $0.0e+00, v0;
	v3 =	vsub.f32 $0.0e+00, v3  }
0x451: {  	v2 =	vsub.f32 $0.0e+00, v1  }
0x452: {  	v51 =	vand.u32 $0x7FFFFFFF, v0;
	v3 =	vmul.f32 $1.442695020e+00, v3  }
0x453: {  	v4 =	vsub.f32 $0.0e+00, v51;
	v52 =	vand.u32 $0x7FFFFFFF, v2  }
0x454: {  	v5 =	vsub.f32 $0.0e+00, v52;
	(erf) = vpow2.f32 v3  }
0x455: {  	v4 =	vmul.f32 $1.442695020e+00, v4  }
0x456: {  	v5 =	vmul.f32 $1.442695020e+00, v5  }
0x457: {  	(erf) = vpow2.f32 v4  }
0x458: {  	(erf) = vpow2.f32 v5;
	_ =	sdelay $0x4  }
0x459: {  	v3 =	vpop (erf)  }
0x45a: {  	v53 =	vadd.f32 $2.000000000e+00, v3;
	_ =	sdelay $0x1  }
0x45b: {  	v54 =	vpop (erf);
	(erf) = vrcp.f32 v53  }
0x45c: {  	v55 =	vadd.f32 $2.000000000e+00, v54;
	v56 =	vpop (erf)  }
0x45d: {  	v57 =	vadd.f32 $2.000000000e+00, v56  }
0x45e: {  	(erf) = vrcp.f32 v55  }
0x45f: {  	(erf) = vrcp.f32 v57;
	_ =	sdelay $0x4  }
0x460: {  	v4 =	vpop (erf)  }
0x461: {  	v3 =	vmul.f32 v4, v3;
	_ =	sdelay $0x1  }
0x462: {  	v6 =	vpop (erf);
	v59 =	vmul.f32 v3, v3  }
0x463: {  	v5 =	vmul.f32 v6, v54;
	v58 =	vpop (erf)  }
0x464: {  	v4 =	vmul.f32 v58, v56;
	v62 =	vmul.f32 $2.222222240e-01, v59  }
0x465: {  	v6 =	vmul.f32 v5, v5  }
0x466: {  	v60 =	vmul.f32 v4, v4;
	v10 =	vadd.f32 $2.857142980e-01, v62  }
0x467: {  	v61 =	vmul.f32 $2.222222240e-01, v6  }
0x468: {  	v63 =	vmul.f32 $2.222222240e-01, v60;
	v10 =	vmul.f32 v10, v59  }
0x469: {  	v9 =	vadd.f32 $2.857142980e-01, v61  }
0x46a: {  	v11 =	vadd.f32 $2.857142980e-01, v63;
	v10 =	vadd.f32 $4.000000060e-01, v10  }
0x46b: {  	v9 =	vmul.f32 v9, v6  }
0x46c: {  	v11 =	vmul.f32 v11, v60;
	v10 =	vmul.f32 v10, v59  }
0x46d: {  	v9 =	vadd.f32 $4.000000060e-01, v9  }
0x46e: {  	v11 =	vadd.f32 $4.000000060e-01, v11;
	v10 =	vadd.f32 $6.666666860e-01, v10  }
0x46f: {  	v9 =	vmul.f32 v9, v6  }
0x470: {  	v11 =	vmul.f32 v11, v60;
	v7 =	vmul.f32 v10, v59  }
0x471: {  	v9 =	vadd.f32 $6.666666860e-01, v9  }
0x472: {  	v11 =	vadd.f32 $6.666666860e-01, v11;
	v7 =	vadd.f32 $2.000000000e+00, v7  }
0x473: {  	v6 =	vmul.f32 v9, v6  }
0x474: {  	v8 =	vmul.f32 v11, v60;
	v3 =	vmul.f32 v7, v3  }
0x475: {  	v1 =	vmin.f32 v1, $0.0e+00;
	v6 =	vadd.f32 $2.000000000e+00, v6  }
0x476: {  	v8 =	vadd.f32 $2.000000000e+00, v8;
	v1 =	vsub.f32 v1, v3;
	v3 =	vld [tilespmem:$0x1FA40]  }
0x477: {  	s25 =	sadd.s32 $0x1, s25;
	v5 =	vmul.f32 v6, v5  }
0x478: {  	p0 =	sne.s32 s25, $0x10;
	v0 =	vmin.f32 v0, $0.0e+00;
	v4 =	vmul.f32 v8, v4  }
.Ltmp2:
0x479: {  	v2 =	vmin.f32 v2, $0.0e+00;
	v0 =	vsub.f32 v0, v5;
	(pc) =	sbr.rel @p0 .LBB2_2-.Ltmp2, $4  }
0x47a: {  	vm2 =	vcmask $0x3F14;
	v2 =	vsub.f32 v2, v4  }
0x47b: {  	v1 =	vsel vm2, $0x0, v1;
	v0 =	vadd.f32 v0, v3  }
0x47c: {  	vm2 =	vmmov vm15;
	v1 =	vsel vm3, v2, v1  }
0x47d: {  	vm15 =	vmmov vm0;
	vm0 =	vmmov vm14;
	v0 =	vadd.f32 v1, v0  }
0x47e: {  	s24 =	sadd.s32 $0x1, s24  }
0x47f: {  	p0 =	sne.s32 s24, s9  }
.Ltmp3:
0x480: {  	[tilespmem:$0x17C00] =	vst v0;
	(pc) =	sbr.rel @p0 .LBB2_1-.Ltmp3, $4  }
0x481: {  	[hbm4b:s8+s4] =	stream.linear.scatter [tilespmem:s23], [sflag:$0x3], $0x80, $0x38;
	[tilespmem:$0x18C80] =	vst v63  }
0x482: {  	_ =	swait.ge [sflag:s11], $0x80  }
0x483: {  	[sflag:s11] =	ssyncset.done $0x0  }
0x484: {  	[sflag:s11] =	ssyncadd.s32 $0xFFFFFF80  }
0x485: {  	_ =	sfence.sel $0x180000  }
0x486: {  	[bflag:$0x0] =	sbarrier.arrive $0xFFFF  }
0x487: {  	p0 =	sne.s32 s3, $0x0;
	_ =	strace $0x90000047  }
0x488: {  	s0 =	sadd.s32 @!p0 $0x100000, s0;
	[bflag:$0x2] =	sbarrier.arrive $0xFFFF  }
0x489: {  	[sflag:s0] =	ssyncadd.tile.s32 @!p0 $0x1;
	_ =	shalt  }
.Lfunc_end2:
_tile_overlayer_lowered:
.L_overlay_start_2:
0x48a: {  	(tag) =	ssettag $0x2  }
0x48b: {  	s0 =	rddreg [dreg:$0x0];
	s2 =	stileid.u32  }
0x48c: {  	s1 =	rddreg [dreg:$0x1];
	p0 =	sne.s32 s2, $0x0  }
0x48d: {  	s3 =	rddreg [dreg:$0x2];
	[bflag:$0x3] =	sbarrier.arrive $0xFFFF;
	s2 =	simm.s32 @!p0 $0x1C03  }
0x48e: {  	[timem:s3], [sflag:s2] =	dma.local @!p0 [hbm:s0], s1  }
0x48f: {  	s0 =	simm.s32 @!p0 $0x3  }
0x490: {  	_ =	swait.ge @!p0 [sflag:s0], s1  }
0x491: {  	s1 =	ssub.s32 @!p0 $0x0, s1;
	[sflag:s0] =	ssyncset.done @!p0 $0x0  }
0x492: {  	[sflag:s0] =	ssyncadd.s32 @!p0 s1  }
0x493: {  	[bflag:$0x3] =	sbarrier.arrive $0xFFFF  }
0x494: {  	_ =	shalt  }

</sc_bundles>
